<compile_context>
chip_gen: v7x
topology: tpu7x:2x2x1
jax: 0.10.2.dev20260603
libtpu: 0.0.44.dev20260713+nightly
codegen_flags: <defaults>
</compile_context>

<pallas_src>
import functools

import jax
import jax.numpy as jnp
from jax import lax
from jax.experimental import pallas as pl
from jax.experimental.pallas import tpu as pltpu
from jax.experimental.pallas import tpu_sc as plsc

COL_A = 17
COL_B = 503
BLK_A = 0
BLK_B = 384
WIN_A = 16
WIN_B = 112
LANE_A = COL_A - BLK_A - WIN_A
LANE_B = COL_B - BLK_B - WIN_B

N_ROWS = 16384
N_COLS = 1024

NUM_CORES = 2
NUM_SUBCORES = 16
NUM_WORKERS = NUM_CORES * NUM_SUBCORES
ROWS_PER_WORKER = N_ROWS // NUM_WORKERS
CHUNK = 16
NUM_CHUNKS = ROWS_PER_WORKER // CHUNK
RING = 4
LAG = 2
HALF = ROWS_PER_WORKER // 2
HALF_CHUNKS = NUM_CHUNKS // 2

_mesh = plsc.VectorSubcoreMesh(
    core_axis_name="c",
    subcore_axis_name="s",
    num_cores=NUM_CORES,
    num_subcores=NUM_SUBCORES,
)


@functools.partial(
    pl.kernel,
    out_type=jax.ShapeDtypeStruct((N_ROWS, N_COLS), jnp.float32),
    mesh=_mesh,
    scratch_types=(
        [pltpu.VMEM_SHARED((NUM_SUBCORES, RING, CHUNK // 8, 8, N_COLS), jnp.float32)]
        + [pltpu.VMEM((HALF, 128), jnp.float32) for _ in range(2)]
        + [pltpu.SemaphoreType.DMA for _ in range(2 * RING + 2)]
    ),
    compiler_params=pltpu.CompilerParams(
        use_tc_tiling_on_sc=True, needs_layout_passes=False
    ),
)
def _swap_columns(x_hbm, out_hbm, spmem, blk_a, blk_b, *sems):
    sem_in = sems[:RING]
    sem_out = sems[RING : 2 * RING]
    sem_blk_in, sem_blk_out = sems[2 * RING :]

    x_flat = x_hbm.reshape(N_ROWS // 8, 8, N_COLS)
    out_flat = out_hbm.reshape(N_ROWS // 8, 8, N_COLS)

    cid = lax.axis_index("c")
    sid = lax.axis_index("s")
    wid = sid * NUM_CORES + cid
    r0 = wid * ROWS_PER_WORKER

    def stage_half(h):
        rows_h = pl.ds(r0 + h * HALF, HALF)
        ca = pltpu.async_copy(x_hbm.at[rows_h, pl.ds(BLK_A, 128)], blk_a, sem_blk_in)
        cb = pltpu.async_copy(x_hbm.at[rows_h, pl.ds(BLK_B, 128)], blk_b, sem_blk_in)
        return ca, cb

    def fix_half():
        lane = lax.iota(jnp.int32, 16)
        bcast_a = jnp.full((16,), LANE_A, jnp.int32)
        bcast_b = jnp.full((16,), LANE_B, jnp.int32)

        def body(t, carry):
            for j in range(8):
                r = t * 8 + j
                va = blk_a[r, pl.ds(WIN_A, 16)]
                vb = blk_b[r, pl.ds(WIN_B, 16)]
                a_at_swap = va.at[bcast_a].get(mode="promise_in_bounds")
                b_at_swap = vb.at[bcast_b].get(mode="promise_in_bounds")
                blk_a[r, pl.ds(WIN_A, 16)] = jnp.where(lane == LANE_A, b_at_swap, va)
                blk_b[r, pl.ds(WIN_B, 16)] = jnp.where(lane == LANE_B, a_at_swap, vb)
            return carry

        lax.fori_loop(0, HALF // 8, body, 0)

    def write_half(h):
        rows_h = pl.ds(r0 + h * HALF, HALF)
        wa = pltpu.async_copy(blk_a, out_hbm.at[rows_h, pl.ds(BLK_A, 128)], sem_blk_out)
        wb = pltpu.async_copy(blk_b, out_hbm.at[rows_h, pl.ds(BLK_B, 128)], sem_blk_out)
        return wa, wb

    def chunk_flat(c):
        return pl.ds((r0 + c * CHUNK) // 8, CHUNK // 8)

    ins = [None] * RING
    outs = [None] * RING
    sp_pend = []
    sp_count = [0]

    def issue(c):
        b = sp_count[0] % RING
        sp_count[0] += 1
        if outs[b] is not None:
            outs[b].wait()
            outs[b] = None
        ins[b] = pltpu.async_copy(
            x_flat.at[chunk_flat(c)], spmem.at[sid, b], sem_in[b]
        )
        sp_pend.append((c, b))

    def drain_ready():
        while len(sp_pend) > LAG:
            j, bj = sp_pend.pop(0)
            ins[bj].wait()
            outs[bj] = pltpu.async_copy(
                spmem.at[sid, bj], out_flat.at[chunk_flat(j)], sem_out[bj]
            )

    def flush():
        while sp_pend:
            j, bj = sp_pend.pop(0)
            ins[bj].wait()
            outs[bj] = pltpu.async_copy(
                spmem.at[sid, bj], out_flat.at[chunk_flat(j)], sem_out[bj]
            )
        for b in range(RING):
            if outs[b] is not None:
                outs[b].wait()
                outs[b] = None

    ca, cb = stage_half(0)
    for c in range(LAG):
        issue(c)
    ca.wait()
    cb.wait()
    fix_half()
    for c in range(LAG, HALF_CHUNKS):
        issue(c)
        drain_ready()
    flush()

    for c in range(HALF_CHUNKS, HALF_CHUNKS + LAG):
        issue(c)
    wa, wb = write_half(0)
    wa.wait()
    wb.wait()
    ca, cb = stage_half(1)
    ca.wait()
    cb.wait()
    fix_half()
    for c in range(HALF_CHUNKS + LAG, NUM_CHUNKS):
        issue(c)
        drain_ready()
    flush()

    wa, wb = write_half(1)
    wa.wait()
    wb.wait()


def kernel(X):
    return _swap_columns(X)

# --- scband reference (transcript-rebuilt; emitter-appended) ---
"""Pipeline reference for scband-swap-29635274342811 (READ-ONLY COPY).

The authoritative reference and input builder live on the scoring server;
editing this copy changes nothing except your own understanding.
"""

import jax, jax.numpy as jnp
import numpy as np

A = 17
B = 503

def setup_inputs(seed: int = 0) -> dict:
    key = jax.random.key(seed)
    X = jax.random.normal(key, (16384, 1024), dtype=jnp.float32)
    return {"X": X}

def reference(X):
    # Faithful translation of the Theano set_subtensor-based column swap:
    #   tmp = X[:, a]; X[:, a] = X[:, b]; X[:, b] = tmp
    tmp = X[:, A]
    Y = X.at[:, A].set(X[:, B])
    Y = Y.at[:, B].set(tmp)
    return Y

if __name__ == "__main__":
    import jax
    _d = setup_inputs()
    print(jax.jit(kernel)(*tuple(_d.values())))

</pallas_src>

<mosaic_0001>
#map = affine_map<(d0, d1) -> (0, 0)>
module attributes {stable_mosaic.version = 14 : i64} {
  func.func @_swap_columns(%arg0: i32, %arg1: i32, %arg2: memref<16384x1024xf32, #tpu.memory_space<hbm>>, %arg3: memref<16384x1024xf32, #tpu.memory_space<hbm>>, %arg4: memref<16x4x2x8x1024xf32, #tpu.memory_space<vmem_shared>>, %arg5: memref<256x128xf32, #tpu.memory_space<vmem>>, %arg6: memref<256x128xf32, #tpu.memory_space<vmem>>, %arg7: memref<!tpu.dma_semaphore, #tpu.memory_space<semaphore_mem>>, %arg8: memref<!tpu.dma_semaphore, #tpu.memory_space<semaphore_mem>>, %arg9: memref<!tpu.dma_semaphore, #tpu.memory_space<semaphore_mem>>, %arg10: memref<!tpu.dma_semaphore, #tpu.memory_space<semaphore_mem>>, %arg11: memref<!tpu.dma_semaphore, #tpu.memory_space<semaphore_mem>>, %arg12: memref<!tpu.dma_semaphore, #tpu.memory_space<semaphore_mem>>, %arg13: memref<!tpu.dma_semaphore, #tpu.memory_space<semaphore_mem>>, %arg14: memref<!tpu.dma_semaphore, #tpu.memory_space<semaphore_mem>>, %arg15: memref<!tpu.dma_semaphore, #tpu.memory_space<semaphore_mem>>, %arg16: memref<!tpu.dma_semaphore, #tpu.memory_space<semaphore_mem>>) attributes {dimension_semantics = [#tpu.dimension_semantics<core_parallel>, #tpu.dimension_semantics<subcore_parallel>], iteration_bounds = array<i64: 2, 16>, scalar_prefetch = 0 : i64, scratch_operands = 13 : i64, tpu.core_type = #tpu.core_type<sc_vector_subcore>, window_params = [{transform_indices = #map}, {transform_indices = #map}]} {
    %mul3A = arith.constant 2 : i32
    %mul3A_0 = arith.muli %arg1, %mul3A : i32
    %add3A = arith.addi %mul3A_0, %arg0 : i32
    %mul3A_1 = arith.constant 512 : i32
    %mul3A_2 = arith.muli %add3A, %mul3A_1 : i32
    %add3A_3 = arith.constant 0 : i32
    %add3A_4 = arith.addi %mul3A_2, %add3A_3 : i32
    %dma_start3A = arith.constant 0 : i32
    %dma_start3A_5 = tpu.memref_slice %arg2[%add3A_4, %dma_start3A] : memref<16384x1024xf32, #tpu.memory_space<hbm>> -> memref<256x128xf32, #tpu.memory_space<hbm>>
    %dma_start3A_6 = arith.constant 0 : i32
    %dma_start3A_7 = tpu.memref_slice %arg2[%add3A_4, %dma_start3A_6] : memref<16384x1024xf32, #tpu.memory_space<hbm>> -> memref<256x128xf32, #tpu.memory_space<hbm>>
    tpu.enqueue_dma source(%dma_start3A_7 : memref<256x128xf32, #tpu.memory_space<hbm>>) target(%arg5 : memref<256x128xf32, #tpu.memory_space<vmem>>) target_semaphore(%arg15 : memref<!tpu.dma_semaphore, #tpu.memory_space<semaphore_mem>>)
    %dma_start3A_8 = arith.constant 384 : i32
    %dma_start3A_9 = tpu.memref_slice %arg2[%add3A_4, %dma_start3A_8] : memref<16384x1024xf32, #tpu.memory_space<hbm>> -> memref<256x128xf32, #tpu.memory_space<hbm>>
    %dma_start3A_10 = arith.constant 384 : i32
    %dma_start3A_11 = tpu.memref_slice %arg2[%add3A_4, %dma_start3A_10] : memref<16384x1024xf32, #tpu.memory_space<hbm>> -> memref<256x128xf32, #tpu.memory_space<hbm>>
    tpu.enqueue_dma source(%dma_start3A_11 : memref<256x128xf32, #tpu.memory_space<hbm>>) target(%arg6 : memref<256x128xf32, #tpu.memory_space<vmem>>) target_semaphore(%arg15 : memref<!tpu.dma_semaphore, #tpu.memory_space<semaphore_mem>>)
    %add3A_12 = arith.constant 0 : i32
    %add3A_13 = arith.addi %mul3A_2, %add3A_12 : i32
    %jit3A = arith.constant 8 : i32
    %div3A = arith.divsi %add3A_13, %jit3A : i32
    %sign3A = arith.constant 0 : i32
    %sign3A_14 = arith.cmpi sgt, %add3A_13, %sign3A : i32
    %sign3A_15 = arith.extui %sign3A_14 : i1 to i32
    %sign3A_16 = arith.constant 0 : i32
    %sign3A_17 = arith.cmpi slt, %add3A_13, %sign3A_16 : i32
    %sign3A_18 = arith.extui %sign3A_17 : i1 to i32
    %sign3A_19 = arith.subi %sign3A_15, %sign3A_18 : i32
    %sign3A_20 = arith.constant 0 : i32
    %sign3A_21 = arith.cmpi sgt, %jit3A, %sign3A_20 : i32
    %sign3A_22 = arith.extui %sign3A_21 : i1 to i32
    %sign3A_23 = arith.constant 0 : i32
    %sign3A_24 = arith.cmpi slt, %jit3A, %sign3A_23 : i32
    %sign3A_25 = arith.extui %sign3A_24 : i1 to i32
    %sign3A_26 = arith.subi %sign3A_22, %sign3A_25 : i32
    %ne3A = arith.cmpi ne, %sign3A_19, %sign3A_26 : i32
    %rem3A = arith.remsi %add3A_13, %jit3A : i32
    %ne3A_27 = arith.constant 0 : i32
    %ne3A_28 = arith.cmpi ne, %rem3A, %ne3A_27 : i32
    %and3A = arith.andi %ne3A, %ne3A_28 : i1
    %sub3A = arith.constant 1 : i32
    %sub3A_29 = arith.subi %div3A, %sub3A : i32
    %select_n3A = arith.select %and3A, %sub3A_29, %div3A : i32
    %dma_start3A_30 = arith.constant 0 : i32
    %dma_start3A_31 = arith.constant 0 : i32
    %dma_start3A_32 = arith.constant 0 : i32
    %dma_start3A_33 = arith.constant 0 : i32
    %dma_start3A_34 = tpu.memref_slice %arg4[%arg1, %dma_start3A_30, %dma_start3A_31, %dma_start3A_32, %dma_start3A_33] : memref<16x4x2x8x1024xf32, #tpu.memory_space<vmem_shared>> -> memref<1x1x2x8x1024xf32, #tpu.memory_space<vmem_shared>>
    %dma_start3A_35 = tpu.memref_squeeze %dma_start3A_34 : memref<1x1x2x8x1024xf32, #tpu.memory_space<vmem_shared>> -> memref<2x8x1024xf32, #tpu.memory_space<vmem_shared>>
    %dma_start3A_36 = tpu.memref_reshape %arg2 : memref<16384x1024xf32, #tpu.memory_space<hbm>> -> memref<2048x8x1024xf32, #tpu.memory_space<hbm>>
    %dma_start3A_37 = arith.constant 0 : i32
    %dma_start3A_38 = arith.constant 0 : i32
    %dma_start3A_39 = tpu.memref_slice %dma_start3A_36[%select_n3A, %dma_start3A_37, %dma_start3A_38] : memref<2048x8x1024xf32, #tpu.memory_space<hbm>> -> memref<2x8x1024xf32, #tpu.memory_space<hbm>>
    tpu.enqueue_dma source(%dma_start3A_39 : memref<2x8x1024xf32, #tpu.memory_space<hbm>>) target(%dma_start3A_35 : memref<2x8x1024xf32, #tpu.memory_space<vmem_shared>>) target_semaphore(%arg7 : memref<!tpu.dma_semaphore, #tpu.memory_space<semaphore_mem>>)
    %add3A_40 = arith.constant 16 : i32
    %add3A_41 = arith.addi %mul3A_2, %add3A_40 : i32
    %jit3A_42 = arith.constant 8 : i32
    %div3A_43 = arith.divsi %add3A_41, %jit3A_42 : i32
    %sign3A_44 = arith.constant 0 : i32
    %sign3A_45 = arith.cmpi sgt, %add3A_41, %sign3A_44 : i32
    %sign3A_46 = arith.extui %sign3A_45 : i1 to i32
    %sign3A_47 = arith.constant 0 : i32
    %sign3A_48 = arith.cmpi slt, %add3A_41, %sign3A_47 : i32
    %sign3A_49 = arith.extui %sign3A_48 : i1 to i32
    %sign3A_50 = arith.subi %sign3A_46, %sign3A_49 : i32
    %sign3A_51 = arith.constant 0 : i32
    %sign3A_52 = arith.cmpi sgt, %jit3A_42, %sign3A_51 : i32
    %sign3A_53 = arith.extui %sign3A_52 : i1 to i32
    %sign3A_54 = arith.constant 0 : i32
    %sign3A_55 = arith.cmpi slt, %jit3A_42, %sign3A_54 : i32
    %sign3A_56 = arith.extui %sign3A_55 : i1 to i32
    %sign3A_57 = arith.subi %sign3A_53, %sign3A_56 : i32
    %ne3A_58 = arith.cmpi ne, %sign3A_50, %sign3A_57 : i32
    %rem3A_59 = arith.remsi %add3A_41, %jit3A_42 : i32
    %ne3A_60 = arith.constant 0 : i32
    %ne3A_61 = arith.cmpi ne, %rem3A_59, %ne3A_60 : i32
    %and3A_62 = arith.andi %ne3A_58, %ne3A_61 : i1
    %sub3A_63 = arith.constant 1 : i32
    %sub3A_64 = arith.subi %div3A_43, %sub3A_63 : i32
    %select_n3A_65 = arith.select %and3A_62, %sub3A_64, %div3A_43 : i32
    %dma_start3A_66 = arith.constant 1 : i32
    %dma_start3A_67 = arith.constant 0 : i32
    %dma_start3A_68 = arith.constant 0 : i32
    %dma_start3A_69 = arith.constant 0 : i32
    %dma_start3A_70 = tpu.memref_slice %arg4[%arg1, %dma_start3A_66, %dma_start3A_67, %dma_start3A_68, %dma_start3A_69] : memref<16x4x2x8x1024xf32, #tpu.memory_space<vmem_shared>> -> memref<1x1x2x8x1024xf32, #tpu.memory_space<vmem_shared>>
    %dma_start3A_71 = tpu.memref_squeeze %dma_start3A_70 : memref<1x1x2x8x1024xf32, #tpu.memory_space<vmem_shared>> -> memref<2x8x1024xf32, #tpu.memory_space<vmem_shared>>
    %dma_start3A_72 = tpu.memref_reshape %arg2 : memref<16384x1024xf32, #tpu.memory_space<hbm>> -> memref<2048x8x1024xf32, #tpu.memory_space<hbm>>
    %dma_start3A_73 = arith.constant 0 : i32
    %dma_start3A_74 = arith.constant 0 : i32
    %dma_start3A_75 = tpu.memref_slice %dma_start3A_72[%select_n3A_65, %dma_start3A_73, %dma_start3A_74] : memref<2048x8x1024xf32, #tpu.memory_space<hbm>> -> memref<2x8x1024xf32, #tpu.memory_space<hbm>>
    tpu.enqueue_dma source(%dma_start3A_75 : memref<2x8x1024xf32, #tpu.memory_space<hbm>>) target(%dma_start3A_71 : memref<2x8x1024xf32, #tpu.memory_space<vmem_shared>>) target_semaphore(%arg8 : memref<!tpu.dma_semaphore, #tpu.memory_space<semaphore_mem>>)
    %dma_wait3A = arith.constant 0 : i32
    %dma_wait3A_76 = tpu.memref_slice %arg2[%add3A_4, %dma_wait3A] : memref<16384x1024xf32, #tpu.memory_space<hbm>> -> memref<256x128xf32, #tpu.memory_space<hbm>>
    %dma_wait3A_77 = arith.constant 0 : i32
    %dma_wait3A_78 = tpu.memref_slice %arg2[%add3A_4, %dma_wait3A_77] : memref<16384x1024xf32, #tpu.memory_space<hbm>> -> memref<256x128xf32, #tpu.memory_space<hbm>>
    tpu.wait_dma2 semaphore(%arg15 : memref<!tpu.dma_semaphore, #tpu.memory_space<semaphore_mem>>) src(%dma_wait3A_78 : memref<256x128xf32, #tpu.memory_space<hbm>>) dst(%arg5 : memref<256x128xf32, #tpu.memory_space<vmem>>)
    %dma_wait3A_79 = arith.constant 384 : i32
    %dma_wait3A_80 = tpu.memref_slice %arg2[%add3A_4, %dma_wait3A_79] : memref<16384x1024xf32, #tpu.memory_space<hbm>> -> memref<256x128xf32, #tpu.memory_space<hbm>>
    %dma_wait3A_81 = arith.constant 384 : i32
    %dma_wait3A_82 = tpu.memref_slice %arg2[%add3A_4, %dma_wait3A_81] : memref<16384x1024xf32, #tpu.memory_space<hbm>> -> memref<256x128xf32, #tpu.memory_space<hbm>>
    tpu.wait_dma2 semaphore(%arg15 : memref<!tpu.dma_semaphore, #tpu.memory_space<semaphore_mem>>) src(%dma_wait3A_82 : memref<256x128xf32, #tpu.memory_space<hbm>>) dst(%arg6 : memref<256x128xf32, #tpu.memory_space<vmem>>)
    %iota3A = tpu.iota {dimensions = array<i32: 0>} : vector<16xi32>
    %broadcast_in_dim3A = arith.constant 1 : i32
    %broadcast_in_dim3A_83 = vector.broadcast %broadcast_in_dim3A : i32 to vector<16xi32>
    %broadcast_in_dim3A_84 = arith.constant 7 : i32
    %broadcast_in_dim3A_85 = vector.broadcast %broadcast_in_dim3A_84 : i32 to vector<16xi32>
    %scan3A = arith.constant 0 : i32
    %scan3A_86 = arith.constant 0 : i32
    %scan3A_87 = arith.constant 32 : i32
    %scan3A_88 = arith.addi %scan3A_86, %scan3A_87 : i32
    %scan3A_89 = arith.constant 1 : i32
    scf.for %scan3A_3028 = %scan3A_86 to %scan3A_88 step %scan3A_89  : i32 {
      %mul3A_3029 = arith.constant 8 : i32
      %mul3A_3030 = arith.muli %scan3A_3028, %mul3A_3029 : i32
      %add3A_3031 = arith.constant 0 : i32
      %add3A_3032 = arith.addi %mul3A_3030, %add3A_3031 : i32
      %get3A = arith.index_cast %add3A_3032 : i32 to index
      %get3A_3033 = arith.constant 16 : index
      %get3A_3034 = tpu.vector_load %arg5[%get3A, %get3A_3033] {strides = array<i32>} : memref<256x128xf32, #tpu.memory_space<vmem>>, vector<16xf32>,
      %get3A_3035 = arith.index_cast %add3A_3032 : i32 to index
      %get3A_3036 = arith.constant 112 : index
      %get3A_3037 = tpu.vector_load %arg6[%get3A_3035, %get3A_3036] {strides = array<i32>} : memref<256x128xf32, #tpu.memory_space<vmem>>, vector<16xf32>,
      %lt3A = arith.constant 0 : i32
      %lt3A_3038 = vector.broadcast %lt3A : i32 to vector<16xi32>
      %lt3A_3039 = arith.cmpi slt, %broadcast_in_dim3A_83, %lt3A_3038 : vector<16xi32>
      %add3A_3040 = arith.constant 16 : i32
      %add3A_3041 = vector.broadcast %add3A_3040 : i32 to vector<16xi32>
      %add3A_3042 = arith.addi %broadcast_in_dim3A_83, %add3A_3041 : vector<16xi32>
      %select_n3A_3043 = arith.select %lt3A_3039, %add3A_3042, %broadcast_in_dim3A_83 : vector<16xi1>, vector<16xi32>
      %broadcast_in_dim3A_3044 = vector.shape_cast %select_n3A_3043 : vector<16xi32> to vector<16x1xi32>
      %gather3A = vector.shape_cast %broadcast_in_dim3A_3044 : vector<16x1xi32> to vector<16xi32>
      %gather3A_3045 = tpu.dynamic_gather %get3A_3034[%gather3A] in [0] : vector<16xf32>, vector<16xi32> -> vector<16xf32>
      %lt3A_3046 = arith.constant 0 : i32
      %lt3A_3047 = vector.broadcast %lt3A_3046 : i32 to vector<16xi32>
      %lt3A_3048 = arith.cmpi slt, %broadcast_in_dim3A_85, %lt3A_3047 : vector<16xi32>
      %add3A_3049 = arith.constant 16 : i32
      %add3A_3050 = vector.broadcast %add3A_3049 : i32 to vector<16xi32>
      %add3A_3051 = arith.addi %broadcast_in_dim3A_85, %add3A_3050 : vector<16xi32>
      %select_n3A_3052 = arith.select %lt3A_3048, %add3A_3051, %broadcast_in_dim3A_85 : vector<16xi1>, vector<16xi32>
      %broadcast_in_dim3A_3053 = vector.shape_cast %select_n3A_3052 : vector<16xi32> to vector<16x1xi32>
      %gather3A_3054 = vector.shape_cast %broadcast_in_dim3A_3053 : vector<16x1xi32> to vector<16xi32>
      %gather3A_3055 = tpu.dynamic_gather %get3A_3037[%gather3A_3054] in [0] : vector<16xf32>, vector<16xi32> -> vector<16xf32>
      %eq3A = arith.constant 1 : i32
      %eq3A_3056 = vector.broadcast %eq3A : i32 to vector<16xi32>
      %eq3A_3057 = arith.cmpi eq, %iota3A, %eq3A_3056 : vector<16xi32>
      %select_n3A_3058 = arith.select %eq3A_3057, %gather3A_3055, %get3A_3034 : vector<16xi1>, vector<16xf32>
      %swap3A = arith.index_cast %add3A_3032 : i32 to index
      %swap3A_3059 = arith.constant 16 : index
      %swap3A_3060 = tpu.vector_load %arg5[%swap3A, %swap3A_3059] {strides = array<i32>} : memref<256x128xf32, #tpu.memory_space<vmem>>, vector<16xf32>,
      tpu.vector_store %arg5[%swap3A, %swap3A_3059], %select_n3A_3058 {strides = array<i32>} : memref<256x128xf32, #tpu.memory_space<vmem>>, vector<16xf32>,
      %eq3A_3061 = arith.constant 7 : i32
      %eq3A_3062 = vector.broadcast %eq3A_3061 : i32 to vector<16xi32>
      %eq3A_3063 = arith.cmpi eq, %iota3A, %eq3A_3062 : vector<16xi32>
      %select_n3A_3064 = arith.select %eq3A_3063, %gather3A_3045, %get3A_3037 : vector<16xi1>, vector<16xf32>
      %swap3A_3065 = arith.index_cast %add3A_3032 : i32 to index
      %swap3A_3066 = arith.constant 112 : index
      %swap3A_3067 = tpu.vector_load %arg6[%swap3A_3065, %swap3A_3066] {strides = array<i32>} : memref<256x128xf32, #tpu.memory_space<vmem>>, vector<16xf32>,
      tpu.vector_store %arg6[%swap3A_3065, %swap3A_3066], %select_n3A_3064 {strides = array<i32>} : memref<256x128xf32, #tpu.memory_space<vmem>>, vector<16xf32>,
      %mul3A_3068 = arith.constant 8 : i32
      %mul3A_3069 = arith.muli %scan3A_3028, %mul3A_3068 : i32
      %add3A_3070 = arith.constant 1 : i32
      %add3A_3071 = arith.addi %mul3A_3069, %add3A_3070 : i32
      %get3A_3072 = arith.index_cast %add3A_3071 : i32 to index
      %get3A_3073 = arith.constant 16 : index
      %get3A_3074 = tpu.vector_load %arg5[%get3A_3072, %get3A_3073] {strides = array<i32>} : memref<256x128xf32, #tpu.memory_space<vmem>>, vector<16xf32>,
      %get3A_3075 = arith.index_cast %add3A_3071 : i32 to index
      %get3A_3076 = arith.constant 112 : index
      %get3A_3077 = tpu.vector_load %arg6[%get3A_3075, %get3A_3076] {strides = array<i32>} : memref<256x128xf32, #tpu.memory_space<vmem>>, vector<16xf32>,
      %lt3A_3078 = arith.constant 0 : i32
      %lt3A_3079 = vector.broadcast %lt3A_3078 : i32 to vector<16xi32>
      %lt3A_3080 = arith.cmpi slt, %broadcast_in_dim3A_83, %lt3A_3079 : vector<16xi32>
      %add3A_3081 = arith.constant 16 : i32
      %add3A_3082 = vector.broadcast %add3A_3081 : i32 to vector<16xi32>
      %add3A_3083 = arith.addi %broadcast_in_dim3A_83, %add3A_3082 : vector<16xi32>
      %select_n3A_3084 = arith.select %lt3A_3080, %add3A_3083, %broadcast_in_dim3A_83 : vector<16xi1>, vector<16xi32>
      %broadcast_in_dim3A_3085 = vector.shape_cast %select_n3A_3084 : vector<16xi32> to vector<16x1xi32>
      %gather3A_3086 = vector.shape_cast %broadcast_in_dim3A_3085 : vector<16x1xi32> to vector<16xi32>
      %gather3A_3087 = tpu.dynamic_gather %get3A_3074[%gather3A_3086] in [0] : vector<16xf32>, vector<16xi32> -> vector<16xf32>
      %lt3A_3088 = arith.constant 0 : i32
      %lt3A_3089 = vector.broadcast %lt3A_3088 : i32 to vector<16xi32>
      %lt3A_3090 = arith.cmpi slt, %broadcast_in_dim3A_85, %lt3A_3089 : vector<16xi32>
      %add3A_3091 = arith.constant 16 : i32
      %add3A_3092 = vector.broadcast %add3A_3091 : i32 to vector<16xi32>
      %add3A_3093 = arith.addi %broadcast_in_dim3A_85, %add3A_3092 : vector<16xi32>
      %select_n3A_3094 = arith.select %lt3A_3090, %add3A_3093, %broadcast_in_dim3A_85 : vector<16xi1>, vector<16xi32>
      %broadcast_in_dim3A_3095 = vector.shape_cast %select_n3A_3094 : vector<16xi32> to vector<16x1xi32>
      %gather3A_3096 = vector.shape_cast %broadcast_in_dim3A_3095 : vector<16x1xi32> to vector<16xi32>
      %gather3A_3097 = tpu.dynamic_gather %get3A_3077[%gather3A_3096] in [0] : vector<16xf32>, vector<16xi32> -> vector<16xf32>
      %eq3A_3098 = arith.constant 1 : i32
      %eq3A_3099 = vector.broadcast %eq3A_3098 : i32 to vector<16xi32>
      %eq3A_3100 = arith.cmpi eq, %iota3A, %eq3A_3099 : vector<16xi32>
      %select_n3A_3101 = arith.select %eq3A_3100, %gather3A_3097, %get3A_3074 : vector<16xi1>, vector<16xf32>
      %swap3A_3102 = arith.index_cast %add3A_3071 : i32 to index
      %swap3A_3103 = arith.constant 16 : index
      %swap3A_3104 = tpu.vector_load %arg5[%swap3A_3102, %swap3A_3103] {strides = array<i32>} : memref<256x128xf32, #tpu.memory_space<vmem>>, vector<16xf32>,
      tpu.vector_store %arg5[%swap3A_3102, %swap3A_3103], %select_n3A_3101 {strides = array<i32>} : memref<256x128xf32, #tpu.memory_space<vmem>>, vector<16xf32>,
      %eq3A_3105 = arith.constant 7 : i32
      %eq3A_3106 = vector.broadcast %eq3A_3105 : i32 to vector<16xi32>
      %eq3A_3107 = arith.cmpi eq, %iota3A, %eq3A_3106 : vector<16xi32>
      %select_n3A_3108 = arith.select %eq3A_3107, %gather3A_3087, %get3A_3077 : vector<16xi1>, vector<16xf32>
      %swap3A_3109 = arith.index_cast %add3A_3071 : i32 to index
      %swap3A_3110 = arith.constant 112 : index
      %swap3A_3111 = tpu.vector_load %arg6[%swap3A_3109, %swap3A_3110] {strides = array<i32>} : memref<256x128xf32, #tpu.memory_space<vmem>>, vector<16xf32>,
      tpu.vector_store %arg6[%swap3A_3109, %swap3A_3110], %select_n3A_3108 {strides = array<i32>} : memref<256x128xf32, #tpu.memory_space<vmem>>, vector<16xf32>,
      %mul3A_3112 = arith.constant 8 : i32
      %mul3A_3113 = arith.muli %scan3A_3028, %mul3A_3112 : i32
      %add3A_3114 = arith.constant 2 : i32
      %add3A_3115 = arith.addi %mul3A_3113, %add3A_3114 : i32
      %get3A_3116 = arith.index_cast %add3A_3115 : i32 to index
      %get3A_3117 = arith.constant 16 : index
      %get3A_3118 = tpu.vector_load %arg5[%get3A_3116, %get3A_3117] {strides = array<i32>} : memref<256x128xf32, #tpu.memory_space<vmem>>, vector<16xf32>,
      %get3A_3119 = arith.index_cast %add3A_3115 : i32 to index
      %get3A_3120 = arith.constant 112 : index
      %get3A_3121 = tpu.vector_load %arg6[%get3A_3119, %get3A_3120] {strides = array<i32>} : memref<256x128xf32, #tpu.memory_space<vmem>>, vector<16xf32>,
      %lt3A_3122 = arith.constant 0 : i32
      %lt3A_3123 = vector.broadcast %lt3A_3122 : i32 to vector<16xi32>
      %lt3A_3124 = arith.cmpi slt, %broadcast_in_dim3A_83, %lt3A_3123 : vector<16xi32>
      %add3A_3125 = arith.constant 16 : i32
      %add3A_3126 = vector.broadcast %add3A_3125 : i32 to vector<16xi32>
      %add3A_3127 = arith.addi %broadcast_in_dim3A_83, %add3A_3126 : vector<16xi32>
      %select_n3A_3128 = arith.select %lt3A_3124, %add3A_3127, %broadcast_in_dim3A_83 : vector<16xi1>, vector<16xi32>
      %broadcast_in_dim3A_3129 = vector.shape_cast %select_n3A_3128 : vector<16xi32> to vector<16x1xi32>
      %gather3A_3130 = vector.shape_cast %broadcast_in_dim3A_3129 : vector<16x1xi32> to vector<16xi32>
      %gather3A_3131 = tpu.dynamic_gather %get3A_3118[%gather3A_3130] in [0] : vector<16xf32>, vector<16xi32> -> vector<16xf32>
      %lt3A_3132 = arith.constant 0 : i32
      %lt3A_3133 = vector.broadcast %lt3A_3132 : i32 to vector<16xi32>
      %lt3A_3134 = arith.cmpi slt, %broadcast_in_dim3A_85, %lt3A_3133 : vector<16xi32>
      %add3A_3135 = arith.constant 16 : i32
      %add3A_3136 = vector.broadcast %add3A_3135 : i32 to vector<16xi32>
      %add3A_3137 = arith.addi %broadcast_in_dim3A_85, %add3A_3136 : vector<16xi32>
      %select_n3A_3138 = arith.select %lt3A_3134, %add3A_3137, %broadcast_in_dim3A_85 : vector<16xi1>, vector<16xi32>
      %broadcast_in_dim3A_3139 = vector.shape_cast %select_n3A_3138 : vector<16xi32> to vector<16x1xi32>
      %gather3A_3140 = vector.shape_cast %broadcast_in_dim3A_3139 : vector<16x1xi32> to vector<16xi32>
      %gather3A_3141 = tpu.dynamic_gather %get3A_3121[%gather3A_3140] in [0] : vector<16xf32>, vector<16xi32> -> vector<16xf32>
      %eq3A_3142 = arith.constant 1 : i32
      %eq3A_3143 = vector.broadcast %eq3A_3142 : i32 to vector<16xi32>
      %eq3A_3144 = arith.cmpi eq, %iota3A, %eq3A_3143 : vector<16xi32>
      %select_n3A_3145 = arith.select %eq3A_3144, %gather3A_3141, %get3A_3118 : vector<16xi1>, vector<16xf32>
      %swap3A_3146 = arith.index_cast %add3A_3115 : i32 to index
      %swap3A_3147 = arith.constant 16 : index
      %swap3A_3148 = tpu.vector_load %arg5[%swap3A_3146, %swap3A_3147] {strides = array<i32>} : memref<256x128xf32, #tpu.memory_space<vmem>>, vector<16xf32>,
      tpu.vector_store %arg5[%swap3A_3146, %swap3A_3147], %select_n3A_3145 {strides = array<i32>} : memref<256x128xf32, #tpu.memory_space<vmem>>, vector<16xf32>,
      %eq3A_3149 = arith.constant 7 : i32
      %eq3A_3150 = vector.broadcast %eq3A_3149 : i32 to vector<16xi32>
      %eq3A_3151 = arith.cmpi eq, %iota3A, %eq3A_3150 : vector<16xi32>
      %select_n3A_3152 = arith.select %eq3A_3151, %gather3A_3131, %get3A_3121 : vector<16xi1>, vector<16xf32>
      %swap3A_3153 = arith.index_cast %add3A_3115 : i32 to index
      %swap3A_3154 = arith.constant 112 : index
      %swap3A_3155 = tpu.vector_load %arg6[%swap3A_3153, %swap3A_3154] {strides = array<i32>} : memref<256x128xf32, #tpu.memory_space<vmem>>, vector<16xf32>,
      tpu.vector_store %arg6[%swap3A_3153, %swap3A_3154], %select_n3A_3152 {strides = array<i32>} : memref<256x128xf32, #tpu.memory_space<vmem>>, vector<16xf32>,
      %mul3A_3156 = arith.constant 8 : i32
      %mul3A_3157 = arith.muli %scan3A_3028, %mul3A_3156 : i32
      %add3A_3158 = arith.constant 3 : i32
      %add3A_3159 = arith.addi %mul3A_3157, %add3A_3158 : i32
      %get3A_3160 = arith.index_cast %add3A_3159 : i32 to index
      %get3A_3161 = arith.constant 16 : index
      %get3A_3162 = tpu.vector_load %arg5[%get3A_3160, %get3A_3161] {strides = array<i32>} : memref<256x128xf32, #tpu.memory_space<vmem>>, vector<16xf32>,
      %get3A_3163 = arith.index_cast %add3A_3159 : i32 to index
      %get3A_3164 = arith.constant 112 : index
      %get3A_3165 = tpu.vector_load %arg6[%get3A_3163, %get3A_3164] {strides = array<i32>} : memref<256x128xf32, #tpu.memory_space<vmem>>, vector<16xf32>,
      %lt3A_3166 = arith.constant 0 : i32
      %lt3A_3167 = vector.broadcast %lt3A_3166 : i32 to vector<16xi32>
      %lt3A_3168 = arith.cmpi slt, %broadcast_in_dim3A_83, %lt3A_3167 : vector<16xi32>
      %add3A_3169 = arith.constant 16 : i32
      %add3A_3170 = vector.broadcast %add3A_3169 : i32 to vector<16xi32>
      %add3A_3171 = arith.addi %broadcast_in_dim3A_83, %add3A_3170 : vector<16xi32>
      %select_n3A_3172 = arith.select %lt3A_3168, %add3A_3171, %broadcast_in_dim3A_83 : vector<16xi1>, vector<16xi32>
      %broadcast_in_dim3A_3173 = vector.shape_cast %select_n3A_3172 : vector<16xi32> to vector<16x1xi32>
      %gather3A_3174 = vector.shape_cast %broadcast_in_dim3A_3173 : vector<16x1xi32> to vector<16xi32>
      %gather3A_3175 = tpu.dynamic_gather %get3A_3162[%gather3A_3174] in [0] : vector<16xf32>, vector<16xi32> -> vector<16xf32>
      %lt3A_3176 = arith.constant 0 : i32
      %lt3A_3177 = vector.broadcast %lt3A_3176 : i32 to vector<16xi32>
      %lt3A_3178 = arith.cmpi slt, %broadcast_in_dim3A_85, %lt3A_3177 : vector<16xi32>
      %add3A_3179 = arith.constant 16 : i32
      %add3A_3180 = vector.broadcast %add3A_3179 : i32 to vector<16xi32>
      %add3A_3181 = arith.addi %broadcast_in_dim3A_85, %add3A_3180 : vector<16xi32>
      %select_n3A_3182 = arith.select %lt3A_3178, %add3A_3181, %broadcast_in_dim3A_85 : vector<16xi1>, vector<16xi32>
      %broadcast_in_dim3A_3183 = vector.shape_cast %select_n3A_3182 : vector<16xi32> to vector<16x1xi32>
      %gather3A_3184 = vector.shape_cast %broadcast_in_dim3A_3183 : vector<16x1xi32> to vector<16xi32>
      %gather3A_3185 = tpu.dynamic_gather %get3A_3165[%gather3A_3184] in [0] : vector<16xf32>, vector<16xi32> -> vector<16xf32>
      %eq3A_3186 = arith.constant 1 : i32
      %eq3A_3187 = vector.broadcast %eq3A_3186 : i32 to vector<16xi32>
      %eq3A_3188 = arith.cmpi eq, %iota3A, %eq3A_3187 : vector<16xi32>
      %select_n3A_3189 = arith.select %eq3A_3188, %gather3A_3185, %get3A_3162 : vector<16xi1>, vector<16xf32>
      %swap3A_3190 = arith.index_cast %add3A_3159 : i32 to index
      %swap3A_3191 = arith.constant 16 : index
      %swap3A_3192 = tpu.vector_load %arg5[%swap3A_3190, %swap3A_3191] {strides = array<i32>} : memref<256x128xf32, #tpu.memory_space<vmem>>, vector<16xf32>,
      tpu.vector_store %arg5[%swap3A_3190, %swap3A_3191], %select_n3A_3189 {strides = array<i32>} : memref<256x128xf32, #tpu.memory_space<vmem>>, vector<16xf32>,
      %eq3A_3193 = arith.constant 7 : i32
      %eq3A_3194 = vector.broadcast %eq3A_3193 : i32 to vector<16xi32>
      %eq3A_3195 = arith.cmpi eq, %iota3A, %eq3A_3194 : vector<16xi32>
      %select_n3A_3196 = arith.select %eq3A_3195, %gather3A_3175, %get3A_3165 : vector<16xi1>, vector<16xf32>
      %swap3A_3197 = arith.index_cast %add3A_3159 : i32 to index
      %swap3A_3198 = arith.constant 112 : index
      %swap3A_3199 = tpu.vector_load %arg6[%swap3A_3197, %swap3A_3198] {strides = array<i32>} : memref<256x128xf32, #tpu.memory_space<vmem>>, vector<16xf32>,
      tpu.vector_store %arg6[%swap3A_3197, %swap3A_3198], %select_n3A_3196 {strides = array<i32>} : memref<256x128xf32, #tpu.memory_space<vmem>>, vector<16xf32>,
      %mul3A_3200 = arith.constant 8 : i32
      %mul3A_3201 = arith.muli %scan3A_3028, %mul3A_3200 : i32
      %add3A_3202 = arith.constant 4 : i32
      %add3A_3203 = arith.addi %mul3A_3201, %add3A_3202 : i32
      %get3A_3204 = arith.index_cast %add3A_3203 : i32 to index
      %get3A_3205 = arith.constant 16 : index
      %get3A_3206 = tpu.vector_load %arg5[%get3A_3204, %get3A_3205] {strides = array<i32>} : memref<256x128xf32, #tpu.memory_space<vmem>>, vector<16xf32>,
      %get3A_3207 = arith.index_cast %add3A_3203 : i32 to index
      %get3A_3208 = arith.constant 112 : index
      %get3A_3209 = tpu.vector_load %arg6[%get3A_3207, %get3A_3208] {strides = array<i32>} : memref<256x128xf32, #tpu.memory_space<vmem>>, vector<16xf32>,
      %lt3A_3210 = arith.constant 0 : i32
      %lt3A_3211 = vector.broadcast %lt3A_3210 : i32 to vector<16xi32>
      %lt3A_3212 = arith.cmpi slt, %broadcast_in_dim3A_83, %lt3A_3211 : vector<16xi32>
      %add3A_3213 = arith.constant 16 : i32
      %add3A_3214 = vector.broadcast %add3A_3213 : i32 to vector<16xi32>
      %add3A_3215 = arith.addi %broadcast_in_dim3A_83, %add3A_3214 : vector<16xi32>
      %select_n3A_3216 = arith.select %lt3A_3212, %add3A_3215, %broadcast_in_dim3A_83 : vector<16xi1>, vector<16xi32>
      %broadcast_in_dim3A_3217 = vector.shape_cast %select_n3A_3216 : vector<16xi32> to vector<16x1xi32>
      %gather3A_3218 = vector.shape_cast %broadcast_in_dim3A_3217 : vector<16x1xi32> to vector<16xi32>
      %gather3A_3219 = tpu.dynamic_gather %get3A_3206[%gather3A_3218] in [0] : vector<16xf32>, vector<16xi32> -> vector<16xf32>
      %lt3A_3220 = arith.constant 0 : i32
      %lt3A_3221 = vector.broadcast %lt3A_3220 : i32 to vector<16xi32>
      %lt3A_3222 = arith.cmpi slt, %broadcast_in_dim3A_85, %lt3A_3221 : vector<16xi32>
      %add3A_3223 = arith.constant 16 : i32
      %add3A_3224 = vector.broadcast %add3A_3223 : i32 to vector<16xi32>
      %add3A_3225 = arith.addi %broadcast_in_dim3A_85, %add3A_3224 : vector<16xi32>
      %select_n3A_3226 = arith.select %lt3A_3222, %add3A_3225, %broadcast_in_dim3A_85 : vector<16xi1>, vector<16xi32>
      %broadcast_in_dim3A_3227 = vector.shape_cast %select_n3A_3226 : vector<16xi32> to vector<16x1xi32>
      %gather3A_3228 = vector.shape_cast %broadcast_in_dim3A_3227 : vector<16x1xi32> to vector<16xi32>
      %gather3A_3229 = tpu.dynamic_gather %get3A_3209[%gather3A_3228] in [0] : vector<16xf32>, vector<16xi32> -> vector<16xf32>
      %eq3A_3230 = arith.constant 1 : i32
      %eq3A_3231 = vector.broadcast %eq3A_3230 : i32 to vector<16xi32>
      %eq3A_3232 = arith.cmpi eq, %iota3A, %eq3A_3231 : vector<16xi32>
      %select_n3A_3233 = arith.select %eq3A_3232, %gather3A_3229, %get3A_3206 : vector<16xi1>, vector<16xf32>
      %swap3A_3234 = arith.index_cast %add3A_3203 : i32 to index
      %swap3A_3235 = arith.constant 16 : index
      %swap3A_3236 = tpu.vector_load %arg5[%swap3A_3234, %swap3A_3235] {strides = array<i32>} : memref<256x128xf32, #tpu.memory_space<vmem>>, vector<16xf32>,
      tpu.vector_store %arg5[%swap3A_3234, %swap3A_3235], %select_n3A_3233 {strides = array<i32>} : memref<256x128xf32, #tpu.memory_space<vmem>>, vector<16xf32>,
      %eq3A_3237 = arith.constant 7 : i32
      %eq3A_3238 = vector.broadcast %eq3A_3237 : i32 to vector<16xi32>
      %eq3A_3239 = arith.cmpi eq, %iota3A, %eq3A_3238 : vector<16xi32>
      %select_n3A_3240 = arith.select %eq3A_3239, %gather3A_3219, %get3A_3209 : vector<16xi1>, vector<16xf32>
      %swap3A_3241 = arith.index_cast %add3A_3203 : i32 to index
      %swap3A_3242 = arith.constant 112 : index
      %swap3A_3243 = tpu.vector_load %arg6[%swap3A_3241, %swap3A_3242] {strides = array<i32>} : memref<256x128xf32, #tpu.memory_space<vmem>>, vector<16xf32>,
      tpu.vector_store %arg6[%swap3A_3241, %swap3A_3242], %select_n3A_3240 {strides = array<i32>} : memref<256x128xf32, #tpu.memory_space<vmem>>, vector<16xf32>,
      %mul3A_3244 = arith.constant 8 : i32
      %mul3A_3245 = arith.muli %scan3A_3028, %mul3A_3244 : i32
      %add3A_3246 = arith.constant 5 : i32
      %add3A_3247 = arith.addi %mul3A_3245, %add3A_3246 : i32
      %get3A_3248 = arith.index_cast %add3A_3247 : i32 to index
      %get3A_3249 = arith.constant 16 : index
      %get3A_3250 = tpu.vector_load %arg5[%get3A_3248, %get3A_3249] {strides = array<i32>} : memref<256x128xf32, #tpu.memory_space<vmem>>, vector<16xf32>,
      %get3A_3251 = arith.index_cast %add3A_3247 : i32 to index
      %get3A_3252 = arith.constant 112 : index
      %get3A_3253 = tpu.vector_load %arg6[%get3A_3251, %get3A_3252] {strides = array<i32>} : memref<256x128xf32, #tpu.memory_space<vmem>>, vector<16xf32>,
      %lt3A_3254 = arith.constant 0 : i32
      %lt3A_3255 = vector.broadcast %lt3A_3254 : i32 to vector<16xi32>
      %lt3A_3256 = arith.cmpi slt, %broadcast_in_dim3A_83, %lt3A_3255 : vector<16xi32>
      %add3A_3257 = arith.constant 16 : i32
      %add3A_3258 = vector.broadcast %add3A_3257 : i32 to vector<16xi32>
      %add3A_3259 = arith.addi %broadcast_in_dim3A_83, %add3A_3258 : vector<16xi32>
      %select_n3A_3260 = arith.select %lt3A_3256, %add3A_3259, %broadcast_in_dim3A_83 : vector<16xi1>, vector<16xi32>
      %broadcast_in_dim3A_3261 = vector.shape_cast %select_n3A_3260 : vector<16xi32> to vector<16x1xi32>
      %gather3A_3262 = vector.shape_cast %broadcast_in_dim3A_3261 : vector<16x1xi32> to vector<16xi32>
      %gather3A_3263 = tpu.dynamic_gather %get3A_3250[%gather3A_3262] in [0] : vector<16xf32>, vector<16xi32> -> vector<16xf32>
      %lt3A_3264 = arith.constant 0 : i32
      %lt3A_3265 = vector.broadcast %lt3A_3264 : i32 to vector<16xi32>
      %lt3A_3266 = arith.cmpi slt, %broadcast_in_dim3A_85, %lt3A_3265 : vector<16xi32>
      %add3A_3267 = arith.constant 16 : i32
      %add3A_3268 = vector.broadcast %add3A_3267 : i32 to vector<16xi32>
      %add3A_3269 = arith.addi %broadcast_in_dim3A_85, %add3A_3268 : vector<16xi32>
      %select_n3A_3270 = arith.select %lt3A_3266, %add3A_3269, %broadcast_in_dim3A_85 : vector<16xi1>, vector<16xi32>
      %broadcast_in_dim3A_3271 = vector.shape_cast %select_n3A_3270 : vector<16xi32> to vector<16x1xi32>
      %gather3A_3272 = vector.shape_cast %broadcast_in_dim3A_3271 : vector<16x1xi32> to vector<16xi32>
      %gather3A_3273 = tpu.dynamic_gather %get3A_3253[%gather3A_3272] in [0] : vector<16xf32>, vector<16xi32> -> vector<16xf32>
      %eq3A_3274 = arith.constant 1 : i32
      %eq3A_3275 = vector.broadcast %eq3A_3274 : i32 to vector<16xi32>
      %eq3A_3276 = arith.cmpi eq, %iota3A, %eq3A_3275 : vector<16xi32>
      %select_n3A_3277 = arith.select %eq3A_3276, %gather3A_3273, %get3A_3250 : vector<16xi1>, vector<16xf32>
      %swap3A_3278 = arith.index_cast %add3A_3247 : i32 to index
      %swap3A_3279 = arith.constant 16 : index
      %swap3A_3280 = tpu.vector_load %arg5[%swap3A_3278, %swap3A_3279] {strides = array<i32>} : memref<256x128xf32, #tpu.memory_space<vmem>>, vector<16xf32>,
      tpu.vector_store %arg5[%swap3A_3278, %swap3A_3279], %select_n3A_3277 {strides = array<i32>} : memref<256x128xf32, #tpu.memory_space<vmem>>, vector<16xf32>,
      %eq3A_3281 = arith.constant 7 : i32
      %eq3A_3282 = vector.broadcast %eq3A_3281 : i32 to vector<16xi32>
      %eq3A_3283 = arith.cmpi eq, %iota3A, %eq3A_3282 : vector<16xi32>
      %select_n3A_3284 = arith.select %eq3A_3283, %gather3A_3263, %get3A_3253 : vector<16xi1>, vector<16xf32>
      %swap3A_3285 = arith.index_cast %add3A_3247 : i32 to index
      %swap3A_3286 = arith.constant 112 : index
      %swap3A_3287 = tpu.vector_load %arg6[%swap3A_3285, %swap3A_3286] {strides = array<i32>} : memref<256x128xf32, #tpu.memory_space<vmem>>, vector<16xf32>,
      tpu.vector_store %arg6[%swap3A_3285, %swap3A_3286], %select_n3A_3284 {strides = array<i32>} : memref<256x128xf32, #tpu.memory_space<vmem>>, vector<16xf32>,
      %mul3A_3288 = arith.constant 8 : i32
      %mul3A_3289 = arith.muli %scan3A_3028, %mul3A_3288 : i32
      %add3A_3290 = arith.constant 6 : i32
      %add3A_3291 = arith.addi %mul3A_3289, %add3A_3290 : i32
      %get3A_3292 = arith.index_cast %add3A_3291 : i32 to index
      %get3A_3293 = arith.constant 16 : index
      %get3A_3294 = tpu.vector_load %arg5[%get3A_3292, %get3A_3293] {strides = array<i32>} : memref<256x128xf32, #tpu.memory_space<vmem>>, vector<16xf32>,
      %get3A_3295 = arith.index_cast %add3A_3291 : i32 to index
      %get3A_3296 = arith.constant 112 : index
      %get3A_3297 = tpu.vector_load %arg6[%get3A_3295, %get3A_3296] {strides = array<i32>} : memref<256x128xf32, #tpu.memory_space<vmem>>, vector<16xf32>,
      %lt3A_3298 = arith.constant 0 : i32
      %lt3A_3299 = vector.broadcast %lt3A_3298 : i32 to vector<16xi32>
      %lt3A_3300 = arith.cmpi slt, %broadcast_in_dim3A_83, %lt3A_3299 : vector<16xi32>
      %add3A_3301 = arith.constant 16 : i32
      %add3A_3302 = vector.broadcast %add3A_3301 : i32 to vector<16xi32>
      %add3A_3303 = arith.addi %broadcast_in_dim3A_83, %add3A_3302 : vector<16xi32>
      %select_n3A_3304 = arith.select %lt3A_3300, %add3A_3303, %broadcast_in_dim3A_83 : vector<16xi1>, vector<16xi32>
      %broadcast_in_dim3A_3305 = vector.shape_cast %select_n3A_3304 : vector<16xi32> to vector<16x1xi32>
      %gather3A_3306 = vector.shape_cast %broadcast_in_dim3A_3305 : vector<16x1xi32> to vector<16xi32>
      %gather3A_3307 = tpu.dynamic_gather %get3A_3294[%gather3A_3306] in [0] : vector<16xf32>, vector<16xi32> -> vector<16xf32>
      %lt3A_3308 = arith.constant 0 : i32
      %lt3A_3309 = vector.broadcast %lt3A_3308 : i32 to vector<16xi32>
      %lt3A_3310 = arith.cmpi slt, %broadcast_in_dim3A_85, %lt3A_3309 : vector<16xi32>
      %add3A_3311 = arith.constant 16 : i32
      %add3A_3312 = vector.broadcast %add3A_3311 : i32 to vector<16xi32>
      %add3A_3313 = arith.addi %broadcast_in_dim3A_85, %add3A_3312 : vector<16xi32>
      %select_n3A_3314 = arith.select %lt3A_3310, %add3A_3313, %broadcast_in_dim3A_85 : vector<16xi1>, vector<16xi32>
      %broadcast_in_dim3A_3315 = vector.shape_cast %select_n3A_3314 : vector<16xi32> to vector<16x1xi32>
      %gather3A_3316 = vector.shape_cast %broadcast_in_dim3A_3315 : vector<16x1xi32> to vector<16xi32>
      %gather3A_3317 = tpu.dynamic_gather %get3A_3297[%gather3A_3316] in [0] : vector<16xf32>, vector<16xi32> -> vector<16xf32>
      %eq3A_3318 = arith.constant 1 : i32
      %eq3A_3319 = vector.broadcast %eq3A_3318 : i32 to vector<16xi32>
      %eq3A_3320 = arith.cmpi eq, %iota3A, %eq3A_3319 : vector<16xi32>
      %select_n3A_3321 = arith.select %eq3A_3320, %gather3A_3317, %get3A_3294 : vector<16xi1>, vector<16xf32>
      %swap3A_3322 = arith.index_cast %add3A_3291 : i32 to index
      %swap3A_3323 = arith.constant 16 : index
      %swap3A_3324 = tpu.vector_load %arg5[%swap3A_3322, %swap3A_3323] {strides = array<i32>} : memref<256x128xf32, #tpu.memory_space<vmem>>, vector<16xf32>,
      tpu.vector_store %arg5[%swap3A_3322, %swap3A_3323], %select_n3A_3321 {strides = array<i32>} : memref<256x128xf32, #tpu.memory_space<vmem>>, vector<16xf32>,
      %eq3A_3325 = arith.constant 7 : i32
      %eq3A_3326 = vector.broadcast %eq3A_3325 : i32 to vector<16xi32>
      %eq3A_3327 = arith.cmpi eq, %iota3A, %eq3A_3326 : vector<16xi32>
      %select_n3A_3328 = arith.select %eq3A_3327, %gather3A_3307, %get3A_3297 : vector<16xi1>, vector<16xf32>
      %swap3A_3329 = arith.index_cast %add3A_3291 : i32 to index
      %swap3A_3330 = arith.constant 112 : index
      %swap3A_3331 = tpu.vector_load %arg6[%swap3A_3329, %swap3A_3330] {strides = array<i32>} : memref<256x128xf32, #tpu.memory_space<vmem>>, vector<16xf32>,
      tpu.vector_store %arg6[%swap3A_3329, %swap3A_3330], %select_n3A_3328 {strides = array<i32>} : memref<256x128xf32, #tpu.memory_space<vmem>>, vector<16xf32>,
      %mul3A_3332 = arith.constant 8 : i32
      %mul3A_3333 = arith.muli %scan3A_3028, %mul3A_3332 : i32
      %add3A_3334 = arith.constant 7 : i32
      %add3A_3335 = arith.addi %mul3A_3333, %add3A_3334 : i32
      %get3A_3336 = arith.index_cast %add3A_3335 : i32 to index
      %get3A_3337 = arith.constant 16 : index
      %get3A_3338 = tpu.vector_load %arg5[%get3A_3336, %get3A_3337] {strides = array<i32>} : memref<256x128xf32, #tpu.memory_space<vmem>>, vector<16xf32>,
      %get3A_3339 = arith.index_cast %add3A_3335 : i32 to index
      %get3A_3340 = arith.constant 112 : index
      %get3A_3341 = tpu.vector_load %arg6[%get3A_3339, %get3A_3340] {strides = array<i32>} : memref<256x128xf32, #tpu.memory_space<vmem>>, vector<16xf32>,
      %lt3A_3342 = arith.constant 0 : i32
      %lt3A_3343 = vector.broadcast %lt3A_3342 : i32 to vector<16xi32>
      %lt3A_3344 = arith.cmpi slt, %broadcast_in_dim3A_83, %lt3A_3343 : vector<16xi32>
      %add3A_3345 = arith.constant 16 : i32
      %add3A_3346 = vector.broadcast %add3A_3345 : i32 to vector<16xi32>
      %add3A_3347 = arith.addi %broadcast_in_dim3A_83, %add3A_3346 : vector<16xi32>
      %select_n3A_3348 = arith.select %lt3A_3344, %add3A_3347, %broadcast_in_dim3A_83 : vector<16xi1>, vector<16xi32>
      %broadcast_in_dim3A_3349 = vector.shape_cast %select_n3A_3348 : vector<16xi32> to vector<16x1xi32>
      %gather3A_3350 = vector.shape_cast %broadcast_in_dim3A_3349 : vector<16x1xi32> to vector<16xi32>
      %gather3A_3351 = tpu.dynamic_gather %get3A_3338[%gather3A_3350] in [0] : vector<16xf32>, vector<16xi32> -> vector<16xf32>
      %lt3A_3352 = arith.constant 0 : i32
      %lt3A_3353 = vector.broadcast %lt3A_3352 : i32 to vector<16xi32>
      %lt3A_3354 = arith.cmpi slt, %broadcast_in_dim3A_85, %lt3A_3353 : vector<16xi32>
      %add3A_3355 = arith.constant 16 : i32
      %add3A_3356 = vector.broadcast %add3A_3355 : i32 to vector<16xi32>
      %add3A_3357 = arith.addi %broadcast_in_dim3A_85, %add3A_3356 : vector<16xi32>
      %select_n3A_3358 = arith.select %lt3A_3354, %add3A_3357, %broadcast_in_dim3A_85 : vector<16xi1>, vector<16xi32>
      %broadcast_in_dim3A_3359 = vector.shape_cast %select_n3A_3358 : vector<16xi32> to vector<16x1xi32>
      %gather3A_3360 = vector.shape_cast %broadcast_in_dim3A_3359 : vector<16x1xi32> to vector<16xi32>
      %gather3A_3361 = tpu.dynamic_gather %get3A_3341[%gather3A_3360] in [0] : vector<16xf32>, vector<16xi32> -> vector<16xf32>
      %eq3A_3362 = arith.constant 1 : i32
      %eq3A_3363 = vector.broadcast %eq3A_3362 : i32 to vector<16xi32>
      %eq3A_3364 = arith.cmpi eq, %iota3A, %eq3A_3363 : vector<16xi32>
      %select_n3A_3365 = arith.select %eq3A_3364, %gather3A_3361, %get3A_3338 : vector<16xi1>, vector<16xf32>
      %swap3A_3366 = arith.index_cast %add3A_3335 : i32 to index
      %swap3A_3367 = arith.constant 16 : index
      %swap3A_3368 = tpu.vector_load %arg5[%swap3A_3366, %swap3A_3367] {strides = array<i32>} : memref<256x128xf32, #tpu.memory_space<vmem>>, vector<16xf32>,
      tpu.vector_store %arg5[%swap3A_3366, %swap3A_3367], %select_n3A_3365 {strides = array<i32>} : memref<256x128xf32, #tpu.memory_space<vmem>>, vector<16xf32>,
      %eq3A_3369 = arith.constant 7 : i32
      %eq3A_3370 = vector.broadcast %eq3A_3369 : i32 to vector<16xi32>
      %eq3A_3371 = arith.cmpi eq, %iota3A, %eq3A_3370 : vector<16xi32>
      %select_n3A_3372 = arith.select %eq3A_3371, %gather3A_3351, %get3A_3341 : vector<16xi1>, vector<16xf32>
      %swap3A_3373 = arith.index_cast %add3A_3335 : i32 to index
      %swap3A_3374 = arith.constant 112 : index
      %swap3A_3375 = tpu.vector_load %arg6[%swap3A_3373, %swap3A_3374] {strides = array<i32>} : memref<256x128xf32, #tpu.memory_space<vmem>>, vector<16xf32>,
      tpu.vector_store %arg6[%swap3A_3373, %swap3A_3374], %select_n3A_3372 {strides = array<i32>} : memref<256x128xf32, #tpu.memory_space<vmem>>, vector<16xf32>,
    }
    %scan3A_90 = arith.constant 32 : i32
    %add3A_91 = arith.constant 32 : i32
    %add3A_92 = arith.addi %mul3A_2, %add3A_91 : i32
    %jit3A_93 = arith.constant 8 : i32
    %div3A_94 = arith.divsi %add3A_92, %jit3A_93 : i32
    %sign3A_95 = arith.constant 0 : i32
    %sign3A_96 = arith.cmpi sgt, %add3A_92, %sign3A_95 : i32
    %sign3A_97 = arith.extui %sign3A_96 : i1 to i32
    %sign3A_98 = arith.constant 0 : i32
    %sign3A_99 = arith.cmpi slt, %add3A_92, %sign3A_98 : i32
    %sign3A_100 = arith.extui %sign3A_99 : i1 to i32
    %sign3A_101 = arith.subi %sign3A_97, %sign3A_100 : i32
    %sign3A_102 = arith.constant 0 : i32
    %sign3A_103 = arith.cmpi sgt, %jit3A_93, %sign3A_102 : i32
    %sign3A_104 = arith.extui %sign3A_103 : i1 to i32
    %sign3A_105 = arith.constant 0 : i32
    %sign3A_106 = arith.cmpi slt, %jit3A_93, %sign3A_105 : i32
    %sign3A_107 = arith.extui %sign3A_106 : i1 to i32
    %sign3A_108 = arith.subi %sign3A_104, %sign3A_107 : i32
    %ne3A_109 = arith.cmpi ne, %sign3A_101, %sign3A_108 : i32
    %rem3A_110 = arith.remsi %add3A_92, %jit3A_93 : i32
    %ne3A_111 = arith.constant 0 : i32
    %ne3A_112 = arith.cmpi ne, %rem3A_110, %ne3A_111 : i32
    %and3A_113 = arith.andi %ne3A_109, %ne3A_112 : i1
    %sub3A_114 = arith.constant 1 : i32
    %sub3A_115 = arith.subi %div3A_94, %sub3A_114 : i32
    %select_n3A_116 = arith.select %and3A_113, %sub3A_115, %div3A_94 : i32
    %dma_start3A_117 = arith.constant 2 : i32
    %dma_start3A_118 = arith.constant 0 : i32
    %dma_start3A_119 = arith.constant 0 : i32
    %dma_start3A_120 = arith.constant 0 : i32
    %dma_start3A_121 = tpu.memref_slice %arg4[%arg1, %dma_start3A_117, %dma_start3A_118, %dma_start3A_119, %dma_start3A_120] : memref<16x4x2x8x1024xf32, #tpu.memory_space<vmem_shared>> -> memref<1x1x2x8x1024xf32, #tpu.memory_space<vmem_shared>>
    %dma_start3A_122 = tpu.memref_squeeze %dma_start3A_121 : memref<1x1x2x8x1024xf32, #tpu.memory_space<vmem_shared>> -> memref<2x8x1024xf32, #tpu.memory_space<vmem_shared>>
    %dma_start3A_123 = tpu.memref_reshape %arg2 : memref<16384x1024xf32, #tpu.memory_space<hbm>> -> memref<2048x8x1024xf32, #tpu.memory_space<hbm>>
    %dma_start3A_124 = arith.constant 0 : i32
    %dma_start3A_125 = arith.constant 0 : i32
    %dma_start3A_126 = tpu.memref_slice %dma_start3A_123[%select_n3A_116, %dma_start3A_124, %dma_start3A_125] : memref<2048x8x1024xf32, #tpu.memory_space<hbm>> -> memref<2x8x1024xf32, #tpu.memory_space<hbm>>
    tpu.enqueue_dma source(%dma_start3A_126 : memref<2x8x1024xf32, #tpu.memory_space<hbm>>) target(%dma_start3A_122 : memref<2x8x1024xf32, #tpu.memory_space<vmem_shared>>) target_semaphore(%arg9 : memref<!tpu.dma_semaphore, #tpu.memory_space<semaphore_mem>>)
    %dma_wait3A_127 = arith.constant 0 : i32
    %dma_wait3A_128 = arith.constant 0 : i32
    %dma_wait3A_129 = arith.constant 0 : i32
    %dma_wait3A_130 = arith.constant 0 : i32
    %dma_wait3A_131 = tpu.memref_slice %arg4[%arg1, %dma_wait3A_127, %dma_wait3A_128, %dma_wait3A_129, %dma_wait3A_130] : memref<16x4x2x8x1024xf32, #tpu.memory_space<vmem_shared>> -> memref<1x1x2x8x1024xf32, #tpu.memory_space<vmem_shared>>
    %dma_wait3A_132 = tpu.memref_squeeze %dma_wait3A_131 : memref<1x1x2x8x1024xf32, #tpu.memory_space<vmem_shared>> -> memref<2x8x1024xf32, #tpu.memory_space<vmem_shared>>
    %dma_wait3A_133 = tpu.memref_reshape %arg2 : memref<16384x1024xf32, #tpu.memory_space<hbm>> -> memref<2048x8x1024xf32, #tpu.memory_space<hbm>>
    %dma_wait3A_134 = arith.constant 0 : i32
    %dma_wait3A_135 = arith.constant 0 : i32
    %dma_wait3A_136 = tpu.memref_slice %dma_wait3A_133[%select_n3A, %dma_wait3A_134, %dma_wait3A_135] : memref<2048x8x1024xf32, #tpu.memory_space<hbm>> -> memref<2x8x1024xf32, #tpu.memory_space<hbm>>
    tpu.wait_dma2 semaphore(%arg7 : memref<!tpu.dma_semaphore, #tpu.memory_space<semaphore_mem>>) src(%dma_wait3A_136 : memref<2x8x1024xf32, #tpu.memory_space<hbm>>) dst(%dma_wait3A_132 : memref<2x8x1024xf32, #tpu.memory_space<vmem_shared>>)
    %add3A_137 = arith.constant 0 : i32
    %add3A_138 = arith.addi %mul3A_2, %add3A_137 : i32
    %jit3A_139 = arith.constant 8 : i32
    %div3A_140 = arith.divsi %add3A_138, %jit3A_139 : i32
    %sign3A_141 = arith.constant 0 : i32
    %sign3A_142 = arith.cmpi sgt, %add3A_138, %sign3A_141 : i32
    %sign3A_143 = arith.extui %sign3A_142 : i1 to i32
    %sign3A_144 = arith.constant 0 : i32
    %sign3A_145 = arith.cmpi slt, %add3A_138, %sign3A_144 : i32
    %sign3A_146 = arith.extui %sign3A_145 : i1 to i32
    %sign3A_147 = arith.subi %sign3A_143, %sign3A_146 : i32
    %sign3A_148 = arith.constant 0 : i32
    %sign3A_149 = arith.cmpi sgt, %jit3A_139, %sign3A_148 : i32
    %sign3A_150 = arith.extui %sign3A_149 : i1 to i32
    %sign3A_151 = arith.constant 0 : i32
    %sign3A_152 = arith.cmpi slt, %jit3A_139, %sign3A_151 : i32
    %sign3A_153 = arith.extui %sign3A_152 : i1 to i32
    %sign3A_154 = arith.subi %sign3A_150, %sign3A_153 : i32
    %ne3A_155 = arith.cmpi ne, %sign3A_147, %sign3A_154 : i32
    %rem3A_156 = arith.remsi %add3A_138, %jit3A_139 : i32
    %ne3A_157 = arith.constant 0 : i32
    %ne3A_158 = arith.cmpi ne, %rem3A_156, %ne3A_157 : i32
    %and3A_159 = arith.andi %ne3A_155, %ne3A_158 : i1
    %sub3A_160 = arith.constant 1 : i32
    %sub3A_161 = arith.subi %div3A_140, %sub3A_160 : i32
    %select_n3A_162 = arith.select %and3A_159, %sub3A_161, %div3A_140 : i32
    %dma_start3A_163 = arith.constant 0 : i32
    %dma_start3A_164 = tpu.memref_reshape %arg3 : memref<16384x1024xf32, #tpu.memory_space<hbm>> -> memref<2048x8x1024xf32, #tpu.memory_space<hbm>>
    %dma_start3A_165 = arith.constant 0 : i32
    %dma_start3A_166 = arith.constant 0 : i32
    %dma_start3A_167 = tpu.memref_slice %dma_start3A_164[%select_n3A_162, %dma_start3A_165, %dma_start3A_166] : memref<2048x8x1024xf32, #tpu.memory_space<hbm>> -> memref<2x8x1024xf32, #tpu.memory_space<hbm>>
    %dma_start3A_168 = arith.constant 0 : i32
    %dma_start3A_169 = arith.constant 0 : i32
    %dma_start3A_170 = arith.constant 0 : i32
    %dma_start3A_171 = tpu.memref_slice %arg4[%arg1, %dma_start3A_163, %dma_start3A_168, %dma_start3A_169, %dma_start3A_170] : memref<16x4x2x8x1024xf32, #tpu.memory_space<vmem_shared>> -> memref<1x1x2x8x1024xf32, #tpu.memory_space<vmem_shared>>
    %dma_start3A_172 = tpu.memref_squeeze %dma_start3A_171 : memref<1x1x2x8x1024xf32, #tpu.memory_space<vmem_shared>> -> memref<2x8x1024xf32, #tpu.memory_space<vmem_shared>>
    tpu.enqueue_dma source(%dma_start3A_172 : memref<2x8x1024xf32, #tpu.memory_space<vmem_shared>>) target(%dma_start3A_167 : memref<2x8x1024xf32, #tpu.memory_space<hbm>>) target_semaphore(%arg11 : memref<!tpu.dma_semaphore, #tpu.memory_space<semaphore_mem>>)
    %add3A_173 = arith.constant 48 : i32
    %add3A_174 = arith.addi %mul3A_2, %add3A_173 : i32
    %jit3A_175 = arith.constant 8 : i32
    %div3A_176 = arith.divsi %add3A_174, %jit3A_175 : i32
    %sign3A_177 = arith.constant 0 : i32
    %sign3A_178 = arith.cmpi sgt, %add3A_174, %sign3A_177 : i32
    %sign3A_179 = arith.extui %sign3A_178 : i1 to i32
    %sign3A_180 = arith.constant 0 : i32
    %sign3A_181 = arith.cmpi slt, %add3A_174, %sign3A_180 : i32
    %sign3A_182 = arith.extui %sign3A_181 : i1 to i32
    %sign3A_183 = arith.subi %sign3A_179, %sign3A_182 : i32
    %sign3A_184 = arith.constant 0 : i32
    %sign3A_185 = arith.cmpi sgt, %jit3A_175, %sign3A_184 : i32
    %sign3A_186 = arith.extui %sign3A_185 : i1 to i32
    %sign3A_187 = arith.constant 0 : i32
    %sign3A_188 = arith.cmpi slt, %jit3A_175, %sign3A_187 : i32
    %sign3A_189 = arith.extui %sign3A_188 : i1 to i32
    %sign3A_190 = arith.subi %sign3A_186, %sign3A_189 : i32
    %ne3A_191 = arith.cmpi ne, %sign3A_183, %sign3A_190 : i32
    %rem3A_192 = arith.remsi %add3A_174, %jit3A_175 : i32
    %ne3A_193 = arith.constant 0 : i32
    %ne3A_194 = arith.cmpi ne, %rem3A_192, %ne3A_193 : i32
    %and3A_195 = arith.andi %ne3A_191, %ne3A_194 : i1
    %sub3A_196 = arith.constant 1 : i32
    %sub3A_197 = arith.subi %div3A_176, %sub3A_196 : i32
    %select_n3A_198 = arith.select %and3A_195, %sub3A_197, %div3A_176 : i32
    %dma_start3A_199 = arith.constant 3 : i32
    %dma_start3A_200 = arith.constant 0 : i32
    %dma_start3A_201 = arith.constant 0 : i32
    %dma_start3A_202 = arith.constant 0 : i32
    %dma_start3A_203 = tpu.memref_slice %arg4[%arg1, %dma_start3A_199, %dma_start3A_200, %dma_start3A_201, %dma_start3A_202] : memref<16x4x2x8x1024xf32, #tpu.memory_space<vmem_shared>> -> memref<1x1x2x8x1024xf32, #tpu.memory_space<vmem_shared>>
    %dma_start3A_204 = tpu.memref_squeeze %dma_start3A_203 : memref<1x1x2x8x1024xf32, #tpu.memory_space<vmem_shared>> -> memref<2x8x1024xf32, #tpu.memory_space<vmem_shared>>
    %dma_start3A_205 = tpu.memref_reshape %arg2 : memref<16384x1024xf32, #tpu.memory_space<hbm>> -> memref<2048x8x1024xf32, #tpu.memory_space<hbm>>
    %dma_start3A_206 = arith.constant 0 : i32
    %dma_start3A_207 = arith.constant 0 : i32
    %dma_start3A_208 = tpu.memref_slice %dma_start3A_205[%select_n3A_198, %dma_start3A_206, %dma_start3A_207] : memref<2048x8x1024xf32, #tpu.memory_space<hbm>> -> memref<2x8x1024xf32, #tpu.memory_space<hbm>>
    tpu.enqueue_dma source(%dma_start3A_208 : memref<2x8x1024xf32, #tpu.memory_space<hbm>>) target(%dma_start3A_204 : memref<2x8x1024xf32, #tpu.memory_space<vmem_shared>>) target_semaphore(%arg10 : memref<!tpu.dma_semaphore, #tpu.memory_space<semaphore_mem>>)
    %dma_wait3A_209 = arith.constant 1 : i32
    %dma_wait3A_210 = arith.constant 0 : i32
    %dma_wait3A_211 = arith.constant 0 : i32
    %dma_wait3A_212 = arith.constant 0 : i32
    %dma_wait3A_213 = tpu.memref_slice %arg4[%arg1, %dma_wait3A_209, %dma_wait3A_210, %dma_wait3A_211, %dma_wait3A_212] : memref<16x4x2x8x1024xf32, #tpu.memory_space<vmem_shared>> -> memref<1x1x2x8x1024xf32, #tpu.memory_space<vmem_shared>>
    %dma_wait3A_214 = tpu.memref_squeeze %dma_wait3A_213 : memref<1x1x2x8x1024xf32, #tpu.memory_space<vmem_shared>> -> memref<2x8x1024xf32, #tpu.memory_space<vmem_shared>>
    %dma_wait3A_215 = tpu.memref_reshape %arg2 : memref<16384x1024xf32, #tpu.memory_space<hbm>> -> memref<2048x8x1024xf32, #tpu.memory_space<hbm>>
    %dma_wait3A_216 = arith.constant 0 : i32
    %dma_wait3A_217 = arith.constant 0 : i32
    %dma_wait3A_218 = tpu.memref_slice %dma_wait3A_215[%select_n3A_65, %dma_wait3A_216, %dma_wait3A_217] : memref<2048x8x1024xf32, #tpu.memory_space<hbm>> -> memref<2x8x1024xf32, #tpu.memory_space<hbm>>
    tpu.wait_dma2 semaphore(%arg8 : memref<!tpu.dma_semaphore, #tpu.memory_space<semaphore_mem>>) src(%dma_wait3A_218 : memref<2x8x1024xf32, #tpu.memory_space<hbm>>) dst(%dma_wait3A_214 : memref<2x8x1024xf32, #tpu.memory_space<vmem_shared>>)
    %add3A_219 = arith.constant 16 : i32
    %add3A_220 = arith.addi %mul3A_2, %add3A_219 : i32
    %jit3A_221 = arith.constant 8 : i32
    %div3A_222 = arith.divsi %add3A_220, %jit3A_221 : i32
    %sign3A_223 = arith.constant 0 : i32
    %sign3A_224 = arith.cmpi sgt, %add3A_220, %sign3A_223 : i32
    %sign3A_225 = arith.extui %sign3A_224 : i1 to i32
    %sign3A_226 = arith.constant 0 : i32
    %sign3A_227 = arith.cmpi slt, %add3A_220, %sign3A_226 : i32
    %sign3A_228 = arith.extui %sign3A_227 : i1 to i32
    %sign3A_229 = arith.subi %sign3A_225, %sign3A_228 : i32
    %sign3A_230 = arith.constant 0 : i32
    %sign3A_231 = arith.cmpi sgt, %jit3A_221, %sign3A_230 : i32
    %sign3A_232 = arith.extui %sign3A_231 : i1 to i32
    %sign3A_233 = arith.constant 0 : i32
    %sign3A_234 = arith.cmpi slt, %jit3A_221, %sign3A_233 : i32
    %sign3A_235 = arith.extui %sign3A_234 : i1 to i32
    %sign3A_236 = arith.subi %sign3A_232, %sign3A_235 : i32
    %ne3A_237 = arith.cmpi ne, %sign3A_229, %sign3A_236 : i32
    %rem3A_238 = arith.remsi %add3A_220, %jit3A_221 : i32
    %ne3A_239 = arith.constant 0 : i32
    %ne3A_240 = arith.cmpi ne, %rem3A_238, %ne3A_239 : i32
    %and3A_241 = arith.andi %ne3A_237, %ne3A_240 : i1
    %sub3A_242 = arith.constant 1 : i32
    %sub3A_243 = arith.subi %div3A_222, %sub3A_242 : i32
    %select_n3A_244 = arith.select %and3A_241, %sub3A_243, %div3A_222 : i32
    %dma_start3A_245 = arith.constant 1 : i32
    %dma_start3A_246 = tpu.memref_reshape %arg3 : memref<16384x1024xf32, #tpu.memory_space<hbm>> -> memref<2048x8x1024xf32, #tpu.memory_space<hbm>>
    %dma_start3A_247 = arith.constant 0 : i32
    %dma_start3A_248 = arith.constant 0 : i32
    %dma_start3A_249 = tpu.memref_slice %dma_start3A_246[%select_n3A_244, %dma_start3A_247, %dma_start3A_248] : memref<2048x8x1024xf32, #tpu.memory_space<hbm>> -> memref<2x8x1024xf32, #tpu.memory_space<hbm>>
    %dma_start3A_250 = arith.constant 0 : i32
    %dma_start3A_251 = arith.constant 0 : i32
    %dma_start3A_252 = arith.constant 0 : i32
    %dma_start3A_253 = tpu.memref_slice %arg4[%arg1, %dma_start3A_245, %dma_start3A_250, %dma_start3A_251, %dma_start3A_252] : memref<16x4x2x8x1024xf32, #tpu.memory_space<vmem_shared>> -> memref<1x1x2x8x1024xf32, #tpu.memory_space<vmem_shared>>
    %dma_start3A_254 = tpu.memref_squeeze %dma_start3A_253 : memref<1x1x2x8x1024xf32, #tpu.memory_space<vmem_shared>> -> memref<2x8x1024xf32, #tpu.memory_space<vmem_shared>>
    tpu.enqueue_dma source(%dma_start3A_254 : memref<2x8x1024xf32, #tpu.memory_space<vmem_shared>>) target(%dma_start3A_249 : memref<2x8x1024xf32, #tpu.memory_space<hbm>>) target_semaphore(%arg12 : memref<!tpu.dma_semaphore, #tpu.memory_space<semaphore_mem>>)
    %dma_wait3A_255 = arith.constant 0 : i32
    %dma_wait3A_256 = tpu.memref_reshape %arg3 : memref<16384x1024xf32, #tpu.memory_space<hbm>> -> memref<2048x8x1024xf32, #tpu.memory_space<hbm>>
    %dma_wait3A_257 = arith.constant 0 : i32
    %dma_wait3A_258 = arith.constant 0 : i32
    %dma_wait3A_259 = tpu.memref_slice %dma_wait3A_256[%select_n3A_162, %dma_wait3A_257, %dma_wait3A_258] : memref<2048x8x1024xf32, #tpu.memory_space<hbm>> -> memref<2x8x1024xf32, #tpu.memory_space<hbm>>
    %dma_wait3A_260 = arith.constant 0 : i32
    %dma_wait3A_261 = arith.constant 0 : i32
    %dma_wait3A_262 = arith.constant 0 : i32
    %dma_wait3A_263 = tpu.memref_slice %arg4[%arg1, %dma_wait3A_255, %dma_wait3A_260, %dma_wait3A_261, %dma_wait3A_262] : memref<16x4x2x8x1024xf32, #tpu.memory_space<vmem_shared>> -> memref<1x1x2x8x1024xf32, #tpu.memory_space<vmem_shared>>
    %dma_wait3A_264 = tpu.memref_squeeze %dma_wait3A_263 : memref<1x1x2x8x1024xf32, #tpu.memory_space<vmem_shared>> -> memref<2x8x1024xf32, #tpu.memory_space<vmem_shared>>
    tpu.wait_dma2 semaphore(%arg11 : memref<!tpu.dma_semaphore, #tpu.memory_space<semaphore_mem>>) src(%dma_wait3A_264 : memref<2x8x1024xf32, #tpu.memory_space<vmem_shared>>) dst(%dma_wait3A_259 : memref<2x8x1024xf32, #tpu.memory_space<hbm>>)
    %add3A_265 = arith.constant 64 : i32
    %add3A_266 = arith.addi %mul3A_2, %add3A_265 : i32
    %jit3A_267 = arith.constant 8 : i32
    %div3A_268 = arith.divsi %add3A_266, %jit3A_267 : i32
    %sign3A_269 = arith.constant 0 : i32
    %sign3A_270 = arith.cmpi sgt, %add3A_266, %sign3A_269 : i32
    %sign3A_271 = arith.extui %sign3A_270 : i1 to i32
    %sign3A_272 = arith.constant 0 : i32
    %sign3A_273 = arith.cmpi slt, %add3A_266, %sign3A_272 : i32
    %sign3A_274 = arith.extui %sign3A_273 : i1 to i32
    %sign3A_275 = arith.subi %sign3A_271, %sign3A_274 : i32
    %sign3A_276 = arith.constant 0 : i32
    %sign3A_277 = arith.cmpi sgt, %jit3A_267, %sign3A_276 : i32
    %sign3A_278 = arith.extui %sign3A_277 : i1 to i32
    %sign3A_279 = arith.constant 0 : i32
    %sign3A_280 = arith.cmpi slt, %jit3A_267, %sign3A_279 : i32
    %sign3A_281 = arith.extui %sign3A_280 : i1 to i32
    %sign3A_282 = arith.subi %sign3A_278, %sign3A_281 : i32
    %ne3A_283 = arith.cmpi ne, %sign3A_275, %sign3A_282 : i32
    %rem3A_284 = arith.remsi %add3A_266, %jit3A_267 : i32
    %ne3A_285 = arith.constant 0 : i32
    %ne3A_286 = arith.cmpi ne, %rem3A_284, %ne3A_285 : i32
    %and3A_287 = arith.andi %ne3A_283, %ne3A_286 : i1
    %sub3A_288 = arith.constant 1 : i32
    %sub3A_289 = arith.subi %div3A_268, %sub3A_288 : i32
    %select_n3A_290 = arith.select %and3A_287, %sub3A_289, %div3A_268 : i32
    %dma_start3A_291 = arith.constant 0 : i32
    %dma_start3A_292 = arith.constant 0 : i32
    %dma_start3A_293 = arith.constant 0 : i32
    %dma_start3A_294 = arith.constant 0 : i32
    %dma_start3A_295 = tpu.memref_slice %arg4[%arg1, %dma_start3A_291, %dma_start3A_292, %dma_start3A_293, %dma_start3A_294] : memref<16x4x2x8x1024xf32, #tpu.memory_space<vmem_shared>> -> memref<1x1x2x8x1024xf32, #tpu.memory_space<vmem_shared>>
    %dma_start3A_296 = tpu.memref_squeeze %dma_start3A_295 : memref<1x1x2x8x1024xf32, #tpu.memory_space<vmem_shared>> -> memref<2x8x1024xf32, #tpu.memory_space<vmem_shared>>
    %dma_start3A_297 = tpu.memref_reshape %arg2 : memref<16384x1024xf32, #tpu.memory_space<hbm>> -> memref<2048x8x1024xf32, #tpu.memory_space<hbm>>
    %dma_start3A_298 = arith.constant 0 : i32
    %dma_start3A_299 = arith.constant 0 : i32
    %dma_start3A_300 = tpu.memref_slice %dma_start3A_297[%select_n3A_290, %dma_start3A_298, %dma_start3A_299] : memref<2048x8x1024xf32, #tpu.memory_space<hbm>> -> memref<2x8x1024xf32, #tpu.memory_space<hbm>>
    tpu.enqueue_dma source(%dma_start3A_300 : memref<2x8x1024xf32, #tpu.memory_space<hbm>>) target(%dma_start3A_296 : memref<2x8x1024xf32, #tpu.memory_space<vmem_shared>>) target_semaphore(%arg7 : memref<!tpu.dma_semaphore, #tpu.memory_space<semaphore_mem>>)
    %dma_wait3A_301 = arith.constant 2 : i32
    %dma_wait3A_302 = arith.constant 0 : i32
    %dma_wait3A_303 = arith.constant 0 : i32
    %dma_wait3A_304 = arith.constant 0 : i32
    %dma_wait3A_305 = tpu.memref_slice %arg4[%arg1, %dma_wait3A_301, %dma_wait3A_302, %dma_wait3A_303, %dma_wait3A_304] : memref<16x4x2x8x1024xf32, #tpu.memory_space<vmem_shared>> -> memref<1x1x2x8x1024xf32, #tpu.memory_space<vmem_shared>>
    %dma_wait3A_306 = tpu.memref_squeeze %dma_wait3A_305 : memref<1x1x2x8x1024xf32, #tpu.memory_space<vmem_shared>> -> memref<2x8x1024xf32, #tpu.memory_space<vmem_shared>>
    %dma_wait3A_307 = tpu.memref_reshape %arg2 : memref<16384x1024xf32, #tpu.memory_space<hbm>> -> memref<2048x8x1024xf32, #tpu.memory_space<hbm>>
    %dma_wait3A_308 = arith.constant 0 : i32
    %dma_wait3A_309 = arith.constant 0 : i32
    %dma_wait3A_310 = tpu.memref_slice %dma_wait3A_307[%select_n3A_116, %dma_wait3A_308, %dma_wait3A_309] : memref<2048x8x1024xf32, #tpu.memory_space<hbm>> -> memref<2x8x1024xf32, #tpu.memory_space<hbm>>
    tpu.wait_dma2 semaphore(%arg9 : memref<!tpu.dma_semaphore, #tpu.memory_space<semaphore_mem>>) src(%dma_wait3A_310 : memref<2x8x1024xf32, #tpu.memory_space<hbm>>) dst(%dma_wait3A_306 : memref<2x8x1024xf32, #tpu.memory_space<vmem_shared>>)
    %add3A_311 = arith.constant 32 : i32
    %add3A_312 = arith.addi %mul3A_2, %add3A_311 : i32
    %jit3A_313 = arith.constant 8 : i32
    %div3A_314 = arith.divsi %add3A_312, %jit3A_313 : i32
    %sign3A_315 = arith.constant 0 : i32
    %sign3A_316 = arith.cmpi sgt, %add3A_312, %sign3A_315 : i32
    %sign3A_317 = arith.extui %sign3A_316 : i1 to i32
    %sign3A_318 = arith.constant 0 : i32
    %sign3A_319 = arith.cmpi slt, %add3A_312, %sign3A_318 : i32
    %sign3A_320 = arith.extui %sign3A_319 : i1 to i32
    %sign3A_321 = arith.subi %sign3A_317, %sign3A_320 : i32
    %sign3A_322 = arith.constant 0 : i32
    %sign3A_323 = arith.cmpi sgt, %jit3A_313, %sign3A_322 : i32
    %sign3A_324 = arith.extui %sign3A_323 : i1 to i32
    %sign3A_325 = arith.constant 0 : i32
    %sign3A_326 = arith.cmpi slt, %jit3A_313, %sign3A_325 : i32
    %sign3A_327 = arith.extui %sign3A_326 : i1 to i32
    %sign3A_328 = arith.subi %sign3A_324, %sign3A_327 : i32
    %ne3A_329 = arith.cmpi ne, %sign3A_321, %sign3A_328 : i32
    %rem3A_330 = arith.remsi %add3A_312, %jit3A_313 : i32
    %ne3A_331 = arith.constant 0 : i32
    %ne3A_332 = arith.cmpi ne, %rem3A_330, %ne3A_331 : i32
    %and3A_333 = arith.andi %ne3A_329, %ne3A_332 : i1
    %sub3A_334 = arith.constant 1 : i32
    %sub3A_335 = arith.subi %div3A_314, %sub3A_334 : i32
    %select_n3A_336 = arith.select %and3A_333, %sub3A_335, %div3A_314 : i32
    %dma_start3A_337 = arith.constant 2 : i32
    %dma_start3A_338 = tpu.memref_reshape %arg3 : memref<16384x1024xf32, #tpu.memory_space<hbm>> -> memref<2048x8x1024xf32, #tpu.memory_space<hbm>>
    %dma_start3A_339 = arith.constant 0 : i32
    %dma_start3A_340 = arith.constant 0 : i32
    %dma_start3A_341 = tpu.memref_slice %dma_start3A_338[%select_n3A_336, %dma_start3A_339, %dma_start3A_340] : memref<2048x8x1024xf32, #tpu.memory_space<hbm>> -> memref<2x8x1024xf32, #tpu.memory_space<hbm>>
    %dma_start3A_342 = arith.constant 0 : i32
    %dma_start3A_343 = arith.constant 0 : i32
    %dma_start3A_344 = arith.constant 0 : i32
    %dma_start3A_345 = tpu.memref_slice %arg4[%arg1, %dma_start3A_337, %dma_start3A_342, %dma_start3A_343, %dma_start3A_344] : memref<16x4x2x8x1024xf32, #tpu.memory_space<vmem_shared>> -> memref<1x1x2x8x1024xf32, #tpu.memory_space<vmem_shared>>
    %dma_start3A_346 = tpu.memref_squeeze %dma_start3A_345 : memref<1x1x2x8x1024xf32, #tpu.memory_space<vmem_shared>> -> memref<2x8x1024xf32, #tpu.memory_space<vmem_shared>>
    tpu.enqueue_dma source(%dma_start3A_346 : memref<2x8x1024xf32, #tpu.memory_space<vmem_shared>>) target(%dma_start3A_341 : memref<2x8x1024xf32, #tpu.memory_space<hbm>>) target_semaphore(%arg13 : memref<!tpu.dma_semaphore, #tpu.memory_space<semaphore_mem>>)
    %dma_wait3A_347 = arith.constant 1 : i32
    %dma_wait3A_348 = tpu.memref_reshape %arg3 : memref<16384x1024xf32, #tpu.memory_space<hbm>> -> memref<2048x8x1024xf32, #tpu.memory_space<hbm>>
    %dma_wait3A_349 = arith.constant 0 : i32
    %dma_wait3A_350 = arith.constant 0 : i32
    %dma_wait3A_351 = tpu.memref_slice %dma_wait3A_348[%select_n3A_244, %dma_wait3A_349, %dma_wait3A_350] : memref<2048x8x1024xf32, #tpu.memory_space<hbm>> -> memref<2x8x1024xf32, #tpu.memory_space<hbm>>
    %dma_wait3A_352 = arith.constant 0 : i32
    %dma_wait3A_353 = arith.constant 0 : i32
    %dma_wait3A_354 = arith.constant 0 : i32
    %dma_wait3A_355 = tpu.memref_slice %arg4[%arg1, %dma_wait3A_347, %dma_wait3A_352, %dma_wait3A_353, %dma_wait3A_354] : memref<16x4x2x8x1024xf32, #tpu.memory_space<vmem_shared>> -> memref<1x1x2x8x1024xf32, #tpu.memory_space<vmem_shared>>
    %dma_wait3A_356 = tpu.memref_squeeze %dma_wait3A_355 : memref<1x1x2x8x1024xf32, #tpu.memory_space<vmem_shared>> -> memref<2x8x1024xf32, #tpu.memory_space<vmem_shared>>
    tpu.wait_dma2 semaphore(%arg12 : memref<!tpu.dma_semaphore, #tpu.memory_space<semaphore_mem>>) src(%dma_wait3A_356 : memref<2x8x1024xf32, #tpu.memory_space<vmem_shared>>) dst(%dma_wait3A_351 : memref<2x8x1024xf32, #tpu.memory_space<hbm>>)
    %add3A_357 = arith.constant 80 : i32
    %add3A_358 = arith.addi %mul3A_2, %add3A_357 : i32
    %jit3A_359 = arith.constant 8 : i32
    %div3A_360 = arith.divsi %add3A_358, %jit3A_359 : i32
    %sign3A_361 = arith.constant 0 : i32
    %sign3A_362 = arith.cmpi sgt, %add3A_358, %sign3A_361 : i32
    %sign3A_363 = arith.extui %sign3A_362 : i1 to i32
    %sign3A_364 = arith.constant 0 : i32
    %sign3A_365 = arith.cmpi slt, %add3A_358, %sign3A_364 : i32
    %sign3A_366 = arith.extui %sign3A_365 : i1 to i32
    %sign3A_367 = arith.subi %sign3A_363, %sign3A_366 : i32
    %sign3A_368 = arith.constant 0 : i32
    %sign3A_369 = arith.cmpi sgt, %jit3A_359, %sign3A_368 : i32
    %sign3A_370 = arith.extui %sign3A_369 : i1 to i32
    %sign3A_371 = arith.constant 0 : i32
    %sign3A_372 = arith.cmpi slt, %jit3A_359, %sign3A_371 : i32
    %sign3A_373 = arith.extui %sign3A_372 : i1 to i32
    %sign3A_374 = arith.subi %sign3A_370, %sign3A_373 : i32
    %ne3A_375 = arith.cmpi ne, %sign3A_367, %sign3A_374 : i32
    %rem3A_376 = arith.remsi %add3A_358, %jit3A_359 : i32
    %ne3A_377 = arith.constant 0 : i32
    %ne3A_378 = arith.cmpi ne, %rem3A_376, %ne3A_377 : i32
    %and3A_379 = arith.andi %ne3A_375, %ne3A_378 : i1
    %sub3A_380 = arith.constant 1 : i32
    %sub3A_381 = arith.subi %div3A_360, %sub3A_380 : i32
    %select_n3A_382 = arith.select %and3A_379, %sub3A_381, %div3A_360 : i32
    %dma_start3A_383 = arith.constant 1 : i32
    %dma_start3A_384 = arith.constant 0 : i32
    %dma_start3A_385 = arith.constant 0 : i32
    %dma_start3A_386 = arith.constant 0 : i32
    %dma_start3A_387 = tpu.memref_slice %arg4[%arg1, %dma_start3A_383, %dma_start3A_384, %dma_start3A_385, %dma_start3A_386] : memref<16x4x2x8x1024xf32, #tpu.memory_space<vmem_shared>> -> memref<1x1x2x8x1024xf32, #tpu.memory_space<vmem_shared>>
    %dma_start3A_388 = tpu.memref_squeeze %dma_start3A_387 : memref<1x1x2x8x1024xf32, #tpu.memory_space<vmem_shared>> -> memref<2x8x1024xf32, #tpu.memory_space<vmem_shared>>
    %dma_start3A_389 = tpu.memref_reshape %arg2 : memref<16384x1024xf32, #tpu.memory_space<hbm>> -> memref<2048x8x1024xf32, #tpu.memory_space<hbm>>
    %dma_start3A_390 = arith.constant 0 : i32
    %dma_start3A_391 = arith.constant 0 : i32
    %dma_start3A_392 = tpu.memref_slice %dma_start3A_389[%select_n3A_382, %dma_start3A_390, %dma_start3A_391] : memref<2048x8x1024xf32, #tpu.memory_space<hbm>> -> memref<2x8x1024xf32, #tpu.memory_space<hbm>>
    tpu.enqueue_dma source(%dma_start3A_392 : memref<2x8x1024xf32, #tpu.memory_space<hbm>>) target(%dma_start3A_388 : memref<2x8x1024xf32, #tpu.memory_space<vmem_shared>>) target_semaphore(%arg8 : memref<!tpu.dma_semaphore, #tpu.memory_space<semaphore_mem>>)
    %dma_wait3A_393 = arith.constant 3 : i32
    %dma_wait3A_394 = arith.constant 0 : i32
    %dma_wait3A_395 = arith.constant 0 : i32
    %dma_wait3A_396 = arith.constant 0 : i32
    %dma_wait3A_397 = tpu.memref_slice %arg4[%arg1, %dma_wait3A_393, %dma_wait3A_394, %dma_wait3A_395, %dma_wait3A_396] : memref<16x4x2x8x1024xf32, #tpu.memory_space<vmem_shared>> -> memref<1x1x2x8x1024xf32, #tpu.memory_space<vmem_shared>>
    %dma_wait3A_398 = tpu.memref_squeeze %dma_wait3A_397 : memref<1x1x2x8x1024xf32, #tpu.memory_space<vmem_shared>> -> memref<2x8x1024xf32, #tpu.memory_space<vmem_shared>>
    %dma_wait3A_399 = tpu.memref_reshape %arg2 : memref<16384x1024xf32, #tpu.memory_space<hbm>> -> memref<2048x8x1024xf32, #tpu.memory_space<hbm>>
    %dma_wait3A_400 = arith.constant 0 : i32
    %dma_wait3A_401 = arith.constant 0 : i32
    %dma_wait3A_402 = tpu.memref_slice %dma_wait3A_399[%select_n3A_198, %dma_wait3A_400, %dma_wait3A_401] : memref<2048x8x1024xf32, #tpu.memory_space<hbm>> -> memref<2x8x1024xf32, #tpu.memory_space<hbm>>
    tpu.wait_dma2 semaphore(%arg10 : memref<!tpu.dma_semaphore, #tpu.memory_space<semaphore_mem>>) src(%dma_wait3A_402 : memref<2x8x1024xf32, #tpu.memory_space<hbm>>) dst(%dma_wait3A_398 : memref<2x8x1024xf32, #tpu.memory_space<vmem_shared>>)
    %add3A_403 = arith.constant 48 : i32
    %add3A_404 = arith.addi %mul3A_2, %add3A_403 : i32
    %jit3A_405 = arith.constant 8 : i32
    %div3A_406 = arith.divsi %add3A_404, %jit3A_405 : i32
    %sign3A_407 = arith.constant 0 : i32
    %sign3A_408 = arith.cmpi sgt, %add3A_404, %sign3A_407 : i32
    %sign3A_409 = arith.extui %sign3A_408 : i1 to i32
    %sign3A_410 = arith.constant 0 : i32
    %sign3A_411 = arith.cmpi slt, %add3A_404, %sign3A_410 : i32
    %sign3A_412 = arith.extui %sign3A_411 : i1 to i32
    %sign3A_413 = arith.subi %sign3A_409, %sign3A_412 : i32
    %sign3A_414 = arith.constant 0 : i32
    %sign3A_415 = arith.cmpi sgt, %jit3A_405, %sign3A_414 : i32
    %sign3A_416 = arith.extui %sign3A_415 : i1 to i32
    %sign3A_417 = arith.constant 0 : i32
    %sign3A_418 = arith.cmpi slt, %jit3A_405, %sign3A_417 : i32
    %sign3A_419 = arith.extui %sign3A_418 : i1 to i32
    %sign3A_420 = arith.subi %sign3A_416, %sign3A_419 : i32
    %ne3A_421 = arith.cmpi ne, %sign3A_413, %sign3A_420 : i32
    %rem3A_422 = arith.remsi %add3A_404, %jit3A_405 : i32
    %ne3A_423 = arith.constant 0 : i32
    %ne3A_424 = arith.cmpi ne, %rem3A_422, %ne3A_423 : i32
    %and3A_425 = arith.andi %ne3A_421, %ne3A_424 : i1
    %sub3A_426 = arith.constant 1 : i32
    %sub3A_427 = arith.subi %div3A_406, %sub3A_426 : i32
    %select_n3A_428 = arith.select %and3A_425, %sub3A_427, %div3A_406 : i32
    %dma_start3A_429 = arith.constant 3 : i32
    %dma_start3A_430 = tpu.memref_reshape %arg3 : memref<16384x1024xf32, #tpu.memory_space<hbm>> -> memref<2048x8x1024xf32, #tpu.memory_space<hbm>>
    %dma_start3A_431 = arith.constant 0 : i32
    %dma_start3A_432 = arith.constant 0 : i32
    %dma_start3A_433 = tpu.memref_slice %dma_start3A_430[%select_n3A_428, %dma_start3A_431, %dma_start3A_432] : memref<2048x8x1024xf32, #tpu.memory_space<hbm>> -> memref<2x8x1024xf32, #tpu.memory_space<hbm>>
    %dma_start3A_434 = arith.constant 0 : i32
    %dma_start3A_435 = arith.constant 0 : i32
    %dma_start3A_436 = arith.constant 0 : i32
    %dma_start3A_437 = tpu.memref_slice %arg4[%arg1, %dma_start3A_429, %dma_start3A_434, %dma_start3A_435, %dma_start3A_436] : memref<16x4x2x8x1024xf32, #tpu.memory_space<vmem_shared>> -> memref<1x1x2x8x1024xf32, #tpu.memory_space<vmem_shared>>
    %dma_start3A_438 = tpu.memref_squeeze %dma_start3A_437 : memref<1x1x2x8x1024xf32, #tpu.memory_space<vmem_shared>> -> memref<2x8x1024xf32, #tpu.memory_space<vmem_shared>>
    tpu.enqueue_dma source(%dma_start3A_438 : memref<2x8x1024xf32, #tpu.memory_space<vmem_shared>>) target(%dma_start3A_433 : memref<2x8x1024xf32, #tpu.memory_space<hbm>>) target_semaphore(%arg14 : memref<!tpu.dma_semaphore, #tpu.memory_space<semaphore_mem>>)
    %dma_wait3A_439 = arith.constant 2 : i32
    %dma_wait3A_440 = tpu.memref_reshape %arg3 : memref<16384x1024xf32, #tpu.memory_space<hbm>> -> memref<2048x8x1024xf32, #tpu.memory_space<hbm>>
    %dma_wait3A_441 = arith.constant 0 : i32
    %dma_wait3A_442 = arith.constant 0 : i32
    %dma_wait3A_443 = tpu.memref_slice %dma_wait3A_440[%select_n3A_336, %dma_wait3A_441, %dma_wait3A_442] : memref<2048x8x1024xf32, #tpu.memory_space<hbm>> -> memref<2x8x1024xf32, #tpu.memory_space<hbm>>
    %dma_wait3A_444 = arith.constant 0 : i32
    %dma_wait3A_445 = arith.constant 0 : i32
    %dma_wait3A_446 = arith.constant 0 : i32
    %dma_wait3A_447 = tpu.memref_slice %arg4[%arg1, %dma_wait3A_439, %dma_wait3A_444, %dma_wait3A_445, %dma_wait3A_446] : memref<16x4x2x8x1024xf32, #tpu.memory_space<vmem_shared>> -> memref<1x1x2x8x1024xf32, #tpu.memory_space<vmem_shared>>
    %dma_wait3A_448 = tpu.memref_squeeze %dma_wait3A_447 : memref<1x1x2x8x1024xf32, #tpu.memory_space<vmem_shared>> -> memref<2x8x1024xf32, #tpu.memory_space<vmem_shared>>
    tpu.wait_dma2 semaphore(%arg13 : memref<!tpu.dma_semaphore, #tpu.memory_space<semaphore_mem>>) src(%dma_wait3A_448 : memref<2x8x1024xf32, #tpu.memory_space<vmem_shared>>) dst(%dma_wait3A_443 : memref<2x8x1024xf32, #tpu.memory_space<hbm>>)
    %add3A_449 = arith.constant 96 : i32
    %add3A_450 = arith.addi %mul3A_2, %add3A_449 : i32
    %jit3A_451 = arith.constant 8 : i32
    %div3A_452 = arith.divsi %add3A_450, %jit3A_451 : i32
    %sign3A_453 = arith.constant 0 : i32
    %sign3A_454 = arith.cmpi sgt, %add3A_450, %sign3A_453 : i32
    %sign3A_455 = arith.extui %sign3A_454 : i1 to i32
    %sign3A_456 = arith.constant 0 : i32
    %sign3A_457 = arith.cmpi slt, %add3A_450, %sign3A_456 : i32
    %sign3A_458 = arith.extui %sign3A_457 : i1 to i32
    %sign3A_459 = arith.subi %sign3A_455, %sign3A_458 : i32
    %sign3A_460 = arith.constant 0 : i32
    %sign3A_461 = arith.cmpi sgt, %jit3A_451, %sign3A_460 : i32
    %sign3A_462 = arith.extui %sign3A_461 : i1 to i32
    %sign3A_463 = arith.constant 0 : i32
    %sign3A_464 = arith.cmpi slt, %jit3A_451, %sign3A_463 : i32
    %sign3A_465 = arith.extui %sign3A_464 : i1 to i32
    %sign3A_466 = arith.subi %sign3A_462, %sign3A_465 : i32
    %ne3A_467 = arith.cmpi ne, %sign3A_459, %sign3A_466 : i32
    %rem3A_468 = arith.remsi %add3A_450, %jit3A_451 : i32
    %ne3A_469 = arith.constant 0 : i32
    %ne3A_470 = arith.cmpi ne, %rem3A_468, %ne3A_469 : i32
    %and3A_471 = arith.andi %ne3A_467, %ne3A_470 : i1
    %sub3A_472 = arith.constant 1 : i32
    %sub3A_473 = arith.subi %div3A_452, %sub3A_472 : i32
    %select_n3A_474 = arith.select %and3A_471, %sub3A_473, %div3A_452 : i32
    %dma_start3A_475 = arith.constant 2 : i32
    %dma_start3A_476 = arith.constant 0 : i32
    %dma_start3A_477 = arith.constant 0 : i32
    %dma_start3A_478 = arith.constant 0 : i32
    %dma_start3A_479 = tpu.memref_slice %arg4[%arg1, %dma_start3A_475, %dma_start3A_476, %dma_start3A_477, %dma_start3A_478] : memref<16x4x2x8x1024xf32, #tpu.memory_space<vmem_shared>> -> memref<1x1x2x8x1024xf32, #tpu.memory_space<vmem_shared>>
    %dma_start3A_480 = tpu.memref_squeeze %dma_start3A_479 : memref<1x1x2x8x1024xf32, #tpu.memory_space<vmem_shared>> -> memref<2x8x1024xf32, #tpu.memory_space<vmem_shared>>
    %dma_start3A_481 = tpu.memref_reshape %arg2 : memref<16384x1024xf32, #tpu.memory_space<hbm>> -> memref<2048x8x1024xf32, #tpu.memory_space<hbm>>
    %dma_start3A_482 = arith.constant 0 : i32
    %dma_start3A_483 = arith.constant 0 : i32
    %dma_start3A_484 = tpu.memref_slice %dma_start3A_481[%select_n3A_474, %dma_start3A_482, %dma_start3A_483] : memref<2048x8x1024xf32, #tpu.memory_space<hbm>> -> memref<2x8x1024xf32, #tpu.memory_space<hbm>>
    tpu.enqueue_dma source(%dma_start3A_484 : memref<2x8x1024xf32, #tpu.memory_space<hbm>>) target(%dma_start3A_480 : memref<2x8x1024xf32, #tpu.memory_space<vmem_shared>>) target_semaphore(%arg9 : memref<!tpu.dma_semaphore, #tpu.memory_space<semaphore_mem>>)
    %dma_wait3A_485 = arith.constant 0 : i32
    %dma_wait3A_486 = arith.constant 0 : i32
    %dma_wait3A_487 = arith.constant 0 : i32
    %dma_wait3A_488 = arith.constant 0 : i32
    %dma_wait3A_489 = tpu.memref_slice %arg4[%arg1, %dma_wait3A_485, %dma_wait3A_486, %dma_wait3A_487, %dma_wait3A_488] : memref<16x4x2x8x1024xf32, #tpu.memory_space<vmem_shared>> -> memref<1x1x2x8x1024xf32, #tpu.memory_space<vmem_shared>>
    %dma_wait3A_490 = tpu.memref_squeeze %dma_wait3A_489 : memref<1x1x2x8x1024xf32, #tpu.memory_space<vmem_shared>> -> memref<2x8x1024xf32, #tpu.memory_space<vmem_shared>>
    %dma_wait3A_491 = tpu.memref_reshape %arg2 : memref<16384x1024xf32, #tpu.memory_space<hbm>> -> memref<2048x8x1024xf32, #tpu.memory_space<hbm>>
    %dma_wait3A_492 = arith.constant 0 : i32
    %dma_wait3A_493 = arith.constant 0 : i32
    %dma_wait3A_494 = tpu.memref_slice %dma_wait3A_491[%select_n3A_290, %dma_wait3A_492, %dma_wait3A_493] : memref<2048x8x1024xf32, #tpu.memory_space<hbm>> -> memref<2x8x1024xf32, #tpu.memory_space<hbm>>
    tpu.wait_dma2 semaphore(%arg7 : memref<!tpu.dma_semaphore, #tpu.memory_space<semaphore_mem>>) src(%dma_wait3A_494 : memref<2x8x1024xf32, #tpu.memory_space<hbm>>) dst(%dma_wait3A_490 : memref<2x8x1024xf32, #tpu.memory_space<vmem_shared>>)
    %add3A_495 = arith.constant 64 : i32
    %add3A_496 = arith.addi %mul3A_2, %add3A_495 : i32
    %jit3A_497 = arith.constant 8 : i32
    %div3A_498 = arith.divsi %add3A_496, %jit3A_497 : i32
    %sign3A_499 = arith.constant 0 : i32
    %sign3A_500 = arith.cmpi sgt, %add3A_496, %sign3A_499 : i32
    %sign3A_501 = arith.extui %sign3A_500 : i1 to i32
    %sign3A_502 = arith.constant 0 : i32
    %sign3A_503 = arith.cmpi slt, %add3A_496, %sign3A_502 : i32
    %sign3A_504 = arith.extui %sign3A_503 : i1 to i32
    %sign3A_505 = arith.subi %sign3A_501, %sign3A_504 : i32
    %sign3A_506 = arith.constant 0 : i32
    %sign3A_507 = arith.cmpi sgt, %jit3A_497, %sign3A_506 : i32
    %sign3A_508 = arith.extui %sign3A_507 : i1 to i32
    %sign3A_509 = arith.constant 0 : i32
    %sign3A_510 = arith.cmpi slt, %jit3A_497, %sign3A_509 : i32
    %sign3A_511 = arith.extui %sign3A_510 : i1 to i32
    %sign3A_512 = arith.subi %sign3A_508, %sign3A_511 : i32
    %ne3A_513 = arith.cmpi ne, %sign3A_505, %sign3A_512 : i32
    %rem3A_514 = arith.remsi %add3A_496, %jit3A_497 : i32
    %ne3A_515 = arith.constant 0 : i32
    %ne3A_516 = arith.cmpi ne, %rem3A_514, %ne3A_515 : i32
    %and3A_517 = arith.andi %ne3A_513, %ne3A_516 : i1
    %sub3A_518 = arith.constant 1 : i32
    %sub3A_519 = arith.subi %div3A_498, %sub3A_518 : i32
    %select_n3A_520 = arith.select %and3A_517, %sub3A_519, %div3A_498 : i32
    %dma_start3A_521 = arith.constant 0 : i32
    %dma_start3A_522 = tpu.memref_reshape %arg3 : memref<16384x1024xf32, #tpu.memory_space<hbm>> -> memref<2048x8x1024xf32, #tpu.memory_space<hbm>>
    %dma_start3A_523 = arith.constant 0 : i32
    %dma_start3A_524 = arith.constant 0 : i32
    %dma_start3A_525 = tpu.memref_slice %dma_start3A_522[%select_n3A_520, %dma_start3A_523, %dma_start3A_524] : memref<2048x8x1024xf32, #tpu.memory_space<hbm>> -> memref<2x8x1024xf32, #tpu.memory_space<hbm>>
    %dma_start3A_526 = arith.constant 0 : i32
    %dma_start3A_527 = arith.constant 0 : i32
    %dma_start3A_528 = arith.constant 0 : i32
    %dma_start3A_529 = tpu.memref_slice %arg4[%arg1, %dma_start3A_521, %dma_start3A_526, %dma_start3A_527, %dma_start3A_528] : memref<16x4x2x8x1024xf32, #tpu.memory_space<vmem_shared>> -> memref<1x1x2x8x1024xf32, #tpu.memory_space<vmem_shared>>
    %dma_start3A_530 = tpu.memref_squeeze %dma_start3A_529 : memref<1x1x2x8x1024xf32, #tpu.memory_space<vmem_shared>> -> memref<2x8x1024xf32, #tpu.memory_space<vmem_shared>>
    tpu.enqueue_dma source(%dma_start3A_530 : memref<2x8x1024xf32, #tpu.memory_space<vmem_shared>>) target(%dma_start3A_525 : memref<2x8x1024xf32, #tpu.memory_space<hbm>>) target_semaphore(%arg11 : memref<!tpu.dma_semaphore, #tpu.memory_space<semaphore_mem>>)
    %dma_wait3A_531 = arith.constant 3 : i32
    %dma_wait3A_532 = tpu.memref_reshape %arg3 : memref<16384x1024xf32, #tpu.memory_space<hbm>> -> memref<2048x8x1024xf32, #tpu.memory_space<hbm>>
    %dma_wait3A_533 = arith.constant 0 : i32
    %dma_wait3A_534 = arith.constant 0 : i32
    %dma_wait3A_535 = tpu.memref_slice %dma_wait3A_532[%select_n3A_428, %dma_wait3A_533, %dma_wait3A_534] : memref<2048x8x1024xf32, #tpu.memory_space<hbm>> -> memref<2x8x1024xf32, #tpu.memory_space<hbm>>
    %dma_wait3A_536 = arith.constant 0 : i32
    %dma_wait3A_537 = arith.constant 0 : i32
    %dma_wait3A_538 = arith.constant 0 : i32
    %dma_wait3A_539 = tpu.memref_slice %arg4[%arg1, %dma_wait3A_531, %dma_wait3A_536, %dma_wait3A_537, %dma_wait3A_538] : memref<16x4x2x8x1024xf32, #tpu.memory_space<vmem_shared>> -> memref<1x1x2x8x1024xf32, #tpu.memory_space<vmem_shared>>
    %dma_wait3A_540 = tpu.memref_squeeze %dma_wait3A_539 : memref<1x1x2x8x1024xf32, #tpu.memory_space<vmem_shared>> -> memref<2x8x1024xf32, #tpu.memory_space<vmem_shared>>
    tpu.wait_dma2 semaphore(%arg14 : memref<!tpu.dma_semaphore, #tpu.memory_space<semaphore_mem>>) src(%dma_wait3A_540 : memref<2x8x1024xf32, #tpu.memory_space<vmem_shared>>) dst(%dma_wait3A_535 : memref<2x8x1024xf32, #tpu.memory_space<hbm>>)
    %add3A_541 = arith.constant 112 : i32
    %add3A_542 = arith.addi %mul3A_2, %add3A_541 : i32
    %jit3A_543 = arith.constant 8 : i32
    %div3A_544 = arith.divsi %add3A_542, %jit3A_543 : i32
    %sign3A_545 = arith.constant 0 : i32
    %sign3A_546 = arith.cmpi sgt, %add3A_542, %sign3A_545 : i32
    %sign3A_547 = arith.extui %sign3A_546 : i1 to i32
    %sign3A_548 = arith.constant 0 : i32
    %sign3A_549 = arith.cmpi slt, %add3A_542, %sign3A_548 : i32
    %sign3A_550 = arith.extui %sign3A_549 : i1 to i32
    %sign3A_551 = arith.subi %sign3A_547, %sign3A_550 : i32
    %sign3A_552 = arith.constant 0 : i32
    %sign3A_553 = arith.cmpi sgt, %jit3A_543, %sign3A_552 : i32
    %sign3A_554 = arith.extui %sign3A_553 : i1 to i32
    %sign3A_555 = arith.constant 0 : i32
    %sign3A_556 = arith.cmpi slt, %jit3A_543, %sign3A_555 : i32
    %sign3A_557 = arith.extui %sign3A_556 : i1 to i32
    %sign3A_558 = arith.subi %sign3A_554, %sign3A_557 : i32
    %ne3A_559 = arith.cmpi ne, %sign3A_551, %sign3A_558 : i32
    %rem3A_560 = arith.remsi %add3A_542, %jit3A_543 : i32
    %ne3A_561 = arith.constant 0 : i32
    %ne3A_562 = arith.cmpi ne, %rem3A_560, %ne3A_561 : i32
    %and3A_563 = arith.andi %ne3A_559, %ne3A_562 : i1
    %sub3A_564 = arith.constant 1 : i32
    %sub3A_565 = arith.subi %div3A_544, %sub3A_564 : i32
    %select_n3A_566 = arith.select %and3A_563, %sub3A_565, %div3A_544 : i32
    %dma_start3A_567 = arith.constant 3 : i32
    %dma_start3A_568 = arith.constant 0 : i32
    %dma_start3A_569 = arith.constant 0 : i32
    %dma_start3A_570 = arith.constant 0 : i32
    %dma_start3A_571 = tpu.memref_slice %arg4[%arg1, %dma_start3A_567, %dma_start3A_568, %dma_start3A_569, %dma_start3A_570] : memref<16x4x2x8x1024xf32, #tpu.memory_space<vmem_shared>> -> memref<1x1x2x8x1024xf32, #tpu.memory_space<vmem_shared>>
    %dma_start3A_572 = tpu.memref_squeeze %dma_start3A_571 : memref<1x1x2x8x1024xf32, #tpu.memory_space<vmem_shared>> -> memref<2x8x1024xf32, #tpu.memory_space<vmem_shared>>
    %dma_start3A_573 = tpu.memref_reshape %arg2 : memref<16384x1024xf32, #tpu.memory_space<hbm>> -> memref<2048x8x1024xf32, #tpu.memory_space<hbm>>
    %dma_start3A_574 = arith.constant 0 : i32
    %dma_start3A_575 = arith.constant 0 : i32
    %dma_start3A_576 = tpu.memref_slice %dma_start3A_573[%select_n3A_566, %dma_start3A_574, %dma_start3A_575] : memref<2048x8x1024xf32, #tpu.memory_space<hbm>> -> memref<2x8x1024xf32, #tpu.memory_space<hbm>>
    tpu.enqueue_dma source(%dma_start3A_576 : memref<2x8x1024xf32, #tpu.memory_space<hbm>>) target(%dma_start3A_572 : memref<2x8x1024xf32, #tpu.memory_space<vmem_shared>>) target_semaphore(%arg10 : memref<!tpu.dma_semaphore, #tpu.memory_space<semaphore_mem>>)
    %dma_wait3A_577 = arith.constant 1 : i32
    %dma_wait3A_578 = arith.constant 0 : i32
    %dma_wait3A_579 = arith.constant 0 : i32
    %dma_wait3A_580 = arith.constant 0 : i32
    %dma_wait3A_581 = tpu.memref_slice %arg4[%arg1, %dma_wait3A_577, %dma_wait3A_578, %dma_wait3A_579, %dma_wait3A_580] : memref<16x4x2x8x1024xf32, #tpu.memory_space<vmem_shared>> -> memref<1x1x2x8x1024xf32, #tpu.memory_space<vmem_shared>>
    %dma_wait3A_582 = tpu.memref_squeeze %dma_wait3A_581 : memref<1x1x2x8x1024xf32, #tpu.memory_space<vmem_shared>> -> memref<2x8x1024xf32, #tpu.memory_space<vmem_shared>>
    %dma_wait3A_583 = tpu.memref_reshape %arg2 : memref<16384x1024xf32, #tpu.memory_space<hbm>> -> memref<2048x8x1024xf32, #tpu.memory_space<hbm>>
    %dma_wait3A_584 = arith.constant 0 : i32
    %dma_wait3A_585 = arith.constant 0 : i32
    %dma_wait3A_586 = tpu.memref_slice %dma_wait3A_583[%select_n3A_382, %dma_wait3A_584, %dma_wait3A_585] : memref<2048x8x1024xf32, #tpu.memory_space<hbm>> -> memref<2x8x1024xf32, #tpu.memory_space<hbm>>
    tpu.wait_dma2 semaphore(%arg8 : memref<!tpu.dma_semaphore, #tpu.memory_space<semaphore_mem>>) src(%dma_wait3A_586 : memref<2x8x1024xf32, #tpu.memory_space<hbm>>) dst(%dma_wait3A_582 : memref<2x8x1024xf32, #tpu.memory_space<vmem_shared>>)
    %add3A_587 = arith.constant 80 : i32
    %add3A_588 = arith.addi %mul3A_2, %add3A_587 : i32
    %jit3A_589 = arith.constant 8 : i32
    %div3A_590 = arith.divsi %add3A_588, %jit3A_589 : i32
    %sign3A_591 = arith.constant 0 : i32
    %sign3A_592 = arith.cmpi sgt, %add3A_588, %sign3A_591 : i32
    %sign3A_593 = arith.extui %sign3A_592 : i1 to i32
    %sign3A_594 = arith.constant 0 : i32
    %sign3A_595 = arith.cmpi slt, %add3A_588, %sign3A_594 : i32
    %sign3A_596 = arith.extui %sign3A_595 : i1 to i32
    %sign3A_597 = arith.subi %sign3A_593, %sign3A_596 : i32
    %sign3A_598 = arith.constant 0 : i32
    %sign3A_599 = arith.cmpi sgt, %jit3A_589, %sign3A_598 : i32
    %sign3A_600 = arith.extui %sign3A_599 : i1 to i32
    %sign3A_601 = arith.constant 0 : i32
    %sign3A_602 = arith.cmpi slt, %jit3A_589, %sign3A_601 : i32
    %sign3A_603 = arith.extui %sign3A_602 : i1 to i32
    %sign3A_604 = arith.subi %sign3A_600, %sign3A_603 : i32
    %ne3A_605 = arith.cmpi ne, %sign3A_597, %sign3A_604 : i32
    %rem3A_606 = arith.remsi %add3A_588, %jit3A_589 : i32
    %ne3A_607 = arith.constant 0 : i32
    %ne3A_608 = arith.cmpi ne, %rem3A_606, %ne3A_607 : i32
    %and3A_609 = arith.andi %ne3A_605, %ne3A_608 : i1
    %sub3A_610 = arith.constant 1 : i32
    %sub3A_611 = arith.subi %div3A_590, %sub3A_610 : i32
    %select_n3A_612 = arith.select %and3A_609, %sub3A_611, %div3A_590 : i32
    %dma_start3A_613 = arith.constant 1 : i32
    %dma_start3A_614 = tpu.memref_reshape %arg3 : memref<16384x1024xf32, #tpu.memory_space<hbm>> -> memref<2048x8x1024xf32, #tpu.memory_space<hbm>>
    %dma_start3A_615 = arith.constant 0 : i32
    %dma_start3A_616 = arith.constant 0 : i32
    %dma_start3A_617 = tpu.memref_slice %dma_start3A_614[%select_n3A_612, %dma_start3A_615, %dma_start3A_616] : memref<2048x8x1024xf32, #tpu.memory_space<hbm>> -> memref<2x8x1024xf32, #tpu.memory_space<hbm>>
    %dma_start3A_618 = arith.constant 0 : i32
    %dma_start3A_619 = arith.constant 0 : i32
    %dma_start3A_620 = arith.constant 0 : i32
    %dma_start3A_621 = tpu.memref_slice %arg4[%arg1, %dma_start3A_613, %dma_start3A_618, %dma_start3A_619, %dma_start3A_620] : memref<16x4x2x8x1024xf32, #tpu.memory_space<vmem_shared>> -> memref<1x1x2x8x1024xf32, #tpu.memory_space<vmem_shared>>
    %dma_start3A_622 = tpu.memref_squeeze %dma_start3A_621 : memref<1x1x2x8x1024xf32, #tpu.memory_space<vmem_shared>> -> memref<2x8x1024xf32, #tpu.memory_space<vmem_shared>>
    tpu.enqueue_dma source(%dma_start3A_622 : memref<2x8x1024xf32, #tpu.memory_space<vmem_shared>>) target(%dma_start3A_617 : memref<2x8x1024xf32, #tpu.memory_space<hbm>>) target_semaphore(%arg12 : memref<!tpu.dma_semaphore, #tpu.memory_space<semaphore_mem>>)
    %dma_wait3A_623 = arith.constant 0 : i32
    %dma_wait3A_624 = tpu.memref_reshape %arg3 : memref<16384x1024xf32, #tpu.memory_space<hbm>> -> memref<2048x8x1024xf32, #tpu.memory_space<hbm>>
    %dma_wait3A_625 = arith.constant 0 : i32
    %dma_wait3A_626 = arith.constant 0 : i32
    %dma_wait3A_627 = tpu.memref_slice %dma_wait3A_624[%select_n3A_520, %dma_wait3A_625, %dma_wait3A_626] : memref<2048x8x1024xf32, #tpu.memory_space<hbm>> -> memref<2x8x1024xf32, #tpu.memory_space<hbm>>
    %dma_wait3A_628 = arith.constant 0 : i32
    %dma_wait3A_629 = arith.constant 0 : i32
    %dma_wait3A_630 = arith.constant 0 : i32
    %dma_wait3A_631 = tpu.memref_slice %arg4[%arg1, %dma_wait3A_623, %dma_wait3A_628, %dma_wait3A_629, %dma_wait3A_630] : memref<16x4x2x8x1024xf32, #tpu.memory_space<vmem_shared>> -> memref<1x1x2x8x1024xf32, #tpu.memory_space<vmem_shared>>
    %dma_wait3A_632 = tpu.memref_squeeze %dma_wait3A_631 : memref<1x1x2x8x1024xf32, #tpu.memory_space<vmem_shared>> -> memref<2x8x1024xf32, #tpu.memory_space<vmem_shared>>
    tpu.wait_dma2 semaphore(%arg11 : memref<!tpu.dma_semaphore, #tpu.memory_space<semaphore_mem>>) src(%dma_wait3A_632 : memref<2x8x1024xf32, #tpu.memory_space<vmem_shared>>) dst(%dma_wait3A_627 : memref<2x8x1024xf32, #tpu.memory_space<hbm>>)
    %add3A_633 = arith.constant 128 : i32
    %add3A_634 = arith.addi %mul3A_2, %add3A_633 : i32
    %jit3A_635 = arith.constant 8 : i32
    %div3A_636 = arith.divsi %add3A_634, %jit3A_635 : i32
    %sign3A_637 = arith.constant 0 : i32
    %sign3A_638 = arith.cmpi sgt, %add3A_634, %sign3A_637 : i32
    %sign3A_639 = arith.extui %sign3A_638 : i1 to i32
    %sign3A_640 = arith.constant 0 : i32
    %sign3A_641 = arith.cmpi slt, %add3A_634, %sign3A_640 : i32
    %sign3A_642 = arith.extui %sign3A_641 : i1 to i32
    %sign3A_643 = arith.subi %sign3A_639, %sign3A_642 : i32
    %sign3A_644 = arith.constant 0 : i32
    %sign3A_645 = arith.cmpi sgt, %jit3A_635, %sign3A_644 : i32
    %sign3A_646 = arith.extui %sign3A_645 : i1 to i32
    %sign3A_647 = arith.constant 0 : i32
    %sign3A_648 = arith.cmpi slt, %jit3A_635, %sign3A_647 : i32
    %sign3A_649 = arith.extui %sign3A_648 : i1 to i32
    %sign3A_650 = arith.subi %sign3A_646, %sign3A_649 : i32
    %ne3A_651 = arith.cmpi ne, %sign3A_643, %sign3A_650 : i32
    %rem3A_652 = arith.remsi %add3A_634, %jit3A_635 : i32
    %ne3A_653 = arith.constant 0 : i32
    %ne3A_654 = arith.cmpi ne, %rem3A_652, %ne3A_653 : i32
    %and3A_655 = arith.andi %ne3A_651, %ne3A_654 : i1
    %sub3A_656 = arith.constant 1 : i32
    %sub3A_657 = arith.subi %div3A_636, %sub3A_656 : i32
    %select_n3A_658 = arith.select %and3A_655, %sub3A_657, %div3A_636 : i32
    %dma_start3A_659 = arith.constant 0 : i32
    %dma_start3A_660 = arith.constant 0 : i32
    %dma_start3A_661 = arith.constant 0 : i32
    %dma_start3A_662 = arith.constant 0 : i32
    %dma_start3A_663 = tpu.memref_slice %arg4[%arg1, %dma_start3A_659, %dma_start3A_660, %dma_start3A_661, %dma_start3A_662] : memref<16x4x2x8x1024xf32, #tpu.memory_space<vmem_shared>> -> memref<1x1x2x8x1024xf32, #tpu.memory_space<vmem_shared>>
    %dma_start3A_664 = tpu.memref_squeeze %dma_start3A_663 : memref<1x1x2x8x1024xf32, #tpu.memory_space<vmem_shared>> -> memref<2x8x1024xf32, #tpu.memory_space<vmem_shared>>
    %dma_start3A_665 = tpu.memref_reshape %arg2 : memref<16384x1024xf32, #tpu.memory_space<hbm>> -> memref<2048x8x1024xf32, #tpu.memory_space<hbm>>
    %dma_start3A_666 = arith.constant 0 : i32
    %dma_start3A_667 = arith.constant 0 : i32
    %dma_start3A_668 = tpu.memref_slice %dma_start3A_665[%select_n3A_658, %dma_start3A_666, %dma_start3A_667] : memref<2048x8x1024xf32, #tpu.memory_space<hbm>> -> memref<2x8x1024xf32, #tpu.memory_space<hbm>>
    tpu.enqueue_dma source(%dma_start3A_668 : memref<2x8x1024xf32, #tpu.memory_space<hbm>>) target(%dma_start3A_664 : memref<2x8x1024xf32, #tpu.memory_space<vmem_shared>>) target_semaphore(%arg7 : memref<!tpu.dma_semaphore, #tpu.memory_space<semaphore_mem>>)
    %dma_wait3A_669 = arith.constant 2 : i32
    %dma_wait3A_670 = arith.constant 0 : i32
    %dma_wait3A_671 = arith.constant 0 : i32
    %dma_wait3A_672 = arith.constant 0 : i32
    %dma_wait3A_673 = tpu.memref_slice %arg4[%arg1, %dma_wait3A_669, %dma_wait3A_670, %dma_wait3A_671, %dma_wait3A_672] : memref<16x4x2x8x1024xf32, #tpu.memory_space<vmem_shared>> -> memref<1x1x2x8x1024xf32, #tpu.memory_space<vmem_shared>>
    %dma_wait3A_674 = tpu.memref_squeeze %dma_wait3A_673 : memref<1x1x2x8x1024xf32, #tpu.memory_space<vmem_shared>> -> memref<2x8x1024xf32, #tpu.memory_space<vmem_shared>>
    %dma_wait3A_675 = tpu.memref_reshape %arg2 : memref<16384x1024xf32, #tpu.memory_space<hbm>> -> memref<2048x8x1024xf32, #tpu.memory_space<hbm>>
    %dma_wait3A_676 = arith.constant 0 : i32
    %dma_wait3A_677 = arith.constant 0 : i32
    %dma_wait3A_678 = tpu.memref_slice %dma_wait3A_675[%select_n3A_474, %dma_wait3A_676, %dma_wait3A_677] : memref<2048x8x1024xf32, #tpu.memory_space<hbm>> -> memref<2x8x1024xf32, #tpu.memory_space<hbm>>
    tpu.wait_dma2 semaphore(%arg9 : memref<!tpu.dma_semaphore, #tpu.memory_space<semaphore_mem>>) src(%dma_wait3A_678 : memref<2x8x1024xf32, #tpu.memory_space<hbm>>) dst(%dma_wait3A_674 : memref<2x8x1024xf32, #tpu.memory_space<vmem_shared>>)
    %add3A_679 = arith.constant 96 : i32
    %add3A_680 = arith.addi %mul3A_2, %add3A_679 : i32
    %jit3A_681 = arith.constant 8 : i32
    %div3A_682 = arith.divsi %add3A_680, %jit3A_681 : i32
    %sign3A_683 = arith.constant 0 : i32
    %sign3A_684 = arith.cmpi sgt, %add3A_680, %sign3A_683 : i32
    %sign3A_685 = arith.extui %sign3A_684 : i1 to i32
    %sign3A_686 = arith.constant 0 : i32
    %sign3A_687 = arith.cmpi slt, %add3A_680, %sign3A_686 : i32
    %sign3A_688 = arith.extui %sign3A_687 : i1 to i32
    %sign3A_689 = arith.subi %sign3A_685, %sign3A_688 : i32
    %sign3A_690 = arith.constant 0 : i32
    %sign3A_691 = arith.cmpi sgt, %jit3A_681, %sign3A_690 : i32
    %sign3A_692 = arith.extui %sign3A_691 : i1 to i32
    %sign3A_693 = arith.constant 0 : i32
    %sign3A_694 = arith.cmpi slt, %jit3A_681, %sign3A_693 : i32
    %sign3A_695 = arith.extui %sign3A_694 : i1 to i32
    %sign3A_696 = arith.subi %sign3A_692, %sign3A_695 : i32
    %ne3A_697 = arith.cmpi ne, %sign3A_689, %sign3A_696 : i32
    %rem3A_698 = arith.remsi %add3A_680, %jit3A_681 : i32
    %ne3A_699 = arith.constant 0 : i32
    %ne3A_700 = arith.cmpi ne, %rem3A_698, %ne3A_699 : i32
    %and3A_701 = arith.andi %ne3A_697, %ne3A_700 : i1
    %sub3A_702 = arith.constant 1 : i32
    %sub3A_703 = arith.subi %div3A_682, %sub3A_702 : i32
    %select_n3A_704 = arith.select %and3A_701, %sub3A_703, %div3A_682 : i32
    %dma_start3A_705 = arith.constant 2 : i32
    %dma_start3A_706 = tpu.memref_reshape %arg3 : memref<16384x1024xf32, #tpu.memory_space<hbm>> -> memref<2048x8x1024xf32, #tpu.memory_space<hbm>>
    %dma_start3A_707 = arith.constant 0 : i32
    %dma_start3A_708 = arith.constant 0 : i32
    %dma_start3A_709 = tpu.memref_slice %dma_start3A_706[%select_n3A_704, %dma_start3A_707, %dma_start3A_708] : memref<2048x8x1024xf32, #tpu.memory_space<hbm>> -> memref<2x8x1024xf32, #tpu.memory_space<hbm>>
    %dma_start3A_710 = arith.constant 0 : i32
    %dma_start3A_711 = arith.constant 0 : i32
    %dma_start3A_712 = arith.constant 0 : i32
    %dma_start3A_713 = tpu.memref_slice %arg4[%arg1, %dma_start3A_705, %dma_start3A_710, %dma_start3A_711, %dma_start3A_712] : memref<16x4x2x8x1024xf32, #tpu.memory_space<vmem_shared>> -> memref<1x1x2x8x1024xf32, #tpu.memory_space<vmem_shared>>
    %dma_start3A_714 = tpu.memref_squeeze %dma_start3A_713 : memref<1x1x2x8x1024xf32, #tpu.memory_space<vmem_shared>> -> memref<2x8x1024xf32, #tpu.memory_space<vmem_shared>>
    tpu.enqueue_dma source(%dma_start3A_714 : memref<2x8x1024xf32, #tpu.memory_space<vmem_shared>>) target(%dma_start3A_709 : memref<2x8x1024xf32, #tpu.memory_space<hbm>>) target_semaphore(%arg13 : memref<!tpu.dma_semaphore, #tpu.memory_space<semaphore_mem>>)
    %dma_wait3A_715 = arith.constant 1 : i32
    %dma_wait3A_716 = tpu.memref_reshape %arg3 : memref<16384x1024xf32, #tpu.memory_space<hbm>> -> memref<2048x8x1024xf32, #tpu.memory_space<hbm>>
    %dma_wait3A_717 = arith.constant 0 : i32
    %dma_wait3A_718 = arith.constant 0 : i32
    %dma_wait3A_719 = tpu.memref_slice %dma_wait3A_716[%select_n3A_612, %dma_wait3A_717, %dma_wait3A_718] : memref<2048x8x1024xf32, #tpu.memory_space<hbm>> -> memref<2x8x1024xf32, #tpu.memory_space<hbm>>
    %dma_wait3A_720 = arith.constant 0 : i32
    %dma_wait3A_721 = arith.constant 0 : i32
    %dma_wait3A_722 = arith.constant 0 : i32
    %dma_wait3A_723 = tpu.memref_slice %arg4[%arg1, %dma_wait3A_715, %dma_wait3A_720, %dma_wait3A_721, %dma_wait3A_722] : memref<16x4x2x8x1024xf32, #tpu.memory_space<vmem_shared>> -> memref<1x1x2x8x1024xf32, #tpu.memory_space<vmem_shared>>
    %dma_wait3A_724 = tpu.memref_squeeze %dma_wait3A_723 : memref<1x1x2x8x1024xf32, #tpu.memory_space<vmem_shared>> -> memref<2x8x1024xf32, #tpu.memory_space<vmem_shared>>
    tpu.wait_dma2 semaphore(%arg12 : memref<!tpu.dma_semaphore, #tpu.memory_space<semaphore_mem>>) src(%dma_wait3A_724 : memref<2x8x1024xf32, #tpu.memory_space<vmem_shared>>) dst(%dma_wait3A_719 : memref<2x8x1024xf32, #tpu.memory_space<hbm>>)
    %add3A_725 = arith.constant 144 : i32
    %add3A_726 = arith.addi %mul3A_2, %add3A_725 : i32
    %jit3A_727 = arith.constant 8 : i32
    %div3A_728 = arith.divsi %add3A_726, %jit3A_727 : i32
    %sign3A_729 = arith.constant 0 : i32
    %sign3A_730 = arith.cmpi sgt, %add3A_726, %sign3A_729 : i32
    %sign3A_731 = arith.extui %sign3A_730 : i1 to i32
    %sign3A_732 = arith.constant 0 : i32
    %sign3A_733 = arith.cmpi slt, %add3A_726, %sign3A_732 : i32
    %sign3A_734 = arith.extui %sign3A_733 : i1 to i32
    %sign3A_735 = arith.subi %sign3A_731, %sign3A_734 : i32
    %sign3A_736 = arith.constant 0 : i32
    %sign3A_737 = arith.cmpi sgt, %jit3A_727, %sign3A_736 : i32
    %sign3A_738 = arith.extui %sign3A_737 : i1 to i32
    %sign3A_739 = arith.constant 0 : i32
    %sign3A_740 = arith.cmpi slt, %jit3A_727, %sign3A_739 : i32
    %sign3A_741 = arith.extui %sign3A_740 : i1 to i32
    %sign3A_742 = arith.subi %sign3A_738, %sign3A_741 : i32
    %ne3A_743 = arith.cmpi ne, %sign3A_735, %sign3A_742 : i32
    %rem3A_744 = arith.remsi %add3A_726, %jit3A_727 : i32
    %ne3A_745 = arith.constant 0 : i32
    %ne3A_746 = arith.cmpi ne, %rem3A_744, %ne3A_745 : i32
    %and3A_747 = arith.andi %ne3A_743, %ne3A_746 : i1
    %sub3A_748 = arith.constant 1 : i32
    %sub3A_749 = arith.subi %div3A_728, %sub3A_748 : i32
    %select_n3A_750 = arith.select %and3A_747, %sub3A_749, %div3A_728 : i32
    %dma_start3A_751 = arith.constant 1 : i32
    %dma_start3A_752 = arith.constant 0 : i32
    %dma_start3A_753 = arith.constant 0 : i32
    %dma_start3A_754 = arith.constant 0 : i32
    %dma_start3A_755 = tpu.memref_slice %arg4[%arg1, %dma_start3A_751, %dma_start3A_752, %dma_start3A_753, %dma_start3A_754] : memref<16x4x2x8x1024xf32, #tpu.memory_space<vmem_shared>> -> memref<1x1x2x8x1024xf32, #tpu.memory_space<vmem_shared>>
    %dma_start3A_756 = tpu.memref_squeeze %dma_start3A_755 : memref<1x1x2x8x1024xf32, #tpu.memory_space<vmem_shared>> -> memref<2x8x1024xf32, #tpu.memory_space<vmem_shared>>
    %dma_start3A_757 = tpu.memref_reshape %arg2 : memref<16384x1024xf32, #tpu.memory_space<hbm>> -> memref<2048x8x1024xf32, #tpu.memory_space<hbm>>
    %dma_start3A_758 = arith.constant 0 : i32
    %dma_start3A_759 = arith.constant 0 : i32
    %dma_start3A_760 = tpu.memref_slice %dma_start3A_757[%select_n3A_750, %dma_start3A_758, %dma_start3A_759] : memref<2048x8x1024xf32, #tpu.memory_space<hbm>> -> memref<2x8x1024xf32, #tpu.memory_space<hbm>>
    tpu.enqueue_dma source(%dma_start3A_760 : memref<2x8x1024xf32, #tpu.memory_space<hbm>>) target(%dma_start3A_756 : memref<2x8x1024xf32, #tpu.memory_space<vmem_shared>>) target_semaphore(%arg8 : memref<!tpu.dma_semaphore, #tpu.memory_space<semaphore_mem>>)
    %dma_wait3A_761 = arith.constant 3 : i32
    %dma_wait3A_762 = arith.constant 0 : i32
    %dma_wait3A_763 = arith.constant 0 : i32
    %dma_wait3A_764 = arith.constant 0 : i32
    %dma_wait3A_765 = tpu.memref_slice %arg4[%arg1, %dma_wait3A_761, %dma_wait3A_762, %dma_wait3A_763, %dma_wait3A_764] : memref<16x4x2x8x1024xf32, #tpu.memory_space<vmem_shared>> -> memref<1x1x2x8x1024xf32, #tpu.memory_space<vmem_shared>>
    %dma_wait3A_766 = tpu.memref_squeeze %dma_wait3A_765 : memref<1x1x2x8x1024xf32, #tpu.memory_space<vmem_shared>> -> memref<2x8x1024xf32, #tpu.memory_space<vmem_shared>>
    %dma_wait3A_767 = tpu.memref_reshape %arg2 : memref<16384x1024xf32, #tpu.memory_space<hbm>> -> memref<2048x8x1024xf32, #tpu.memory_space<hbm>>
    %dma_wait3A_768 = arith.constant 0 : i32
    %dma_wait3A_769 = arith.constant 0 : i32
    %dma_wait3A_770 = tpu.memref_slice %dma_wait3A_767[%select_n3A_566, %dma_wait3A_768, %dma_wait3A_769] : memref<2048x8x1024xf32, #tpu.memory_space<hbm>> -> memref<2x8x1024xf32, #tpu.memory_space<hbm>>
    tpu.wait_dma2 semaphore(%arg10 : memref<!tpu.dma_semaphore, #tpu.memory_space<semaphore_mem>>) src(%dma_wait3A_770 : memref<2x8x1024xf32, #tpu.memory_space<hbm>>) dst(%dma_wait3A_766 : memref<2x8x1024xf32, #tpu.memory_space<vmem_shared>>)
    %add3A_771 = arith.constant 112 : i32
    %add3A_772 = arith.addi %mul3A_2, %add3A_771 : i32
    %jit3A_773 = arith.constant 8 : i32
    %div3A_774 = arith.divsi %add3A_772, %jit3A_773 : i32
    %sign3A_775 = arith.constant 0 : i32
    %sign3A_776 = arith.cmpi sgt, %add3A_772, %sign3A_775 : i32
    %sign3A_777 = arith.extui %sign3A_776 : i1 to i32
    %sign3A_778 = arith.constant 0 : i32
    %sign3A_779 = arith.cmpi slt, %add3A_772, %sign3A_778 : i32
    %sign3A_780 = arith.extui %sign3A_779 : i1 to i32
    %sign3A_781 = arith.subi %sign3A_777, %sign3A_780 : i32
    %sign3A_782 = arith.constant 0 : i32
    %sign3A_783 = arith.cmpi sgt, %jit3A_773, %sign3A_782 : i32
    %sign3A_784 = arith.extui %sign3A_783 : i1 to i32
    %sign3A_785 = arith.constant 0 : i32
    %sign3A_786 = arith.cmpi slt, %jit3A_773, %sign3A_785 : i32
    %sign3A_787 = arith.extui %sign3A_786 : i1 to i32
    %sign3A_788 = arith.subi %sign3A_784, %sign3A_787 : i32
    %ne3A_789 = arith.cmpi ne, %sign3A_781, %sign3A_788 : i32
    %rem3A_790 = arith.remsi %add3A_772, %jit3A_773 : i32
    %ne3A_791 = arith.constant 0 : i32
    %ne3A_792 = arith.cmpi ne, %rem3A_790, %ne3A_791 : i32
    %and3A_793 = arith.andi %ne3A_789, %ne3A_792 : i1
    %sub3A_794 = arith.constant 1 : i32
    %sub3A_795 = arith.subi %div3A_774, %sub3A_794 : i32
    %select_n3A_796 = arith.select %and3A_793, %sub3A_795, %div3A_774 : i32
    %dma_start3A_797 = arith.constant 3 : i32
    %dma_start3A_798 = tpu.memref_reshape %arg3 : memref<16384x1024xf32, #tpu.memory_space<hbm>> -> memref<2048x8x1024xf32, #tpu.memory_space<hbm>>
    %dma_start3A_799 = arith.constant 0 : i32
    %dma_start3A_800 = arith.constant 0 : i32
    %dma_start3A_801 = tpu.memref_slice %dma_start3A_798[%select_n3A_796, %dma_start3A_799, %dma_start3A_800] : memref<2048x8x1024xf32, #tpu.memory_space<hbm>> -> memref<2x8x1024xf32, #tpu.memory_space<hbm>>
    %dma_start3A_802 = arith.constant 0 : i32
    %dma_start3A_803 = arith.constant 0 : i32
    %dma_start3A_804 = arith.constant 0 : i32
    %dma_start3A_805 = tpu.memref_slice %arg4[%arg1, %dma_start3A_797, %dma_start3A_802, %dma_start3A_803, %dma_start3A_804] : memref<16x4x2x8x1024xf32, #tpu.memory_space<vmem_shared>> -> memref<1x1x2x8x1024xf32, #tpu.memory_space<vmem_shared>>
    %dma_start3A_806 = tpu.memref_squeeze %dma_start3A_805 : memref<1x1x2x8x1024xf32, #tpu.memory_space<vmem_shared>> -> memref<2x8x1024xf32, #tpu.memory_space<vmem_shared>>
    tpu.enqueue_dma source(%dma_start3A_806 : memref<2x8x1024xf32, #tpu.memory_space<vmem_shared>>) target(%dma_start3A_801 : memref<2x8x1024xf32, #tpu.memory_space<hbm>>) target_semaphore(%arg14 : memref<!tpu.dma_semaphore, #tpu.memory_space<semaphore_mem>>)
    %dma_wait3A_807 = arith.constant 2 : i32
    %dma_wait3A_808 = tpu.memref_reshape %arg3 : memref<16384x1024xf32, #tpu.memory_space<hbm>> -> memref<2048x8x1024xf32, #tpu.memory_space<hbm>>
    %dma_wait3A_809 = arith.constant 0 : i32
    %dma_wait3A_810 = arith.constant 0 : i32
    %dma_wait3A_811 = tpu.memref_slice %dma_wait3A_808[%select_n3A_704, %dma_wait3A_809, %dma_wait3A_810] : memref<2048x8x1024xf32, #tpu.memory_space<hbm>> -> memref<2x8x1024xf32, #tpu.memory_space<hbm>>
    %dma_wait3A_812 = arith.constant 0 : i32
    %dma_wait3A_813 = arith.constant 0 : i32
    %dma_wait3A_814 = arith.constant 0 : i32
    %dma_wait3A_815 = tpu.memref_slice %arg4[%arg1, %dma_wait3A_807, %dma_wait3A_812, %dma_wait3A_813, %dma_wait3A_814] : memref<16x4x2x8x1024xf32, #tpu.memory_space<vmem_shared>> -> memref<1x1x2x8x1024xf32, #tpu.memory_space<vmem_shared>>
    %dma_wait3A_816 = tpu.memref_squeeze %dma_wait3A_815 : memref<1x1x2x8x1024xf32, #tpu.memory_space<vmem_shared>> -> memref<2x8x1024xf32, #tpu.memory_space<vmem_shared>>
    tpu.wait_dma2 semaphore(%arg13 : memref<!tpu.dma_semaphore, #tpu.memory_space<semaphore_mem>>) src(%dma_wait3A_816 : memref<2x8x1024xf32, #tpu.memory_space<vmem_shared>>) dst(%dma_wait3A_811 : memref<2x8x1024xf32, #tpu.memory_space<hbm>>)
    %add3A_817 = arith.constant 160 : i32
    %add3A_818 = arith.addi %mul3A_2, %add3A_817 : i32
    %jit3A_819 = arith.constant 8 : i32
    %div3A_820 = arith.divsi %add3A_818, %jit3A_819 : i32
    %sign3A_821 = arith.constant 0 : i32
    %sign3A_822 = arith.cmpi sgt, %add3A_818, %sign3A_821 : i32
    %sign3A_823 = arith.extui %sign3A_822 : i1 to i32
    %sign3A_824 = arith.constant 0 : i32
    %sign3A_825 = arith.cmpi slt, %add3A_818, %sign3A_824 : i32
    %sign3A_826 = arith.extui %sign3A_825 : i1 to i32
    %sign3A_827 = arith.subi %sign3A_823, %sign3A_826 : i32
    %sign3A_828 = arith.constant 0 : i32
    %sign3A_829 = arith.cmpi sgt, %jit3A_819, %sign3A_828 : i32
    %sign3A_830 = arith.extui %sign3A_829 : i1 to i32
    %sign3A_831 = arith.constant 0 : i32
    %sign3A_832 = arith.cmpi slt, %jit3A_819, %sign3A_831 : i32
    %sign3A_833 = arith.extui %sign3A_832 : i1 to i32
    %sign3A_834 = arith.subi %sign3A_830, %sign3A_833 : i32
    %ne3A_835 = arith.cmpi ne, %sign3A_827, %sign3A_834 : i32
    %rem3A_836 = arith.remsi %add3A_818, %jit3A_819 : i32
    %ne3A_837 = arith.constant 0 : i32
    %ne3A_838 = arith.cmpi ne, %rem3A_836, %ne3A_837 : i32
    %and3A_839 = arith.andi %ne3A_835, %ne3A_838 : i1
    %sub3A_840 = arith.constant 1 : i32
    %sub3A_841 = arith.subi %div3A_820, %sub3A_840 : i32
    %select_n3A_842 = arith.select %and3A_839, %sub3A_841, %div3A_820 : i32
    %dma_start3A_843 = arith.constant 2 : i32
    %dma_start3A_844 = arith.constant 0 : i32
    %dma_start3A_845 = arith.constant 0 : i32
    %dma_start3A_846 = arith.constant 0 : i32
    %dma_start3A_847 = tpu.memref_slice %arg4[%arg1, %dma_start3A_843, %dma_start3A_844, %dma_start3A_845, %dma_start3A_846] : memref<16x4x2x8x1024xf32, #tpu.memory_space<vmem_shared>> -> memref<1x1x2x8x1024xf32, #tpu.memory_space<vmem_shared>>
    %dma_start3A_848 = tpu.memref_squeeze %dma_start3A_847 : memref<1x1x2x8x1024xf32, #tpu.memory_space<vmem_shared>> -> memref<2x8x1024xf32, #tpu.memory_space<vmem_shared>>
    %dma_start3A_849 = tpu.memref_reshape %arg2 : memref<16384x1024xf32, #tpu.memory_space<hbm>> -> memref<2048x8x1024xf32, #tpu.memory_space<hbm>>
    %dma_start3A_850 = arith.constant 0 : i32
    %dma_start3A_851 = arith.constant 0 : i32
    %dma_start3A_852 = tpu.memref_slice %dma_start3A_849[%select_n3A_842, %dma_start3A_850, %dma_start3A_851] : memref<2048x8x1024xf32, #tpu.memory_space<hbm>> -> memref<2x8x1024xf32, #tpu.memory_space<hbm>>
    tpu.enqueue_dma source(%dma_start3A_852 : memref<2x8x1024xf32, #tpu.memory_space<hbm>>) target(%dma_start3A_848 : memref<2x8x1024xf32, #tpu.memory_space<vmem_shared>>) target_semaphore(%arg9 : memref<!tpu.dma_semaphore, #tpu.memory_space<semaphore_mem>>)
    %dma_wait3A_853 = arith.constant 0 : i32
    %dma_wait3A_854 = arith.constant 0 : i32
    %dma_wait3A_855 = arith.constant 0 : i32
    %dma_wait3A_856 = arith.constant 0 : i32
    %dma_wait3A_857 = tpu.memref_slice %arg4[%arg1, %dma_wait3A_853, %dma_wait3A_854, %dma_wait3A_855, %dma_wait3A_856] : memref<16x4x2x8x1024xf32, #tpu.memory_space<vmem_shared>> -> memref<1x1x2x8x1024xf32, #tpu.memory_space<vmem_shared>>
    %dma_wait3A_858 = tpu.memref_squeeze %dma_wait3A_857 : memref<1x1x2x8x1024xf32, #tpu.memory_space<vmem_shared>> -> memref<2x8x1024xf32, #tpu.memory_space<vmem_shared>>
    %dma_wait3A_859 = tpu.memref_reshape %arg2 : memref<16384x1024xf32, #tpu.memory_space<hbm>> -> memref<2048x8x1024xf32, #tpu.memory_space<hbm>>
    %dma_wait3A_860 = arith.constant 0 : i32
    %dma_wait3A_861 = arith.constant 0 : i32
    %dma_wait3A_862 = tpu.memref_slice %dma_wait3A_859[%select_n3A_658, %dma_wait3A_860, %dma_wait3A_861] : memref<2048x8x1024xf32, #tpu.memory_space<hbm>> -> memref<2x8x1024xf32, #tpu.memory_space<hbm>>
    tpu.wait_dma2 semaphore(%arg7 : memref<!tpu.dma_semaphore, #tpu.memory_space<semaphore_mem>>) src(%dma_wait3A_862 : memref<2x8x1024xf32, #tpu.memory_space<hbm>>) dst(%dma_wait3A_858 : memref<2x8x1024xf32, #tpu.memory_space<vmem_shared>>)
    %add3A_863 = arith.constant 128 : i32
    %add3A_864 = arith.addi %mul3A_2, %add3A_863 : i32
    %jit3A_865 = arith.constant 8 : i32
    %div3A_866 = arith.divsi %add3A_864, %jit3A_865 : i32
    %sign3A_867 = arith.constant 0 : i32
    %sign3A_868 = arith.cmpi sgt, %add3A_864, %sign3A_867 : i32
    %sign3A_869 = arith.extui %sign3A_868 : i1 to i32
    %sign3A_870 = arith.constant 0 : i32
    %sign3A_871 = arith.cmpi slt, %add3A_864, %sign3A_870 : i32
    %sign3A_872 = arith.extui %sign3A_871 : i1 to i32
    %sign3A_873 = arith.subi %sign3A_869, %sign3A_872 : i32
    %sign3A_874 = arith.constant 0 : i32
    %sign3A_875 = arith.cmpi sgt, %jit3A_865, %sign3A_874 : i32
    %sign3A_876 = arith.extui %sign3A_875 : i1 to i32
    %sign3A_877 = arith.constant 0 : i32
    %sign3A_878 = arith.cmpi slt, %jit3A_865, %sign3A_877 : i32
    %sign3A_879 = arith.extui %sign3A_878 : i1 to i32
    %sign3A_880 = arith.subi %sign3A_876, %sign3A_879 : i32
    %ne3A_881 = arith.cmpi ne, %sign3A_873, %sign3A_880 : i32
    %rem3A_882 = arith.remsi %add3A_864, %jit3A_865 : i32
    %ne3A_883 = arith.constant 0 : i32
    %ne3A_884 = arith.cmpi ne, %rem3A_882, %ne3A_883 : i32
    %and3A_885 = arith.andi %ne3A_881, %ne3A_884 : i1
    %sub3A_886 = arith.constant 1 : i32
    %sub3A_887 = arith.subi %div3A_866, %sub3A_886 : i32
    %select_n3A_888 = arith.select %and3A_885, %sub3A_887, %div3A_866 : i32
    %dma_start3A_889 = arith.constant 0 : i32
    %dma_start3A_890 = tpu.memref_reshape %arg3 : memref<16384x1024xf32, #tpu.memory_space<hbm>> -> memref<2048x8x1024xf32, #tpu.memory_space<hbm>>
    %dma_start3A_891 = arith.constant 0 : i32
    %dma_start3A_892 = arith.constant 0 : i32
    %dma_start3A_893 = tpu.memref_slice %dma_start3A_890[%select_n3A_888, %dma_start3A_891, %dma_start3A_892] : memref<2048x8x1024xf32, #tpu.memory_space<hbm>> -> memref<2x8x1024xf32, #tpu.memory_space<hbm>>
    %dma_start3A_894 = arith.constant 0 : i32
    %dma_start3A_895 = arith.constant 0 : i32
    %dma_start3A_896 = arith.constant 0 : i32
    %dma_start3A_897 = tpu.memref_slice %arg4[%arg1, %dma_start3A_889, %dma_start3A_894, %dma_start3A_895, %dma_start3A_896] : memref<16x4x2x8x1024xf32, #tpu.memory_space<vmem_shared>> -> memref<1x1x2x8x1024xf32, #tpu.memory_space<vmem_shared>>
    %dma_start3A_898 = tpu.memref_squeeze %dma_start3A_897 : memref<1x1x2x8x1024xf32, #tpu.memory_space<vmem_shared>> -> memref<2x8x1024xf32, #tpu.memory_space<vmem_shared>>
    tpu.enqueue_dma source(%dma_start3A_898 : memref<2x8x1024xf32, #tpu.memory_space<vmem_shared>>) target(%dma_start3A_893 : memref<2x8x1024xf32, #tpu.memory_space<hbm>>) target_semaphore(%arg11 : memref<!tpu.dma_semaphore, #tpu.memory_space<semaphore_mem>>)
    %dma_wait3A_899 = arith.constant 3 : i32
    %dma_wait3A_900 = tpu.memref_reshape %arg3 : memref<16384x1024xf32, #tpu.memory_space<hbm>> -> memref<2048x8x1024xf32, #tpu.memory_space<hbm>>
    %dma_wait3A_901 = arith.constant 0 : i32
    %dma_wait3A_902 = arith.constant 0 : i32
    %dma_wait3A_903 = tpu.memref_slice %dma_wait3A_900[%select_n3A_796, %dma_wait3A_901, %dma_wait3A_902] : memref<2048x8x1024xf32, #tpu.memory_space<hbm>> -> memref<2x8x1024xf32, #tpu.memory_space<hbm>>
    %dma_wait3A_904 = arith.constant 0 : i32
    %dma_wait3A_905 = arith.constant 0 : i32
    %dma_wait3A_906 = arith.constant 0 : i32
    %dma_wait3A_907 = tpu.memref_slice %arg4[%arg1, %dma_wait3A_899, %dma_wait3A_904, %dma_wait3A_905, %dma_wait3A_906] : memref<16x4x2x8x1024xf32, #tpu.memory_space<vmem_shared>> -> memref<1x1x2x8x1024xf32, #tpu.memory_space<vmem_shared>>
    %dma_wait3A_908 = tpu.memref_squeeze %dma_wait3A_907 : memref<1x1x2x8x1024xf32, #tpu.memory_space<vmem_shared>> -> memref<2x8x1024xf32, #tpu.memory_space<vmem_shared>>
    tpu.wait_dma2 semaphore(%arg14 : memref<!tpu.dma_semaphore, #tpu.memory_space<semaphore_mem>>) src(%dma_wait3A_908 : memref<2x8x1024xf32, #tpu.memory_space<vmem_shared>>) dst(%dma_wait3A_903 : memref<2x8x1024xf32, #tpu.memory_space<hbm>>)
    %add3A_909 = arith.constant 176 : i32
    %add3A_910 = arith.addi %mul3A_2, %add3A_909 : i32
    %jit3A_911 = arith.constant 8 : i32
    %div3A_912 = arith.divsi %add3A_910, %jit3A_911 : i32
    %sign3A_913 = arith.constant 0 : i32
    %sign3A_914 = arith.cmpi sgt, %add3A_910, %sign3A_913 : i32
    %sign3A_915 = arith.extui %sign3A_914 : i1 to i32
    %sign3A_916 = arith.constant 0 : i32
    %sign3A_917 = arith.cmpi slt, %add3A_910, %sign3A_916 : i32
    %sign3A_918 = arith.extui %sign3A_917 : i1 to i32
    %sign3A_919 = arith.subi %sign3A_915, %sign3A_918 : i32
    %sign3A_920 = arith.constant 0 : i32
    %sign3A_921 = arith.cmpi sgt, %jit3A_911, %sign3A_920 : i32
    %sign3A_922 = arith.extui %sign3A_921 : i1 to i32
    %sign3A_923 = arith.constant 0 : i32
    %sign3A_924 = arith.cmpi slt, %jit3A_911, %sign3A_923 : i32
    %sign3A_925 = arith.extui %sign3A_924 : i1 to i32
    %sign3A_926 = arith.subi %sign3A_922, %sign3A_925 : i32
    %ne3A_927 = arith.cmpi ne, %sign3A_919, %sign3A_926 : i32
    %rem3A_928 = arith.remsi %add3A_910, %jit3A_911 : i32
    %ne3A_929 = arith.constant 0 : i32
    %ne3A_930 = arith.cmpi ne, %rem3A_928, %ne3A_929 : i32
    %and3A_931 = arith.andi %ne3A_927, %ne3A_930 : i1
    %sub3A_932 = arith.constant 1 : i32
    %sub3A_933 = arith.subi %div3A_912, %sub3A_932 : i32
    %select_n3A_934 = arith.select %and3A_931, %sub3A_933, %div3A_912 : i32
    %dma_start3A_935 = arith.constant 3 : i32
    %dma_start3A_936 = arith.constant 0 : i32
    %dma_start3A_937 = arith.constant 0 : i32
    %dma_start3A_938 = arith.constant 0 : i32
    %dma_start3A_939 = tpu.memref_slice %arg4[%arg1, %dma_start3A_935, %dma_start3A_936, %dma_start3A_937, %dma_start3A_938] : memref<16x4x2x8x1024xf32, #tpu.memory_space<vmem_shared>> -> memref<1x1x2x8x1024xf32, #tpu.memory_space<vmem_shared>>
    %dma_start3A_940 = tpu.memref_squeeze %dma_start3A_939 : memref<1x1x2x8x1024xf32, #tpu.memory_space<vmem_shared>> -> memref<2x8x1024xf32, #tpu.memory_space<vmem_shared>>
    %dma_start3A_941 = tpu.memref_reshape %arg2 : memref<16384x1024xf32, #tpu.memory_space<hbm>> -> memref<2048x8x1024xf32, #tpu.memory_space<hbm>>
    %dma_start3A_942 = arith.constant 0 : i32
    %dma_start3A_943 = arith.constant 0 : i32
    %dma_start3A_944 = tpu.memref_slice %dma_start3A_941[%select_n3A_934, %dma_start3A_942, %dma_start3A_943] : memref<2048x8x1024xf32, #tpu.memory_space<hbm>> -> memref<2x8x1024xf32, #tpu.memory_space<hbm>>
    tpu.enqueue_dma source(%dma_start3A_944 : memref<2x8x1024xf32, #tpu.memory_space<hbm>>) target(%dma_start3A_940 : memref<2x8x1024xf32, #tpu.memory_space<vmem_shared>>) target_semaphore(%arg10 : memref<!tpu.dma_semaphore, #tpu.memory_space<semaphore_mem>>)
    %dma_wait3A_945 = arith.constant 1 : i32
    %dma_wait3A_946 = arith.constant 0 : i32
    %dma_wait3A_947 = arith.constant 0 : i32
    %dma_wait3A_948 = arith.constant 0 : i32
    %dma_wait3A_949 = tpu.memref_slice %arg4[%arg1, %dma_wait3A_945, %dma_wait3A_946, %dma_wait3A_947, %dma_wait3A_948] : memref<16x4x2x8x1024xf32, #tpu.memory_space<vmem_shared>> -> memref<1x1x2x8x1024xf32, #tpu.memory_space<vmem_shared>>
    %dma_wait3A_950 = tpu.memref_squeeze %dma_wait3A_949 : memref<1x1x2x8x1024xf32, #tpu.memory_space<vmem_shared>> -> memref<2x8x1024xf32, #tpu.memory_space<vmem_shared>>
    %dma_wait3A_951 = tpu.memref_reshape %arg2 : memref<16384x1024xf32, #tpu.memory_space<hbm>> -> memref<2048x8x1024xf32, #tpu.memory_space<hbm>>
    %dma_wait3A_952 = arith.constant 0 : i32
    %dma_wait3A_953 = arith.constant 0 : i32
    %dma_wait3A_954 = tpu.memref_slice %dma_wait3A_951[%select_n3A_750, %dma_wait3A_952, %dma_wait3A_953] : memref<2048x8x1024xf32, #tpu.memory_space<hbm>> -> memref<2x8x1024xf32, #tpu.memory_space<hbm>>
    tpu.wait_dma2 semaphore(%arg8 : memref<!tpu.dma_semaphore, #tpu.memory_space<semaphore_mem>>) src(%dma_wait3A_954 : memref<2x8x1024xf32, #tpu.memory_space<hbm>>) dst(%dma_wait3A_950 : memref<2x8x1024xf32, #tpu.memory_space<vmem_shared>>)
    %add3A_955 = arith.constant 144 : i32
    %add3A_956 = arith.addi %mul3A_2, %add3A_955 : i32
    %jit3A_957 = arith.constant 8 : i32
    %div3A_958 = arith.divsi %add3A_956, %jit3A_957 : i32
    %sign3A_959 = arith.constant 0 : i32
    %sign3A_960 = arith.cmpi sgt, %add3A_956, %sign3A_959 : i32
    %sign3A_961 = arith.extui %sign3A_960 : i1 to i32
    %sign3A_962 = arith.constant 0 : i32
    %sign3A_963 = arith.cmpi slt, %add3A_956, %sign3A_962 : i32
    %sign3A_964 = arith.extui %sign3A_963 : i1 to i32
    %sign3A_965 = arith.subi %sign3A_961, %sign3A_964 : i32
    %sign3A_966 = arith.constant 0 : i32
    %sign3A_967 = arith.cmpi sgt, %jit3A_957, %sign3A_966 : i32
    %sign3A_968 = arith.extui %sign3A_967 : i1 to i32
    %sign3A_969 = arith.constant 0 : i32
    %sign3A_970 = arith.cmpi slt, %jit3A_957, %sign3A_969 : i32
    %sign3A_971 = arith.extui %sign3A_970 : i1 to i32
    %sign3A_972 = arith.subi %sign3A_968, %sign3A_971 : i32
    %ne3A_973 = arith.cmpi ne, %sign3A_965, %sign3A_972 : i32
    %rem3A_974 = arith.remsi %add3A_956, %jit3A_957 : i32
    %ne3A_975 = arith.constant 0 : i32
    %ne3A_976 = arith.cmpi ne, %rem3A_974, %ne3A_975 : i32
    %and3A_977 = arith.andi %ne3A_973, %ne3A_976 : i1
    %sub3A_978 = arith.constant 1 : i32
    %sub3A_979 = arith.subi %div3A_958, %sub3A_978 : i32
    %select_n3A_980 = arith.select %and3A_977, %sub3A_979, %div3A_958 : i32
    %dma_start3A_981 = arith.constant 1 : i32
    %dma_start3A_982 = tpu.memref_reshape %arg3 : memref<16384x1024xf32, #tpu.memory_space<hbm>> -> memref<2048x8x1024xf32, #tpu.memory_space<hbm>>
    %dma_start3A_983 = arith.constant 0 : i32
    %dma_start3A_984 = arith.constant 0 : i32
    %dma_start3A_985 = tpu.memref_slice %dma_start3A_982[%select_n3A_980, %dma_start3A_983, %dma_start3A_984] : memref<2048x8x1024xf32, #tpu.memory_space<hbm>> -> memref<2x8x1024xf32, #tpu.memory_space<hbm>>
    %dma_start3A_986 = arith.constant 0 : i32
    %dma_start3A_987 = arith.constant 0 : i32
    %dma_start3A_988 = arith.constant 0 : i32
    %dma_start3A_989 = tpu.memref_slice %arg4[%arg1, %dma_start3A_981, %dma_start3A_986, %dma_start3A_987, %dma_start3A_988] : memref<16x4x2x8x1024xf32, #tpu.memory_space<vmem_shared>> -> memref<1x1x2x8x1024xf32, #tpu.memory_space<vmem_shared>>
    %dma_start3A_990 = tpu.memref_squeeze %dma_start3A_989 : memref<1x1x2x8x1024xf32, #tpu.memory_space<vmem_shared>> -> memref<2x8x1024xf32, #tpu.memory_space<vmem_shared>>
    tpu.enqueue_dma source(%dma_start3A_990 : memref<2x8x1024xf32, #tpu.memory_space<vmem_shared>>) target(%dma_start3A_985 : memref<2x8x1024xf32, #tpu.memory_space<hbm>>) target_semaphore(%arg12 : memref<!tpu.dma_semaphore, #tpu.memory_space<semaphore_mem>>)
    %dma_wait3A_991 = arith.constant 0 : i32
    %dma_wait3A_992 = tpu.memref_reshape %arg3 : memref<16384x1024xf32, #tpu.memory_space<hbm>> -> memref<2048x8x1024xf32, #tpu.memory_space<hbm>>
    %dma_wait3A_993 = arith.constant 0 : i32
    %dma_wait3A_994 = arith.constant 0 : i32
    %dma_wait3A_995 = tpu.memref_slice %dma_wait3A_992[%select_n3A_888, %dma_wait3A_993, %dma_wait3A_994] : memref<2048x8x1024xf32, #tpu.memory_space<hbm>> -> memref<2x8x1024xf32, #tpu.memory_space<hbm>>
    %dma_wait3A_996 = arith.constant 0 : i32
    %dma_wait3A_997 = arith.constant 0 : i32
    %dma_wait3A_998 = arith.constant 0 : i32
    %dma_wait3A_999 = tpu.memref_slice %arg4[%arg1, %dma_wait3A_991, %dma_wait3A_996, %dma_wait3A_997, %dma_wait3A_998] : memref<16x4x2x8x1024xf32, #tpu.memory_space<vmem_shared>> -> memref<1x1x2x8x1024xf32, #tpu.memory_space<vmem_shared>>
    %dma_wait3A_1000 = tpu.memref_squeeze %dma_wait3A_999 : memref<1x1x2x8x1024xf32, #tpu.memory_space<vmem_shared>> -> memref<2x8x1024xf32, #tpu.memory_space<vmem_shared>>
    tpu.wait_dma2 semaphore(%arg11 : memref<!tpu.dma_semaphore, #tpu.memory_space<semaphore_mem>>) src(%dma_wait3A_1000 : memref<2x8x1024xf32, #tpu.memory_space<vmem_shared>>) dst(%dma_wait3A_995 : memref<2x8x1024xf32, #tpu.memory_space<hbm>>)
    %add3A_1001 = arith.constant 192 : i32
    %add3A_1002 = arith.addi %mul3A_2, %add3A_1001 : i32
    %jit3A_1003 = arith.constant 8 : i32
    %div3A_1004 = arith.divsi %add3A_1002, %jit3A_1003 : i32
    %sign3A_1005 = arith.constant 0 : i32
    %sign3A_1006 = arith.cmpi sgt, %add3A_1002, %sign3A_1005 : i32
    %sign3A_1007 = arith.extui %sign3A_1006 : i1 to i32
    %sign3A_1008 = arith.constant 0 : i32
    %sign3A_1009 = arith.cmpi slt, %add3A_1002, %sign3A_1008 : i32
    %sign3A_1010 = arith.extui %sign3A_1009 : i1 to i32
    %sign3A_1011 = arith.subi %sign3A_1007, %sign3A_1010 : i32
    %sign3A_1012 = arith.constant 0 : i32
    %sign3A_1013 = arith.cmpi sgt, %jit3A_1003, %sign3A_1012 : i32
    %sign3A_1014 = arith.extui %sign3A_1013 : i1 to i32
    %sign3A_1015 = arith.constant 0 : i32
    %sign3A_1016 = arith.cmpi slt, %jit3A_1003, %sign3A_1015 : i32
    %sign3A_1017 = arith.extui %sign3A_1016 : i1 to i32
    %sign3A_1018 = arith.subi %sign3A_1014, %sign3A_1017 : i32
    %ne3A_1019 = arith.cmpi ne, %sign3A_1011, %sign3A_1018 : i32
    %rem3A_1020 = arith.remsi %add3A_1002, %jit3A_1003 : i32
    %ne3A_1021 = arith.constant 0 : i32
    %ne3A_1022 = arith.cmpi ne, %rem3A_1020, %ne3A_1021 : i32
    %and3A_1023 = arith.andi %ne3A_1019, %ne3A_1022 : i1
    %sub3A_1024 = arith.constant 1 : i32
    %sub3A_1025 = arith.subi %div3A_1004, %sub3A_1024 : i32
    %select_n3A_1026 = arith.select %and3A_1023, %sub3A_1025, %div3A_1004 : i32
    %dma_start3A_1027 = arith.constant 0 : i32
    %dma_start3A_1028 = arith.constant 0 : i32
    %dma_start3A_1029 = arith.constant 0 : i32
    %dma_start3A_1030 = arith.constant 0 : i32
    %dma_start3A_1031 = tpu.memref_slice %arg4[%arg1, %dma_start3A_1027, %dma_start3A_1028, %dma_start3A_1029, %dma_start3A_1030] : memref<16x4x2x8x1024xf32, #tpu.memory_space<vmem_shared>> -> memref<1x1x2x8x1024xf32, #tpu.memory_space<vmem_shared>>
    %dma_start3A_1032 = tpu.memref_squeeze %dma_start3A_1031 : memref<1x1x2x8x1024xf32, #tpu.memory_space<vmem_shared>> -> memref<2x8x1024xf32, #tpu.memory_space<vmem_shared>>
    %dma_start3A_1033 = tpu.memref_reshape %arg2 : memref<16384x1024xf32, #tpu.memory_space<hbm>> -> memref<2048x8x1024xf32, #tpu.memory_space<hbm>>
    %dma_start3A_1034 = arith.constant 0 : i32
    %dma_start3A_1035 = arith.constant 0 : i32
    %dma_start3A_1036 = tpu.memref_slice %dma_start3A_1033[%select_n3A_1026, %dma_start3A_1034, %dma_start3A_1035] : memref<2048x8x1024xf32, #tpu.memory_space<hbm>> -> memref<2x8x1024xf32, #tpu.memory_space<hbm>>
    tpu.enqueue_dma source(%dma_start3A_1036 : memref<2x8x1024xf32, #tpu.memory_space<hbm>>) target(%dma_start3A_1032 : memref<2x8x1024xf32, #tpu.memory_space<vmem_shared>>) target_semaphore(%arg7 : memref<!tpu.dma_semaphore, #tpu.memory_space<semaphore_mem>>)
    %dma_wait3A_1037 = arith.constant 2 : i32
    %dma_wait3A_1038 = arith.constant 0 : i32
    %dma_wait3A_1039 = arith.constant 0 : i32
    %dma_wait3A_1040 = arith.constant 0 : i32
    %dma_wait3A_1041 = tpu.memref_slice %arg4[%arg1, %dma_wait3A_1037, %dma_wait3A_1038, %dma_wait3A_1039, %dma_wait3A_1040] : memref<16x4x2x8x1024xf32, #tpu.memory_space<vmem_shared>> -> memref<1x1x2x8x1024xf32, #tpu.memory_space<vmem_shared>>
    %dma_wait3A_1042 = tpu.memref_squeeze %dma_wait3A_1041 : memref<1x1x2x8x1024xf32, #tpu.memory_space<vmem_shared>> -> memref<2x8x1024xf32, #tpu.memory_space<vmem_shared>>
    %dma_wait3A_1043 = tpu.memref_reshape %arg2 : memref<16384x1024xf32, #tpu.memory_space<hbm>> -> memref<2048x8x1024xf32, #tpu.memory_space<hbm>>
    %dma_wait3A_1044 = arith.constant 0 : i32
    %dma_wait3A_1045 = arith.constant 0 : i32
    %dma_wait3A_1046 = tpu.memref_slice %dma_wait3A_1043[%select_n3A_842, %dma_wait3A_1044, %dma_wait3A_1045] : memref<2048x8x1024xf32, #tpu.memory_space<hbm>> -> memref<2x8x1024xf32, #tpu.memory_space<hbm>>
    tpu.wait_dma2 semaphore(%arg9 : memref<!tpu.dma_semaphore, #tpu.memory_space<semaphore_mem>>) src(%dma_wait3A_1046 : memref<2x8x1024xf32, #tpu.memory_space<hbm>>) dst(%dma_wait3A_1042 : memref<2x8x1024xf32, #tpu.memory_space<vmem_shared>>)
    %add3A_1047 = arith.constant 160 : i32
    %add3A_1048 = arith.addi %mul3A_2, %add3A_1047 : i32
    %jit3A_1049 = arith.constant 8 : i32
    %div3A_1050 = arith.divsi %add3A_1048, %jit3A_1049 : i32
    %sign3A_1051 = arith.constant 0 : i32
    %sign3A_1052 = arith.cmpi sgt, %add3A_1048, %sign3A_1051 : i32
    %sign3A_1053 = arith.extui %sign3A_1052 : i1 to i32
    %sign3A_1054 = arith.constant 0 : i32
    %sign3A_1055 = arith.cmpi slt, %add3A_1048, %sign3A_1054 : i32
    %sign3A_1056 = arith.extui %sign3A_1055 : i1 to i32
    %sign3A_1057 = arith.subi %sign3A_1053, %sign3A_1056 : i32
    %sign3A_1058 = arith.constant 0 : i32
    %sign3A_1059 = arith.cmpi sgt, %jit3A_1049, %sign3A_1058 : i32
    %sign3A_1060 = arith.extui %sign3A_1059 : i1 to i32
    %sign3A_1061 = arith.constant 0 : i32
    %sign3A_1062 = arith.cmpi slt, %jit3A_1049, %sign3A_1061 : i32
    %sign3A_1063 = arith.extui %sign3A_1062 : i1 to i32
    %sign3A_1064 = arith.subi %sign3A_1060, %sign3A_1063 : i32
    %ne3A_1065 = arith.cmpi ne, %sign3A_1057, %sign3A_1064 : i32
    %rem3A_1066 = arith.remsi %add3A_1048, %jit3A_1049 : i32
    %ne3A_1067 = arith.constant 0 : i32
    %ne3A_1068 = arith.cmpi ne, %rem3A_1066, %ne3A_1067 : i32
    %and3A_1069 = arith.andi %ne3A_1065, %ne3A_1068 : i1
    %sub3A_1070 = arith.constant 1 : i32
    %sub3A_1071 = arith.subi %div3A_1050, %sub3A_1070 : i32
    %select_n3A_1072 = arith.select %and3A_1069, %sub3A_1071, %div3A_1050 : i32
    %dma_start3A_1073 = arith.constant 2 : i32
    %dma_start3A_1074 = tpu.memref_reshape %arg3 : memref<16384x1024xf32, #tpu.memory_space<hbm>> -> memref<2048x8x1024xf32, #tpu.memory_space<hbm>>
    %dma_start3A_1075 = arith.constant 0 : i32
    %dma_start3A_1076 = arith.constant 0 : i32
    %dma_start3A_1077 = tpu.memref_slice %dma_start3A_1074[%select_n3A_1072, %dma_start3A_1075, %dma_start3A_1076] : memref<2048x8x1024xf32, #tpu.memory_space<hbm>> -> memref<2x8x1024xf32, #tpu.memory_space<hbm>>
    %dma_start3A_1078 = arith.constant 0 : i32
    %dma_start3A_1079 = arith.constant 0 : i32
    %dma_start3A_1080 = arith.constant 0 : i32
    %dma_start3A_1081 = tpu.memref_slice %arg4[%arg1, %dma_start3A_1073, %dma_start3A_1078, %dma_start3A_1079, %dma_start3A_1080] : memref<16x4x2x8x1024xf32, #tpu.memory_space<vmem_shared>> -> memref<1x1x2x8x1024xf32, #tpu.memory_space<vmem_shared>>
    %dma_start3A_1082 = tpu.memref_squeeze %dma_start3A_1081 : memref<1x1x2x8x1024xf32, #tpu.memory_space<vmem_shared>> -> memref<2x8x1024xf32, #tpu.memory_space<vmem_shared>>
    tpu.enqueue_dma source(%dma_start3A_1082 : memref<2x8x1024xf32, #tpu.memory_space<vmem_shared>>) target(%dma_start3A_1077 : memref<2x8x1024xf32, #tpu.memory_space<hbm>>) target_semaphore(%arg13 : memref<!tpu.dma_semaphore, #tpu.memory_space<semaphore_mem>>)
    %dma_wait3A_1083 = arith.constant 1 : i32
    %dma_wait3A_1084 = tpu.memref_reshape %arg3 : memref<16384x1024xf32, #tpu.memory_space<hbm>> -> memref<2048x8x1024xf32, #tpu.memory_space<hbm>>
    %dma_wait3A_1085 = arith.constant 0 : i32
    %dma_wait3A_1086 = arith.constant 0 : i32
    %dma_wait3A_1087 = tpu.memref_slice %dma_wait3A_1084[%select_n3A_980, %dma_wait3A_1085, %dma_wait3A_1086] : memref<2048x8x1024xf32, #tpu.memory_space<hbm>> -> memref<2x8x1024xf32, #tpu.memory_space<hbm>>
    %dma_wait3A_1088 = arith.constant 0 : i32
    %dma_wait3A_1089 = arith.constant 0 : i32
    %dma_wait3A_1090 = arith.constant 0 : i32
    %dma_wait3A_1091 = tpu.memref_slice %arg4[%arg1, %dma_wait3A_1083, %dma_wait3A_1088, %dma_wait3A_1089, %dma_wait3A_1090] : memref<16x4x2x8x1024xf32, #tpu.memory_space<vmem_shared>> -> memref<1x1x2x8x1024xf32, #tpu.memory_space<vmem_shared>>
    %dma_wait3A_1092 = tpu.memref_squeeze %dma_wait3A_1091 : memref<1x1x2x8x1024xf32, #tpu.memory_space<vmem_shared>> -> memref<2x8x1024xf32, #tpu.memory_space<vmem_shared>>
    tpu.wait_dma2 semaphore(%arg12 : memref<!tpu.dma_semaphore, #tpu.memory_space<semaphore_mem>>) src(%dma_wait3A_1092 : memref<2x8x1024xf32, #tpu.memory_space<vmem_shared>>) dst(%dma_wait3A_1087 : memref<2x8x1024xf32, #tpu.memory_space<hbm>>)
    %add3A_1093 = arith.constant 208 : i32
    %add3A_1094 = arith.addi %mul3A_2, %add3A_1093 : i32
    %jit3A_1095 = arith.constant 8 : i32
    %div3A_1096 = arith.divsi %add3A_1094, %jit3A_1095 : i32
    %sign3A_1097 = arith.constant 0 : i32
    %sign3A_1098 = arith.cmpi sgt, %add3A_1094, %sign3A_1097 : i32
    %sign3A_1099 = arith.extui %sign3A_1098 : i1 to i32
    %sign3A_1100 = arith.constant 0 : i32
    %sign3A_1101 = arith.cmpi slt, %add3A_1094, %sign3A_1100 : i32
    %sign3A_1102 = arith.extui %sign3A_1101 : i1 to i32
    %sign3A_1103 = arith.subi %sign3A_1099, %sign3A_1102 : i32
    %sign3A_1104 = arith.constant 0 : i32
    %sign3A_1105 = arith.cmpi sgt, %jit3A_1095, %sign3A_1104 : i32
    %sign3A_1106 = arith.extui %sign3A_1105 : i1 to i32
    %sign3A_1107 = arith.constant 0 : i32
    %sign3A_1108 = arith.cmpi slt, %jit3A_1095, %sign3A_1107 : i32
    %sign3A_1109 = arith.extui %sign3A_1108 : i1 to i32
    %sign3A_1110 = arith.subi %sign3A_1106, %sign3A_1109 : i32
    %ne3A_1111 = arith.cmpi ne, %sign3A_1103, %sign3A_1110 : i32
    %rem3A_1112 = arith.remsi %add3A_1094, %jit3A_1095 : i32
    %ne3A_1113 = arith.constant 0 : i32
    %ne3A_1114 = arith.cmpi ne, %rem3A_1112, %ne3A_1113 : i32
    %and3A_1115 = arith.andi %ne3A_1111, %ne3A_1114 : i1
    %sub3A_1116 = arith.constant 1 : i32
    %sub3A_1117 = arith.subi %div3A_1096, %sub3A_1116 : i32
    %select_n3A_1118 = arith.select %and3A_1115, %sub3A_1117, %div3A_1096 : i32
    %dma_start3A_1119 = arith.constant 1 : i32
    %dma_start3A_1120 = arith.constant 0 : i32
    %dma_start3A_1121 = arith.constant 0 : i32
    %dma_start3A_1122 = arith.constant 0 : i32
    %dma_start3A_1123 = tpu.memref_slice %arg4[%arg1, %dma_start3A_1119, %dma_start3A_1120, %dma_start3A_1121, %dma_start3A_1122] : memref<16x4x2x8x1024xf32, #tpu.memory_space<vmem_shared>> -> memref<1x1x2x8x1024xf32, #tpu.memory_space<vmem_shared>>
    %dma_start3A_1124 = tpu.memref_squeeze %dma_start3A_1123 : memref<1x1x2x8x1024xf32, #tpu.memory_space<vmem_shared>> -> memref<2x8x1024xf32, #tpu.memory_space<vmem_shared>>
    %dma_start3A_1125 = tpu.memref_reshape %arg2 : memref<16384x1024xf32, #tpu.memory_space<hbm>> -> memref<2048x8x1024xf32, #tpu.memory_space<hbm>>
    %dma_start3A_1126 = arith.constant 0 : i32
    %dma_start3A_1127 = arith.constant 0 : i32
    %dma_start3A_1128 = tpu.memref_slice %dma_start3A_1125[%select_n3A_1118, %dma_start3A_1126, %dma_start3A_1127] : memref<2048x8x1024xf32, #tpu.memory_space<hbm>> -> memref<2x8x1024xf32, #tpu.memory_space<hbm>>
    tpu.enqueue_dma source(%dma_start3A_1128 : memref<2x8x1024xf32, #tpu.memory_space<hbm>>) target(%dma_start3A_1124 : memref<2x8x1024xf32, #tpu.memory_space<vmem_shared>>) target_semaphore(%arg8 : memref<!tpu.dma_semaphore, #tpu.memory_space<semaphore_mem>>)
    %dma_wait3A_1129 = arith.constant 3 : i32
    %dma_wait3A_1130 = arith.constant 0 : i32
    %dma_wait3A_1131 = arith.constant 0 : i32
    %dma_wait3A_1132 = arith.constant 0 : i32
    %dma_wait3A_1133 = tpu.memref_slice %arg4[%arg1, %dma_wait3A_1129, %dma_wait3A_1130, %dma_wait3A_1131, %dma_wait3A_1132] : memref<16x4x2x8x1024xf32, #tpu.memory_space<vmem_shared>> -> memref<1x1x2x8x1024xf32, #tpu.memory_space<vmem_shared>>
    %dma_wait3A_1134 = tpu.memref_squeeze %dma_wait3A_1133 : memref<1x1x2x8x1024xf32, #tpu.memory_space<vmem_shared>> -> memref<2x8x1024xf32, #tpu.memory_space<vmem_shared>>
    %dma_wait3A_1135 = tpu.memref_reshape %arg2 : memref<16384x1024xf32, #tpu.memory_space<hbm>> -> memref<2048x8x1024xf32, #tpu.memory_space<hbm>>
    %dma_wait3A_1136 = arith.constant 0 : i32
    %dma_wait3A_1137 = arith.constant 0 : i32
    %dma_wait3A_1138 = tpu.memref_slice %dma_wait3A_1135[%select_n3A_934, %dma_wait3A_1136, %dma_wait3A_1137] : memref<2048x8x1024xf32, #tpu.memory_space<hbm>> -> memref<2x8x1024xf32, #tpu.memory_space<hbm>>
    tpu.wait_dma2 semaphore(%arg10 : memref<!tpu.dma_semaphore, #tpu.memory_space<semaphore_mem>>) src(%dma_wait3A_1138 : memref<2x8x1024xf32, #tpu.memory_space<hbm>>) dst(%dma_wait3A_1134 : memref<2x8x1024xf32, #tpu.memory_space<vmem_shared>>)
    %add3A_1139 = arith.constant 176 : i32
    %add3A_1140 = arith.addi %mul3A_2, %add3A_1139 : i32
    %jit3A_1141 = arith.constant 8 : i32
    %div3A_1142 = arith.divsi %add3A_1140, %jit3A_1141 : i32
    %sign3A_1143 = arith.constant 0 : i32
    %sign3A_1144 = arith.cmpi sgt, %add3A_1140, %sign3A_1143 : i32
    %sign3A_1145 = arith.extui %sign3A_1144 : i1 to i32
    %sign3A_1146 = arith.constant 0 : i32
    %sign3A_1147 = arith.cmpi slt, %add3A_1140, %sign3A_1146 : i32
    %sign3A_1148 = arith.extui %sign3A_1147 : i1 to i32
    %sign3A_1149 = arith.subi %sign3A_1145, %sign3A_1148 : i32
    %sign3A_1150 = arith.constant 0 : i32
    %sign3A_1151 = arith.cmpi sgt, %jit3A_1141, %sign3A_1150 : i32
    %sign3A_1152 = arith.extui %sign3A_1151 : i1 to i32
    %sign3A_1153 = arith.constant 0 : i32
    %sign3A_1154 = arith.cmpi slt, %jit3A_1141, %sign3A_1153 : i32
    %sign3A_1155 = arith.extui %sign3A_1154 : i1 to i32
    %sign3A_1156 = arith.subi %sign3A_1152, %sign3A_1155 : i32
    %ne3A_1157 = arith.cmpi ne, %sign3A_1149, %sign3A_1156 : i32
    %rem3A_1158 = arith.remsi %add3A_1140, %jit3A_1141 : i32
    %ne3A_1159 = arith.constant 0 : i32
    %ne3A_1160 = arith.cmpi ne, %rem3A_1158, %ne3A_1159 : i32
    %and3A_1161 = arith.andi %ne3A_1157, %ne3A_1160 : i1
    %sub3A_1162 = arith.constant 1 : i32
    %sub3A_1163 = arith.subi %div3A_1142, %sub3A_1162 : i32
    %select_n3A_1164 = arith.select %and3A_1161, %sub3A_1163, %div3A_1142 : i32
    %dma_start3A_1165 = arith.constant 3 : i32
    %dma_start3A_1166 = tpu.memref_reshape %arg3 : memref<16384x1024xf32, #tpu.memory_space<hbm>> -> memref<2048x8x1024xf32, #tpu.memory_space<hbm>>
    %dma_start3A_1167 = arith.constant 0 : i32
    %dma_start3A_1168 = arith.constant 0 : i32
    %dma_start3A_1169 = tpu.memref_slice %dma_start3A_1166[%select_n3A_1164, %dma_start3A_1167, %dma_start3A_1168] : memref<2048x8x1024xf32, #tpu.memory_space<hbm>> -> memref<2x8x1024xf32, #tpu.memory_space<hbm>>
    %dma_start3A_1170 = arith.constant 0 : i32
    %dma_start3A_1171 = arith.constant 0 : i32
    %dma_start3A_1172 = arith.constant 0 : i32
    %dma_start3A_1173 = tpu.memref_slice %arg4[%arg1, %dma_start3A_1165, %dma_start3A_1170, %dma_start3A_1171, %dma_start3A_1172] : memref<16x4x2x8x1024xf32, #tpu.memory_space<vmem_shared>> -> memref<1x1x2x8x1024xf32, #tpu.memory_space<vmem_shared>>
    %dma_start3A_1174 = tpu.memref_squeeze %dma_start3A_1173 : memref<1x1x2x8x1024xf32, #tpu.memory_space<vmem_shared>> -> memref<2x8x1024xf32, #tpu.memory_space<vmem_shared>>
    tpu.enqueue_dma source(%dma_start3A_1174 : memref<2x8x1024xf32, #tpu.memory_space<vmem_shared>>) target(%dma_start3A_1169 : memref<2x8x1024xf32, #tpu.memory_space<hbm>>) target_semaphore(%arg14 : memref<!tpu.dma_semaphore, #tpu.memory_space<semaphore_mem>>)
    %dma_wait3A_1175 = arith.constant 2 : i32
    %dma_wait3A_1176 = tpu.memref_reshape %arg3 : memref<16384x1024xf32, #tpu.memory_space<hbm>> -> memref<2048x8x1024xf32, #tpu.memory_space<hbm>>
    %dma_wait3A_1177 = arith.constant 0 : i32
    %dma_wait3A_1178 = arith.constant 0 : i32
    %dma_wait3A_1179 = tpu.memref_slice %dma_wait3A_1176[%select_n3A_1072, %dma_wait3A_1177, %dma_wait3A_1178] : memref<2048x8x1024xf32, #tpu.memory_space<hbm>> -> memref<2x8x1024xf32, #tpu.memory_space<hbm>>
    %dma_wait3A_1180 = arith.constant 0 : i32
    %dma_wait3A_1181 = arith.constant 0 : i32
    %dma_wait3A_1182 = arith.constant 0 : i32
    %dma_wait3A_1183 = tpu.memref_slice %arg4[%arg1, %dma_wait3A_1175, %dma_wait3A_1180, %dma_wait3A_1181, %dma_wait3A_1182] : memref<16x4x2x8x1024xf32, #tpu.memory_space<vmem_shared>> -> memref<1x1x2x8x1024xf32, #tpu.memory_space<vmem_shared>>
    %dma_wait3A_1184 = tpu.memref_squeeze %dma_wait3A_1183 : memref<1x1x2x8x1024xf32, #tpu.memory_space<vmem_shared>> -> memref<2x8x1024xf32, #tpu.memory_space<vmem_shared>>
    tpu.wait_dma2 semaphore(%arg13 : memref<!tpu.dma_semaphore, #tpu.memory_space<semaphore_mem>>) src(%dma_wait3A_1184 : memref<2x8x1024xf32, #tpu.memory_space<vmem_shared>>) dst(%dma_wait3A_1179 : memref<2x8x1024xf32, #tpu.memory_space<hbm>>)
    %add3A_1185 = arith.constant 224 : i32
    %add3A_1186 = arith.addi %mul3A_2, %add3A_1185 : i32
    %jit3A_1187 = arith.constant 8 : i32
    %div3A_1188 = arith.divsi %add3A_1186, %jit3A_1187 : i32
    %sign3A_1189 = arith.constant 0 : i32
    %sign3A_1190 = arith.cmpi sgt, %add3A_1186, %sign3A_1189 : i32
    %sign3A_1191 = arith.extui %sign3A_1190 : i1 to i32
    %sign3A_1192 = arith.constant 0 : i32
    %sign3A_1193 = arith.cmpi slt, %add3A_1186, %sign3A_1192 : i32
    %sign3A_1194 = arith.extui %sign3A_1193 : i1 to i32
    %sign3A_1195 = arith.subi %sign3A_1191, %sign3A_1194 : i32
    %sign3A_1196 = arith.constant 0 : i32
    %sign3A_1197 = arith.cmpi sgt, %jit3A_1187, %sign3A_1196 : i32
    %sign3A_1198 = arith.extui %sign3A_1197 : i1 to i32
    %sign3A_1199 = arith.constant 0 : i32
    %sign3A_1200 = arith.cmpi slt, %jit3A_1187, %sign3A_1199 : i32
    %sign3A_1201 = arith.extui %sign3A_1200 : i1 to i32
    %sign3A_1202 = arith.subi %sign3A_1198, %sign3A_1201 : i32
    %ne3A_1203 = arith.cmpi ne, %sign3A_1195, %sign3A_1202 : i32
    %rem3A_1204 = arith.remsi %add3A_1186, %jit3A_1187 : i32
    %ne3A_1205 = arith.constant 0 : i32
    %ne3A_1206 = arith.cmpi ne, %rem3A_1204, %ne3A_1205 : i32
    %and3A_1207 = arith.andi %ne3A_1203, %ne3A_1206 : i1
    %sub3A_1208 = arith.constant 1 : i32
    %sub3A_1209 = arith.subi %div3A_1188, %sub3A_1208 : i32
    %select_n3A_1210 = arith.select %and3A_1207, %sub3A_1209, %div3A_1188 : i32
    %dma_start3A_1211 = arith.constant 2 : i32
    %dma_start3A_1212 = arith.constant 0 : i32
    %dma_start3A_1213 = arith.constant 0 : i32
    %dma_start3A_1214 = arith.constant 0 : i32
    %dma_start3A_1215 = tpu.memref_slice %arg4[%arg1, %dma_start3A_1211, %dma_start3A_1212, %dma_start3A_1213, %dma_start3A_1214] : memref<16x4x2x8x1024xf32, #tpu.memory_space<vmem_shared>> -> memref<1x1x2x8x1024xf32, #tpu.memory_space<vmem_shared>>
    %dma_start3A_1216 = tpu.memref_squeeze %dma_start3A_1215 : memref<1x1x2x8x1024xf32, #tpu.memory_space<vmem_shared>> -> memref<2x8x1024xf32, #tpu.memory_space<vmem_shared>>
    %dma_start3A_1217 = tpu.memref_reshape %arg2 : memref<16384x1024xf32, #tpu.memory_space<hbm>> -> memref<2048x8x1024xf32, #tpu.memory_space<hbm>>
    %dma_start3A_1218 = arith.constant 0 : i32
    %dma_start3A_1219 = arith.constant 0 : i32
    %dma_start3A_1220 = tpu.memref_slice %dma_start3A_1217[%select_n3A_1210, %dma_start3A_1218, %dma_start3A_1219] : memref<2048x8x1024xf32, #tpu.memory_space<hbm>> -> memref<2x8x1024xf32, #tpu.memory_space<hbm>>
    tpu.enqueue_dma source(%dma_start3A_1220 : memref<2x8x1024xf32, #tpu.memory_space<hbm>>) target(%dma_start3A_1216 : memref<2x8x1024xf32, #tpu.memory_space<vmem_shared>>) target_semaphore(%arg9 : memref<!tpu.dma_semaphore, #tpu.memory_space<semaphore_mem>>)
    %dma_wait3A_1221 = arith.constant 0 : i32
    %dma_wait3A_1222 = arith.constant 0 : i32
    %dma_wait3A_1223 = arith.constant 0 : i32
    %dma_wait3A_1224 = arith.constant 0 : i32
    %dma_wait3A_1225 = tpu.memref_slice %arg4[%arg1, %dma_wait3A_1221, %dma_wait3A_1222, %dma_wait3A_1223, %dma_wait3A_1224] : memref<16x4x2x8x1024xf32, #tpu.memory_space<vmem_shared>> -> memref<1x1x2x8x1024xf32, #tpu.memory_space<vmem_shared>>
    %dma_wait3A_1226 = tpu.memref_squeeze %dma_wait3A_1225 : memref<1x1x2x8x1024xf32, #tpu.memory_space<vmem_shared>> -> memref<2x8x1024xf32, #tpu.memory_space<vmem_shared>>
    %dma_wait3A_1227 = tpu.memref_reshape %arg2 : memref<16384x1024xf32, #tpu.memory_space<hbm>> -> memref<2048x8x1024xf32, #tpu.memory_space<hbm>>
    %dma_wait3A_1228 = arith.constant 0 : i32
    %dma_wait3A_1229 = arith.constant 0 : i32
    %dma_wait3A_1230 = tpu.memref_slice %dma_wait3A_1227[%select_n3A_1026, %dma_wait3A_1228, %dma_wait3A_1229] : memref<2048x8x1024xf32, #tpu.memory_space<hbm>> -> memref<2x8x1024xf32, #tpu.memory_space<hbm>>
    tpu.wait_dma2 semaphore(%arg7 : memref<!tpu.dma_semaphore, #tpu.memory_space<semaphore_mem>>) src(%dma_wait3A_1230 : memref<2x8x1024xf32, #tpu.memory_space<hbm>>) dst(%dma_wait3A_1226 : memref<2x8x1024xf32, #tpu.memory_space<vmem_shared>>)
    %add3A_1231 = arith.constant 192 : i32
    %add3A_1232 = arith.addi %mul3A_2, %add3A_1231 : i32
    %jit3A_1233 = arith.constant 8 : i32
    %div3A_1234 = arith.divsi %add3A_1232, %jit3A_1233 : i32
    %sign3A_1235 = arith.constant 0 : i32
    %sign3A_1236 = arith.cmpi sgt, %add3A_1232, %sign3A_1235 : i32
    %sign3A_1237 = arith.extui %sign3A_1236 : i1 to i32
    %sign3A_1238 = arith.constant 0 : i32
    %sign3A_1239 = arith.cmpi slt, %add3A_1232, %sign3A_1238 : i32
    %sign3A_1240 = arith.extui %sign3A_1239 : i1 to i32
    %sign3A_1241 = arith.subi %sign3A_1237, %sign3A_1240 : i32
    %sign3A_1242 = arith.constant 0 : i32
    %sign3A_1243 = arith.cmpi sgt, %jit3A_1233, %sign3A_1242 : i32
    %sign3A_1244 = arith.extui %sign3A_1243 : i1 to i32
    %sign3A_1245 = arith.constant 0 : i32
    %sign3A_1246 = arith.cmpi slt, %jit3A_1233, %sign3A_1245 : i32
    %sign3A_1247 = arith.extui %sign3A_1246 : i1 to i32
    %sign3A_1248 = arith.subi %sign3A_1244, %sign3A_1247 : i32
    %ne3A_1249 = arith.cmpi ne, %sign3A_1241, %sign3A_1248 : i32
    %rem3A_1250 = arith.remsi %add3A_1232, %jit3A_1233 : i32
    %ne3A_1251 = arith.constant 0 : i32
    %ne3A_1252 = arith.cmpi ne, %rem3A_1250, %ne3A_1251 : i32
    %and3A_1253 = arith.andi %ne3A_1249, %ne3A_1252 : i1
    %sub3A_1254 = arith.constant 1 : i32
    %sub3A_1255 = arith.subi %div3A_1234, %sub3A_1254 : i32
    %select_n3A_1256 = arith.select %and3A_1253, %sub3A_1255, %div3A_1234 : i32
    %dma_start3A_1257 = arith.constant 0 : i32
    %dma_start3A_1258 = tpu.memref_reshape %arg3 : memref<16384x1024xf32, #tpu.memory_space<hbm>> -> memref<2048x8x1024xf32, #tpu.memory_space<hbm>>
    %dma_start3A_1259 = arith.constant 0 : i32
    %dma_start3A_1260 = arith.constant 0 : i32
    %dma_start3A_1261 = tpu.memref_slice %dma_start3A_1258[%select_n3A_1256, %dma_start3A_1259, %dma_start3A_1260] : memref<2048x8x1024xf32, #tpu.memory_space<hbm>> -> memref<2x8x1024xf32, #tpu.memory_space<hbm>>
    %dma_start3A_1262 = arith.constant 0 : i32
    %dma_start3A_1263 = arith.constant 0 : i32
    %dma_start3A_1264 = arith.constant 0 : i32
    %dma_start3A_1265 = tpu.memref_slice %arg4[%arg1, %dma_start3A_1257, %dma_start3A_1262, %dma_start3A_1263, %dma_start3A_1264] : memref<16x4x2x8x1024xf32, #tpu.memory_space<vmem_shared>> -> memref<1x1x2x8x1024xf32, #tpu.memory_space<vmem_shared>>
    %dma_start3A_1266 = tpu.memref_squeeze %dma_start3A_1265 : memref<1x1x2x8x1024xf32, #tpu.memory_space<vmem_shared>> -> memref<2x8x1024xf32, #tpu.memory_space<vmem_shared>>
    tpu.enqueue_dma source(%dma_start3A_1266 : memref<2x8x1024xf32, #tpu.memory_space<vmem_shared>>) target(%dma_start3A_1261 : memref<2x8x1024xf32, #tpu.memory_space<hbm>>) target_semaphore(%arg11 : memref<!tpu.dma_semaphore, #tpu.memory_space<semaphore_mem>>)
    %dma_wait3A_1267 = arith.constant 3 : i32
    %dma_wait3A_1268 = tpu.memref_reshape %arg3 : memref<16384x1024xf32, #tpu.memory_space<hbm>> -> memref<2048x8x1024xf32, #tpu.memory_space<hbm>>
    %dma_wait3A_1269 = arith.constant 0 : i32
    %dma_wait3A_1270 = arith.constant 0 : i32
    %dma_wait3A_1271 = tpu.memref_slice %dma_wait3A_1268[%select_n3A_1164, %dma_wait3A_1269, %dma_wait3A_1270] : memref<2048x8x1024xf32, #tpu.memory_space<hbm>> -> memref<2x8x1024xf32, #tpu.memory_space<hbm>>
    %dma_wait3A_1272 = arith.constant 0 : i32
    %dma_wait3A_1273 = arith.constant 0 : i32
    %dma_wait3A_1274 = arith.constant 0 : i32
    %dma_wait3A_1275 = tpu.memref_slice %arg4[%arg1, %dma_wait3A_1267, %dma_wait3A_1272, %dma_wait3A_1273, %dma_wait3A_1274] : memref<16x4x2x8x1024xf32, #tpu.memory_space<vmem_shared>> -> memref<1x1x2x8x1024xf32, #tpu.memory_space<vmem_shared>>
    %dma_wait3A_1276 = tpu.memref_squeeze %dma_wait3A_1275 : memref<1x1x2x8x1024xf32, #tpu.memory_space<vmem_shared>> -> memref<2x8x1024xf32, #tpu.memory_space<vmem_shared>>
    tpu.wait_dma2 semaphore(%arg14 : memref<!tpu.dma_semaphore, #tpu.memory_space<semaphore_mem>>) src(%dma_wait3A_1276 : memref<2x8x1024xf32, #tpu.memory_space<vmem_shared>>) dst(%dma_wait3A_1271 : memref<2x8x1024xf32, #tpu.memory_space<hbm>>)
    %add3A_1277 = arith.constant 240 : i32
    %add3A_1278 = arith.addi %mul3A_2, %add3A_1277 : i32
    %jit3A_1279 = arith.constant 8 : i32
    %div3A_1280 = arith.divsi %add3A_1278, %jit3A_1279 : i32
    %sign3A_1281 = arith.constant 0 : i32
    %sign3A_1282 = arith.cmpi sgt, %add3A_1278, %sign3A_1281 : i32
    %sign3A_1283 = arith.extui %sign3A_1282 : i1 to i32
    %sign3A_1284 = arith.constant 0 : i32
    %sign3A_1285 = arith.cmpi slt, %add3A_1278, %sign3A_1284 : i32
    %sign3A_1286 = arith.extui %sign3A_1285 : i1 to i32
    %sign3A_1287 = arith.subi %sign3A_1283, %sign3A_1286 : i32
    %sign3A_1288 = arith.constant 0 : i32
    %sign3A_1289 = arith.cmpi sgt, %jit3A_1279, %sign3A_1288 : i32
    %sign3A_1290 = arith.extui %sign3A_1289 : i1 to i32
    %sign3A_1291 = arith.constant 0 : i32
    %sign3A_1292 = arith.cmpi slt, %jit3A_1279, %sign3A_1291 : i32
    %sign3A_1293 = arith.extui %sign3A_1292 : i1 to i32
    %sign3A_1294 = arith.subi %sign3A_1290, %sign3A_1293 : i32
    %ne3A_1295 = arith.cmpi ne, %sign3A_1287, %sign3A_1294 : i32
    %rem3A_1296 = arith.remsi %add3A_1278, %jit3A_1279 : i32
    %ne3A_1297 = arith.constant 0 : i32
    %ne3A_1298 = arith.cmpi ne, %rem3A_1296, %ne3A_1297 : i32
    %and3A_1299 = arith.andi %ne3A_1295, %ne3A_1298 : i1
    %sub3A_1300 = arith.constant 1 : i32
    %sub3A_1301 = arith.subi %div3A_1280, %sub3A_1300 : i32
    %select_n3A_1302 = arith.select %and3A_1299, %sub3A_1301, %div3A_1280 : i32
    %dma_start3A_1303 = arith.constant 3 : i32
    %dma_start3A_1304 = arith.constant 0 : i32
    %dma_start3A_1305 = arith.constant 0 : i32
    %dma_start3A_1306 = arith.constant 0 : i32
    %dma_start3A_1307 = tpu.memref_slice %arg4[%arg1, %dma_start3A_1303, %dma_start3A_1304, %dma_start3A_1305, %dma_start3A_1306] : memref<16x4x2x8x1024xf32, #tpu.memory_space<vmem_shared>> -> memref<1x1x2x8x1024xf32, #tpu.memory_space<vmem_shared>>
    %dma_start3A_1308 = tpu.memref_squeeze %dma_start3A_1307 : memref<1x1x2x8x1024xf32, #tpu.memory_space<vmem_shared>> -> memref<2x8x1024xf32, #tpu.memory_space<vmem_shared>>
    %dma_start3A_1309 = tpu.memref_reshape %arg2 : memref<16384x1024xf32, #tpu.memory_space<hbm>> -> memref<2048x8x1024xf32, #tpu.memory_space<hbm>>
    %dma_start3A_1310 = arith.constant 0 : i32
    %dma_start3A_1311 = arith.constant 0 : i32
    %dma_start3A_1312 = tpu.memref_slice %dma_start3A_1309[%select_n3A_1302, %dma_start3A_1310, %dma_start3A_1311] : memref<2048x8x1024xf32, #tpu.memory_space<hbm>> -> memref<2x8x1024xf32, #tpu.memory_space<hbm>>
    tpu.enqueue_dma source(%dma_start3A_1312 : memref<2x8x1024xf32, #tpu.memory_space<hbm>>) target(%dma_start3A_1308 : memref<2x8x1024xf32, #tpu.memory_space<vmem_shared>>) target_semaphore(%arg10 : memref<!tpu.dma_semaphore, #tpu.memory_space<semaphore_mem>>)
    %dma_wait3A_1313 = arith.constant 1 : i32
    %dma_wait3A_1314 = arith.constant 0 : i32
    %dma_wait3A_1315 = arith.constant 0 : i32
    %dma_wait3A_1316 = arith.constant 0 : i32
    %dma_wait3A_1317 = tpu.memref_slice %arg4[%arg1, %dma_wait3A_1313, %dma_wait3A_1314, %dma_wait3A_1315, %dma_wait3A_1316] : memref<16x4x2x8x1024xf32, #tpu.memory_space<vmem_shared>> -> memref<1x1x2x8x1024xf32, #tpu.memory_space<vmem_shared>>
    %dma_wait3A_1318 = tpu.memref_squeeze %dma_wait3A_1317 : memref<1x1x2x8x1024xf32, #tpu.memory_space<vmem_shared>> -> memref<2x8x1024xf32, #tpu.memory_space<vmem_shared>>
    %dma_wait3A_1319 = tpu.memref_reshape %arg2 : memref<16384x1024xf32, #tpu.memory_space<hbm>> -> memref<2048x8x1024xf32, #tpu.memory_space<hbm>>
    %dma_wait3A_1320 = arith.constant 0 : i32
    %dma_wait3A_1321 = arith.constant 0 : i32
    %dma_wait3A_1322 = tpu.memref_slice %dma_wait3A_1319[%select_n3A_1118, %dma_wait3A_1320, %dma_wait3A_1321] : memref<2048x8x1024xf32, #tpu.memory_space<hbm>> -> memref<2x8x1024xf32, #tpu.memory_space<hbm>>
    tpu.wait_dma2 semaphore(%arg8 : memref<!tpu.dma_semaphore, #tpu.memory_space<semaphore_mem>>) src(%dma_wait3A_1322 : memref<2x8x1024xf32, #tpu.memory_space<hbm>>) dst(%dma_wait3A_1318 : memref<2x8x1024xf32, #tpu.memory_space<vmem_shared>>)
    %add3A_1323 = arith.constant 208 : i32
    %add3A_1324 = arith.addi %mul3A_2, %add3A_1323 : i32
    %jit3A_1325 = arith.constant 8 : i32
    %div3A_1326 = arith.divsi %add3A_1324, %jit3A_1325 : i32
    %sign3A_1327 = arith.constant 0 : i32
    %sign3A_1328 = arith.cmpi sgt, %add3A_1324, %sign3A_1327 : i32
    %sign3A_1329 = arith.extui %sign3A_1328 : i1 to i32
    %sign3A_1330 = arith.constant 0 : i32
    %sign3A_1331 = arith.cmpi slt, %add3A_1324, %sign3A_1330 : i32
    %sign3A_1332 = arith.extui %sign3A_1331 : i1 to i32
    %sign3A_1333 = arith.subi %sign3A_1329, %sign3A_1332 : i32
    %sign3A_1334 = arith.constant 0 : i32
    %sign3A_1335 = arith.cmpi sgt, %jit3A_1325, %sign3A_1334 : i32
    %sign3A_1336 = arith.extui %sign3A_1335 : i1 to i32
    %sign3A_1337 = arith.constant 0 : i32
    %sign3A_1338 = arith.cmpi slt, %jit3A_1325, %sign3A_1337 : i32
    %sign3A_1339 = arith.extui %sign3A_1338 : i1 to i32
    %sign3A_1340 = arith.subi %sign3A_1336, %sign3A_1339 : i32
    %ne3A_1341 = arith.cmpi ne, %sign3A_1333, %sign3A_1340 : i32
    %rem3A_1342 = arith.remsi %add3A_1324, %jit3A_1325 : i32
    %ne3A_1343 = arith.constant 0 : i32
    %ne3A_1344 = arith.cmpi ne, %rem3A_1342, %ne3A_1343 : i32
    %and3A_1345 = arith.andi %ne3A_1341, %ne3A_1344 : i1
    %sub3A_1346 = arith.constant 1 : i32
    %sub3A_1347 = arith.subi %div3A_1326, %sub3A_1346 : i32
    %select_n3A_1348 = arith.select %and3A_1345, %sub3A_1347, %div3A_1326 : i32
    %dma_start3A_1349 = arith.constant 1 : i32
    %dma_start3A_1350 = tpu.memref_reshape %arg3 : memref<16384x1024xf32, #tpu.memory_space<hbm>> -> memref<2048x8x1024xf32, #tpu.memory_space<hbm>>
    %dma_start3A_1351 = arith.constant 0 : i32
    %dma_start3A_1352 = arith.constant 0 : i32
    %dma_start3A_1353 = tpu.memref_slice %dma_start3A_1350[%select_n3A_1348, %dma_start3A_1351, %dma_start3A_1352] : memref<2048x8x1024xf32, #tpu.memory_space<hbm>> -> memref<2x8x1024xf32, #tpu.memory_space<hbm>>
    %dma_start3A_1354 = arith.constant 0 : i32
    %dma_start3A_1355 = arith.constant 0 : i32
    %dma_start3A_1356 = arith.constant 0 : i32
    %dma_start3A_1357 = tpu.memref_slice %arg4[%arg1, %dma_start3A_1349, %dma_start3A_1354, %dma_start3A_1355, %dma_start3A_1356] : memref<16x4x2x8x1024xf32, #tpu.memory_space<vmem_shared>> -> memref<1x1x2x8x1024xf32, #tpu.memory_space<vmem_shared>>
    %dma_start3A_1358 = tpu.memref_squeeze %dma_start3A_1357 : memref<1x1x2x8x1024xf32, #tpu.memory_space<vmem_shared>> -> memref<2x8x1024xf32, #tpu.memory_space<vmem_shared>>
    tpu.enqueue_dma source(%dma_start3A_1358 : memref<2x8x1024xf32, #tpu.memory_space<vmem_shared>>) target(%dma_start3A_1353 : memref<2x8x1024xf32, #tpu.memory_space<hbm>>) target_semaphore(%arg12 : memref<!tpu.dma_semaphore, #tpu.memory_space<semaphore_mem>>)
    %dma_wait3A_1359 = arith.constant 2 : i32
    %dma_wait3A_1360 = arith.constant 0 : i32
    %dma_wait3A_1361 = arith.constant 0 : i32
    %dma_wait3A_1362 = arith.constant 0 : i32
    %dma_wait3A_1363 = tpu.memref_slice %arg4[%arg1, %dma_wait3A_1359, %dma_wait3A_1360, %dma_wait3A_1361, %dma_wait3A_1362] : memref<16x4x2x8x1024xf32, #tpu.memory_space<vmem_shared>> -> memref<1x1x2x8x1024xf32, #tpu.memory_space<vmem_shared>>
    %dma_wait3A_1364 = tpu.memref_squeeze %dma_wait3A_1363 : memref<1x1x2x8x1024xf32, #tpu.memory_space<vmem_shared>> -> memref<2x8x1024xf32, #tpu.memory_space<vmem_shared>>
    %dma_wait3A_1365 = tpu.memref_reshape %arg2 : memref<16384x1024xf32, #tpu.memory_space<hbm>> -> memref<2048x8x1024xf32, #tpu.memory_space<hbm>>
    %dma_wait3A_1366 = arith.constant 0 : i32
    %dma_wait3A_1367 = arith.constant 0 : i32
    %dma_wait3A_1368 = tpu.memref_slice %dma_wait3A_1365[%select_n3A_1210, %dma_wait3A_1366, %dma_wait3A_1367] : memref<2048x8x1024xf32, #tpu.memory_space<hbm>> -> memref<2x8x1024xf32, #tpu.memory_space<hbm>>
    tpu.wait_dma2 semaphore(%arg9 : memref<!tpu.dma_semaphore, #tpu.memory_space<semaphore_mem>>) src(%dma_wait3A_1368 : memref<2x8x1024xf32, #tpu.memory_space<hbm>>) dst(%dma_wait3A_1364 : memref<2x8x1024xf32, #tpu.memory_space<vmem_shared>>)
    %add3A_1369 = arith.constant 224 : i32
    %add3A_1370 = arith.addi %mul3A_2, %add3A_1369 : i32
    %jit3A_1371 = arith.constant 8 : i32
    %div3A_1372 = arith.divsi %add3A_1370, %jit3A_1371 : i32
    %sign3A_1373 = arith.constant 0 : i32
    %sign3A_1374 = arith.cmpi sgt, %add3A_1370, %sign3A_1373 : i32
    %sign3A_1375 = arith.extui %sign3A_1374 : i1 to i32
    %sign3A_1376 = arith.constant 0 : i32
    %sign3A_1377 = arith.cmpi slt, %add3A_1370, %sign3A_1376 : i32
    %sign3A_1378 = arith.extui %sign3A_1377 : i1 to i32
    %sign3A_1379 = arith.subi %sign3A_1375, %sign3A_1378 : i32
    %sign3A_1380 = arith.constant 0 : i32
    %sign3A_1381 = arith.cmpi sgt, %jit3A_1371, %sign3A_1380 : i32
    %sign3A_1382 = arith.extui %sign3A_1381 : i1 to i32
    %sign3A_1383 = arith.constant 0 : i32
    %sign3A_1384 = arith.cmpi slt, %jit3A_1371, %sign3A_1383 : i32
    %sign3A_1385 = arith.extui %sign3A_1384 : i1 to i32
    %sign3A_1386 = arith.subi %sign3A_1382, %sign3A_1385 : i32
    %ne3A_1387 = arith.cmpi ne, %sign3A_1379, %sign3A_1386 : i32
    %rem3A_1388 = arith.remsi %add3A_1370, %jit3A_1371 : i32
    %ne3A_1389 = arith.constant 0 : i32
    %ne3A_1390 = arith.cmpi ne, %rem3A_1388, %ne3A_1389 : i32
    %and3A_1391 = arith.andi %ne3A_1387, %ne3A_1390 : i1
    %sub3A_1392 = arith.constant 1 : i32
    %sub3A_1393 = arith.subi %div3A_1372, %sub3A_1392 : i32
    %select_n3A_1394 = arith.select %and3A_1391, %sub3A_1393, %div3A_1372 : i32
    %dma_start3A_1395 = arith.constant 2 : i32
    %dma_start3A_1396 = tpu.memref_reshape %arg3 : memref<16384x1024xf32, #tpu.memory_space<hbm>> -> memref<2048x8x1024xf32, #tpu.memory_space<hbm>>
    %dma_start3A_1397 = arith.constant 0 : i32
    %dma_start3A_1398 = arith.constant 0 : i32
    %dma_start3A_1399 = tpu.memref_slice %dma_start3A_1396[%select_n3A_1394, %dma_start3A_1397, %dma_start3A_1398] : memref<2048x8x1024xf32, #tpu.memory_space<hbm>> -> memref<2x8x1024xf32, #tpu.memory_space<hbm>>
    %dma_start3A_1400 = arith.constant 0 : i32
    %dma_start3A_1401 = arith.constant 0 : i32
    %dma_start3A_1402 = arith.constant 0 : i32
    %dma_start3A_1403 = tpu.memref_slice %arg4[%arg1, %dma_start3A_1395, %dma_start3A_1400, %dma_start3A_1401, %dma_start3A_1402] : memref<16x4x2x8x1024xf32, #tpu.memory_space<vmem_shared>> -> memref<1x1x2x8x1024xf32, #tpu.memory_space<vmem_shared>>
    %dma_start3A_1404 = tpu.memref_squeeze %dma_start3A_1403 : memref<1x1x2x8x1024xf32, #tpu.memory_space<vmem_shared>> -> memref<2x8x1024xf32, #tpu.memory_space<vmem_shared>>
    tpu.enqueue_dma source(%dma_start3A_1404 : memref<2x8x1024xf32, #tpu.memory_space<vmem_shared>>) target(%dma_start3A_1399 : memref<2x8x1024xf32, #tpu.memory_space<hbm>>) target_semaphore(%arg13 : memref<!tpu.dma_semaphore, #tpu.memory_space<semaphore_mem>>)
    %dma_wait3A_1405 = arith.constant 3 : i32
    %dma_wait3A_1406 = arith.constant 0 : i32
    %dma_wait3A_1407 = arith.constant 0 : i32
    %dma_wait3A_1408 = arith.constant 0 : i32
    %dma_wait3A_1409 = tpu.memref_slice %arg4[%arg1, %dma_wait3A_1405, %dma_wait3A_1406, %dma_wait3A_1407, %dma_wait3A_1408] : memref<16x4x2x8x1024xf32, #tpu.memory_space<vmem_shared>> -> memref<1x1x2x8x1024xf32, #tpu.memory_space<vmem_shared>>
    %dma_wait3A_1410 = tpu.memref_squeeze %dma_wait3A_1409 : memref<1x1x2x8x1024xf32, #tpu.memory_space<vmem_shared>> -> memref<2x8x1024xf32, #tpu.memory_space<vmem_shared>>
    %dma_wait3A_1411 = tpu.memref_reshape %arg2 : memref<16384x1024xf32, #tpu.memory_space<hbm>> -> memref<2048x8x1024xf32, #tpu.memory_space<hbm>>
    %dma_wait3A_1412 = arith.constant 0 : i32
    %dma_wait3A_1413 = arith.constant 0 : i32
    %dma_wait3A_1414 = tpu.memref_slice %dma_wait3A_1411[%select_n3A_1302, %dma_wait3A_1412, %dma_wait3A_1413] : memref<2048x8x1024xf32, #tpu.memory_space<hbm>> -> memref<2x8x1024xf32, #tpu.memory_space<hbm>>
    tpu.wait_dma2 semaphore(%arg10 : memref<!tpu.dma_semaphore, #tpu.memory_space<semaphore_mem>>) src(%dma_wait3A_1414 : memref<2x8x1024xf32, #tpu.memory_space<hbm>>) dst(%dma_wait3A_1410 : memref<2x8x1024xf32, #tpu.memory_space<vmem_shared>>)
    %add3A_1415 = arith.constant 240 : i32
    %add3A_1416 = arith.addi %mul3A_2, %add3A_1415 : i32
    %jit3A_1417 = arith.constant 8 : i32
    %div3A_1418 = arith.divsi %add3A_1416, %jit3A_1417 : i32
    %sign3A_1419 = arith.constant 0 : i32
    %sign3A_1420 = arith.cmpi sgt, %add3A_1416, %sign3A_1419 : i32
    %sign3A_1421 = arith.extui %sign3A_1420 : i1 to i32
    %sign3A_1422 = arith.constant 0 : i32
    %sign3A_1423 = arith.cmpi slt, %add3A_1416, %sign3A_1422 : i32
    %sign3A_1424 = arith.extui %sign3A_1423 : i1 to i32
    %sign3A_1425 = arith.subi %sign3A_1421, %sign3A_1424 : i32
    %sign3A_1426 = arith.constant 0 : i32
    %sign3A_1427 = arith.cmpi sgt, %jit3A_1417, %sign3A_1426 : i32
    %sign3A_1428 = arith.extui %sign3A_1427 : i1 to i32
    %sign3A_1429 = arith.constant 0 : i32
    %sign3A_1430 = arith.cmpi slt, %jit3A_1417, %sign3A_1429 : i32
    %sign3A_1431 = arith.extui %sign3A_1430 : i1 to i32
    %sign3A_1432 = arith.subi %sign3A_1428, %sign3A_1431 : i32
    %ne3A_1433 = arith.cmpi ne, %sign3A_1425, %sign3A_1432 : i32
    %rem3A_1434 = arith.remsi %add3A_1416, %jit3A_1417 : i32
    %ne3A_1435 = arith.constant 0 : i32
    %ne3A_1436 = arith.cmpi ne, %rem3A_1434, %ne3A_1435 : i32
    %and3A_1437 = arith.andi %ne3A_1433, %ne3A_1436 : i1
    %sub3A_1438 = arith.constant 1 : i32
    %sub3A_1439 = arith.subi %div3A_1418, %sub3A_1438 : i32
    %select_n3A_1440 = arith.select %and3A_1437, %sub3A_1439, %div3A_1418 : i32
    %dma_start3A_1441 = arith.constant 3 : i32
    %dma_start3A_1442 = tpu.memref_reshape %arg3 : memref<16384x1024xf32, #tpu.memory_space<hbm>> -> memref<2048x8x1024xf32, #tpu.memory_space<hbm>>
    %dma_start3A_1443 = arith.constant 0 : i32
    %dma_start3A_1444 = arith.constant 0 : i32
    %dma_start3A_1445 = tpu.memref_slice %dma_start3A_1442[%select_n3A_1440, %dma_start3A_1443, %dma_start3A_1444] : memref<2048x8x1024xf32, #tpu.memory_space<hbm>> -> memref<2x8x1024xf32, #tpu.memory_space<hbm>>
    %dma_start3A_1446 = arith.constant 0 : i32
    %dma_start3A_1447 = arith.constant 0 : i32
    %dma_start3A_1448 = arith.constant 0 : i32
    %dma_start3A_1449 = tpu.memref_slice %arg4[%arg1, %dma_start3A_1441, %dma_start3A_1446, %dma_start3A_1447, %dma_start3A_1448] : memref<16x4x2x8x1024xf32, #tpu.memory_space<vmem_shared>> -> memref<1x1x2x8x1024xf32, #tpu.memory_space<vmem_shared>>
    %dma_start3A_1450 = tpu.memref_squeeze %dma_start3A_1449 : memref<1x1x2x8x1024xf32, #tpu.memory_space<vmem_shared>> -> memref<2x8x1024xf32, #tpu.memory_space<vmem_shared>>
    tpu.enqueue_dma source(%dma_start3A_1450 : memref<2x8x1024xf32, #tpu.memory_space<vmem_shared>>) target(%dma_start3A_1445 : memref<2x8x1024xf32, #tpu.memory_space<hbm>>) target_semaphore(%arg14 : memref<!tpu.dma_semaphore, #tpu.memory_space<semaphore_mem>>)
    %dma_wait3A_1451 = arith.constant 0 : i32
    %dma_wait3A_1452 = tpu.memref_reshape %arg3 : memref<16384x1024xf32, #tpu.memory_space<hbm>> -> memref<2048x8x1024xf32, #tpu.memory_space<hbm>>
    %dma_wait3A_1453 = arith.constant 0 : i32
    %dma_wait3A_1454 = arith.constant 0 : i32
    %dma_wait3A_1455 = tpu.memref_slice %dma_wait3A_1452[%select_n3A_1256, %dma_wait3A_1453, %dma_wait3A_1454] : memref<2048x8x1024xf32, #tpu.memory_space<hbm>> -> memref<2x8x1024xf32, #tpu.memory_space<hbm>>
    %dma_wait3A_1456 = arith.constant 0 : i32
    %dma_wait3A_1457 = arith.constant 0 : i32
    %dma_wait3A_1458 = arith.constant 0 : i32
    %dma_wait3A_1459 = tpu.memref_slice %arg4[%arg1, %dma_wait3A_1451, %dma_wait3A_1456, %dma_wait3A_1457, %dma_wait3A_1458] : memref<16x4x2x8x1024xf32, #tpu.memory_space<vmem_shared>> -> memref<1x1x2x8x1024xf32, #tpu.memory_space<vmem_shared>>
    %dma_wait3A_1460 = tpu.memref_squeeze %dma_wait3A_1459 : memref<1x1x2x8x1024xf32, #tpu.memory_space<vmem_shared>> -> memref<2x8x1024xf32, #tpu.memory_space<vmem_shared>>
    tpu.wait_dma2 semaphore(%arg11 : memref<!tpu.dma_semaphore, #tpu.memory_space<semaphore_mem>>) src(%dma_wait3A_1460 : memref<2x8x1024xf32, #tpu.memory_space<vmem_shared>>) dst(%dma_wait3A_1455 : memref<2x8x1024xf32, #tpu.memory_space<hbm>>)
    %dma_wait3A_1461 = arith.constant 1 : i32
    %dma_wait3A_1462 = tpu.memref_reshape %arg3 : memref<16384x1024xf32, #tpu.memory_space<hbm>> -> memref<2048x8x1024xf32, #tpu.memory_space<hbm>>
    %dma_wait3A_1463 = arith.constant 0 : i32
    %dma_wait3A_1464 = arith.constant 0 : i32
    %dma_wait3A_1465 = tpu.memref_slice %dma_wait3A_1462[%select_n3A_1348, %dma_wait3A_1463, %dma_wait3A_1464] : memref<2048x8x1024xf32, #tpu.memory_space<hbm>> -> memref<2x8x1024xf32, #tpu.memory_space<hbm>>
    %dma_wait3A_1466 = arith.constant 0 : i32
    %dma_wait3A_1467 = arith.constant 0 : i32
    %dma_wait3A_1468 = arith.constant 0 : i32
    %dma_wait3A_1469 = tpu.memref_slice %arg4[%arg1, %dma_wait3A_1461, %dma_wait3A_1466, %dma_wait3A_1467, %dma_wait3A_1468] : memref<16x4x2x8x1024xf32, #tpu.memory_space<vmem_shared>> -> memref<1x1x2x8x1024xf32, #tpu.memory_space<vmem_shared>>
    %dma_wait3A_1470 = tpu.memref_squeeze %dma_wait3A_1469 : memref<1x1x2x8x1024xf32, #tpu.memory_space<vmem_shared>> -> memref<2x8x1024xf32, #tpu.memory_space<vmem_shared>>
    tpu.wait_dma2 semaphore(%arg12 : memref<!tpu.dma_semaphore, #tpu.memory_space<semaphore_mem>>) src(%dma_wait3A_1470 : memref<2x8x1024xf32, #tpu.memory_space<vmem_shared>>) dst(%dma_wait3A_1465 : memref<2x8x1024xf32, #tpu.memory_space<hbm>>)
    %dma_wait3A_1471 = arith.constant 2 : i32
    %dma_wait3A_1472 = tpu.memref_reshape %arg3 : memref<16384x1024xf32, #tpu.memory_space<hbm>> -> memref<2048x8x1024xf32, #tpu.memory_space<hbm>>
    %dma_wait3A_1473 = arith.constant 0 : i32
    %dma_wait3A_1474 = arith.constant 0 : i32
    %dma_wait3A_1475 = tpu.memref_slice %dma_wait3A_1472[%select_n3A_1394, %dma_wait3A_1473, %dma_wait3A_1474] : memref<2048x8x1024xf32, #tpu.memory_space<hbm>> -> memref<2x8x1024xf32, #tpu.memory_space<hbm>>
    %dma_wait3A_1476 = arith.constant 0 : i32
    %dma_wait3A_1477 = arith.constant 0 : i32
    %dma_wait3A_1478 = arith.constant 0 : i32
    %dma_wait3A_1479 = tpu.memref_slice %arg4[%arg1, %dma_wait3A_1471, %dma_wait3A_1476, %dma_wait3A_1477, %dma_wait3A_1478] : memref<16x4x2x8x1024xf32, #tpu.memory_space<vmem_shared>> -> memref<1x1x2x8x1024xf32, #tpu.memory_space<vmem_shared>>
    %dma_wait3A_1480 = tpu.memref_squeeze %dma_wait3A_1479 : memref<1x1x2x8x1024xf32, #tpu.memory_space<vmem_shared>> -> memref<2x8x1024xf32, #tpu.memory_space<vmem_shared>>
    tpu.wait_dma2 semaphore(%arg13 : memref<!tpu.dma_semaphore, #tpu.memory_space<semaphore_mem>>) src(%dma_wait3A_1480 : memref<2x8x1024xf32, #tpu.memory_space<vmem_shared>>) dst(%dma_wait3A_1475 : memref<2x8x1024xf32, #tpu.memory_space<hbm>>)
    %dma_wait3A_1481 = arith.constant 3 : i32
    %dma_wait3A_1482 = tpu.memref_reshape %arg3 : memref<16384x1024xf32, #tpu.memory_space<hbm>> -> memref<2048x8x1024xf32, #tpu.memory_space<hbm>>
    %dma_wait3A_1483 = arith.constant 0 : i32
    %dma_wait3A_1484 = arith.constant 0 : i32
    %dma_wait3A_1485 = tpu.memref_slice %dma_wait3A_1482[%select_n3A_1440, %dma_wait3A_1483, %dma_wait3A_1484] : memref<2048x8x1024xf32, #tpu.memory_space<hbm>> -> memref<2x8x1024xf32, #tpu.memory_space<hbm>>
    %dma_wait3A_1486 = arith.constant 0 : i32
    %dma_wait3A_1487 = arith.constant 0 : i32
    %dma_wait3A_1488 = arith.constant 0 : i32
    %dma_wait3A_1489 = tpu.memref_slice %arg4[%arg1, %dma_wait3A_1481, %dma_wait3A_1486, %dma_wait3A_1487, %dma_wait3A_1488] : memref<16x4x2x8x1024xf32, #tpu.memory_space<vmem_shared>> -> memref<1x1x2x8x1024xf32, #tpu.memory_space<vmem_shared>>
    %dma_wait3A_1490 = tpu.memref_squeeze %dma_wait3A_1489 : memref<1x1x2x8x1024xf32, #tpu.memory_space<vmem_shared>> -> memref<2x8x1024xf32, #tpu.memory_space<vmem_shared>>
    tpu.wait_dma2 semaphore(%arg14 : memref<!tpu.dma_semaphore, #tpu.memory_space<semaphore_mem>>) src(%dma_wait3A_1490 : memref<2x8x1024xf32, #tpu.memory_space<vmem_shared>>) dst(%dma_wait3A_1485 : memref<2x8x1024xf32, #tpu.memory_space<hbm>>)
    %add3A_1491 = arith.constant 256 : i32
    %add3A_1492 = arith.addi %mul3A_2, %add3A_1491 : i32
    %jit3A_1493 = arith.constant 8 : i32
    %div3A_1494 = arith.divsi %add3A_1492, %jit3A_1493 : i32
    %sign3A_1495 = arith.constant 0 : i32
    %sign3A_1496 = arith.cmpi sgt, %add3A_1492, %sign3A_1495 : i32
    %sign3A_1497 = arith.extui %sign3A_1496 : i1 to i32
    %sign3A_1498 = arith.constant 0 : i32
    %sign3A_1499 = arith.cmpi slt, %add3A_1492, %sign3A_1498 : i32
    %sign3A_1500 = arith.extui %sign3A_1499 : i1 to i32
    %sign3A_1501 = arith.subi %sign3A_1497, %sign3A_1500 : i32
    %sign3A_1502 = arith.constant 0 : i32
    %sign3A_1503 = arith.cmpi sgt, %jit3A_1493, %sign3A_1502 : i32
    %sign3A_1504 = arith.extui %sign3A_1503 : i1 to i32
    %sign3A_1505 = arith.constant 0 : i32
    %sign3A_1506 = arith.cmpi slt, %jit3A_1493, %sign3A_1505 : i32
    %sign3A_1507 = arith.extui %sign3A_1506 : i1 to i32
    %sign3A_1508 = arith.subi %sign3A_1504, %sign3A_1507 : i32
    %ne3A_1509 = arith.cmpi ne, %sign3A_1501, %sign3A_1508 : i32
    %rem3A_1510 = arith.remsi %add3A_1492, %jit3A_1493 : i32
    %ne3A_1511 = arith.constant 0 : i32
    %ne3A_1512 = arith.cmpi ne, %rem3A_1510, %ne3A_1511 : i32
    %and3A_1513 = arith.andi %ne3A_1509, %ne3A_1512 : i1
    %sub3A_1514 = arith.constant 1 : i32
    %sub3A_1515 = arith.subi %div3A_1494, %sub3A_1514 : i32
    %select_n3A_1516 = arith.select %and3A_1513, %sub3A_1515, %div3A_1494 : i32
    %dma_start3A_1517 = arith.constant 0 : i32
    %dma_start3A_1518 = arith.constant 0 : i32
    %dma_start3A_1519 = arith.constant 0 : i32
    %dma_start3A_1520 = arith.constant 0 : i32
    %dma_start3A_1521 = tpu.memref_slice %arg4[%arg1, %dma_start3A_1517, %dma_start3A_1518, %dma_start3A_1519, %dma_start3A_1520] : memref<16x4x2x8x1024xf32, #tpu.memory_space<vmem_shared>> -> memref<1x1x2x8x1024xf32, #tpu.memory_space<vmem_shared>>
    %dma_start3A_1522 = tpu.memref_squeeze %dma_start3A_1521 : memref<1x1x2x8x1024xf32, #tpu.memory_space<vmem_shared>> -> memref<2x8x1024xf32, #tpu.memory_space<vmem_shared>>
    %dma_start3A_1523 = tpu.memref_reshape %arg2 : memref<16384x1024xf32, #tpu.memory_space<hbm>> -> memref<2048x8x1024xf32, #tpu.memory_space<hbm>>
    %dma_start3A_1524 = arith.constant 0 : i32
    %dma_start3A_1525 = arith.constant 0 : i32
    %dma_start3A_1526 = tpu.memref_slice %dma_start3A_1523[%select_n3A_1516, %dma_start3A_1524, %dma_start3A_1525] : memref<2048x8x1024xf32, #tpu.memory_space<hbm>> -> memref<2x8x1024xf32, #tpu.memory_space<hbm>>
    tpu.enqueue_dma source(%dma_start3A_1526 : memref<2x8x1024xf32, #tpu.memory_space<hbm>>) target(%dma_start3A_1522 : memref<2x8x1024xf32, #tpu.memory_space<vmem_shared>>) target_semaphore(%arg7 : memref<!tpu.dma_semaphore, #tpu.memory_space<semaphore_mem>>)
    %add3A_1527 = arith.constant 272 : i32
    %add3A_1528 = arith.addi %mul3A_2, %add3A_1527 : i32
    %jit3A_1529 = arith.constant 8 : i32
    %div3A_1530 = arith.divsi %add3A_1528, %jit3A_1529 : i32
    %sign3A_1531 = arith.constant 0 : i32
    %sign3A_1532 = arith.cmpi sgt, %add3A_1528, %sign3A_1531 : i32
    %sign3A_1533 = arith.extui %sign3A_1532 : i1 to i32
    %sign3A_1534 = arith.constant 0 : i32
    %sign3A_1535 = arith.cmpi slt, %add3A_1528, %sign3A_1534 : i32
    %sign3A_1536 = arith.extui %sign3A_1535 : i1 to i32
    %sign3A_1537 = arith.subi %sign3A_1533, %sign3A_1536 : i32
    %sign3A_1538 = arith.constant 0 : i32
    %sign3A_1539 = arith.cmpi sgt, %jit3A_1529, %sign3A_1538 : i32
    %sign3A_1540 = arith.extui %sign3A_1539 : i1 to i32
    %sign3A_1541 = arith.constant 0 : i32
    %sign3A_1542 = arith.cmpi slt, %jit3A_1529, %sign3A_1541 : i32
    %sign3A_1543 = arith.extui %sign3A_1542 : i1 to i32
    %sign3A_1544 = arith.subi %sign3A_1540, %sign3A_1543 : i32
    %ne3A_1545 = arith.cmpi ne, %sign3A_1537, %sign3A_1544 : i32
    %rem3A_1546 = arith.remsi %add3A_1528, %jit3A_1529 : i32
    %ne3A_1547 = arith.constant 0 : i32
    %ne3A_1548 = arith.cmpi ne, %rem3A_1546, %ne3A_1547 : i32
    %and3A_1549 = arith.andi %ne3A_1545, %ne3A_1548 : i1
    %sub3A_1550 = arith.constant 1 : i32
    %sub3A_1551 = arith.subi %div3A_1530, %sub3A_1550 : i32
    %select_n3A_1552 = arith.select %and3A_1549, %sub3A_1551, %div3A_1530 : i32
    %dma_start3A_1553 = arith.constant 1 : i32
    %dma_start3A_1554 = arith.constant 0 : i32
    %dma_start3A_1555 = arith.constant 0 : i32
    %dma_start3A_1556 = arith.constant 0 : i32
    %dma_start3A_1557 = tpu.memref_slice %arg4[%arg1, %dma_start3A_1553, %dma_start3A_1554, %dma_start3A_1555, %dma_start3A_1556] : memref<16x4x2x8x1024xf32, #tpu.memory_space<vmem_shared>> -> memref<1x1x2x8x1024xf32, #tpu.memory_space<vmem_shared>>
    %dma_start3A_1558 = tpu.memref_squeeze %dma_start3A_1557 : memref<1x1x2x8x1024xf32, #tpu.memory_space<vmem_shared>> -> memref<2x8x1024xf32, #tpu.memory_space<vmem_shared>>
    %dma_start3A_1559 = tpu.memref_reshape %arg2 : memref<16384x1024xf32, #tpu.memory_space<hbm>> -> memref<2048x8x1024xf32, #tpu.memory_space<hbm>>
    %dma_start3A_1560 = arith.constant 0 : i32
    %dma_start3A_1561 = arith.constant 0 : i32
    %dma_start3A_1562 = tpu.memref_slice %dma_start3A_1559[%select_n3A_1552, %dma_start3A_1560, %dma_start3A_1561] : memref<2048x8x1024xf32, #tpu.memory_space<hbm>> -> memref<2x8x1024xf32, #tpu.memory_space<hbm>>
    tpu.enqueue_dma source(%dma_start3A_1562 : memref<2x8x1024xf32, #tpu.memory_space<hbm>>) target(%dma_start3A_1558 : memref<2x8x1024xf32, #tpu.memory_space<vmem_shared>>) target_semaphore(%arg8 : memref<!tpu.dma_semaphore, #tpu.memory_space<semaphore_mem>>)
    %add3A_1563 = arith.constant 0 : i32
    %add3A_1564 = arith.addi %mul3A_2, %add3A_1563 : i32
    %dma_start3A_1565 = arith.constant 0 : i32
    %dma_start3A_1566 = tpu.memref_slice %arg3[%add3A_1564, %dma_start3A_1565] : memref<16384x1024xf32, #tpu.memory_space<hbm>> -> memref<256x128xf32, #tpu.memory_space<hbm>>
    %dma_start3A_1567 = arith.constant 0 : i32
    %dma_start3A_1568 = tpu.memref_slice %arg3[%add3A_1564, %dma_start3A_1567] : memref<16384x1024xf32, #tpu.memory_space<hbm>> -> memref<256x128xf32, #tpu.memory_space<hbm>>
    tpu.enqueue_dma source(%arg5 : memref<256x128xf32, #tpu.memory_space<vmem>>) target(%dma_start3A_1568 : memref<256x128xf32, #tpu.memory_space<hbm>>) target_semaphore(%arg16 : memref<!tpu.dma_semaphore, #tpu.memory_space<semaphore_mem>>)
    %dma_start3A_1569 = arith.constant 384 : i32
    %dma_start3A_1570 = tpu.memref_slice %arg3[%add3A_1564, %dma_start3A_1569] : memref<16384x1024xf32, #tpu.memory_space<hbm>> -> memref<256x128xf32, #tpu.memory_space<hbm>>
    %dma_start3A_1571 = arith.constant 384 : i32
    %dma_start3A_1572 = tpu.memref_slice %arg3[%add3A_1564, %dma_start3A_1571] : memref<16384x1024xf32, #tpu.memory_space<hbm>> -> memref<256x128xf32, #tpu.memory_space<hbm>>
    tpu.enqueue_dma source(%arg6 : memref<256x128xf32, #tpu.memory_space<vmem>>) target(%dma_start3A_1572 : memref<256x128xf32, #tpu.memory_space<hbm>>) target_semaphore(%arg16 : memref<!tpu.dma_semaphore, #tpu.memory_space<semaphore_mem>>)
    %dma_wait3A_1573 = arith.constant 0 : i32
    %dma_wait3A_1574 = tpu.memref_slice %arg3[%add3A_1564, %dma_wait3A_1573] : memref<16384x1024xf32, #tpu.memory_space<hbm>> -> memref<256x128xf32, #tpu.memory_space<hbm>>
    %dma_wait3A_1575 = arith.constant 0 : i32
    %dma_wait3A_1576 = tpu.memref_slice %arg3[%add3A_1564, %dma_wait3A_1575] : memref<16384x1024xf32, #tpu.memory_space<hbm>> -> memref<256x128xf32, #tpu.memory_space<hbm>>
    tpu.wait_dma2 semaphore(%arg16 : memref<!tpu.dma_semaphore, #tpu.memory_space<semaphore_mem>>) src(%arg5 : memref<256x128xf32, #tpu.memory_space<vmem>>) dst(%dma_wait3A_1576 : memref<256x128xf32, #tpu.memory_space<hbm>>)
    %dma_wait3A_1577 = arith.constant 384 : i32
    %dma_wait3A_1578 = tpu.memref_slice %arg3[%add3A_1564, %dma_wait3A_1577] : memref<16384x1024xf32, #tpu.memory_space<hbm>> -> memref<256x128xf32, #tpu.memory_space<hbm>>
    %dma_wait3A_1579 = arith.constant 384 : i32
    %dma_wait3A_1580 = tpu.memref_slice %arg3[%add3A_1564, %dma_wait3A_1579] : memref<16384x1024xf32, #tpu.memory_space<hbm>> -> memref<256x128xf32, #tpu.memory_space<hbm>>
    tpu.wait_dma2 semaphore(%arg16 : memref<!tpu.dma_semaphore, #tpu.memory_space<semaphore_mem>>) src(%arg6 : memref<256x128xf32, #tpu.memory_space<vmem>>) dst(%dma_wait3A_1580 : memref<256x128xf32, #tpu.memory_space<hbm>>)
    %add3A_1581 = arith.constant 256 : i32
    %add3A_1582 = arith.addi %mul3A_2, %add3A_1581 : i32
    %dma_start3A_1583 = arith.constant 0 : i32
    %dma_start3A_1584 = tpu.memref_slice %arg2[%add3A_1582, %dma_start3A_1583] : memref<16384x1024xf32, #tpu.memory_space<hbm>> -> memref<256x128xf32, #tpu.memory_space<hbm>>
    %dma_start3A_1585 = arith.constant 0 : i32
    %dma_start3A_1586 = tpu.memref_slice %arg2[%add3A_1582, %dma_start3A_1585] : memref<16384x1024xf32, #tpu.memory_space<hbm>> -> memref<256x128xf32, #tpu.memory_space<hbm>>
    tpu.enqueue_dma source(%dma_start3A_1586 : memref<256x128xf32, #tpu.memory_space<hbm>>) target(%arg5 : memref<256x128xf32, #tpu.memory_space<vmem>>) target_semaphore(%arg15 : memref<!tpu.dma_semaphore, #tpu.memory_space<semaphore_mem>>)
    %dma_start3A_1587 = arith.constant 384 : i32
    %dma_start3A_1588 = tpu.memref_slice %arg2[%add3A_1582, %dma_start3A_1587] : memref<16384x1024xf32, #tpu.memory_space<hbm>> -> memref<256x128xf32, #tpu.memory_space<hbm>>
    %dma_start3A_1589 = arith.constant 384 : i32
    %dma_start3A_1590 = tpu.memref_slice %arg2[%add3A_1582, %dma_start3A_1589] : memref<16384x1024xf32, #tpu.memory_space<hbm>> -> memref<256x128xf32, #tpu.memory_space<hbm>>
    tpu.enqueue_dma source(%dma_start3A_1590 : memref<256x128xf32, #tpu.memory_space<hbm>>) target(%arg6 : memref<256x128xf32, #tpu.memory_space<vmem>>) target_semaphore(%arg15 : memref<!tpu.dma_semaphore, #tpu.memory_space<semaphore_mem>>)
    %dma_wait3A_1591 = arith.constant 0 : i32
    %dma_wait3A_1592 = tpu.memref_slice %arg2[%add3A_1582, %dma_wait3A_1591] : memref<16384x1024xf32, #tpu.memory_space<hbm>> -> memref<256x128xf32, #tpu.memory_space<hbm>>
    %dma_wait3A_1593 = arith.constant 0 : i32
    %dma_wait3A_1594 = tpu.memref_slice %arg2[%add3A_1582, %dma_wait3A_1593] : memref<16384x1024xf32, #tpu.memory_space<hbm>> -> memref<256x128xf32, #tpu.memory_space<hbm>>
    tpu.wait_dma2 semaphore(%arg15 : memref<!tpu.dma_semaphore, #tpu.memory_space<semaphore_mem>>) src(%dma_wait3A_1594 : memref<256x128xf32, #tpu.memory_space<hbm>>) dst(%arg5 : memref<256x128xf32, #tpu.memory_space<vmem>>)
    %dma_wait3A_1595 = arith.constant 384 : i32
    %dma_wait3A_1596 = tpu.memref_slice %arg2[%add3A_1582, %dma_wait3A_1595] : memref<16384x1024xf32, #tpu.memory_space<hbm>> -> memref<256x128xf32, #tpu.memory_space<hbm>>
    %dma_wait3A_1597 = arith.constant 384 : i32
    %dma_wait3A_1598 = tpu.memref_slice %arg2[%add3A_1582, %dma_wait3A_1597] : memref<16384x1024xf32, #tpu.memory_space<hbm>> -> memref<256x128xf32, #tpu.memory_space<hbm>>
    tpu.wait_dma2 semaphore(%arg15 : memref<!tpu.dma_semaphore, #tpu.memory_space<semaphore_mem>>) src(%dma_wait3A_1598 : memref<256x128xf32, #tpu.memory_space<hbm>>) dst(%arg6 : memref<256x128xf32, #tpu.memory_space<vmem>>)
    %iota3A_1599 = tpu.iota {dimensions = array<i32: 0>} : vector<16xi32>
    %broadcast_in_dim3A_1600 = arith.constant 1 : i32
    %broadcast_in_dim3A_1601 = vector.broadcast %broadcast_in_dim3A_1600 : i32 to vector<16xi32>
    %broadcast_in_dim3A_1602 = arith.constant 7 : i32
    %broadcast_in_dim3A_1603 = vector.broadcast %broadcast_in_dim3A_1602 : i32 to vector<16xi32>
    %scan3A_1604 = arith.constant 0 : i32
    %scan3A_1605 = arith.constant 0 : i32
    %scan3A_1606 = arith.constant 32 : i32
    %scan3A_1607 = arith.addi %scan3A_1605, %scan3A_1606 : i32
    %scan3A_1608 = arith.constant 1 : i32
    scf.for %scan3A_3028 = %scan3A_1605 to %scan3A_1607 step %scan3A_1608  : i32 {
      %mul3A_3029 = arith.constant 8 : i32
      %mul3A_3030 = arith.muli %scan3A_3028, %mul3A_3029 : i32
      %add3A_3031 = arith.constant 0 : i32
      %add3A_3032 = arith.addi %mul3A_3030, %add3A_3031 : i32
      %get3A = arith.index_cast %add3A_3032 : i32 to index
      %get3A_3033 = arith.constant 16 : index
      %get3A_3034 = tpu.vector_load %arg5[%get3A, %get3A_3033] {strides = array<i32>} : memref<256x128xf32, #tpu.memory_space<vmem>>, vector<16xf32>,
      %get3A_3035 = arith.index_cast %add3A_3032 : i32 to index
      %get3A_3036 = arith.constant 112 : index
      %get3A_3037 = tpu.vector_load %arg6[%get3A_3035, %get3A_3036] {strides = array<i32>} : memref<256x128xf32, #tpu.memory_space<vmem>>, vector<16xf32>,
      %lt3A = arith.constant 0 : i32
      %lt3A_3038 = vector.broadcast %lt3A : i32 to vector<16xi32>
      %lt3A_3039 = arith.cmpi slt, %broadcast_in_dim3A_1601, %lt3A_3038 : vector<16xi32>
      %add3A_3040 = arith.constant 16 : i32
      %add3A_3041 = vector.broadcast %add3A_3040 : i32 to vector<16xi32>
      %add3A_3042 = arith.addi %broadcast_in_dim3A_1601, %add3A_3041 : vector<16xi32>
      %select_n3A_3043 = arith.select %lt3A_3039, %add3A_3042, %broadcast_in_dim3A_1601 : vector<16xi1>, vector<16xi32>
      %broadcast_in_dim3A_3044 = vector.shape_cast %select_n3A_3043 : vector<16xi32> to vector<16x1xi32>
      %gather3A = vector.shape_cast %broadcast_in_dim3A_3044 : vector<16x1xi32> to vector<16xi32>
      %gather3A_3045 = tpu.dynamic_gather %get3A_3034[%gather3A] in [0] : vector<16xf32>, vector<16xi32> -> vector<16xf32>
      %lt3A_3046 = arith.constant 0 : i32
      %lt3A_3047 = vector.broadcast %lt3A_3046 : i32 to vector<16xi32>
      %lt3A_3048 = arith.cmpi slt, %broadcast_in_dim3A_1603, %lt3A_3047 : vector<16xi32>
      %add3A_3049 = arith.constant 16 : i32
      %add3A_3050 = vector.broadcast %add3A_3049 : i32 to vector<16xi32>
      %add3A_3051 = arith.addi %broadcast_in_dim3A_1603, %add3A_3050 : vector<16xi32>
      %select_n3A_3052 = arith.select %lt3A_3048, %add3A_3051, %broadcast_in_dim3A_1603 : vector<16xi1>, vector<16xi32>
      %broadcast_in_dim3A_3053 = vector.shape_cast %select_n3A_3052 : vector<16xi32> to vector<16x1xi32>
      %gather3A_3054 = vector.shape_cast %broadcast_in_dim3A_3053 : vector<16x1xi32> to vector<16xi32>
      %gather3A_3055 = tpu.dynamic_gather %get3A_3037[%gather3A_3054] in [0] : vector<16xf32>, vector<16xi32> -> vector<16xf32>
      %eq3A = arith.constant 1 : i32
      %eq3A_3056 = vector.broadcast %eq3A : i32 to vector<16xi32>
      %eq3A_3057 = arith.cmpi eq, %iota3A_1599, %eq3A_3056 : vector<16xi32>
      %select_n3A_3058 = arith.select %eq3A_3057, %gather3A_3055, %get3A_3034 : vector<16xi1>, vector<16xf32>
      %swap3A = arith.index_cast %add3A_3032 : i32 to index
      %swap3A_3059 = arith.constant 16 : index
      %swap3A_3060 = tpu.vector_load %arg5[%swap3A, %swap3A_3059] {strides = array<i32>} : memref<256x128xf32, #tpu.memory_space<vmem>>, vector<16xf32>,
      tpu.vector_store %arg5[%swap3A, %swap3A_3059], %select_n3A_3058 {strides = array<i32>} : memref<256x128xf32, #tpu.memory_space<vmem>>, vector<16xf32>,
      %eq3A_3061 = arith.constant 7 : i32
      %eq3A_3062 = vector.broadcast %eq3A_3061 : i32 to vector<16xi32>
      %eq3A_3063 = arith.cmpi eq, %iota3A_1599, %eq3A_3062 : vector<16xi32>
      %select_n3A_3064 = arith.select %eq3A_3063, %gather3A_3045, %get3A_3037 : vector<16xi1>, vector<16xf32>
      %swap3A_3065 = arith.index_cast %add3A_3032 : i32 to index
      %swap3A_3066 = arith.constant 112 : index
      %swap3A_3067 = tpu.vector_load %arg6[%swap3A_3065, %swap3A_3066] {strides = array<i32>} : memref<256x128xf32, #tpu.memory_space<vmem>>, vector<16xf32>,
      tpu.vector_store %arg6[%swap3A_3065, %swap3A_3066], %select_n3A_3064 {strides = array<i32>} : memref<256x128xf32, #tpu.memory_space<vmem>>, vector<16xf32>,
      %mul3A_3068 = arith.constant 8 : i32
      %mul3A_3069 = arith.muli %scan3A_3028, %mul3A_3068 : i32
      %add3A_3070 = arith.constant 1 : i32
      %add3A_3071 = arith.addi %mul3A_3069, %add3A_3070 : i32
      %get3A_3072 = arith.index_cast %add3A_3071 : i32 to index
      %get3A_3073 = arith.constant 16 : index
      %get3A_3074 = tpu.vector_load %arg5[%get3A_3072, %get3A_3073] {strides = array<i32>} : memref<256x128xf32, #tpu.memory_space<vmem>>, vector<16xf32>,
      %get3A_3075 = arith.index_cast %add3A_3071 : i32 to index
      %get3A_3076 = arith.constant 112 : index
      %get3A_3077 = tpu.vector_load %arg6[%get3A_3075, %get3A_3076] {strides = array<i32>} : memref<256x128xf32, #tpu.memory_space<vmem>>, vector<16xf32>,
      %lt3A_3078 = arith.constant 0 : i32
      %lt3A_3079 = vector.broadcast %lt3A_3078 : i32 to vector<16xi32>
      %lt3A_3080 = arith.cmpi slt, %broadcast_in_dim3A_1601, %lt3A_3079 : vector<16xi32>
      %add3A_3081 = arith.constant 16 : i32
      %add3A_3082 = vector.broadcast %add3A_3081 : i32 to vector<16xi32>
      %add3A_3083 = arith.addi %broadcast_in_dim3A_1601, %add3A_3082 : vector<16xi32>
      %select_n3A_3084 = arith.select %lt3A_3080, %add3A_3083, %broadcast_in_dim3A_1601 : vector<16xi1>, vector<16xi32>
      %broadcast_in_dim3A_3085 = vector.shape_cast %select_n3A_3084 : vector<16xi32> to vector<16x1xi32>
      %gather3A_3086 = vector.shape_cast %broadcast_in_dim3A_3085 : vector<16x1xi32> to vector<16xi32>
      %gather3A_3087 = tpu.dynamic_gather %get3A_3074[%gather3A_3086] in [0] : vector<16xf32>, vector<16xi32> -> vector<16xf32>
      %lt3A_3088 = arith.constant 0 : i32
      %lt3A_3089 = vector.broadcast %lt3A_3088 : i32 to vector<16xi32>
      %lt3A_3090 = arith.cmpi slt, %broadcast_in_dim3A_1603, %lt3A_3089 : vector<16xi32>
      %add3A_3091 = arith.constant 16 : i32
      %add3A_3092 = vector.broadcast %add3A_3091 : i32 to vector<16xi32>
      %add3A_3093 = arith.addi %broadcast_in_dim3A_1603, %add3A_3092 : vector<16xi32>
      %select_n3A_3094 = arith.select %lt3A_3090, %add3A_3093, %broadcast_in_dim3A_1603 : vector<16xi1>, vector<16xi32>
      %broadcast_in_dim3A_3095 = vector.shape_cast %select_n3A_3094 : vector<16xi32> to vector<16x1xi32>
      %gather3A_3096 = vector.shape_cast %broadcast_in_dim3A_3095 : vector<16x1xi32> to vector<16xi32>
      %gather3A_3097 = tpu.dynamic_gather %get3A_3077[%gather3A_3096] in [0] : vector<16xf32>, vector<16xi32> -> vector<16xf32>
      %eq3A_3098 = arith.constant 1 : i32
      %eq3A_3099 = vector.broadcast %eq3A_3098 : i32 to vector<16xi32>
      %eq3A_3100 = arith.cmpi eq, %iota3A_1599, %eq3A_3099 : vector<16xi32>
      %select_n3A_3101 = arith.select %eq3A_3100, %gather3A_3097, %get3A_3074 : vector<16xi1>, vector<16xf32>
      %swap3A_3102 = arith.index_cast %add3A_3071 : i32 to index
      %swap3A_3103 = arith.constant 16 : index
      %swap3A_3104 = tpu.vector_load %arg5[%swap3A_3102, %swap3A_3103] {strides = array<i32>} : memref<256x128xf32, #tpu.memory_space<vmem>>, vector<16xf32>,
      tpu.vector_store %arg5[%swap3A_3102, %swap3A_3103], %select_n3A_3101 {strides = array<i32>} : memref<256x128xf32, #tpu.memory_space<vmem>>, vector<16xf32>,
      %eq3A_3105 = arith.constant 7 : i32
      %eq3A_3106 = vector.broadcast %eq3A_3105 : i32 to vector<16xi32>
      %eq3A_3107 = arith.cmpi eq, %iota3A_1599, %eq3A_3106 : vector<16xi32>
      %select_n3A_3108 = arith.select %eq3A_3107, %gather3A_3087, %get3A_3077 : vector<16xi1>, vector<16xf32>
      %swap3A_3109 = arith.index_cast %add3A_3071 : i32 to index
      %swap3A_3110 = arith.constant 112 : index
      %swap3A_3111 = tpu.vector_load %arg6[%swap3A_3109, %swap3A_3110] {strides = array<i32>} : memref<256x128xf32, #tpu.memory_space<vmem>>, vector<16xf32>,
      tpu.vector_store %arg6[%swap3A_3109, %swap3A_3110], %select_n3A_3108 {strides = array<i32>} : memref<256x128xf32, #tpu.memory_space<vmem>>, vector<16xf32>,
      %mul3A_3112 = arith.constant 8 : i32
      %mul3A_3113 = arith.muli %scan3A_3028, %mul3A_3112 : i32
      %add3A_3114 = arith.constant 2 : i32
      %add3A_3115 = arith.addi %mul3A_3113, %add3A_3114 : i32
      %get3A_3116 = arith.index_cast %add3A_3115 : i32 to index
      %get3A_3117 = arith.constant 16 : index
      %get3A_3118 = tpu.vector_load %arg5[%get3A_3116, %get3A_3117] {strides = array<i32>} : memref<256x128xf32, #tpu.memory_space<vmem>>, vector<16xf32>,
      %get3A_3119 = arith.index_cast %add3A_3115 : i32 to index
      %get3A_3120 = arith.constant 112 : index
      %get3A_3121 = tpu.vector_load %arg6[%get3A_3119, %get3A_3120] {strides = array<i32>} : memref<256x128xf32, #tpu.memory_space<vmem>>, vector<16xf32>,
      %lt3A_3122 = arith.constant 0 : i32
      %lt3A_3123 = vector.broadcast %lt3A_3122 : i32 to vector<16xi32>
      %lt3A_3124 = arith.cmpi slt, %broadcast_in_dim3A_1601, %lt3A_3123 : vector<16xi32>
      %add3A_3125 = arith.constant 16 : i32
      %add3A_3126 = vector.broadcast %add3A_3125 : i32 to vector<16xi32>
      %add3A_3127 = arith.addi %broadcast_in_dim3A_1601, %add3A_3126 : vector<16xi32>
      %select_n3A_3128 = arith.select %lt3A_3124, %add3A_3127, %broadcast_in_dim3A_1601 : vector<16xi1>, vector<16xi32>
      %broadcast_in_dim3A_3129 = vector.shape_cast %select_n3A_3128 : vector<16xi32> to vector<16x1xi32>
      %gather3A_3130 = vector.shape_cast %broadcast_in_dim3A_3129 : vector<16x1xi32> to vector<16xi32>
      %gather3A_3131 = tpu.dynamic_gather %get3A_3118[%gather3A_3130] in [0] : vector<16xf32>, vector<16xi32> -> vector<16xf32>
      %lt3A_3132 = arith.constant 0 : i32
      %lt3A_3133 = vector.broadcast %lt3A_3132 : i32 to vector<16xi32>
      %lt3A_3134 = arith.cmpi slt, %broadcast_in_dim3A_1603, %lt3A_3133 : vector<16xi32>
      %add3A_3135 = arith.constant 16 : i32
      %add3A_3136 = vector.broadcast %add3A_3135 : i32 to vector<16xi32>
      %add3A_3137 = arith.addi %broadcast_in_dim3A_1603, %add3A_3136 : vector<16xi32>
      %select_n3A_3138 = arith.select %lt3A_3134, %add3A_3137, %broadcast_in_dim3A_1603 : vector<16xi1>, vector<16xi32>
      %broadcast_in_dim3A_3139 = vector.shape_cast %select_n3A_3138 : vector<16xi32> to vector<16x1xi32>
      %gather3A_3140 = vector.shape_cast %broadcast_in_dim3A_3139 : vector<16x1xi32> to vector<16xi32>
      %gather3A_3141 = tpu.dynamic_gather %get3A_3121[%gather3A_3140] in [0] : vector<16xf32>, vector<16xi32> -> vector<16xf32>
      %eq3A_3142 = arith.constant 1 : i32
      %eq3A_3143 = vector.broadcast %eq3A_3142 : i32 to vector<16xi32>
      %eq3A_3144 = arith.cmpi eq, %iota3A_1599, %eq3A_3143 : vector<16xi32>
      %select_n3A_3145 = arith.select %eq3A_3144, %gather3A_3141, %get3A_3118 : vector<16xi1>, vector<16xf32>
      %swap3A_3146 = arith.index_cast %add3A_3115 : i32 to index
      %swap3A_3147 = arith.constant 16 : index
      %swap3A_3148 = tpu.vector_load %arg5[%swap3A_3146, %swap3A_3147] {strides = array<i32>} : memref<256x128xf32, #tpu.memory_space<vmem>>, vector<16xf32>,
      tpu.vector_store %arg5[%swap3A_3146, %swap3A_3147], %select_n3A_3145 {strides = array<i32>} : memref<256x128xf32, #tpu.memory_space<vmem>>, vector<16xf32>,
      %eq3A_3149 = arith.constant 7 : i32
      %eq3A_3150 = vector.broadcast %eq3A_3149 : i32 to vector<16xi32>
      %eq3A_3151 = arith.cmpi eq, %iota3A_1599, %eq3A_3150 : vector<16xi32>
      %select_n3A_3152 = arith.select %eq3A_3151, %gather3A_3131, %get3A_3121 : vector<16xi1>, vector<16xf32>
      %swap3A_3153 = arith.index_cast %add3A_3115 : i32 to index
      %swap3A_3154 = arith.constant 112 : index
      %swap3A_3155 = tpu.vector_load %arg6[%swap3A_3153, %swap3A_3154] {strides = array<i32>} : memref<256x128xf32, #tpu.memory_space<vmem>>, vector<16xf32>,
      tpu.vector_store %arg6[%swap3A_3153, %swap3A_3154], %select_n3A_3152 {strides = array<i32>} : memref<256x128xf32, #tpu.memory_space<vmem>>, vector<16xf32>,
      %mul3A_3156 = arith.constant 8 : i32
      %mul3A_3157 = arith.muli %scan3A_3028, %mul3A_3156 : i32
      %add3A_3158 = arith.constant 3 : i32
      %add3A_3159 = arith.addi %mul3A_3157, %add3A_3158 : i32
      %get3A_3160 = arith.index_cast %add3A_3159 : i32 to index
      %get3A_3161 = arith.constant 16 : index
      %get3A_3162 = tpu.vector_load %arg5[%get3A_3160, %get3A_3161] {strides = array<i32>} : memref<256x128xf32, #tpu.memory_space<vmem>>, vector<16xf32>,
      %get3A_3163 = arith.index_cast %add3A_3159 : i32 to index
      %get3A_3164 = arith.constant 112 : index
      %get3A_3165 = tpu.vector_load %arg6[%get3A_3163, %get3A_3164] {strides = array<i32>} : memref<256x128xf32, #tpu.memory_space<vmem>>, vector<16xf32>,
      %lt3A_3166 = arith.constant 0 : i32
      %lt3A_3167 = vector.broadcast %lt3A_3166 : i32 to vector<16xi32>
      %lt3A_3168 = arith.cmpi slt, %broadcast_in_dim3A_1601, %lt3A_3167 : vector<16xi32>
      %add3A_3169 = arith.constant 16 : i32
      %add3A_3170 = vector.broadcast %add3A_3169 : i32 to vector<16xi32>
      %add3A_3171 = arith.addi %broadcast_in_dim3A_1601, %add3A_3170 : vector<16xi32>
      %select_n3A_3172 = arith.select %lt3A_3168, %add3A_3171, %broadcast_in_dim3A_1601 : vector<16xi1>, vector<16xi32>
      %broadcast_in_dim3A_3173 = vector.shape_cast %select_n3A_3172 : vector<16xi32> to vector<16x1xi32>
      %gather3A_3174 = vector.shape_cast %broadcast_in_dim3A_3173 : vector<16x1xi32> to vector<16xi32>
      %gather3A_3175 = tpu.dynamic_gather %get3A_3162[%gather3A_3174] in [0] : vector<16xf32>, vector<16xi32> -> vector<16xf32>
      %lt3A_3176 = arith.constant 0 : i32
      %lt3A_3177 = vector.broadcast %lt3A_3176 : i32 to vector<16xi32>
      %lt3A_3178 = arith.cmpi slt, %broadcast_in_dim3A_1603, %lt3A_3177 : vector<16xi32>
      %add3A_3179 = arith.constant 16 : i32
      %add3A_3180 = vector.broadcast %add3A_3179 : i32 to vector<16xi32>
      %add3A_3181 = arith.addi %broadcast_in_dim3A_1603, %add3A_3180 : vector<16xi32>
      %select_n3A_3182 = arith.select %lt3A_3178, %add3A_3181, %broadcast_in_dim3A_1603 : vector<16xi1>, vector<16xi32>
      %broadcast_in_dim3A_3183 = vector.shape_cast %select_n3A_3182 : vector<16xi32> to vector<16x1xi32>
      %gather3A_3184 = vector.shape_cast %broadcast_in_dim3A_3183 : vector<16x1xi32> to vector<16xi32>
      %gather3A_3185 = tpu.dynamic_gather %get3A_3165[%gather3A_3184] in [0] : vector<16xf32>, vector<16xi32> -> vector<16xf32>
      %eq3A_3186 = arith.constant 1 : i32
      %eq3A_3187 = vector.broadcast %eq3A_3186 : i32 to vector<16xi32>
      %eq3A_3188 = arith.cmpi eq, %iota3A_1599, %eq3A_3187 : vector<16xi32>
      %select_n3A_3189 = arith.select %eq3A_3188, %gather3A_3185, %get3A_3162 : vector<16xi1>, vector<16xf32>
      %swap3A_3190 = arith.index_cast %add3A_3159 : i32 to index
      %swap3A_3191 = arith.constant 16 : index
      %swap3A_3192 = tpu.vector_load %arg5[%swap3A_3190, %swap3A_3191] {strides = array<i32>} : memref<256x128xf32, #tpu.memory_space<vmem>>, vector<16xf32>,
      tpu.vector_store %arg5[%swap3A_3190, %swap3A_3191], %select_n3A_3189 {strides = array<i32>} : memref<256x128xf32, #tpu.memory_space<vmem>>, vector<16xf32>,
      %eq3A_3193 = arith.constant 7 : i32
      %eq3A_3194 = vector.broadcast %eq3A_3193 : i32 to vector<16xi32>
      %eq3A_3195 = arith.cmpi eq, %iota3A_1599, %eq3A_3194 : vector<16xi32>
      %select_n3A_3196 = arith.select %eq3A_3195, %gather3A_3175, %get3A_3165 : vector<16xi1>, vector<16xf32>
      %swap3A_3197 = arith.index_cast %add3A_3159 : i32 to index
      %swap3A_3198 = arith.constant 112 : index
      %swap3A_3199 = tpu.vector_load %arg6[%swap3A_3197, %swap3A_3198] {strides = array<i32>} : memref<256x128xf32, #tpu.memory_space<vmem>>, vector<16xf32>,
      tpu.vector_store %arg6[%swap3A_3197, %swap3A_3198], %select_n3A_3196 {strides = array<i32>} : memref<256x128xf32, #tpu.memory_space<vmem>>, vector<16xf32>,
      %mul3A_3200 = arith.constant 8 : i32
      %mul3A_3201 = arith.muli %scan3A_3028, %mul3A_3200 : i32
      %add3A_3202 = arith.constant 4 : i32
      %add3A_3203 = arith.addi %mul3A_3201, %add3A_3202 : i32
      %get3A_3204 = arith.index_cast %add3A_3203 : i32 to index
      %get3A_3205 = arith.constant 16 : index
      %get3A_3206 = tpu.vector_load %arg5[%get3A_3204, %get3A_3205] {strides = array<i32>} : memref<256x128xf32, #tpu.memory_space<vmem>>, vector<16xf32>,
      %get3A_3207 = arith.index_cast %add3A_3203 : i32 to index
      %get3A_3208 = arith.constant 112 : index
      %get3A_3209 = tpu.vector_load %arg6[%get3A_3207, %get3A_3208] {strides = array<i32>} : memref<256x128xf32, #tpu.memory_space<vmem>>, vector<16xf32>,
      %lt3A_3210 = arith.constant 0 : i32
      %lt3A_3211 = vector.broadcast %lt3A_3210 : i32 to vector<16xi32>
      %lt3A_3212 = arith.cmpi slt, %broadcast_in_dim3A_1601, %lt3A_3211 : vector<16xi32>
      %add3A_3213 = arith.constant 16 : i32
      %add3A_3214 = vector.broadcast %add3A_3213 : i32 to vector<16xi32>
      %add3A_3215 = arith.addi %broadcast_in_dim3A_1601, %add3A_3214 : vector<16xi32>
      %select_n3A_3216 = arith.select %lt3A_3212, %add3A_3215, %broadcast_in_dim3A_1601 : vector<16xi1>, vector<16xi32>
      %broadcast_in_dim3A_3217 = vector.shape_cast %select_n3A_3216 : vector<16xi32> to vector<16x1xi32>
      %gather3A_3218 = vector.shape_cast %broadcast_in_dim3A_3217 : vector<16x1xi32> to vector<16xi32>
      %gather3A_3219 = tpu.dynamic_gather %get3A_3206[%gather3A_3218] in [0] : vector<16xf32>, vector<16xi32> -> vector<16xf32>
      %lt3A_3220 = arith.constant 0 : i32
      %lt3A_3221 = vector.broadcast %lt3A_3220 : i32 to vector<16xi32>
      %lt3A_3222 = arith.cmpi slt, %broadcast_in_dim3A_1603, %lt3A_3221 : vector<16xi32>
      %add3A_3223 = arith.constant 16 : i32
      %add3A_3224 = vector.broadcast %add3A_3223 : i32 to vector<16xi32>
      %add3A_3225 = arith.addi %broadcast_in_dim3A_1603, %add3A_3224 : vector<16xi32>
      %select_n3A_3226 = arith.select %lt3A_3222, %add3A_3225, %broadcast_in_dim3A_1603 : vector<16xi1>, vector<16xi32>
      %broadcast_in_dim3A_3227 = vector.shape_cast %select_n3A_3226 : vector<16xi32> to vector<16x1xi32>
      %gather3A_3228 = vector.shape_cast %broadcast_in_dim3A_3227 : vector<16x1xi32> to vector<16xi32>
      %gather3A_3229 = tpu.dynamic_gather %get3A_3209[%gather3A_3228] in [0] : vector<16xf32>, vector<16xi32> -> vector<16xf32>
      %eq3A_3230 = arith.constant 1 : i32
      %eq3A_3231 = vector.broadcast %eq3A_3230 : i32 to vector<16xi32>
      %eq3A_3232 = arith.cmpi eq, %iota3A_1599, %eq3A_3231 : vector<16xi32>
      %select_n3A_3233 = arith.select %eq3A_3232, %gather3A_3229, %get3A_3206 : vector<16xi1>, vector<16xf32>
      %swap3A_3234 = arith.index_cast %add3A_3203 : i32 to index
      %swap3A_3235 = arith.constant 16 : index
      %swap3A_3236 = tpu.vector_load %arg5[%swap3A_3234, %swap3A_3235] {strides = array<i32>} : memref<256x128xf32, #tpu.memory_space<vmem>>, vector<16xf32>,
      tpu.vector_store %arg5[%swap3A_3234, %swap3A_3235], %select_n3A_3233 {strides = array<i32>} : memref<256x128xf32, #tpu.memory_space<vmem>>, vector<16xf32>,
      %eq3A_3237 = arith.constant 7 : i32
      %eq3A_3238 = vector.broadcast %eq3A_3237 : i32 to vector<16xi32>
      %eq3A_3239 = arith.cmpi eq, %iota3A_1599, %eq3A_3238 : vector<16xi32>
      %select_n3A_3240 = arith.select %eq3A_3239, %gather3A_3219, %get3A_3209 : vector<16xi1>, vector<16xf32>
      %swap3A_3241 = arith.index_cast %add3A_3203 : i32 to index
      %swap3A_3242 = arith.constant 112 : index
      %swap3A_3243 = tpu.vector_load %arg6[%swap3A_3241, %swap3A_3242] {strides = array<i32>} : memref<256x128xf32, #tpu.memory_space<vmem>>, vector<16xf32>,
      tpu.vector_store %arg6[%swap3A_3241, %swap3A_3242], %select_n3A_3240 {strides = array<i32>} : memref<256x128xf32, #tpu.memory_space<vmem>>, vector<16xf32>,
      %mul3A_3244 = arith.constant 8 : i32
      %mul3A_3245 = arith.muli %scan3A_3028, %mul3A_3244 : i32
      %add3A_3246 = arith.constant 5 : i32
      %add3A_3247 = arith.addi %mul3A_3245, %add3A_3246 : i32
      %get3A_3248 = arith.index_cast %add3A_3247 : i32 to index
      %get3A_3249 = arith.constant 16 : index
      %get3A_3250 = tpu.vector_load %arg5[%get3A_3248, %get3A_3249] {strides = array<i32>} : memref<256x128xf32, #tpu.memory_space<vmem>>, vector<16xf32>,
      %get3A_3251 = arith.index_cast %add3A_3247 : i32 to index
      %get3A_3252 = arith.constant 112 : index
      %get3A_3253 = tpu.vector_load %arg6[%get3A_3251, %get3A_3252] {strides = array<i32>} : memref<256x128xf32, #tpu.memory_space<vmem>>, vector<16xf32>,
      %lt3A_3254 = arith.constant 0 : i32
      %lt3A_3255 = vector.broadcast %lt3A_3254 : i32 to vector<16xi32>
      %lt3A_3256 = arith.cmpi slt, %broadcast_in_dim3A_1601, %lt3A_3255 : vector<16xi32>
      %add3A_3257 = arith.constant 16 : i32
      %add3A_3258 = vector.broadcast %add3A_3257 : i32 to vector<16xi32>
      %add3A_3259 = arith.addi %broadcast_in_dim3A_1601, %add3A_3258 : vector<16xi32>
      %select_n3A_3260 = arith.select %lt3A_3256, %add3A_3259, %broadcast_in_dim3A_1601 : vector<16xi1>, vector<16xi32>
      %broadcast_in_dim3A_3261 = vector.shape_cast %select_n3A_3260 : vector<16xi32> to vector<16x1xi32>
      %gather3A_3262 = vector.shape_cast %broadcast_in_dim3A_3261 : vector<16x1xi32> to vector<16xi32>
      %gather3A_3263 = tpu.dynamic_gather %get3A_3250[%gather3A_3262] in [0] : vector<16xf32>, vector<16xi32> -> vector<16xf32>
      %lt3A_3264 = arith.constant 0 : i32
      %lt3A_3265 = vector.broadcast %lt3A_3264 : i32 to vector<16xi32>
      %lt3A_3266 = arith.cmpi slt, %broadcast_in_dim3A_1603, %lt3A_3265 : vector<16xi32>
      %add3A_3267 = arith.constant 16 : i32
      %add3A_3268 = vector.broadcast %add3A_3267 : i32 to vector<16xi32>
      %add3A_3269 = arith.addi %broadcast_in_dim3A_1603, %add3A_3268 : vector<16xi32>
      %select_n3A_3270 = arith.select %lt3A_3266, %add3A_3269, %broadcast_in_dim3A_1603 : vector<16xi1>, vector<16xi32>
      %broadcast_in_dim3A_3271 = vector.shape_cast %select_n3A_3270 : vector<16xi32> to vector<16x1xi32>
      %gather3A_3272 = vector.shape_cast %broadcast_in_dim3A_3271 : vector<16x1xi32> to vector<16xi32>
      %gather3A_3273 = tpu.dynamic_gather %get3A_3253[%gather3A_3272] in [0] : vector<16xf32>, vector<16xi32> -> vector<16xf32>
      %eq3A_3274 = arith.constant 1 : i32
      %eq3A_3275 = vector.broadcast %eq3A_3274 : i32 to vector<16xi32>
      %eq3A_3276 = arith.cmpi eq, %iota3A_1599, %eq3A_3275 : vector<16xi32>
      %select_n3A_3277 = arith.select %eq3A_3276, %gather3A_3273, %get3A_3250 : vector<16xi1>, vector<16xf32>
      %swap3A_3278 = arith.index_cast %add3A_3247 : i32 to index
      %swap3A_3279 = arith.constant 16 : index
      %swap3A_3280 = tpu.vector_load %arg5[%swap3A_3278, %swap3A_3279] {strides = array<i32>} : memref<256x128xf32, #tpu.memory_space<vmem>>, vector<16xf32>,
      tpu.vector_store %arg5[%swap3A_3278, %swap3A_3279], %select_n3A_3277 {strides = array<i32>} : memref<256x128xf32, #tpu.memory_space<vmem>>, vector<16xf32>,
      %eq3A_3281 = arith.constant 7 : i32
      %eq3A_3282 = vector.broadcast %eq3A_3281 : i32 to vector<16xi32>
      %eq3A_3283 = arith.cmpi eq, %iota3A_1599, %eq3A_3282 : vector<16xi32>
      %select_n3A_3284 = arith.select %eq3A_3283, %gather3A_3263, %get3A_3253 : vector<16xi1>, vector<16xf32>
      %swap3A_3285 = arith.index_cast %add3A_3247 : i32 to index
      %swap3A_3286 = arith.constant 112 : index
      %swap3A_3287 = tpu.vector_load %arg6[%swap3A_3285, %swap3A_3286] {strides = array<i32>} : memref<256x128xf32, #tpu.memory_space<vmem>>, vector<16xf32>,
      tpu.vector_store %arg6[%swap3A_3285, %swap3A_3286], %select_n3A_3284 {strides = array<i32>} : memref<256x128xf32, #tpu.memory_space<vmem>>, vector<16xf32>,
      %mul3A_3288 = arith.constant 8 : i32
      %mul3A_3289 = arith.muli %scan3A_3028, %mul3A_3288 : i32
      %add3A_3290 = arith.constant 6 : i32
      %add3A_3291 = arith.addi %mul3A_3289, %add3A_3290 : i32
      %get3A_3292 = arith.index_cast %add3A_3291 : i32 to index
      %get3A_3293 = arith.constant 16 : index
      %get3A_3294 = tpu.vector_load %arg5[%get3A_3292, %get3A_3293] {strides = array<i32>} : memref<256x128xf32, #tpu.memory_space<vmem>>, vector<16xf32>,
      %get3A_3295 = arith.index_cast %add3A_3291 : i32 to index
      %get3A_3296 = arith.constant 112 : index
      %get3A_3297 = tpu.vector_load %arg6[%get3A_3295, %get3A_3296] {strides = array<i32>} : memref<256x128xf32, #tpu.memory_space<vmem>>, vector<16xf32>,
      %lt3A_3298 = arith.constant 0 : i32
      %lt3A_3299 = vector.broadcast %lt3A_3298 : i32 to vector<16xi32>
      %lt3A_3300 = arith.cmpi slt, %broadcast_in_dim3A_1601, %lt3A_3299 : vector<16xi32>
      %add3A_3301 = arith.constant 16 : i32
      %add3A_3302 = vector.broadcast %add3A_3301 : i32 to vector<16xi32>
      %add3A_3303 = arith.addi %broadcast_in_dim3A_1601, %add3A_3302 : vector<16xi32>
      %select_n3A_3304 = arith.select %lt3A_3300, %add3A_3303, %broadcast_in_dim3A_1601 : vector<16xi1>, vector<16xi32>
      %broadcast_in_dim3A_3305 = vector.shape_cast %select_n3A_3304 : vector<16xi32> to vector<16x1xi32>
      %gather3A_3306 = vector.shape_cast %broadcast_in_dim3A_3305 : vector<16x1xi32> to vector<16xi32>
      %gather3A_3307 = tpu.dynamic_gather %get3A_3294[%gather3A_3306] in [0] : vector<16xf32>, vector<16xi32> -> vector<16xf32>
      %lt3A_3308 = arith.constant 0 : i32
      %lt3A_3309 = vector.broadcast %lt3A_3308 : i32 to vector<16xi32>
      %lt3A_3310 = arith.cmpi slt, %broadcast_in_dim3A_1603, %lt3A_3309 : vector<16xi32>
      %add3A_3311 = arith.constant 16 : i32
      %add3A_3312 = vector.broadcast %add3A_3311 : i32 to vector<16xi32>
      %add3A_3313 = arith.addi %broadcast_in_dim3A_1603, %add3A_3312 : vector<16xi32>
      %select_n3A_3314 = arith.select %lt3A_3310, %add3A_3313, %broadcast_in_dim3A_1603 : vector<16xi1>, vector<16xi32>
      %broadcast_in_dim3A_3315 = vector.shape_cast %select_n3A_3314 : vector<16xi32> to vector<16x1xi32>
      %gather3A_3316 = vector.shape_cast %broadcast_in_dim3A_3315 : vector<16x1xi32> to vector<16xi32>
      %gather3A_3317 = tpu.dynamic_gather %get3A_3297[%gather3A_3316] in [0] : vector<16xf32>, vector<16xi32> -> vector<16xf32>
      %eq3A_3318 = arith.constant 1 : i32
      %eq3A_3319 = vector.broadcast %eq3A_3318 : i32 to vector<16xi32>
      %eq3A_3320 = arith.cmpi eq, %iota3A_1599, %eq3A_3319 : vector<16xi32>
      %select_n3A_3321 = arith.select %eq3A_3320, %gather3A_3317, %get3A_3294 : vector<16xi1>, vector<16xf32>
      %swap3A_3322 = arith.index_cast %add3A_3291 : i32 to index
      %swap3A_3323 = arith.constant 16 : index
      %swap3A_3324 = tpu.vector_load %arg5[%swap3A_3322, %swap3A_3323] {strides = array<i32>} : memref<256x128xf32, #tpu.memory_space<vmem>>, vector<16xf32>,
      tpu.vector_store %arg5[%swap3A_3322, %swap3A_3323], %select_n3A_3321 {strides = array<i32>} : memref<256x128xf32, #tpu.memory_space<vmem>>, vector<16xf32>,
      %eq3A_3325 = arith.constant 7 : i32
      %eq3A_3326 = vector.broadcast %eq3A_3325 : i32 to vector<16xi32>
      %eq3A_3327 = arith.cmpi eq, %iota3A_1599, %eq3A_3326 : vector<16xi32>
      %select_n3A_3328 = arith.select %eq3A_3327, %gather3A_3307, %get3A_3297 : vector<16xi1>, vector<16xf32>
      %swap3A_3329 = arith.index_cast %add3A_3291 : i32 to index
      %swap3A_3330 = arith.constant 112 : index
      %swap3A_3331 = tpu.vector_load %arg6[%swap3A_3329, %swap3A_3330] {strides = array<i32>} : memref<256x128xf32, #tpu.memory_space<vmem>>, vector<16xf32>,
      tpu.vector_store %arg6[%swap3A_3329, %swap3A_3330], %select_n3A_3328 {strides = array<i32>} : memref<256x128xf32, #tpu.memory_space<vmem>>, vector<16xf32>,
      %mul3A_3332 = arith.constant 8 : i32
      %mul3A_3333 = arith.muli %scan3A_3028, %mul3A_3332 : i32
      %add3A_3334 = arith.constant 7 : i32
      %add3A_3335 = arith.addi %mul3A_3333, %add3A_3334 : i32
      %get3A_3336 = arith.index_cast %add3A_3335 : i32 to index
      %get3A_3337 = arith.constant 16 : index
      %get3A_3338 = tpu.vector_load %arg5[%get3A_3336, %get3A_3337] {strides = array<i32>} : memref<256x128xf32, #tpu.memory_space<vmem>>, vector<16xf32>,
      %get3A_3339 = arith.index_cast %add3A_3335 : i32 to index
      %get3A_3340 = arith.constant 112 : index
      %get3A_3341 = tpu.vector_load %arg6[%get3A_3339, %get3A_3340] {strides = array<i32>} : memref<256x128xf32, #tpu.memory_space<vmem>>, vector<16xf32>,
      %lt3A_3342 = arith.constant 0 : i32
      %lt3A_3343 = vector.broadcast %lt3A_3342 : i32 to vector<16xi32>
      %lt3A_3344 = arith.cmpi slt, %broadcast_in_dim3A_1601, %lt3A_3343 : vector<16xi32>
      %add3A_3345 = arith.constant 16 : i32
      %add3A_3346 = vector.broadcast %add3A_3345 : i32 to vector<16xi32>
      %add3A_3347 = arith.addi %broadcast_in_dim3A_1601, %add3A_3346 : vector<16xi32>
      %select_n3A_3348 = arith.select %lt3A_3344, %add3A_3347, %broadcast_in_dim3A_1601 : vector<16xi1>, vector<16xi32>
      %broadcast_in_dim3A_3349 = vector.shape_cast %select_n3A_3348 : vector<16xi32> to vector<16x1xi32>
      %gather3A_3350 = vector.shape_cast %broadcast_in_dim3A_3349 : vector<16x1xi32> to vector<16xi32>
      %gather3A_3351 = tpu.dynamic_gather %get3A_3338[%gather3A_3350] in [0] : vector<16xf32>, vector<16xi32> -> vector<16xf32>
      %lt3A_3352 = arith.constant 0 : i32
      %lt3A_3353 = vector.broadcast %lt3A_3352 : i32 to vector<16xi32>
      %lt3A_3354 = arith.cmpi slt, %broadcast_in_dim3A_1603, %lt3A_3353 : vector<16xi32>
      %add3A_3355 = arith.constant 16 : i32
      %add3A_3356 = vector.broadcast %add3A_3355 : i32 to vector<16xi32>
      %add3A_3357 = arith.addi %broadcast_in_dim3A_1603, %add3A_3356 : vector<16xi32>
      %select_n3A_3358 = arith.select %lt3A_3354, %add3A_3357, %broadcast_in_dim3A_1603 : vector<16xi1>, vector<16xi32>
      %broadcast_in_dim3A_3359 = vector.shape_cast %select_n3A_3358 : vector<16xi32> to vector<16x1xi32>
      %gather3A_3360 = vector.shape_cast %broadcast_in_dim3A_3359 : vector<16x1xi32> to vector<16xi32>
      %gather3A_3361 = tpu.dynamic_gather %get3A_3341[%gather3A_3360] in [0] : vector<16xf32>, vector<16xi32> -> vector<16xf32>
      %eq3A_3362 = arith.constant 1 : i32
      %eq3A_3363 = vector.broadcast %eq3A_3362 : i32 to vector<16xi32>
      %eq3A_3364 = arith.cmpi eq, %iota3A_1599, %eq3A_3363 : vector<16xi32>
      %select_n3A_3365 = arith.select %eq3A_3364, %gather3A_3361, %get3A_3338 : vector<16xi1>, vector<16xf32>
      %swap3A_3366 = arith.index_cast %add3A_3335 : i32 to index
      %swap3A_3367 = arith.constant 16 : index
      %swap3A_3368 = tpu.vector_load %arg5[%swap3A_3366, %swap3A_3367] {strides = array<i32>} : memref<256x128xf32, #tpu.memory_space<vmem>>, vector<16xf32>,
      tpu.vector_store %arg5[%swap3A_3366, %swap3A_3367], %select_n3A_3365 {strides = array<i32>} : memref<256x128xf32, #tpu.memory_space<vmem>>, vector<16xf32>,
      %eq3A_3369 = arith.constant 7 : i32
      %eq3A_3370 = vector.broadcast %eq3A_3369 : i32 to vector<16xi32>
      %eq3A_3371 = arith.cmpi eq, %iota3A_1599, %eq3A_3370 : vector<16xi32>
      %select_n3A_3372 = arith.select %eq3A_3371, %gather3A_3351, %get3A_3341 : vector<16xi1>, vector<16xf32>
      %swap3A_3373 = arith.index_cast %add3A_3335 : i32 to index
      %swap3A_3374 = arith.constant 112 : index
      %swap3A_3375 = tpu.vector_load %arg6[%swap3A_3373, %swap3A_3374] {strides = array<i32>} : memref<256x128xf32, #tpu.memory_space<vmem>>, vector<16xf32>,
      tpu.vector_store %arg6[%swap3A_3373, %swap3A_3374], %select_n3A_3372 {strides = array<i32>} : memref<256x128xf32, #tpu.memory_space<vmem>>, vector<16xf32>,
    }
    %scan3A_1609 = arith.constant 32 : i32
    %add3A_1610 = arith.constant 288 : i32
    %add3A_1611 = arith.addi %mul3A_2, %add3A_1610 : i32
    %jit3A_1612 = arith.constant 8 : i32
    %div3A_1613 = arith.divsi %add3A_1611, %jit3A_1612 : i32
    %sign3A_1614 = arith.constant 0 : i32
    %sign3A_1615 = arith.cmpi sgt, %add3A_1611, %sign3A_1614 : i32
    %sign3A_1616 = arith.extui %sign3A_1615 : i1 to i32
    %sign3A_1617 = arith.constant 0 : i32
    %sign3A_1618 = arith.cmpi slt, %add3A_1611, %sign3A_1617 : i32
    %sign3A_1619 = arith.extui %sign3A_1618 : i1 to i32
    %sign3A_1620 = arith.subi %sign3A_1616, %sign3A_1619 : i32
    %sign3A_1621 = arith.constant 0 : i32
    %sign3A_1622 = arith.cmpi sgt, %jit3A_1612, %sign3A_1621 : i32
    %sign3A_1623 = arith.extui %sign3A_1622 : i1 to i32
    %sign3A_1624 = arith.constant 0 : i32
    %sign3A_1625 = arith.cmpi slt, %jit3A_1612, %sign3A_1624 : i32
    %sign3A_1626 = arith.extui %sign3A_1625 : i1 to i32
    %sign3A_1627 = arith.subi %sign3A_1623, %sign3A_1626 : i32
    %ne3A_1628 = arith.cmpi ne, %sign3A_1620, %sign3A_1627 : i32
    %rem3A_1629 = arith.remsi %add3A_1611, %jit3A_1612 : i32
    %ne3A_1630 = arith.constant 0 : i32
    %ne3A_1631 = arith.cmpi ne, %rem3A_1629, %ne3A_1630 : i32
    %and3A_1632 = arith.andi %ne3A_1628, %ne3A_1631 : i1
    %sub3A_1633 = arith.constant 1 : i32
    %sub3A_1634 = arith.subi %div3A_1613, %sub3A_1633 : i32
    %select_n3A_1635 = arith.select %and3A_1632, %sub3A_1634, %div3A_1613 : i32
    %dma_start3A_1636 = arith.constant 2 : i32
    %dma_start3A_1637 = arith.constant 0 : i32
    %dma_start3A_1638 = arith.constant 0 : i32
    %dma_start3A_1639 = arith.constant 0 : i32
    %dma_start3A_1640 = tpu.memref_slice %arg4[%arg1, %dma_start3A_1636, %dma_start3A_1637, %dma_start3A_1638, %dma_start3A_1639] : memref<16x4x2x8x1024xf32, #tpu.memory_space<vmem_shared>> -> memref<1x1x2x8x1024xf32, #tpu.memory_space<vmem_shared>>
    %dma_start3A_1641 = tpu.memref_squeeze %dma_start3A_1640 : memref<1x1x2x8x1024xf32, #tpu.memory_space<vmem_shared>> -> memref<2x8x1024xf32, #tpu.memory_space<vmem_shared>>
    %dma_start3A_1642 = tpu.memref_reshape %arg2 : memref<16384x1024xf32, #tpu.memory_space<hbm>> -> memref<2048x8x1024xf32, #tpu.memory_space<hbm>>
    %dma_start3A_1643 = arith.constant 0 : i32
    %dma_start3A_1644 = arith.constant 0 : i32
    %dma_start3A_1645 = tpu.memref_slice %dma_start3A_1642[%select_n3A_1635, %dma_start3A_1643, %dma_start3A_1644] : memref<2048x8x1024xf32, #tpu.memory_space<hbm>> -> memref<2x8x1024xf32, #tpu.memory_space<hbm>>
    tpu.enqueue_dma source(%dma_start3A_1645 : memref<2x8x1024xf32, #tpu.memory_space<hbm>>) target(%dma_start3A_1641 : memref<2x8x1024xf32, #tpu.memory_space<vmem_shared>>) target_semaphore(%arg9 : memref<!tpu.dma_semaphore, #tpu.memory_space<semaphore_mem>>)
    %dma_wait3A_1646 = arith.constant 0 : i32
    %dma_wait3A_1647 = arith.constant 0 : i32
    %dma_wait3A_1648 = arith.constant 0 : i32
    %dma_wait3A_1649 = arith.constant 0 : i32
    %dma_wait3A_1650 = tpu.memref_slice %arg4[%arg1, %dma_wait3A_1646, %dma_wait3A_1647, %dma_wait3A_1648, %dma_wait3A_1649] : memref<16x4x2x8x1024xf32, #tpu.memory_space<vmem_shared>> -> memref<1x1x2x8x1024xf32, #tpu.memory_space<vmem_shared>>
    %dma_wait3A_1651 = tpu.memref_squeeze %dma_wait3A_1650 : memref<1x1x2x8x1024xf32, #tpu.memory_space<vmem_shared>> -> memref<2x8x1024xf32, #tpu.memory_space<vmem_shared>>
    %dma_wait3A_1652 = tpu.memref_reshape %arg2 : memref<16384x1024xf32, #tpu.memory_space<hbm>> -> memref<2048x8x1024xf32, #tpu.memory_space<hbm>>
    %dma_wait3A_1653 = arith.constant 0 : i32
    %dma_wait3A_1654 = arith.constant 0 : i32
    %dma_wait3A_1655 = tpu.memref_slice %dma_wait3A_1652[%select_n3A_1516, %dma_wait3A_1653, %dma_wait3A_1654] : memref<2048x8x1024xf32, #tpu.memory_space<hbm>> -> memref<2x8x1024xf32, #tpu.memory_space<hbm>>
    tpu.wait_dma2 semaphore(%arg7 : memref<!tpu.dma_semaphore, #tpu.memory_space<semaphore_mem>>) src(%dma_wait3A_1655 : memref<2x8x1024xf32, #tpu.memory_space<hbm>>) dst(%dma_wait3A_1651 : memref<2x8x1024xf32, #tpu.memory_space<vmem_shared>>)
    %add3A_1656 = arith.constant 256 : i32
    %add3A_1657 = arith.addi %mul3A_2, %add3A_1656 : i32
    %jit3A_1658 = arith.constant 8 : i32
    %div3A_1659 = arith.divsi %add3A_1657, %jit3A_1658 : i32
    %sign3A_1660 = arith.constant 0 : i32
    %sign3A_1661 = arith.cmpi sgt, %add3A_1657, %sign3A_1660 : i32
    %sign3A_1662 = arith.extui %sign3A_1661 : i1 to i32
    %sign3A_1663 = arith.constant 0 : i32
    %sign3A_1664 = arith.cmpi slt, %add3A_1657, %sign3A_1663 : i32
    %sign3A_1665 = arith.extui %sign3A_1664 : i1 to i32
    %sign3A_1666 = arith.subi %sign3A_1662, %sign3A_1665 : i32
    %sign3A_1667 = arith.constant 0 : i32
    %sign3A_1668 = arith.cmpi sgt, %jit3A_1658, %sign3A_1667 : i32
    %sign3A_1669 = arith.extui %sign3A_1668 : i1 to i32
    %sign3A_1670 = arith.constant 0 : i32
    %sign3A_1671 = arith.cmpi slt, %jit3A_1658, %sign3A_1670 : i32
    %sign3A_1672 = arith.extui %sign3A_1671 : i1 to i32
    %sign3A_1673 = arith.subi %sign3A_1669, %sign3A_1672 : i32
    %ne3A_1674 = arith.cmpi ne, %sign3A_1666, %sign3A_1673 : i32
    %rem3A_1675 = arith.remsi %add3A_1657, %jit3A_1658 : i32
    %ne3A_1676 = arith.constant 0 : i32
    %ne3A_1677 = arith.cmpi ne, %rem3A_1675, %ne3A_1676 : i32
    %and3A_1678 = arith.andi %ne3A_1674, %ne3A_1677 : i1
    %sub3A_1679 = arith.constant 1 : i32
    %sub3A_1680 = arith.subi %div3A_1659, %sub3A_1679 : i32
    %select_n3A_1681 = arith.select %and3A_1678, %sub3A_1680, %div3A_1659 : i32
    %dma_start3A_1682 = arith.constant 0 : i32
    %dma_start3A_1683 = tpu.memref_reshape %arg3 : memref<16384x1024xf32, #tpu.memory_space<hbm>> -> memref<2048x8x1024xf32, #tpu.memory_space<hbm>>
    %dma_start3A_1684 = arith.constant 0 : i32
    %dma_start3A_1685 = arith.constant 0 : i32
    %dma_start3A_1686 = tpu.memref_slice %dma_start3A_1683[%select_n3A_1681, %dma_start3A_1684, %dma_start3A_1685] : memref<2048x8x1024xf32, #tpu.memory_space<hbm>> -> memref<2x8x1024xf32, #tpu.memory_space<hbm>>
    %dma_start3A_1687 = arith.constant 0 : i32
    %dma_start3A_1688 = arith.constant 0 : i32
    %dma_start3A_1689 = arith.constant 0 : i32
    %dma_start3A_1690 = tpu.memref_slice %arg4[%arg1, %dma_start3A_1682, %dma_start3A_1687, %dma_start3A_1688, %dma_start3A_1689] : memref<16x4x2x8x1024xf32, #tpu.memory_space<vmem_shared>> -> memref<1x1x2x8x1024xf32, #tpu.memory_space<vmem_shared>>
    %dma_start3A_1691 = tpu.memref_squeeze %dma_start3A_1690 : memref<1x1x2x8x1024xf32, #tpu.memory_space<vmem_shared>> -> memref<2x8x1024xf32, #tpu.memory_space<vmem_shared>>
    tpu.enqueue_dma source(%dma_start3A_1691 : memref<2x8x1024xf32, #tpu.memory_space<vmem_shared>>) target(%dma_start3A_1686 : memref<2x8x1024xf32, #tpu.memory_space<hbm>>) target_semaphore(%arg11 : memref<!tpu.dma_semaphore, #tpu.memory_space<semaphore_mem>>)
    %add3A_1692 = arith.constant 304 : i32
    %add3A_1693 = arith.addi %mul3A_2, %add3A_1692 : i32
    %jit3A_1694 = arith.constant 8 : i32
    %div3A_1695 = arith.divsi %add3A_1693, %jit3A_1694 : i32
    %sign3A_1696 = arith.constant 0 : i32
    %sign3A_1697 = arith.cmpi sgt, %add3A_1693, %sign3A_1696 : i32
    %sign3A_1698 = arith.extui %sign3A_1697 : i1 to i32
    %sign3A_1699 = arith.constant 0 : i32
    %sign3A_1700 = arith.cmpi slt, %add3A_1693, %sign3A_1699 : i32
    %sign3A_1701 = arith.extui %sign3A_1700 : i1 to i32
    %sign3A_1702 = arith.subi %sign3A_1698, %sign3A_1701 : i32
    %sign3A_1703 = arith.constant 0 : i32
    %sign3A_1704 = arith.cmpi sgt, %jit3A_1694, %sign3A_1703 : i32
    %sign3A_1705 = arith.extui %sign3A_1704 : i1 to i32
    %sign3A_1706 = arith.constant 0 : i32
    %sign3A_1707 = arith.cmpi slt, %jit3A_1694, %sign3A_1706 : i32
    %sign3A_1708 = arith.extui %sign3A_1707 : i1 to i32
    %sign3A_1709 = arith.subi %sign3A_1705, %sign3A_1708 : i32
    %ne3A_1710 = arith.cmpi ne, %sign3A_1702, %sign3A_1709 : i32
    %rem3A_1711 = arith.remsi %add3A_1693, %jit3A_1694 : i32
    %ne3A_1712 = arith.constant 0 : i32
    %ne3A_1713 = arith.cmpi ne, %rem3A_1711, %ne3A_1712 : i32
    %and3A_1714 = arith.andi %ne3A_1710, %ne3A_1713 : i1
    %sub3A_1715 = arith.constant 1 : i32
    %sub3A_1716 = arith.subi %div3A_1695, %sub3A_1715 : i32
    %select_n3A_1717 = arith.select %and3A_1714, %sub3A_1716, %div3A_1695 : i32
    %dma_start3A_1718 = arith.constant 3 : i32
    %dma_start3A_1719 = arith.constant 0 : i32
    %dma_start3A_1720 = arith.constant 0 : i32
    %dma_start3A_1721 = arith.constant 0 : i32
    %dma_start3A_1722 = tpu.memref_slice %arg4[%arg1, %dma_start3A_1718, %dma_start3A_1719, %dma_start3A_1720, %dma_start3A_1721] : memref<16x4x2x8x1024xf32, #tpu.memory_space<vmem_shared>> -> memref<1x1x2x8x1024xf32, #tpu.memory_space<vmem_shared>>
    %dma_start3A_1723 = tpu.memref_squeeze %dma_start3A_1722 : memref<1x1x2x8x1024xf32, #tpu.memory_space<vmem_shared>> -> memref<2x8x1024xf32, #tpu.memory_space<vmem_shared>>
    %dma_start3A_1724 = tpu.memref_reshape %arg2 : memref<16384x1024xf32, #tpu.memory_space<hbm>> -> memref<2048x8x1024xf32, #tpu.memory_space<hbm>>
    %dma_start3A_1725 = arith.constant 0 : i32
    %dma_start3A_1726 = arith.constant 0 : i32
    %dma_start3A_1727 = tpu.memref_slice %dma_start3A_1724[%select_n3A_1717, %dma_start3A_1725, %dma_start3A_1726] : memref<2048x8x1024xf32, #tpu.memory_space<hbm>> -> memref<2x8x1024xf32, #tpu.memory_space<hbm>>
    tpu.enqueue_dma source(%dma_start3A_1727 : memref<2x8x1024xf32, #tpu.memory_space<hbm>>) target(%dma_start3A_1723 : memref<2x8x1024xf32, #tpu.memory_space<vmem_shared>>) target_semaphore(%arg10 : memref<!tpu.dma_semaphore, #tpu.memory_space<semaphore_mem>>)
    %dma_wait3A_1728 = arith.constant 1 : i32
    %dma_wait3A_1729 = arith.constant 0 : i32
    %dma_wait3A_1730 = arith.constant 0 : i32
    %dma_wait3A_1731 = arith.constant 0 : i32
    %dma_wait3A_1732 = tpu.memref_slice %arg4[%arg1, %dma_wait3A_1728, %dma_wait3A_1729, %dma_wait3A_1730, %dma_wait3A_1731] : memref<16x4x2x8x1024xf32, #tpu.memory_space<vmem_shared>> -> memref<1x1x2x8x1024xf32, #tpu.memory_space<vmem_shared>>
    %dma_wait3A_1733 = tpu.memref_squeeze %dma_wait3A_1732 : memref<1x1x2x8x1024xf32, #tpu.memory_space<vmem_shared>> -> memref<2x8x1024xf32, #tpu.memory_space<vmem_shared>>
    %dma_wait3A_1734 = tpu.memref_reshape %arg2 : memref<16384x1024xf32, #tpu.memory_space<hbm>> -> memref<2048x8x1024xf32, #tpu.memory_space<hbm>>
    %dma_wait3A_1735 = arith.constant 0 : i32
    %dma_wait3A_1736 = arith.constant 0 : i32
    %dma_wait3A_1737 = tpu.memref_slice %dma_wait3A_1734[%select_n3A_1552, %dma_wait3A_1735, %dma_wait3A_1736] : memref<2048x8x1024xf32, #tpu.memory_space<hbm>> -> memref<2x8x1024xf32, #tpu.memory_space<hbm>>
    tpu.wait_dma2 semaphore(%arg8 : memref<!tpu.dma_semaphore, #tpu.memory_space<semaphore_mem>>) src(%dma_wait3A_1737 : memref<2x8x1024xf32, #tpu.memory_space<hbm>>) dst(%dma_wait3A_1733 : memref<2x8x1024xf32, #tpu.memory_space<vmem_shared>>)
    %add3A_1738 = arith.constant 272 : i32
    %add3A_1739 = arith.addi %mul3A_2, %add3A_1738 : i32
    %jit3A_1740 = arith.constant 8 : i32
    %div3A_1741 = arith.divsi %add3A_1739, %jit3A_1740 : i32
    %sign3A_1742 = arith.constant 0 : i32
    %sign3A_1743 = arith.cmpi sgt, %add3A_1739, %sign3A_1742 : i32
    %sign3A_1744 = arith.extui %sign3A_1743 : i1 to i32
    %sign3A_1745 = arith.constant 0 : i32
    %sign3A_1746 = arith.cmpi slt, %add3A_1739, %sign3A_1745 : i32
    %sign3A_1747 = arith.extui %sign3A_1746 : i1 to i32
    %sign3A_1748 = arith.subi %sign3A_1744, %sign3A_1747 : i32
    %sign3A_1749 = arith.constant 0 : i32
    %sign3A_1750 = arith.cmpi sgt, %jit3A_1740, %sign3A_1749 : i32
    %sign3A_1751 = arith.extui %sign3A_1750 : i1 to i32
    %sign3A_1752 = arith.constant 0 : i32
    %sign3A_1753 = arith.cmpi slt, %jit3A_1740, %sign3A_1752 : i32
    %sign3A_1754 = arith.extui %sign3A_1753 : i1 to i32
    %sign3A_1755 = arith.subi %sign3A_1751, %sign3A_1754 : i32
    %ne3A_1756 = arith.cmpi ne, %sign3A_1748, %sign3A_1755 : i32
    %rem3A_1757 = arith.remsi %add3A_1739, %jit3A_1740 : i32
    %ne3A_1758 = arith.constant 0 : i32
    %ne3A_1759 = arith.cmpi ne, %rem3A_1757, %ne3A_1758 : i32
    %and3A_1760 = arith.andi %ne3A_1756, %ne3A_1759 : i1
    %sub3A_1761 = arith.constant 1 : i32
    %sub3A_1762 = arith.subi %div3A_1741, %sub3A_1761 : i32
    %select_n3A_1763 = arith.select %and3A_1760, %sub3A_1762, %div3A_1741 : i32
    %dma_start3A_1764 = arith.constant 1 : i32
    %dma_start3A_1765 = tpu.memref_reshape %arg3 : memref<16384x1024xf32, #tpu.memory_space<hbm>> -> memref<2048x8x1024xf32, #tpu.memory_space<hbm>>
    %dma_start3A_1766 = arith.constant 0 : i32
    %dma_start3A_1767 = arith.constant 0 : i32
    %dma_start3A_1768 = tpu.memref_slice %dma_start3A_1765[%select_n3A_1763, %dma_start3A_1766, %dma_start3A_1767] : memref<2048x8x1024xf32, #tpu.memory_space<hbm>> -> memref<2x8x1024xf32, #tpu.memory_space<hbm>>
    %dma_start3A_1769 = arith.constant 0 : i32
    %dma_start3A_1770 = arith.constant 0 : i32
    %dma_start3A_1771 = arith.constant 0 : i32
    %dma_start3A_1772 = tpu.memref_slice %arg4[%arg1, %dma_start3A_1764, %dma_start3A_1769, %dma_start3A_1770, %dma_start3A_1771] : memref<16x4x2x8x1024xf32, #tpu.memory_space<vmem_shared>> -> memref<1x1x2x8x1024xf32, #tpu.memory_space<vmem_shared>>
    %dma_start3A_1773 = tpu.memref_squeeze %dma_start3A_1772 : memref<1x1x2x8x1024xf32, #tpu.memory_space<vmem_shared>> -> memref<2x8x1024xf32, #tpu.memory_space<vmem_shared>>
    tpu.enqueue_dma source(%dma_start3A_1773 : memref<2x8x1024xf32, #tpu.memory_space<vmem_shared>>) target(%dma_start3A_1768 : memref<2x8x1024xf32, #tpu.memory_space<hbm>>) target_semaphore(%arg12 : memref<!tpu.dma_semaphore, #tpu.memory_space<semaphore_mem>>)
    %dma_wait3A_1774 = arith.constant 0 : i32
    %dma_wait3A_1775 = tpu.memref_reshape %arg3 : memref<16384x1024xf32, #tpu.memory_space<hbm>> -> memref<2048x8x1024xf32, #tpu.memory_space<hbm>>
    %dma_wait3A_1776 = arith.constant 0 : i32
    %dma_wait3A_1777 = arith.constant 0 : i32
    %dma_wait3A_1778 = tpu.memref_slice %dma_wait3A_1775[%select_n3A_1681, %dma_wait3A_1776, %dma_wait3A_1777] : memref<2048x8x1024xf32, #tpu.memory_space<hbm>> -> memref<2x8x1024xf32, #tpu.memory_space<hbm>>
    %dma_wait3A_1779 = arith.constant 0 : i32
    %dma_wait3A_1780 = arith.constant 0 : i32
    %dma_wait3A_1781 = arith.constant 0 : i32
    %dma_wait3A_1782 = tpu.memref_slice %arg4[%arg1, %dma_wait3A_1774, %dma_wait3A_1779, %dma_wait3A_1780, %dma_wait3A_1781] : memref<16x4x2x8x1024xf32, #tpu.memory_space<vmem_shared>> -> memref<1x1x2x8x1024xf32, #tpu.memory_space<vmem_shared>>
    %dma_wait3A_1783 = tpu.memref_squeeze %dma_wait3A_1782 : memref<1x1x2x8x1024xf32, #tpu.memory_space<vmem_shared>> -> memref<2x8x1024xf32, #tpu.memory_space<vmem_shared>>
    tpu.wait_dma2 semaphore(%arg11 : memref<!tpu.dma_semaphore, #tpu.memory_space<semaphore_mem>>) src(%dma_wait3A_1783 : memref<2x8x1024xf32, #tpu.memory_space<vmem_shared>>) dst(%dma_wait3A_1778 : memref<2x8x1024xf32, #tpu.memory_space<hbm>>)
    %add3A_1784 = arith.constant 320 : i32
    %add3A_1785 = arith.addi %mul3A_2, %add3A_1784 : i32
    %jit3A_1786 = arith.constant 8 : i32
    %div3A_1787 = arith.divsi %add3A_1785, %jit3A_1786 : i32
    %sign3A_1788 = arith.constant 0 : i32
    %sign3A_1789 = arith.cmpi sgt, %add3A_1785, %sign3A_1788 : i32
    %sign3A_1790 = arith.extui %sign3A_1789 : i1 to i32
    %sign3A_1791 = arith.constant 0 : i32
    %sign3A_1792 = arith.cmpi slt, %add3A_1785, %sign3A_1791 : i32
    %sign3A_1793 = arith.extui %sign3A_1792 : i1 to i32
    %sign3A_1794 = arith.subi %sign3A_1790, %sign3A_1793 : i32
    %sign3A_1795 = arith.constant 0 : i32
    %sign3A_1796 = arith.cmpi sgt, %jit3A_1786, %sign3A_1795 : i32
    %sign3A_1797 = arith.extui %sign3A_1796 : i1 to i32
    %sign3A_1798 = arith.constant 0 : i32
    %sign3A_1799 = arith.cmpi slt, %jit3A_1786, %sign3A_1798 : i32
    %sign3A_1800 = arith.extui %sign3A_1799 : i1 to i32
    %sign3A_1801 = arith.subi %sign3A_1797, %sign3A_1800 : i32
    %ne3A_1802 = arith.cmpi ne, %sign3A_1794, %sign3A_1801 : i32
    %rem3A_1803 = arith.remsi %add3A_1785, %jit3A_1786 : i32
    %ne3A_1804 = arith.constant 0 : i32
    %ne3A_1805 = arith.cmpi ne, %rem3A_1803, %ne3A_1804 : i32
    %and3A_1806 = arith.andi %ne3A_1802, %ne3A_1805 : i1
    %sub3A_1807 = arith.constant 1 : i32
    %sub3A_1808 = arith.subi %div3A_1787, %sub3A_1807 : i32
    %select_n3A_1809 = arith.select %and3A_1806, %sub3A_1808, %div3A_1787 : i32
    %dma_start3A_1810 = arith.constant 0 : i32
    %dma_start3A_1811 = arith.constant 0 : i32
    %dma_start3A_1812 = arith.constant 0 : i32
    %dma_start3A_1813 = arith.constant 0 : i32
    %dma_start3A_1814 = tpu.memref_slice %arg4[%arg1, %dma_start3A_1810, %dma_start3A_1811, %dma_start3A_1812, %dma_start3A_1813] : memref<16x4x2x8x1024xf32, #tpu.memory_space<vmem_shared>> -> memref<1x1x2x8x1024xf32, #tpu.memory_space<vmem_shared>>
    %dma_start3A_1815 = tpu.memref_squeeze %dma_start3A_1814 : memref<1x1x2x8x1024xf32, #tpu.memory_space<vmem_shared>> -> memref<2x8x1024xf32, #tpu.memory_space<vmem_shared>>
    %dma_start3A_1816 = tpu.memref_reshape %arg2 : memref<16384x1024xf32, #tpu.memory_space<hbm>> -> memref<2048x8x1024xf32, #tpu.memory_space<hbm>>
    %dma_start3A_1817 = arith.constant 0 : i32
    %dma_start3A_1818 = arith.constant 0 : i32
    %dma_start3A_1819 = tpu.memref_slice %dma_start3A_1816[%select_n3A_1809, %dma_start3A_1817, %dma_start3A_1818] : memref<2048x8x1024xf32, #tpu.memory_space<hbm>> -> memref<2x8x1024xf32, #tpu.memory_space<hbm>>
    tpu.enqueue_dma source(%dma_start3A_1819 : memref<2x8x1024xf32, #tpu.memory_space<hbm>>) target(%dma_start3A_1815 : memref<2x8x1024xf32, #tpu.memory_space<vmem_shared>>) target_semaphore(%arg7 : memref<!tpu.dma_semaphore, #tpu.memory_space<semaphore_mem>>)
    %dma_wait3A_1820 = arith.constant 2 : i32
    %dma_wait3A_1821 = arith.constant 0 : i32
    %dma_wait3A_1822 = arith.constant 0 : i32
    %dma_wait3A_1823 = arith.constant 0 : i32
    %dma_wait3A_1824 = tpu.memref_slice %arg4[%arg1, %dma_wait3A_1820, %dma_wait3A_1821, %dma_wait3A_1822, %dma_wait3A_1823] : memref<16x4x2x8x1024xf32, #tpu.memory_space<vmem_shared>> -> memref<1x1x2x8x1024xf32, #tpu.memory_space<vmem_shared>>
    %dma_wait3A_1825 = tpu.memref_squeeze %dma_wait3A_1824 : memref<1x1x2x8x1024xf32, #tpu.memory_space<vmem_shared>> -> memref<2x8x1024xf32, #tpu.memory_space<vmem_shared>>
    %dma_wait3A_1826 = tpu.memref_reshape %arg2 : memref<16384x1024xf32, #tpu.memory_space<hbm>> -> memref<2048x8x1024xf32, #tpu.memory_space<hbm>>
    %dma_wait3A_1827 = arith.constant 0 : i32
    %dma_wait3A_1828 = arith.constant 0 : i32
    %dma_wait3A_1829 = tpu.memref_slice %dma_wait3A_1826[%select_n3A_1635, %dma_wait3A_1827, %dma_wait3A_1828] : memref<2048x8x1024xf32, #tpu.memory_space<hbm>> -> memref<2x8x1024xf32, #tpu.memory_space<hbm>>
    tpu.wait_dma2 semaphore(%arg9 : memref<!tpu.dma_semaphore, #tpu.memory_space<semaphore_mem>>) src(%dma_wait3A_1829 : memref<2x8x1024xf32, #tpu.memory_space<hbm>>) dst(%dma_wait3A_1825 : memref<2x8x1024xf32, #tpu.memory_space<vmem_shared>>)
    %add3A_1830 = arith.constant 288 : i32
    %add3A_1831 = arith.addi %mul3A_2, %add3A_1830 : i32
    %jit3A_1832 = arith.constant 8 : i32
    %div3A_1833 = arith.divsi %add3A_1831, %jit3A_1832 : i32
    %sign3A_1834 = arith.constant 0 : i32
    %sign3A_1835 = arith.cmpi sgt, %add3A_1831, %sign3A_1834 : i32
    %sign3A_1836 = arith.extui %sign3A_1835 : i1 to i32
    %sign3A_1837 = arith.constant 0 : i32
    %sign3A_1838 = arith.cmpi slt, %add3A_1831, %sign3A_1837 : i32
    %sign3A_1839 = arith.extui %sign3A_1838 : i1 to i32
    %sign3A_1840 = arith.subi %sign3A_1836, %sign3A_1839 : i32
    %sign3A_1841 = arith.constant 0 : i32
    %sign3A_1842 = arith.cmpi sgt, %jit3A_1832, %sign3A_1841 : i32
    %sign3A_1843 = arith.extui %sign3A_1842 : i1 to i32
    %sign3A_1844 = arith.constant 0 : i32
    %sign3A_1845 = arith.cmpi slt, %jit3A_1832, %sign3A_1844 : i32
    %sign3A_1846 = arith.extui %sign3A_1845 : i1 to i32
    %sign3A_1847 = arith.subi %sign3A_1843, %sign3A_1846 : i32
    %ne3A_1848 = arith.cmpi ne, %sign3A_1840, %sign3A_1847 : i32
    %rem3A_1849 = arith.remsi %add3A_1831, %jit3A_1832 : i32
    %ne3A_1850 = arith.constant 0 : i32
    %ne3A_1851 = arith.cmpi ne, %rem3A_1849, %ne3A_1850 : i32
    %and3A_1852 = arith.andi %ne3A_1848, %ne3A_1851 : i1
    %sub3A_1853 = arith.constant 1 : i32
    %sub3A_1854 = arith.subi %div3A_1833, %sub3A_1853 : i32
    %select_n3A_1855 = arith.select %and3A_1852, %sub3A_1854, %div3A_1833 : i32
    %dma_start3A_1856 = arith.constant 2 : i32
    %dma_start3A_1857 = tpu.memref_reshape %arg3 : memref<16384x1024xf32, #tpu.memory_space<hbm>> -> memref<2048x8x1024xf32, #tpu.memory_space<hbm>>
    %dma_start3A_1858 = arith.constant 0 : i32
    %dma_start3A_1859 = arith.constant 0 : i32
    %dma_start3A_1860 = tpu.memref_slice %dma_start3A_1857[%select_n3A_1855, %dma_start3A_1858, %dma_start3A_1859] : memref<2048x8x1024xf32, #tpu.memory_space<hbm>> -> memref<2x8x1024xf32, #tpu.memory_space<hbm>>
    %dma_start3A_1861 = arith.constant 0 : i32
    %dma_start3A_1862 = arith.constant 0 : i32
    %dma_start3A_1863 = arith.constant 0 : i32
    %dma_start3A_1864 = tpu.memref_slice %arg4[%arg1, %dma_start3A_1856, %dma_start3A_1861, %dma_start3A_1862, %dma_start3A_1863] : memref<16x4x2x8x1024xf32, #tpu.memory_space<vmem_shared>> -> memref<1x1x2x8x1024xf32, #tpu.memory_space<vmem_shared>>
    %dma_start3A_1865 = tpu.memref_squeeze %dma_start3A_1864 : memref<1x1x2x8x1024xf32, #tpu.memory_space<vmem_shared>> -> memref<2x8x1024xf32, #tpu.memory_space<vmem_shared>>
    tpu.enqueue_dma source(%dma_start3A_1865 : memref<2x8x1024xf32, #tpu.memory_space<vmem_shared>>) target(%dma_start3A_1860 : memref<2x8x1024xf32, #tpu.memory_space<hbm>>) target_semaphore(%arg13 : memref<!tpu.dma_semaphore, #tpu.memory_space<semaphore_mem>>)
    %dma_wait3A_1866 = arith.constant 1 : i32
    %dma_wait3A_1867 = tpu.memref_reshape %arg3 : memref<16384x1024xf32, #tpu.memory_space<hbm>> -> memref<2048x8x1024xf32, #tpu.memory_space<hbm>>
    %dma_wait3A_1868 = arith.constant 0 : i32
    %dma_wait3A_1869 = arith.constant 0 : i32
    %dma_wait3A_1870 = tpu.memref_slice %dma_wait3A_1867[%select_n3A_1763, %dma_wait3A_1868, %dma_wait3A_1869] : memref<2048x8x1024xf32, #tpu.memory_space<hbm>> -> memref<2x8x1024xf32, #tpu.memory_space<hbm>>
    %dma_wait3A_1871 = arith.constant 0 : i32
    %dma_wait3A_1872 = arith.constant 0 : i32
    %dma_wait3A_1873 = arith.constant 0 : i32
    %dma_wait3A_1874 = tpu.memref_slice %arg4[%arg1, %dma_wait3A_1866, %dma_wait3A_1871, %dma_wait3A_1872, %dma_wait3A_1873] : memref<16x4x2x8x1024xf32, #tpu.memory_space<vmem_shared>> -> memref<1x1x2x8x1024xf32, #tpu.memory_space<vmem_shared>>
    %dma_wait3A_1875 = tpu.memref_squeeze %dma_wait3A_1874 : memref<1x1x2x8x1024xf32, #tpu.memory_space<vmem_shared>> -> memref<2x8x1024xf32, #tpu.memory_space<vmem_shared>>
    tpu.wait_dma2 semaphore(%arg12 : memref<!tpu.dma_semaphore, #tpu.memory_space<semaphore_mem>>) src(%dma_wait3A_1875 : memref<2x8x1024xf32, #tpu.memory_space<vmem_shared>>) dst(%dma_wait3A_1870 : memref<2x8x1024xf32, #tpu.memory_space<hbm>>)
    %add3A_1876 = arith.constant 336 : i32
    %add3A_1877 = arith.addi %mul3A_2, %add3A_1876 : i32
    %jit3A_1878 = arith.constant 8 : i32
    %div3A_1879 = arith.divsi %add3A_1877, %jit3A_1878 : i32
    %sign3A_1880 = arith.constant 0 : i32
    %sign3A_1881 = arith.cmpi sgt, %add3A_1877, %sign3A_1880 : i32
    %sign3A_1882 = arith.extui %sign3A_1881 : i1 to i32
    %sign3A_1883 = arith.constant 0 : i32
    %sign3A_1884 = arith.cmpi slt, %add3A_1877, %sign3A_1883 : i32
    %sign3A_1885 = arith.extui %sign3A_1884 : i1 to i32
    %sign3A_1886 = arith.subi %sign3A_1882, %sign3A_1885 : i32
    %sign3A_1887 = arith.constant 0 : i32
    %sign3A_1888 = arith.cmpi sgt, %jit3A_1878, %sign3A_1887 : i32
    %sign3A_1889 = arith.extui %sign3A_1888 : i1 to i32
    %sign3A_1890 = arith.constant 0 : i32
    %sign3A_1891 = arith.cmpi slt, %jit3A_1878, %sign3A_1890 : i32
    %sign3A_1892 = arith.extui %sign3A_1891 : i1 to i32
    %sign3A_1893 = arith.subi %sign3A_1889, %sign3A_1892 : i32
    %ne3A_1894 = arith.cmpi ne, %sign3A_1886, %sign3A_1893 : i32
    %rem3A_1895 = arith.remsi %add3A_1877, %jit3A_1878 : i32
    %ne3A_1896 = arith.constant 0 : i32
    %ne3A_1897 = arith.cmpi ne, %rem3A_1895, %ne3A_1896 : i32
    %and3A_1898 = arith.andi %ne3A_1894, %ne3A_1897 : i1
    %sub3A_1899 = arith.constant 1 : i32
    %sub3A_1900 = arith.subi %div3A_1879, %sub3A_1899 : i32
    %select_n3A_1901 = arith.select %and3A_1898, %sub3A_1900, %div3A_1879 : i32
    %dma_start3A_1902 = arith.constant 1 : i32
    %dma_start3A_1903 = arith.constant 0 : i32
    %dma_start3A_1904 = arith.constant 0 : i32
    %dma_start3A_1905 = arith.constant 0 : i32
    %dma_start3A_1906 = tpu.memref_slice %arg4[%arg1, %dma_start3A_1902, %dma_start3A_1903, %dma_start3A_1904, %dma_start3A_1905] : memref<16x4x2x8x1024xf32, #tpu.memory_space<vmem_shared>> -> memref<1x1x2x8x1024xf32, #tpu.memory_space<vmem_shared>>
    %dma_start3A_1907 = tpu.memref_squeeze %dma_start3A_1906 : memref<1x1x2x8x1024xf32, #tpu.memory_space<vmem_shared>> -> memref<2x8x1024xf32, #tpu.memory_space<vmem_shared>>
    %dma_start3A_1908 = tpu.memref_reshape %arg2 : memref<16384x1024xf32, #tpu.memory_space<hbm>> -> memref<2048x8x1024xf32, #tpu.memory_space<hbm>>
    %dma_start3A_1909 = arith.constant 0 : i32
    %dma_start3A_1910 = arith.constant 0 : i32
    %dma_start3A_1911 = tpu.memref_slice %dma_start3A_1908[%select_n3A_1901, %dma_start3A_1909, %dma_start3A_1910] : memref<2048x8x1024xf32, #tpu.memory_space<hbm>> -> memref<2x8x1024xf32, #tpu.memory_space<hbm>>
    tpu.enqueue_dma source(%dma_start3A_1911 : memref<2x8x1024xf32, #tpu.memory_space<hbm>>) target(%dma_start3A_1907 : memref<2x8x1024xf32, #tpu.memory_space<vmem_shared>>) target_semaphore(%arg8 : memref<!tpu.dma_semaphore, #tpu.memory_space<semaphore_mem>>)
    %dma_wait3A_1912 = arith.constant 3 : i32
    %dma_wait3A_1913 = arith.constant 0 : i32
    %dma_wait3A_1914 = arith.constant 0 : i32
    %dma_wait3A_1915 = arith.constant 0 : i32
    %dma_wait3A_1916 = tpu.memref_slice %arg4[%arg1, %dma_wait3A_1912, %dma_wait3A_1913, %dma_wait3A_1914, %dma_wait3A_1915] : memref<16x4x2x8x1024xf32, #tpu.memory_space<vmem_shared>> -> memref<1x1x2x8x1024xf32, #tpu.memory_space<vmem_shared>>
    %dma_wait3A_1917 = tpu.memref_squeeze %dma_wait3A_1916 : memref<1x1x2x8x1024xf32, #tpu.memory_space<vmem_shared>> -> memref<2x8x1024xf32, #tpu.memory_space<vmem_shared>>
    %dma_wait3A_1918 = tpu.memref_reshape %arg2 : memref<16384x1024xf32, #tpu.memory_space<hbm>> -> memref<2048x8x1024xf32, #tpu.memory_space<hbm>>
    %dma_wait3A_1919 = arith.constant 0 : i32
    %dma_wait3A_1920 = arith.constant 0 : i32
    %dma_wait3A_1921 = tpu.memref_slice %dma_wait3A_1918[%select_n3A_1717, %dma_wait3A_1919, %dma_wait3A_1920] : memref<2048x8x1024xf32, #tpu.memory_space<hbm>> -> memref<2x8x1024xf32, #tpu.memory_space<hbm>>
    tpu.wait_dma2 semaphore(%arg10 : memref<!tpu.dma_semaphore, #tpu.memory_space<semaphore_mem>>) src(%dma_wait3A_1921 : memref<2x8x1024xf32, #tpu.memory_space<hbm>>) dst(%dma_wait3A_1917 : memref<2x8x1024xf32, #tpu.memory_space<vmem_shared>>)
    %add3A_1922 = arith.constant 304 : i32
    %add3A_1923 = arith.addi %mul3A_2, %add3A_1922 : i32
    %jit3A_1924 = arith.constant 8 : i32
    %div3A_1925 = arith.divsi %add3A_1923, %jit3A_1924 : i32
    %sign3A_1926 = arith.constant 0 : i32
    %sign3A_1927 = arith.cmpi sgt, %add3A_1923, %sign3A_1926 : i32
    %sign3A_1928 = arith.extui %sign3A_1927 : i1 to i32
    %sign3A_1929 = arith.constant 0 : i32
    %sign3A_1930 = arith.cmpi slt, %add3A_1923, %sign3A_1929 : i32
    %sign3A_1931 = arith.extui %sign3A_1930 : i1 to i32
    %sign3A_1932 = arith.subi %sign3A_1928, %sign3A_1931 : i32
    %sign3A_1933 = arith.constant 0 : i32
    %sign3A_1934 = arith.cmpi sgt, %jit3A_1924, %sign3A_1933 : i32
    %sign3A_1935 = arith.extui %sign3A_1934 : i1 to i32
    %sign3A_1936 = arith.constant 0 : i32
    %sign3A_1937 = arith.cmpi slt, %jit3A_1924, %sign3A_1936 : i32
    %sign3A_1938 = arith.extui %sign3A_1937 : i1 to i32
    %sign3A_1939 = arith.subi %sign3A_1935, %sign3A_1938 : i32
    %ne3A_1940 = arith.cmpi ne, %sign3A_1932, %sign3A_1939 : i32
    %rem3A_1941 = arith.remsi %add3A_1923, %jit3A_1924 : i32
    %ne3A_1942 = arith.constant 0 : i32
    %ne3A_1943 = arith.cmpi ne, %rem3A_1941, %ne3A_1942 : i32
    %and3A_1944 = arith.andi %ne3A_1940, %ne3A_1943 : i1
    %sub3A_1945 = arith.constant 1 : i32
    %sub3A_1946 = arith.subi %div3A_1925, %sub3A_1945 : i32
    %select_n3A_1947 = arith.select %and3A_1944, %sub3A_1946, %div3A_1925 : i32
    %dma_start3A_1948 = arith.constant 3 : i32
    %dma_start3A_1949 = tpu.memref_reshape %arg3 : memref<16384x1024xf32, #tpu.memory_space<hbm>> -> memref<2048x8x1024xf32, #tpu.memory_space<hbm>>
    %dma_start3A_1950 = arith.constant 0 : i32
    %dma_start3A_1951 = arith.constant 0 : i32
    %dma_start3A_1952 = tpu.memref_slice %dma_start3A_1949[%select_n3A_1947, %dma_start3A_1950, %dma_start3A_1951] : memref<2048x8x1024xf32, #tpu.memory_space<hbm>> -> memref<2x8x1024xf32, #tpu.memory_space<hbm>>
    %dma_start3A_1953 = arith.constant 0 : i32
    %dma_start3A_1954 = arith.constant 0 : i32
    %dma_start3A_1955 = arith.constant 0 : i32
    %dma_start3A_1956 = tpu.memref_slice %arg4[%arg1, %dma_start3A_1948, %dma_start3A_1953, %dma_start3A_1954, %dma_start3A_1955] : memref<16x4x2x8x1024xf32, #tpu.memory_space<vmem_shared>> -> memref<1x1x2x8x1024xf32, #tpu.memory_space<vmem_shared>>
    %dma_start3A_1957 = tpu.memref_squeeze %dma_start3A_1956 : memref<1x1x2x8x1024xf32, #tpu.memory_space<vmem_shared>> -> memref<2x8x1024xf32, #tpu.memory_space<vmem_shared>>
    tpu.enqueue_dma source(%dma_start3A_1957 : memref<2x8x1024xf32, #tpu.memory_space<vmem_shared>>) target(%dma_start3A_1952 : memref<2x8x1024xf32, #tpu.memory_space<hbm>>) target_semaphore(%arg14 : memref<!tpu.dma_semaphore, #tpu.memory_space<semaphore_mem>>)
    %dma_wait3A_1958 = arith.constant 2 : i32
    %dma_wait3A_1959 = tpu.memref_reshape %arg3 : memref<16384x1024xf32, #tpu.memory_space<hbm>> -> memref<2048x8x1024xf32, #tpu.memory_space<hbm>>
    %dma_wait3A_1960 = arith.constant 0 : i32
    %dma_wait3A_1961 = arith.constant 0 : i32
    %dma_wait3A_1962 = tpu.memref_slice %dma_wait3A_1959[%select_n3A_1855, %dma_wait3A_1960, %dma_wait3A_1961] : memref<2048x8x1024xf32, #tpu.memory_space<hbm>> -> memref<2x8x1024xf32, #tpu.memory_space<hbm>>
    %dma_wait3A_1963 = arith.constant 0 : i32
    %dma_wait3A_1964 = arith.constant 0 : i32
    %dma_wait3A_1965 = arith.constant 0 : i32
    %dma_wait3A_1966 = tpu.memref_slice %arg4[%arg1, %dma_wait3A_1958, %dma_wait3A_1963, %dma_wait3A_1964, %dma_wait3A_1965] : memref<16x4x2x8x1024xf32, #tpu.memory_space<vmem_shared>> -> memref<1x1x2x8x1024xf32, #tpu.memory_space<vmem_shared>>
    %dma_wait3A_1967 = tpu.memref_squeeze %dma_wait3A_1966 : memref<1x1x2x8x1024xf32, #tpu.memory_space<vmem_shared>> -> memref<2x8x1024xf32, #tpu.memory_space<vmem_shared>>
    tpu.wait_dma2 semaphore(%arg13 : memref<!tpu.dma_semaphore, #tpu.memory_space<semaphore_mem>>) src(%dma_wait3A_1967 : memref<2x8x1024xf32, #tpu.memory_space<vmem_shared>>) dst(%dma_wait3A_1962 : memref<2x8x1024xf32, #tpu.memory_space<hbm>>)
    %add3A_1968 = arith.constant 352 : i32
    %add3A_1969 = arith.addi %mul3A_2, %add3A_1968 : i32
    %jit3A_1970 = arith.constant 8 : i32
    %div3A_1971 = arith.divsi %add3A_1969, %jit3A_1970 : i32
    %sign3A_1972 = arith.constant 0 : i32
    %sign3A_1973 = arith.cmpi sgt, %add3A_1969, %sign3A_1972 : i32
    %sign3A_1974 = arith.extui %sign3A_1973 : i1 to i32
    %sign3A_1975 = arith.constant 0 : i32
    %sign3A_1976 = arith.cmpi slt, %add3A_1969, %sign3A_1975 : i32
    %sign3A_1977 = arith.extui %sign3A_1976 : i1 to i32
    %sign3A_1978 = arith.subi %sign3A_1974, %sign3A_1977 : i32
    %sign3A_1979 = arith.constant 0 : i32
    %sign3A_1980 = arith.cmpi sgt, %jit3A_1970, %sign3A_1979 : i32
    %sign3A_1981 = arith.extui %sign3A_1980 : i1 to i32
    %sign3A_1982 = arith.constant 0 : i32
    %sign3A_1983 = arith.cmpi slt, %jit3A_1970, %sign3A_1982 : i32
    %sign3A_1984 = arith.extui %sign3A_1983 : i1 to i32
    %sign3A_1985 = arith.subi %sign3A_1981, %sign3A_1984 : i32
    %ne3A_1986 = arith.cmpi ne, %sign3A_1978, %sign3A_1985 : i32
    %rem3A_1987 = arith.remsi %add3A_1969, %jit3A_1970 : i32
    %ne3A_1988 = arith.constant 0 : i32
    %ne3A_1989 = arith.cmpi ne, %rem3A_1987, %ne3A_1988 : i32
    %and3A_1990 = arith.andi %ne3A_1986, %ne3A_1989 : i1
    %sub3A_1991 = arith.constant 1 : i32
    %sub3A_1992 = arith.subi %div3A_1971, %sub3A_1991 : i32
    %select_n3A_1993 = arith.select %and3A_1990, %sub3A_1992, %div3A_1971 : i32
    %dma_start3A_1994 = arith.constant 2 : i32
    %dma_start3A_1995 = arith.constant 0 : i32
    %dma_start3A_1996 = arith.constant 0 : i32
    %dma_start3A_1997 = arith.constant 0 : i32
    %dma_start3A_1998 = tpu.memref_slice %arg4[%arg1, %dma_start3A_1994, %dma_start3A_1995, %dma_start3A_1996, %dma_start3A_1997] : memref<16x4x2x8x1024xf32, #tpu.memory_space<vmem_shared>> -> memref<1x1x2x8x1024xf32, #tpu.memory_space<vmem_shared>>
    %dma_start3A_1999 = tpu.memref_squeeze %dma_start3A_1998 : memref<1x1x2x8x1024xf32, #tpu.memory_space<vmem_shared>> -> memref<2x8x1024xf32, #tpu.memory_space<vmem_shared>>
    %dma_start3A_2000 = tpu.memref_reshape %arg2 : memref<16384x1024xf32, #tpu.memory_space<hbm>> -> memref<2048x8x1024xf32, #tpu.memory_space<hbm>>
    %dma_start3A_2001 = arith.constant 0 : i32
    %dma_start3A_2002 = arith.constant 0 : i32
    %dma_start3A_2003 = tpu.memref_slice %dma_start3A_2000[%select_n3A_1993, %dma_start3A_2001, %dma_start3A_2002] : memref<2048x8x1024xf32, #tpu.memory_space<hbm>> -> memref<2x8x1024xf32, #tpu.memory_space<hbm>>
    tpu.enqueue_dma source(%dma_start3A_2003 : memref<2x8x1024xf32, #tpu.memory_space<hbm>>) target(%dma_start3A_1999 : memref<2x8x1024xf32, #tpu.memory_space<vmem_shared>>) target_semaphore(%arg9 : memref<!tpu.dma_semaphore, #tpu.memory_space<semaphore_mem>>)
    %dma_wait3A_2004 = arith.constant 0 : i32
    %dma_wait3A_2005 = arith.constant 0 : i32
    %dma_wait3A_2006 = arith.constant 0 : i32
    %dma_wait3A_2007 = arith.constant 0 : i32
    %dma_wait3A_2008 = tpu.memref_slice %arg4[%arg1, %dma_wait3A_2004, %dma_wait3A_2005, %dma_wait3A_2006, %dma_wait3A_2007] : memref<16x4x2x8x1024xf32, #tpu.memory_space<vmem_shared>> -> memref<1x1x2x8x1024xf32, #tpu.memory_space<vmem_shared>>
    %dma_wait3A_2009 = tpu.memref_squeeze %dma_wait3A_2008 : memref<1x1x2x8x1024xf32, #tpu.memory_space<vmem_shared>> -> memref<2x8x1024xf32, #tpu.memory_space<vmem_shared>>
    %dma_wait3A_2010 = tpu.memref_reshape %arg2 : memref<16384x1024xf32, #tpu.memory_space<hbm>> -> memref<2048x8x1024xf32, #tpu.memory_space<hbm>>
    %dma_wait3A_2011 = arith.constant 0 : i32
    %dma_wait3A_2012 = arith.constant 0 : i32
    %dma_wait3A_2013 = tpu.memref_slice %dma_wait3A_2010[%select_n3A_1809, %dma_wait3A_2011, %dma_wait3A_2012] : memref<2048x8x1024xf32, #tpu.memory_space<hbm>> -> memref<2x8x1024xf32, #tpu.memory_space<hbm>>
    tpu.wait_dma2 semaphore(%arg7 : memref<!tpu.dma_semaphore, #tpu.memory_space<semaphore_mem>>) src(%dma_wait3A_2013 : memref<2x8x1024xf32, #tpu.memory_space<hbm>>) dst(%dma_wait3A_2009 : memref<2x8x1024xf32, #tpu.memory_space<vmem_shared>>)
    %add3A_2014 = arith.constant 320 : i32
    %add3A_2015 = arith.addi %mul3A_2, %add3A_2014 : i32
    %jit3A_2016 = arith.constant 8 : i32
    %div3A_2017 = arith.divsi %add3A_2015, %jit3A_2016 : i32
    %sign3A_2018 = arith.constant 0 : i32
    %sign3A_2019 = arith.cmpi sgt, %add3A_2015, %sign3A_2018 : i32
    %sign3A_2020 = arith.extui %sign3A_2019 : i1 to i32
    %sign3A_2021 = arith.constant 0 : i32
    %sign3A_2022 = arith.cmpi slt, %add3A_2015, %sign3A_2021 : i32
    %sign3A_2023 = arith.extui %sign3A_2022 : i1 to i32
    %sign3A_2024 = arith.subi %sign3A_2020, %sign3A_2023 : i32
    %sign3A_2025 = arith.constant 0 : i32
    %sign3A_2026 = arith.cmpi sgt, %jit3A_2016, %sign3A_2025 : i32
    %sign3A_2027 = arith.extui %sign3A_2026 : i1 to i32
    %sign3A_2028 = arith.constant 0 : i32
    %sign3A_2029 = arith.cmpi slt, %jit3A_2016, %sign3A_2028 : i32
    %sign3A_2030 = arith.extui %sign3A_2029 : i1 to i32
    %sign3A_2031 = arith.subi %sign3A_2027, %sign3A_2030 : i32
    %ne3A_2032 = arith.cmpi ne, %sign3A_2024, %sign3A_2031 : i32
    %rem3A_2033 = arith.remsi %add3A_2015, %jit3A_2016 : i32
    %ne3A_2034 = arith.constant 0 : i32
    %ne3A_2035 = arith.cmpi ne, %rem3A_2033, %ne3A_2034 : i32
    %and3A_2036 = arith.andi %ne3A_2032, %ne3A_2035 : i1
    %sub3A_2037 = arith.constant 1 : i32
    %sub3A_2038 = arith.subi %div3A_2017, %sub3A_2037 : i32
    %select_n3A_2039 = arith.select %and3A_2036, %sub3A_2038, %div3A_2017 : i32
    %dma_start3A_2040 = arith.constant 0 : i32
    %dma_start3A_2041 = tpu.memref_reshape %arg3 : memref<16384x1024xf32, #tpu.memory_space<hbm>> -> memref<2048x8x1024xf32, #tpu.memory_space<hbm>>
    %dma_start3A_2042 = arith.constant 0 : i32
    %dma_start3A_2043 = arith.constant 0 : i32
    %dma_start3A_2044 = tpu.memref_slice %dma_start3A_2041[%select_n3A_2039, %dma_start3A_2042, %dma_start3A_2043] : memref<2048x8x1024xf32, #tpu.memory_space<hbm>> -> memref<2x8x1024xf32, #tpu.memory_space<hbm>>
    %dma_start3A_2045 = arith.constant 0 : i32
    %dma_start3A_2046 = arith.constant 0 : i32
    %dma_start3A_2047 = arith.constant 0 : i32
    %dma_start3A_2048 = tpu.memref_slice %arg4[%arg1, %dma_start3A_2040, %dma_start3A_2045, %dma_start3A_2046, %dma_start3A_2047] : memref<16x4x2x8x1024xf32, #tpu.memory_space<vmem_shared>> -> memref<1x1x2x8x1024xf32, #tpu.memory_space<vmem_shared>>
    %dma_start3A_2049 = tpu.memref_squeeze %dma_start3A_2048 : memref<1x1x2x8x1024xf32, #tpu.memory_space<vmem_shared>> -> memref<2x8x1024xf32, #tpu.memory_space<vmem_shared>>
    tpu.enqueue_dma source(%dma_start3A_2049 : memref<2x8x1024xf32, #tpu.memory_space<vmem_shared>>) target(%dma_start3A_2044 : memref<2x8x1024xf32, #tpu.memory_space<hbm>>) target_semaphore(%arg11 : memref<!tpu.dma_semaphore, #tpu.memory_space<semaphore_mem>>)
    %dma_wait3A_2050 = arith.constant 3 : i32
    %dma_wait3A_2051 = tpu.memref_reshape %arg3 : memref<16384x1024xf32, #tpu.memory_space<hbm>> -> memref<2048x8x1024xf32, #tpu.memory_space<hbm>>
    %dma_wait3A_2052 = arith.constant 0 : i32
    %dma_wait3A_2053 = arith.constant 0 : i32
    %dma_wait3A_2054 = tpu.memref_slice %dma_wait3A_2051[%select_n3A_1947, %dma_wait3A_2052, %dma_wait3A_2053] : memref<2048x8x1024xf32, #tpu.memory_space<hbm>> -> memref<2x8x1024xf32, #tpu.memory_space<hbm>>
    %dma_wait3A_2055 = arith.constant 0 : i32
    %dma_wait3A_2056 = arith.constant 0 : i32
    %dma_wait3A_2057 = arith.constant 0 : i32
    %dma_wait3A_2058 = tpu.memref_slice %arg4[%arg1, %dma_wait3A_2050, %dma_wait3A_2055, %dma_wait3A_2056, %dma_wait3A_2057] : memref<16x4x2x8x1024xf32, #tpu.memory_space<vmem_shared>> -> memref<1x1x2x8x1024xf32, #tpu.memory_space<vmem_shared>>
    %dma_wait3A_2059 = tpu.memref_squeeze %dma_wait3A_2058 : memref<1x1x2x8x1024xf32, #tpu.memory_space<vmem_shared>> -> memref<2x8x1024xf32, #tpu.memory_space<vmem_shared>>
    tpu.wait_dma2 semaphore(%arg14 : memref<!tpu.dma_semaphore, #tpu.memory_space<semaphore_mem>>) src(%dma_wait3A_2059 : memref<2x8x1024xf32, #tpu.memory_space<vmem_shared>>) dst(%dma_wait3A_2054 : memref<2x8x1024xf32, #tpu.memory_space<hbm>>)
    %add3A_2060 = arith.constant 368 : i32
    %add3A_2061 = arith.addi %mul3A_2, %add3A_2060 : i32
    %jit3A_2062 = arith.constant 8 : i32
    %div3A_2063 = arith.divsi %add3A_2061, %jit3A_2062 : i32
    %sign3A_2064 = arith.constant 0 : i32
    %sign3A_2065 = arith.cmpi sgt, %add3A_2061, %sign3A_2064 : i32
    %sign3A_2066 = arith.extui %sign3A_2065 : i1 to i32
    %sign3A_2067 = arith.constant 0 : i32
    %sign3A_2068 = arith.cmpi slt, %add3A_2061, %sign3A_2067 : i32
    %sign3A_2069 = arith.extui %sign3A_2068 : i1 to i32
    %sign3A_2070 = arith.subi %sign3A_2066, %sign3A_2069 : i32
    %sign3A_2071 = arith.constant 0 : i32
    %sign3A_2072 = arith.cmpi sgt, %jit3A_2062, %sign3A_2071 : i32
    %sign3A_2073 = arith.extui %sign3A_2072 : i1 to i32
    %sign3A_2074 = arith.constant 0 : i32
    %sign3A_2075 = arith.cmpi slt, %jit3A_2062, %sign3A_2074 : i32
    %sign3A_2076 = arith.extui %sign3A_2075 : i1 to i32
    %sign3A_2077 = arith.subi %sign3A_2073, %sign3A_2076 : i32
    %ne3A_2078 = arith.cmpi ne, %sign3A_2070, %sign3A_2077 : i32
    %rem3A_2079 = arith.remsi %add3A_2061, %jit3A_2062 : i32
    %ne3A_2080 = arith.constant 0 : i32
    %ne3A_2081 = arith.cmpi ne, %rem3A_2079, %ne3A_2080 : i32
    %and3A_2082 = arith.andi %ne3A_2078, %ne3A_2081 : i1
    %sub3A_2083 = arith.constant 1 : i32
    %sub3A_2084 = arith.subi %div3A_2063, %sub3A_2083 : i32
    %select_n3A_2085 = arith.select %and3A_2082, %sub3A_2084, %div3A_2063 : i32
    %dma_start3A_2086 = arith.constant 3 : i32
    %dma_start3A_2087 = arith.constant 0 : i32
    %dma_start3A_2088 = arith.constant 0 : i32
    %dma_start3A_2089 = arith.constant 0 : i32
    %dma_start3A_2090 = tpu.memref_slice %arg4[%arg1, %dma_start3A_2086, %dma_start3A_2087, %dma_start3A_2088, %dma_start3A_2089] : memref<16x4x2x8x1024xf32, #tpu.memory_space<vmem_shared>> -> memref<1x1x2x8x1024xf32, #tpu.memory_space<vmem_shared>>
    %dma_start3A_2091 = tpu.memref_squeeze %dma_start3A_2090 : memref<1x1x2x8x1024xf32, #tpu.memory_space<vmem_shared>> -> memref<2x8x1024xf32, #tpu.memory_space<vmem_shared>>
    %dma_start3A_2092 = tpu.memref_reshape %arg2 : memref<16384x1024xf32, #tpu.memory_space<hbm>> -> memref<2048x8x1024xf32, #tpu.memory_space<hbm>>
    %dma_start3A_2093 = arith.constant 0 : i32
    %dma_start3A_2094 = arith.constant 0 : i32
    %dma_start3A_2095 = tpu.memref_slice %dma_start3A_2092[%select_n3A_2085, %dma_start3A_2093, %dma_start3A_2094] : memref<2048x8x1024xf32, #tpu.memory_space<hbm>> -> memref<2x8x1024xf32, #tpu.memory_space<hbm>>
    tpu.enqueue_dma source(%dma_start3A_2095 : memref<2x8x1024xf32, #tpu.memory_space<hbm>>) target(%dma_start3A_2091 : memref<2x8x1024xf32, #tpu.memory_space<vmem_shared>>) target_semaphore(%arg10 : memref<!tpu.dma_semaphore, #tpu.memory_space<semaphore_mem>>)
    %dma_wait3A_2096 = arith.constant 1 : i32
    %dma_wait3A_2097 = arith.constant 0 : i32
    %dma_wait3A_2098 = arith.constant 0 : i32
    %dma_wait3A_2099 = arith.constant 0 : i32
    %dma_wait3A_2100 = tpu.memref_slice %arg4[%arg1, %dma_wait3A_2096, %dma_wait3A_2097, %dma_wait3A_2098, %dma_wait3A_2099] : memref<16x4x2x8x1024xf32, #tpu.memory_space<vmem_shared>> -> memref<1x1x2x8x1024xf32, #tpu.memory_space<vmem_shared>>
    %dma_wait3A_2101 = tpu.memref_squeeze %dma_wait3A_2100 : memref<1x1x2x8x1024xf32, #tpu.memory_space<vmem_shared>> -> memref<2x8x1024xf32, #tpu.memory_space<vmem_shared>>
    %dma_wait3A_2102 = tpu.memref_reshape %arg2 : memref<16384x1024xf32, #tpu.memory_space<hbm>> -> memref<2048x8x1024xf32, #tpu.memory_space<hbm>>
    %dma_wait3A_2103 = arith.constant 0 : i32
    %dma_wait3A_2104 = arith.constant 0 : i32
    %dma_wait3A_2105 = tpu.memref_slice %dma_wait3A_2102[%select_n3A_1901, %dma_wait3A_2103, %dma_wait3A_2104] : memref<2048x8x1024xf32, #tpu.memory_space<hbm>> -> memref<2x8x1024xf32, #tpu.memory_space<hbm>>
    tpu.wait_dma2 semaphore(%arg8 : memref<!tpu.dma_semaphore, #tpu.memory_space<semaphore_mem>>) src(%dma_wait3A_2105 : memref<2x8x1024xf32, #tpu.memory_space<hbm>>) dst(%dma_wait3A_2101 : memref<2x8x1024xf32, #tpu.memory_space<vmem_shared>>)
    %add3A_2106 = arith.constant 336 : i32
    %add3A_2107 = arith.addi %mul3A_2, %add3A_2106 : i32
    %jit3A_2108 = arith.constant 8 : i32
    %div3A_2109 = arith.divsi %add3A_2107, %jit3A_2108 : i32
    %sign3A_2110 = arith.constant 0 : i32
    %sign3A_2111 = arith.cmpi sgt, %add3A_2107, %sign3A_2110 : i32
    %sign3A_2112 = arith.extui %sign3A_2111 : i1 to i32
    %sign3A_2113 = arith.constant 0 : i32
    %sign3A_2114 = arith.cmpi slt, %add3A_2107, %sign3A_2113 : i32
    %sign3A_2115 = arith.extui %sign3A_2114 : i1 to i32
    %sign3A_2116 = arith.subi %sign3A_2112, %sign3A_2115 : i32
    %sign3A_2117 = arith.constant 0 : i32
    %sign3A_2118 = arith.cmpi sgt, %jit3A_2108, %sign3A_2117 : i32
    %sign3A_2119 = arith.extui %sign3A_2118 : i1 to i32
    %sign3A_2120 = arith.constant 0 : i32
    %sign3A_2121 = arith.cmpi slt, %jit3A_2108, %sign3A_2120 : i32
    %sign3A_2122 = arith.extui %sign3A_2121 : i1 to i32
    %sign3A_2123 = arith.subi %sign3A_2119, %sign3A_2122 : i32
    %ne3A_2124 = arith.cmpi ne, %sign3A_2116, %sign3A_2123 : i32
    %rem3A_2125 = arith.remsi %add3A_2107, %jit3A_2108 : i32
    %ne3A_2126 = arith.constant 0 : i32
    %ne3A_2127 = arith.cmpi ne, %rem3A_2125, %ne3A_2126 : i32
    %and3A_2128 = arith.andi %ne3A_2124, %ne3A_2127 : i1
    %sub3A_2129 = arith.constant 1 : i32
    %sub3A_2130 = arith.subi %div3A_2109, %sub3A_2129 : i32
    %select_n3A_2131 = arith.select %and3A_2128, %sub3A_2130, %div3A_2109 : i32
    %dma_start3A_2132 = arith.constant 1 : i32
    %dma_start3A_2133 = tpu.memref_reshape %arg3 : memref<16384x1024xf32, #tpu.memory_space<hbm>> -> memref<2048x8x1024xf32, #tpu.memory_space<hbm>>
    %dma_start3A_2134 = arith.constant 0 : i32
    %dma_start3A_2135 = arith.constant 0 : i32
    %dma_start3A_2136 = tpu.memref_slice %dma_start3A_2133[%select_n3A_2131, %dma_start3A_2134, %dma_start3A_2135] : memref<2048x8x1024xf32, #tpu.memory_space<hbm>> -> memref<2x8x1024xf32, #tpu.memory_space<hbm>>
    %dma_start3A_2137 = arith.constant 0 : i32
    %dma_start3A_2138 = arith.constant 0 : i32
    %dma_start3A_2139 = arith.constant 0 : i32
    %dma_start3A_2140 = tpu.memref_slice %arg4[%arg1, %dma_start3A_2132, %dma_start3A_2137, %dma_start3A_2138, %dma_start3A_2139] : memref<16x4x2x8x1024xf32, #tpu.memory_space<vmem_shared>> -> memref<1x1x2x8x1024xf32, #tpu.memory_space<vmem_shared>>
    %dma_start3A_2141 = tpu.memref_squeeze %dma_start3A_2140 : memref<1x1x2x8x1024xf32, #tpu.memory_space<vmem_shared>> -> memref<2x8x1024xf32, #tpu.memory_space<vmem_shared>>
    tpu.enqueue_dma source(%dma_start3A_2141 : memref<2x8x1024xf32, #tpu.memory_space<vmem_shared>>) target(%dma_start3A_2136 : memref<2x8x1024xf32, #tpu.memory_space<hbm>>) target_semaphore(%arg12 : memref<!tpu.dma_semaphore, #tpu.memory_space<semaphore_mem>>)
    %dma_wait3A_2142 = arith.constant 0 : i32
    %dma_wait3A_2143 = tpu.memref_reshape %arg3 : memref<16384x1024xf32, #tpu.memory_space<hbm>> -> memref<2048x8x1024xf32, #tpu.memory_space<hbm>>
    %dma_wait3A_2144 = arith.constant 0 : i32
    %dma_wait3A_2145 = arith.constant 0 : i32
    %dma_wait3A_2146 = tpu.memref_slice %dma_wait3A_2143[%select_n3A_2039, %dma_wait3A_2144, %dma_wait3A_2145] : memref<2048x8x1024xf32, #tpu.memory_space<hbm>> -> memref<2x8x1024xf32, #tpu.memory_space<hbm>>
    %dma_wait3A_2147 = arith.constant 0 : i32
    %dma_wait3A_2148 = arith.constant 0 : i32
    %dma_wait3A_2149 = arith.constant 0 : i32
    %dma_wait3A_2150 = tpu.memref_slice %arg4[%arg1, %dma_wait3A_2142, %dma_wait3A_2147, %dma_wait3A_2148, %dma_wait3A_2149] : memref<16x4x2x8x1024xf32, #tpu.memory_space<vmem_shared>> -> memref<1x1x2x8x1024xf32, #tpu.memory_space<vmem_shared>>
    %dma_wait3A_2151 = tpu.memref_squeeze %dma_wait3A_2150 : memref<1x1x2x8x1024xf32, #tpu.memory_space<vmem_shared>> -> memref<2x8x1024xf32, #tpu.memory_space<vmem_shared>>
    tpu.wait_dma2 semaphore(%arg11 : memref<!tpu.dma_semaphore, #tpu.memory_space<semaphore_mem>>) src(%dma_wait3A_2151 : memref<2x8x1024xf32, #tpu.memory_space<vmem_shared>>) dst(%dma_wait3A_2146 : memref<2x8x1024xf32, #tpu.memory_space<hbm>>)
    %add3A_2152 = arith.constant 384 : i32
    %add3A_2153 = arith.addi %mul3A_2, %add3A_2152 : i32
    %jit3A_2154 = arith.constant 8 : i32
    %div3A_2155 = arith.divsi %add3A_2153, %jit3A_2154 : i32
    %sign3A_2156 = arith.constant 0 : i32
    %sign3A_2157 = arith.cmpi sgt, %add3A_2153, %sign3A_2156 : i32
    %sign3A_2158 = arith.extui %sign3A_2157 : i1 to i32
    %sign3A_2159 = arith.constant 0 : i32
    %sign3A_2160 = arith.cmpi slt, %add3A_2153, %sign3A_2159 : i32
    %sign3A_2161 = arith.extui %sign3A_2160 : i1 to i32
    %sign3A_2162 = arith.subi %sign3A_2158, %sign3A_2161 : i32
    %sign3A_2163 = arith.constant 0 : i32
    %sign3A_2164 = arith.cmpi sgt, %jit3A_2154, %sign3A_2163 : i32
    %sign3A_2165 = arith.extui %sign3A_2164 : i1 to i32
    %sign3A_2166 = arith.constant 0 : i32
    %sign3A_2167 = arith.cmpi slt, %jit3A_2154, %sign3A_2166 : i32
    %sign3A_2168 = arith.extui %sign3A_2167 : i1 to i32
    %sign3A_2169 = arith.subi %sign3A_2165, %sign3A_2168 : i32
    %ne3A_2170 = arith.cmpi ne, %sign3A_2162, %sign3A_2169 : i32
    %rem3A_2171 = arith.remsi %add3A_2153, %jit3A_2154 : i32
    %ne3A_2172 = arith.constant 0 : i32
    %ne3A_2173 = arith.cmpi ne, %rem3A_2171, %ne3A_2172 : i32
    %and3A_2174 = arith.andi %ne3A_2170, %ne3A_2173 : i1
    %sub3A_2175 = arith.constant 1 : i32
    %sub3A_2176 = arith.subi %div3A_2155, %sub3A_2175 : i32
    %select_n3A_2177 = arith.select %and3A_2174, %sub3A_2176, %div3A_2155 : i32
    %dma_start3A_2178 = arith.constant 0 : i32
    %dma_start3A_2179 = arith.constant 0 : i32
    %dma_start3A_2180 = arith.constant 0 : i32
    %dma_start3A_2181 = arith.constant 0 : i32
    %dma_start3A_2182 = tpu.memref_slice %arg4[%arg1, %dma_start3A_2178, %dma_start3A_2179, %dma_start3A_2180, %dma_start3A_2181] : memref<16x4x2x8x1024xf32, #tpu.memory_space<vmem_shared>> -> memref<1x1x2x8x1024xf32, #tpu.memory_space<vmem_shared>>
    %dma_start3A_2183 = tpu.memref_squeeze %dma_start3A_2182 : memref<1x1x2x8x1024xf32, #tpu.memory_space<vmem_shared>> -> memref<2x8x1024xf32, #tpu.memory_space<vmem_shared>>
    %dma_start3A_2184 = tpu.memref_reshape %arg2 : memref<16384x1024xf32, #tpu.memory_space<hbm>> -> memref<2048x8x1024xf32, #tpu.memory_space<hbm>>
    %dma_start3A_2185 = arith.constant 0 : i32
    %dma_start3A_2186 = arith.constant 0 : i32
    %dma_start3A_2187 = tpu.memref_slice %dma_start3A_2184[%select_n3A_2177, %dma_start3A_2185, %dma_start3A_2186] : memref<2048x8x1024xf32, #tpu.memory_space<hbm>> -> memref<2x8x1024xf32, #tpu.memory_space<hbm>>
    tpu.enqueue_dma source(%dma_start3A_2187 : memref<2x8x1024xf32, #tpu.memory_space<hbm>>) target(%dma_start3A_2183 : memref<2x8x1024xf32, #tpu.memory_space<vmem_shared>>) target_semaphore(%arg7 : memref<!tpu.dma_semaphore, #tpu.memory_space<semaphore_mem>>)
    %dma_wait3A_2188 = arith.constant 2 : i32
    %dma_wait3A_2189 = arith.constant 0 : i32
    %dma_wait3A_2190 = arith.constant 0 : i32
    %dma_wait3A_2191 = arith.constant 0 : i32
    %dma_wait3A_2192 = tpu.memref_slice %arg4[%arg1, %dma_wait3A_2188, %dma_wait3A_2189, %dma_wait3A_2190, %dma_wait3A_2191] : memref<16x4x2x8x1024xf32, #tpu.memory_space<vmem_shared>> -> memref<1x1x2x8x1024xf32, #tpu.memory_space<vmem_shared>>
    %dma_wait3A_2193 = tpu.memref_squeeze %dma_wait3A_2192 : memref<1x1x2x8x1024xf32, #tpu.memory_space<vmem_shared>> -> memref<2x8x1024xf32, #tpu.memory_space<vmem_shared>>
    %dma_wait3A_2194 = tpu.memref_reshape %arg2 : memref<16384x1024xf32, #tpu.memory_space<hbm>> -> memref<2048x8x1024xf32, #tpu.memory_space<hbm>>
    %dma_wait3A_2195 = arith.constant 0 : i32
    %dma_wait3A_2196 = arith.constant 0 : i32
    %dma_wait3A_2197 = tpu.memref_slice %dma_wait3A_2194[%select_n3A_1993, %dma_wait3A_2195, %dma_wait3A_2196] : memref<2048x8x1024xf32, #tpu.memory_space<hbm>> -> memref<2x8x1024xf32, #tpu.memory_space<hbm>>
    tpu.wait_dma2 semaphore(%arg9 : memref<!tpu.dma_semaphore, #tpu.memory_space<semaphore_mem>>) src(%dma_wait3A_2197 : memref<2x8x1024xf32, #tpu.memory_space<hbm>>) dst(%dma_wait3A_2193 : memref<2x8x1024xf32, #tpu.memory_space<vmem_shared>>)
    %add3A_2198 = arith.constant 352 : i32
    %add3A_2199 = arith.addi %mul3A_2, %add3A_2198 : i32
    %jit3A_2200 = arith.constant 8 : i32
    %div3A_2201 = arith.divsi %add3A_2199, %jit3A_2200 : i32
    %sign3A_2202 = arith.constant 0 : i32
    %sign3A_2203 = arith.cmpi sgt, %add3A_2199, %sign3A_2202 : i32
    %sign3A_2204 = arith.extui %sign3A_2203 : i1 to i32
    %sign3A_2205 = arith.constant 0 : i32
    %sign3A_2206 = arith.cmpi slt, %add3A_2199, %sign3A_2205 : i32
    %sign3A_2207 = arith.extui %sign3A_2206 : i1 to i32
    %sign3A_2208 = arith.subi %sign3A_2204, %sign3A_2207 : i32
    %sign3A_2209 = arith.constant 0 : i32
    %sign3A_2210 = arith.cmpi sgt, %jit3A_2200, %sign3A_2209 : i32
    %sign3A_2211 = arith.extui %sign3A_2210 : i1 to i32
    %sign3A_2212 = arith.constant 0 : i32
    %sign3A_2213 = arith.cmpi slt, %jit3A_2200, %sign3A_2212 : i32
    %sign3A_2214 = arith.extui %sign3A_2213 : i1 to i32
    %sign3A_2215 = arith.subi %sign3A_2211, %sign3A_2214 : i32
    %ne3A_2216 = arith.cmpi ne, %sign3A_2208, %sign3A_2215 : i32
    %rem3A_2217 = arith.remsi %add3A_2199, %jit3A_2200 : i32
    %ne3A_2218 = arith.constant 0 : i32
    %ne3A_2219 = arith.cmpi ne, %rem3A_2217, %ne3A_2218 : i32
    %and3A_2220 = arith.andi %ne3A_2216, %ne3A_2219 : i1
    %sub3A_2221 = arith.constant 1 : i32
    %sub3A_2222 = arith.subi %div3A_2201, %sub3A_2221 : i32
    %select_n3A_2223 = arith.select %and3A_2220, %sub3A_2222, %div3A_2201 : i32
    %dma_start3A_2224 = arith.constant 2 : i32
    %dma_start3A_2225 = tpu.memref_reshape %arg3 : memref<16384x1024xf32, #tpu.memory_space<hbm>> -> memref<2048x8x1024xf32, #tpu.memory_space<hbm>>
    %dma_start3A_2226 = arith.constant 0 : i32
    %dma_start3A_2227 = arith.constant 0 : i32
    %dma_start3A_2228 = tpu.memref_slice %dma_start3A_2225[%select_n3A_2223, %dma_start3A_2226, %dma_start3A_2227] : memref<2048x8x1024xf32, #tpu.memory_space<hbm>> -> memref<2x8x1024xf32, #tpu.memory_space<hbm>>
    %dma_start3A_2229 = arith.constant 0 : i32
    %dma_start3A_2230 = arith.constant 0 : i32
    %dma_start3A_2231 = arith.constant 0 : i32
    %dma_start3A_2232 = tpu.memref_slice %arg4[%arg1, %dma_start3A_2224, %dma_start3A_2229, %dma_start3A_2230, %dma_start3A_2231] : memref<16x4x2x8x1024xf32, #tpu.memory_space<vmem_shared>> -> memref<1x1x2x8x1024xf32, #tpu.memory_space<vmem_shared>>
    %dma_start3A_2233 = tpu.memref_squeeze %dma_start3A_2232 : memref<1x1x2x8x1024xf32, #tpu.memory_space<vmem_shared>> -> memref<2x8x1024xf32, #tpu.memory_space<vmem_shared>>
    tpu.enqueue_dma source(%dma_start3A_2233 : memref<2x8x1024xf32, #tpu.memory_space<vmem_shared>>) target(%dma_start3A_2228 : memref<2x8x1024xf32, #tpu.memory_space<hbm>>) target_semaphore(%arg13 : memref<!tpu.dma_semaphore, #tpu.memory_space<semaphore_mem>>)
    %dma_wait3A_2234 = arith.constant 1 : i32
    %dma_wait3A_2235 = tpu.memref_reshape %arg3 : memref<16384x1024xf32, #tpu.memory_space<hbm>> -> memref<2048x8x1024xf32, #tpu.memory_space<hbm>>
    %dma_wait3A_2236 = arith.constant 0 : i32
    %dma_wait3A_2237 = arith.constant 0 : i32
    %dma_wait3A_2238 = tpu.memref_slice %dma_wait3A_2235[%select_n3A_2131, %dma_wait3A_2236, %dma_wait3A_2237] : memref<2048x8x1024xf32, #tpu.memory_space<hbm>> -> memref<2x8x1024xf32, #tpu.memory_space<hbm>>
    %dma_wait3A_2239 = arith.constant 0 : i32
    %dma_wait3A_2240 = arith.constant 0 : i32
    %dma_wait3A_2241 = arith.constant 0 : i32
    %dma_wait3A_2242 = tpu.memref_slice %arg4[%arg1, %dma_wait3A_2234, %dma_wait3A_2239, %dma_wait3A_2240, %dma_wait3A_2241] : memref<16x4x2x8x1024xf32, #tpu.memory_space<vmem_shared>> -> memref<1x1x2x8x1024xf32, #tpu.memory_space<vmem_shared>>
    %dma_wait3A_2243 = tpu.memref_squeeze %dma_wait3A_2242 : memref<1x1x2x8x1024xf32, #tpu.memory_space<vmem_shared>> -> memref<2x8x1024xf32, #tpu.memory_space<vmem_shared>>
    tpu.wait_dma2 semaphore(%arg12 : memref<!tpu.dma_semaphore, #tpu.memory_space<semaphore_mem>>) src(%dma_wait3A_2243 : memref<2x8x1024xf32, #tpu.memory_space<vmem_shared>>) dst(%dma_wait3A_2238 : memref<2x8x1024xf32, #tpu.memory_space<hbm>>)
    %add3A_2244 = arith.constant 400 : i32
    %add3A_2245 = arith.addi %mul3A_2, %add3A_2244 : i32
    %jit3A_2246 = arith.constant 8 : i32
    %div3A_2247 = arith.divsi %add3A_2245, %jit3A_2246 : i32
    %sign3A_2248 = arith.constant 0 : i32
    %sign3A_2249 = arith.cmpi sgt, %add3A_2245, %sign3A_2248 : i32
    %sign3A_2250 = arith.extui %sign3A_2249 : i1 to i32
    %sign3A_2251 = arith.constant 0 : i32
    %sign3A_2252 = arith.cmpi slt, %add3A_2245, %sign3A_2251 : i32
    %sign3A_2253 = arith.extui %sign3A_2252 : i1 to i32
    %sign3A_2254 = arith.subi %sign3A_2250, %sign3A_2253 : i32
    %sign3A_2255 = arith.constant 0 : i32
    %sign3A_2256 = arith.cmpi sgt, %jit3A_2246, %sign3A_2255 : i32
    %sign3A_2257 = arith.extui %sign3A_2256 : i1 to i32
    %sign3A_2258 = arith.constant 0 : i32
    %sign3A_2259 = arith.cmpi slt, %jit3A_2246, %sign3A_2258 : i32
    %sign3A_2260 = arith.extui %sign3A_2259 : i1 to i32
    %sign3A_2261 = arith.subi %sign3A_2257, %sign3A_2260 : i32
    %ne3A_2262 = arith.cmpi ne, %sign3A_2254, %sign3A_2261 : i32
    %rem3A_2263 = arith.remsi %add3A_2245, %jit3A_2246 : i32
    %ne3A_2264 = arith.constant 0 : i32
    %ne3A_2265 = arith.cmpi ne, %rem3A_2263, %ne3A_2264 : i32
    %and3A_2266 = arith.andi %ne3A_2262, %ne3A_2265 : i1
    %sub3A_2267 = arith.constant 1 : i32
    %sub3A_2268 = arith.subi %div3A_2247, %sub3A_2267 : i32
    %select_n3A_2269 = arith.select %and3A_2266, %sub3A_2268, %div3A_2247 : i32
    %dma_start3A_2270 = arith.constant 1 : i32
    %dma_start3A_2271 = arith.constant 0 : i32
    %dma_start3A_2272 = arith.constant 0 : i32
    %dma_start3A_2273 = arith.constant 0 : i32
    %dma_start3A_2274 = tpu.memref_slice %arg4[%arg1, %dma_start3A_2270, %dma_start3A_2271, %dma_start3A_2272, %dma_start3A_2273] : memref<16x4x2x8x1024xf32, #tpu.memory_space<vmem_shared>> -> memref<1x1x2x8x1024xf32, #tpu.memory_space<vmem_shared>>
    %dma_start3A_2275 = tpu.memref_squeeze %dma_start3A_2274 : memref<1x1x2x8x1024xf32, #tpu.memory_space<vmem_shared>> -> memref<2x8x1024xf32, #tpu.memory_space<vmem_shared>>
    %dma_start3A_2276 = tpu.memref_reshape %arg2 : memref<16384x1024xf32, #tpu.memory_space<hbm>> -> memref<2048x8x1024xf32, #tpu.memory_space<hbm>>
    %dma_start3A_2277 = arith.constant 0 : i32
    %dma_start3A_2278 = arith.constant 0 : i32
    %dma_start3A_2279 = tpu.memref_slice %dma_start3A_2276[%select_n3A_2269, %dma_start3A_2277, %dma_start3A_2278] : memref<2048x8x1024xf32, #tpu.memory_space<hbm>> -> memref<2x8x1024xf32, #tpu.memory_space<hbm>>
    tpu.enqueue_dma source(%dma_start3A_2279 : memref<2x8x1024xf32, #tpu.memory_space<hbm>>) target(%dma_start3A_2275 : memref<2x8x1024xf32, #tpu.memory_space<vmem_shared>>) target_semaphore(%arg8 : memref<!tpu.dma_semaphore, #tpu.memory_space<semaphore_mem>>)
    %dma_wait3A_2280 = arith.constant 3 : i32
    %dma_wait3A_2281 = arith.constant 0 : i32
    %dma_wait3A_2282 = arith.constant 0 : i32
    %dma_wait3A_2283 = arith.constant 0 : i32
    %dma_wait3A_2284 = tpu.memref_slice %arg4[%arg1, %dma_wait3A_2280, %dma_wait3A_2281, %dma_wait3A_2282, %dma_wait3A_2283] : memref<16x4x2x8x1024xf32, #tpu.memory_space<vmem_shared>> -> memref<1x1x2x8x1024xf32, #tpu.memory_space<vmem_shared>>
    %dma_wait3A_2285 = tpu.memref_squeeze %dma_wait3A_2284 : memref<1x1x2x8x1024xf32, #tpu.memory_space<vmem_shared>> -> memref<2x8x1024xf32, #tpu.memory_space<vmem_shared>>
    %dma_wait3A_2286 = tpu.memref_reshape %arg2 : memref<16384x1024xf32, #tpu.memory_space<hbm>> -> memref<2048x8x1024xf32, #tpu.memory_space<hbm>>
    %dma_wait3A_2287 = arith.constant 0 : i32
    %dma_wait3A_2288 = arith.constant 0 : i32
    %dma_wait3A_2289 = tpu.memref_slice %dma_wait3A_2286[%select_n3A_2085, %dma_wait3A_2287, %dma_wait3A_2288] : memref<2048x8x1024xf32, #tpu.memory_space<hbm>> -> memref<2x8x1024xf32, #tpu.memory_space<hbm>>
    tpu.wait_dma2 semaphore(%arg10 : memref<!tpu.dma_semaphore, #tpu.memory_space<semaphore_mem>>) src(%dma_wait3A_2289 : memref<2x8x1024xf32, #tpu.memory_space<hbm>>) dst(%dma_wait3A_2285 : memref<2x8x1024xf32, #tpu.memory_space<vmem_shared>>)
    %add3A_2290 = arith.constant 368 : i32
    %add3A_2291 = arith.addi %mul3A_2, %add3A_2290 : i32
    %jit3A_2292 = arith.constant 8 : i32
    %div3A_2293 = arith.divsi %add3A_2291, %jit3A_2292 : i32
    %sign3A_2294 = arith.constant 0 : i32
    %sign3A_2295 = arith.cmpi sgt, %add3A_2291, %sign3A_2294 : i32
    %sign3A_2296 = arith.extui %sign3A_2295 : i1 to i32
    %sign3A_2297 = arith.constant 0 : i32
    %sign3A_2298 = arith.cmpi slt, %add3A_2291, %sign3A_2297 : i32
    %sign3A_2299 = arith.extui %sign3A_2298 : i1 to i32
    %sign3A_2300 = arith.subi %sign3A_2296, %sign3A_2299 : i32
    %sign3A_2301 = arith.constant 0 : i32
    %sign3A_2302 = arith.cmpi sgt, %jit3A_2292, %sign3A_2301 : i32
    %sign3A_2303 = arith.extui %sign3A_2302 : i1 to i32
    %sign3A_2304 = arith.constant 0 : i32
    %sign3A_2305 = arith.cmpi slt, %jit3A_2292, %sign3A_2304 : i32
    %sign3A_2306 = arith.extui %sign3A_2305 : i1 to i32
    %sign3A_2307 = arith.subi %sign3A_2303, %sign3A_2306 : i32
    %ne3A_2308 = arith.cmpi ne, %sign3A_2300, %sign3A_2307 : i32
    %rem3A_2309 = arith.remsi %add3A_2291, %jit3A_2292 : i32
    %ne3A_2310 = arith.constant 0 : i32
    %ne3A_2311 = arith.cmpi ne, %rem3A_2309, %ne3A_2310 : i32
    %and3A_2312 = arith.andi %ne3A_2308, %ne3A_2311 : i1
    %sub3A_2313 = arith.constant 1 : i32
    %sub3A_2314 = arith.subi %div3A_2293, %sub3A_2313 : i32
    %select_n3A_2315 = arith.select %and3A_2312, %sub3A_2314, %div3A_2293 : i32
    %dma_start3A_2316 = arith.constant 3 : i32
    %dma_start3A_2317 = tpu.memref_reshape %arg3 : memref<16384x1024xf32, #tpu.memory_space<hbm>> -> memref<2048x8x1024xf32, #tpu.memory_space<hbm>>
    %dma_start3A_2318 = arith.constant 0 : i32
    %dma_start3A_2319 = arith.constant 0 : i32
    %dma_start3A_2320 = tpu.memref_slice %dma_start3A_2317[%select_n3A_2315, %dma_start3A_2318, %dma_start3A_2319] : memref<2048x8x1024xf32, #tpu.memory_space<hbm>> -> memref<2x8x1024xf32, #tpu.memory_space<hbm>>
    %dma_start3A_2321 = arith.constant 0 : i32
    %dma_start3A_2322 = arith.constant 0 : i32
    %dma_start3A_2323 = arith.constant 0 : i32
    %dma_start3A_2324 = tpu.memref_slice %arg4[%arg1, %dma_start3A_2316, %dma_start3A_2321, %dma_start3A_2322, %dma_start3A_2323] : memref<16x4x2x8x1024xf32, #tpu.memory_space<vmem_shared>> -> memref<1x1x2x8x1024xf32, #tpu.memory_space<vmem_shared>>
    %dma_start3A_2325 = tpu.memref_squeeze %dma_start3A_2324 : memref<1x1x2x8x1024xf32, #tpu.memory_space<vmem_shared>> -> memref<2x8x1024xf32, #tpu.memory_space<vmem_shared>>
    tpu.enqueue_dma source(%dma_start3A_2325 : memref<2x8x1024xf32, #tpu.memory_space<vmem_shared>>) target(%dma_start3A_2320 : memref<2x8x1024xf32, #tpu.memory_space<hbm>>) target_semaphore(%arg14 : memref<!tpu.dma_semaphore, #tpu.memory_space<semaphore_mem>>)
    %dma_wait3A_2326 = arith.constant 2 : i32
    %dma_wait3A_2327 = tpu.memref_reshape %arg3 : memref<16384x1024xf32, #tpu.memory_space<hbm>> -> memref<2048x8x1024xf32, #tpu.memory_space<hbm>>
    %dma_wait3A_2328 = arith.constant 0 : i32
    %dma_wait3A_2329 = arith.constant 0 : i32
    %dma_wait3A_2330 = tpu.memref_slice %dma_wait3A_2327[%select_n3A_2223, %dma_wait3A_2328, %dma_wait3A_2329] : memref<2048x8x1024xf32, #tpu.memory_space<hbm>> -> memref<2x8x1024xf32, #tpu.memory_space<hbm>>
    %dma_wait3A_2331 = arith.constant 0 : i32
    %dma_wait3A_2332 = arith.constant 0 : i32
    %dma_wait3A_2333 = arith.constant 0 : i32
    %dma_wait3A_2334 = tpu.memref_slice %arg4[%arg1, %dma_wait3A_2326, %dma_wait3A_2331, %dma_wait3A_2332, %dma_wait3A_2333] : memref<16x4x2x8x1024xf32, #tpu.memory_space<vmem_shared>> -> memref<1x1x2x8x1024xf32, #tpu.memory_space<vmem_shared>>
    %dma_wait3A_2335 = tpu.memref_squeeze %dma_wait3A_2334 : memref<1x1x2x8x1024xf32, #tpu.memory_space<vmem_shared>> -> memref<2x8x1024xf32, #tpu.memory_space<vmem_shared>>
    tpu.wait_dma2 semaphore(%arg13 : memref<!tpu.dma_semaphore, #tpu.memory_space<semaphore_mem>>) src(%dma_wait3A_2335 : memref<2x8x1024xf32, #tpu.memory_space<vmem_shared>>) dst(%dma_wait3A_2330 : memref<2x8x1024xf32, #tpu.memory_space<hbm>>)
    %add3A_2336 = arith.constant 416 : i32
    %add3A_2337 = arith.addi %mul3A_2, %add3A_2336 : i32
    %jit3A_2338 = arith.constant 8 : i32
    %div3A_2339 = arith.divsi %add3A_2337, %jit3A_2338 : i32
    %sign3A_2340 = arith.constant 0 : i32
    %sign3A_2341 = arith.cmpi sgt, %add3A_2337, %sign3A_2340 : i32
    %sign3A_2342 = arith.extui %sign3A_2341 : i1 to i32
    %sign3A_2343 = arith.constant 0 : i32
    %sign3A_2344 = arith.cmpi slt, %add3A_2337, %sign3A_2343 : i32
    %sign3A_2345 = arith.extui %sign3A_2344 : i1 to i32
    %sign3A_2346 = arith.subi %sign3A_2342, %sign3A_2345 : i32
    %sign3A_2347 = arith.constant 0 : i32
    %sign3A_2348 = arith.cmpi sgt, %jit3A_2338, %sign3A_2347 : i32
    %sign3A_2349 = arith.extui %sign3A_2348 : i1 to i32
    %sign3A_2350 = arith.constant 0 : i32
    %sign3A_2351 = arith.cmpi slt, %jit3A_2338, %sign3A_2350 : i32
    %sign3A_2352 = arith.extui %sign3A_2351 : i1 to i32
    %sign3A_2353 = arith.subi %sign3A_2349, %sign3A_2352 : i32
    %ne3A_2354 = arith.cmpi ne, %sign3A_2346, %sign3A_2353 : i32
    %rem3A_2355 = arith.remsi %add3A_2337, %jit3A_2338 : i32
    %ne3A_2356 = arith.constant 0 : i32
    %ne3A_2357 = arith.cmpi ne, %rem3A_2355, %ne3A_2356 : i32
    %and3A_2358 = arith.andi %ne3A_2354, %ne3A_2357 : i1
    %sub3A_2359 = arith.constant 1 : i32
    %sub3A_2360 = arith.subi %div3A_2339, %sub3A_2359 : i32
    %select_n3A_2361 = arith.select %and3A_2358, %sub3A_2360, %div3A_2339 : i32
    %dma_start3A_2362 = arith.constant 2 : i32
    %dma_start3A_2363 = arith.constant 0 : i32
    %dma_start3A_2364 = arith.constant 0 : i32
    %dma_start3A_2365 = arith.constant 0 : i32
    %dma_start3A_2366 = tpu.memref_slice %arg4[%arg1, %dma_start3A_2362, %dma_start3A_2363, %dma_start3A_2364, %dma_start3A_2365] : memref<16x4x2x8x1024xf32, #tpu.memory_space<vmem_shared>> -> memref<1x1x2x8x1024xf32, #tpu.memory_space<vmem_shared>>
    %dma_start3A_2367 = tpu.memref_squeeze %dma_start3A_2366 : memref<1x1x2x8x1024xf32, #tpu.memory_space<vmem_shared>> -> memref<2x8x1024xf32, #tpu.memory_space<vmem_shared>>
    %dma_start3A_2368 = tpu.memref_reshape %arg2 : memref<16384x1024xf32, #tpu.memory_space<hbm>> -> memref<2048x8x1024xf32, #tpu.memory_space<hbm>>
    %dma_start3A_2369 = arith.constant 0 : i32
    %dma_start3A_2370 = arith.constant 0 : i32
    %dma_start3A_2371 = tpu.memref_slice %dma_start3A_2368[%select_n3A_2361, %dma_start3A_2369, %dma_start3A_2370] : memref<2048x8x1024xf32, #tpu.memory_space<hbm>> -> memref<2x8x1024xf32, #tpu.memory_space<hbm>>
    tpu.enqueue_dma source(%dma_start3A_2371 : memref<2x8x1024xf32, #tpu.memory_space<hbm>>) target(%dma_start3A_2367 : memref<2x8x1024xf32, #tpu.memory_space<vmem_shared>>) target_semaphore(%arg9 : memref<!tpu.dma_semaphore, #tpu.memory_space<semaphore_mem>>)
    %dma_wait3A_2372 = arith.constant 0 : i32
    %dma_wait3A_2373 = arith.constant 0 : i32
    %dma_wait3A_2374 = arith.constant 0 : i32
    %dma_wait3A_2375 = arith.constant 0 : i32
    %dma_wait3A_2376 = tpu.memref_slice %arg4[%arg1, %dma_wait3A_2372, %dma_wait3A_2373, %dma_wait3A_2374, %dma_wait3A_2375] : memref<16x4x2x8x1024xf32, #tpu.memory_space<vmem_shared>> -> memref<1x1x2x8x1024xf32, #tpu.memory_space<vmem_shared>>
    %dma_wait3A_2377 = tpu.memref_squeeze %dma_wait3A_2376 : memref<1x1x2x8x1024xf32, #tpu.memory_space<vmem_shared>> -> memref<2x8x1024xf32, #tpu.memory_space<vmem_shared>>
    %dma_wait3A_2378 = tpu.memref_reshape %arg2 : memref<16384x1024xf32, #tpu.memory_space<hbm>> -> memref<2048x8x1024xf32, #tpu.memory_space<hbm>>
    %dma_wait3A_2379 = arith.constant 0 : i32
    %dma_wait3A_2380 = arith.constant 0 : i32
    %dma_wait3A_2381 = tpu.memref_slice %dma_wait3A_2378[%select_n3A_2177, %dma_wait3A_2379, %dma_wait3A_2380] : memref<2048x8x1024xf32, #tpu.memory_space<hbm>> -> memref<2x8x1024xf32, #tpu.memory_space<hbm>>
    tpu.wait_dma2 semaphore(%arg7 : memref<!tpu.dma_semaphore, #tpu.memory_space<semaphore_mem>>) src(%dma_wait3A_2381 : memref<2x8x1024xf32, #tpu.memory_space<hbm>>) dst(%dma_wait3A_2377 : memref<2x8x1024xf32, #tpu.memory_space<vmem_shared>>)
    %add3A_2382 = arith.constant 384 : i32
    %add3A_2383 = arith.addi %mul3A_2, %add3A_2382 : i32
    %jit3A_2384 = arith.constant 8 : i32
    %div3A_2385 = arith.divsi %add3A_2383, %jit3A_2384 : i32
    %sign3A_2386 = arith.constant 0 : i32
    %sign3A_2387 = arith.cmpi sgt, %add3A_2383, %sign3A_2386 : i32
    %sign3A_2388 = arith.extui %sign3A_2387 : i1 to i32
    %sign3A_2389 = arith.constant 0 : i32
    %sign3A_2390 = arith.cmpi slt, %add3A_2383, %sign3A_2389 : i32
    %sign3A_2391 = arith.extui %sign3A_2390 : i1 to i32
    %sign3A_2392 = arith.subi %sign3A_2388, %sign3A_2391 : i32
    %sign3A_2393 = arith.constant 0 : i32
    %sign3A_2394 = arith.cmpi sgt, %jit3A_2384, %sign3A_2393 : i32
    %sign3A_2395 = arith.extui %sign3A_2394 : i1 to i32
    %sign3A_2396 = arith.constant 0 : i32
    %sign3A_2397 = arith.cmpi slt, %jit3A_2384, %sign3A_2396 : i32
    %sign3A_2398 = arith.extui %sign3A_2397 : i1 to i32
    %sign3A_2399 = arith.subi %sign3A_2395, %sign3A_2398 : i32
    %ne3A_2400 = arith.cmpi ne, %sign3A_2392, %sign3A_2399 : i32
    %rem3A_2401 = arith.remsi %add3A_2383, %jit3A_2384 : i32
    %ne3A_2402 = arith.constant 0 : i32
    %ne3A_2403 = arith.cmpi ne, %rem3A_2401, %ne3A_2402 : i32
    %and3A_2404 = arith.andi %ne3A_2400, %ne3A_2403 : i1
    %sub3A_2405 = arith.constant 1 : i32
    %sub3A_2406 = arith.subi %div3A_2385, %sub3A_2405 : i32
    %select_n3A_2407 = arith.select %and3A_2404, %sub3A_2406, %div3A_2385 : i32
    %dma_start3A_2408 = arith.constant 0 : i32
    %dma_start3A_2409 = tpu.memref_reshape %arg3 : memref<16384x1024xf32, #tpu.memory_space<hbm>> -> memref<2048x8x1024xf32, #tpu.memory_space<hbm>>
    %dma_start3A_2410 = arith.constant 0 : i32
    %dma_start3A_2411 = arith.constant 0 : i32
    %dma_start3A_2412 = tpu.memref_slice %dma_start3A_2409[%select_n3A_2407, %dma_start3A_2410, %dma_start3A_2411] : memref<2048x8x1024xf32, #tpu.memory_space<hbm>> -> memref<2x8x1024xf32, #tpu.memory_space<hbm>>
    %dma_start3A_2413 = arith.constant 0 : i32
    %dma_start3A_2414 = arith.constant 0 : i32
    %dma_start3A_2415 = arith.constant 0 : i32
    %dma_start3A_2416 = tpu.memref_slice %arg4[%arg1, %dma_start3A_2408, %dma_start3A_2413, %dma_start3A_2414, %dma_start3A_2415] : memref<16x4x2x8x1024xf32, #tpu.memory_space<vmem_shared>> -> memref<1x1x2x8x1024xf32, #tpu.memory_space<vmem_shared>>
    %dma_start3A_2417 = tpu.memref_squeeze %dma_start3A_2416 : memref<1x1x2x8x1024xf32, #tpu.memory_space<vmem_shared>> -> memref<2x8x1024xf32, #tpu.memory_space<vmem_shared>>
    tpu.enqueue_dma source(%dma_start3A_2417 : memref<2x8x1024xf32, #tpu.memory_space<vmem_shared>>) target(%dma_start3A_2412 : memref<2x8x1024xf32, #tpu.memory_space<hbm>>) target_semaphore(%arg11 : memref<!tpu.dma_semaphore, #tpu.memory_space<semaphore_mem>>)
    %dma_wait3A_2418 = arith.constant 3 : i32
    %dma_wait3A_2419 = tpu.memref_reshape %arg3 : memref<16384x1024xf32, #tpu.memory_space<hbm>> -> memref<2048x8x1024xf32, #tpu.memory_space<hbm>>
    %dma_wait3A_2420 = arith.constant 0 : i32
    %dma_wait3A_2421 = arith.constant 0 : i32
    %dma_wait3A_2422 = tpu.memref_slice %dma_wait3A_2419[%select_n3A_2315, %dma_wait3A_2420, %dma_wait3A_2421] : memref<2048x8x1024xf32, #tpu.memory_space<hbm>> -> memref<2x8x1024xf32, #tpu.memory_space<hbm>>
    %dma_wait3A_2423 = arith.constant 0 : i32
    %dma_wait3A_2424 = arith.constant 0 : i32
    %dma_wait3A_2425 = arith.constant 0 : i32
    %dma_wait3A_2426 = tpu.memref_slice %arg4[%arg1, %dma_wait3A_2418, %dma_wait3A_2423, %dma_wait3A_2424, %dma_wait3A_2425] : memref<16x4x2x8x1024xf32, #tpu.memory_space<vmem_shared>> -> memref<1x1x2x8x1024xf32, #tpu.memory_space<vmem_shared>>
    %dma_wait3A_2427 = tpu.memref_squeeze %dma_wait3A_2426 : memref<1x1x2x8x1024xf32, #tpu.memory_space<vmem_shared>> -> memref<2x8x1024xf32, #tpu.memory_space<vmem_shared>>
    tpu.wait_dma2 semaphore(%arg14 : memref<!tpu.dma_semaphore, #tpu.memory_space<semaphore_mem>>) src(%dma_wait3A_2427 : memref<2x8x1024xf32, #tpu.memory_space<vmem_shared>>) dst(%dma_wait3A_2422 : memref<2x8x1024xf32, #tpu.memory_space<hbm>>)
    %add3A_2428 = arith.constant 432 : i32
    %add3A_2429 = arith.addi %mul3A_2, %add3A_2428 : i32
    %jit3A_2430 = arith.constant 8 : i32
    %div3A_2431 = arith.divsi %add3A_2429, %jit3A_2430 : i32
    %sign3A_2432 = arith.constant 0 : i32
    %sign3A_2433 = arith.cmpi sgt, %add3A_2429, %sign3A_2432 : i32
    %sign3A_2434 = arith.extui %sign3A_2433 : i1 to i32
    %sign3A_2435 = arith.constant 0 : i32
    %sign3A_2436 = arith.cmpi slt, %add3A_2429, %sign3A_2435 : i32
    %sign3A_2437 = arith.extui %sign3A_2436 : i1 to i32
    %sign3A_2438 = arith.subi %sign3A_2434, %sign3A_2437 : i32
    %sign3A_2439 = arith.constant 0 : i32
    %sign3A_2440 = arith.cmpi sgt, %jit3A_2430, %sign3A_2439 : i32
    %sign3A_2441 = arith.extui %sign3A_2440 : i1 to i32
    %sign3A_2442 = arith.constant 0 : i32
    %sign3A_2443 = arith.cmpi slt, %jit3A_2430, %sign3A_2442 : i32
    %sign3A_2444 = arith.extui %sign3A_2443 : i1 to i32
    %sign3A_2445 = arith.subi %sign3A_2441, %sign3A_2444 : i32
    %ne3A_2446 = arith.cmpi ne, %sign3A_2438, %sign3A_2445 : i32
    %rem3A_2447 = arith.remsi %add3A_2429, %jit3A_2430 : i32
    %ne3A_2448 = arith.constant 0 : i32
    %ne3A_2449 = arith.cmpi ne, %rem3A_2447, %ne3A_2448 : i32
    %and3A_2450 = arith.andi %ne3A_2446, %ne3A_2449 : i1
    %sub3A_2451 = arith.constant 1 : i32
    %sub3A_2452 = arith.subi %div3A_2431, %sub3A_2451 : i32
    %select_n3A_2453 = arith.select %and3A_2450, %sub3A_2452, %div3A_2431 : i32
    %dma_start3A_2454 = arith.constant 3 : i32
    %dma_start3A_2455 = arith.constant 0 : i32
    %dma_start3A_2456 = arith.constant 0 : i32
    %dma_start3A_2457 = arith.constant 0 : i32
    %dma_start3A_2458 = tpu.memref_slice %arg4[%arg1, %dma_start3A_2454, %dma_start3A_2455, %dma_start3A_2456, %dma_start3A_2457] : memref<16x4x2x8x1024xf32, #tpu.memory_space<vmem_shared>> -> memref<1x1x2x8x1024xf32, #tpu.memory_space<vmem_shared>>
    %dma_start3A_2459 = tpu.memref_squeeze %dma_start3A_2458 : memref<1x1x2x8x1024xf32, #tpu.memory_space<vmem_shared>> -> memref<2x8x1024xf32, #tpu.memory_space<vmem_shared>>
    %dma_start3A_2460 = tpu.memref_reshape %arg2 : memref<16384x1024xf32, #tpu.memory_space<hbm>> -> memref<2048x8x1024xf32, #tpu.memory_space<hbm>>
    %dma_start3A_2461 = arith.constant 0 : i32
    %dma_start3A_2462 = arith.constant 0 : i32
    %dma_start3A_2463 = tpu.memref_slice %dma_start3A_2460[%select_n3A_2453, %dma_start3A_2461, %dma_start3A_2462] : memref<2048x8x1024xf32, #tpu.memory_space<hbm>> -> memref<2x8x1024xf32, #tpu.memory_space<hbm>>
    tpu.enqueue_dma source(%dma_start3A_2463 : memref<2x8x1024xf32, #tpu.memory_space<hbm>>) target(%dma_start3A_2459 : memref<2x8x1024xf32, #tpu.memory_space<vmem_shared>>) target_semaphore(%arg10 : memref<!tpu.dma_semaphore, #tpu.memory_space<semaphore_mem>>)
    %dma_wait3A_2464 = arith.constant 1 : i32
    %dma_wait3A_2465 = arith.constant 0 : i32
    %dma_wait3A_2466 = arith.constant 0 : i32
    %dma_wait3A_2467 = arith.constant 0 : i32
    %dma_wait3A_2468 = tpu.memref_slice %arg4[%arg1, %dma_wait3A_2464, %dma_wait3A_2465, %dma_wait3A_2466, %dma_wait3A_2467] : memref<16x4x2x8x1024xf32, #tpu.memory_space<vmem_shared>> -> memref<1x1x2x8x1024xf32, #tpu.memory_space<vmem_shared>>
    %dma_wait3A_2469 = tpu.memref_squeeze %dma_wait3A_2468 : memref<1x1x2x8x1024xf32, #tpu.memory_space<vmem_shared>> -> memref<2x8x1024xf32, #tpu.memory_space<vmem_shared>>
    %dma_wait3A_2470 = tpu.memref_reshape %arg2 : memref<16384x1024xf32, #tpu.memory_space<hbm>> -> memref<2048x8x1024xf32, #tpu.memory_space<hbm>>
    %dma_wait3A_2471 = arith.constant 0 : i32
    %dma_wait3A_2472 = arith.constant 0 : i32
    %dma_wait3A_2473 = tpu.memref_slice %dma_wait3A_2470[%select_n3A_2269, %dma_wait3A_2471, %dma_wait3A_2472] : memref<2048x8x1024xf32, #tpu.memory_space<hbm>> -> memref<2x8x1024xf32, #tpu.memory_space<hbm>>
    tpu.wait_dma2 semaphore(%arg8 : memref<!tpu.dma_semaphore, #tpu.memory_space<semaphore_mem>>) src(%dma_wait3A_2473 : memref<2x8x1024xf32, #tpu.memory_space<hbm>>) dst(%dma_wait3A_2469 : memref<2x8x1024xf32, #tpu.memory_space<vmem_shared>>)
    %add3A_2474 = arith.constant 400 : i32
    %add3A_2475 = arith.addi %mul3A_2, %add3A_2474 : i32
    %jit3A_2476 = arith.constant 8 : i32
    %div3A_2477 = arith.divsi %add3A_2475, %jit3A_2476 : i32
    %sign3A_2478 = arith.constant 0 : i32
    %sign3A_2479 = arith.cmpi sgt, %add3A_2475, %sign3A_2478 : i32
    %sign3A_2480 = arith.extui %sign3A_2479 : i1 to i32
    %sign3A_2481 = arith.constant 0 : i32
    %sign3A_2482 = arith.cmpi slt, %add3A_2475, %sign3A_2481 : i32
    %sign3A_2483 = arith.extui %sign3A_2482 : i1 to i32
    %sign3A_2484 = arith.subi %sign3A_2480, %sign3A_2483 : i32
    %sign3A_2485 = arith.constant 0 : i32
    %sign3A_2486 = arith.cmpi sgt, %jit3A_2476, %sign3A_2485 : i32
    %sign3A_2487 = arith.extui %sign3A_2486 : i1 to i32
    %sign3A_2488 = arith.constant 0 : i32
    %sign3A_2489 = arith.cmpi slt, %jit3A_2476, %sign3A_2488 : i32
    %sign3A_2490 = arith.extui %sign3A_2489 : i1 to i32
    %sign3A_2491 = arith.subi %sign3A_2487, %sign3A_2490 : i32
    %ne3A_2492 = arith.cmpi ne, %sign3A_2484, %sign3A_2491 : i32
    %rem3A_2493 = arith.remsi %add3A_2475, %jit3A_2476 : i32
    %ne3A_2494 = arith.constant 0 : i32
    %ne3A_2495 = arith.cmpi ne, %rem3A_2493, %ne3A_2494 : i32
    %and3A_2496 = arith.andi %ne3A_2492, %ne3A_2495 : i1
    %sub3A_2497 = arith.constant 1 : i32
    %sub3A_2498 = arith.subi %div3A_2477, %sub3A_2497 : i32
    %select_n3A_2499 = arith.select %and3A_2496, %sub3A_2498, %div3A_2477 : i32
    %dma_start3A_2500 = arith.constant 1 : i32
    %dma_start3A_2501 = tpu.memref_reshape %arg3 : memref<16384x1024xf32, #tpu.memory_space<hbm>> -> memref<2048x8x1024xf32, #tpu.memory_space<hbm>>
    %dma_start3A_2502 = arith.constant 0 : i32
    %dma_start3A_2503 = arith.constant 0 : i32
    %dma_start3A_2504 = tpu.memref_slice %dma_start3A_2501[%select_n3A_2499, %dma_start3A_2502, %dma_start3A_2503] : memref<2048x8x1024xf32, #tpu.memory_space<hbm>> -> memref<2x8x1024xf32, #tpu.memory_space<hbm>>
    %dma_start3A_2505 = arith.constant 0 : i32
    %dma_start3A_2506 = arith.constant 0 : i32
    %dma_start3A_2507 = arith.constant 0 : i32
    %dma_start3A_2508 = tpu.memref_slice %arg4[%arg1, %dma_start3A_2500, %dma_start3A_2505, %dma_start3A_2506, %dma_start3A_2507] : memref<16x4x2x8x1024xf32, #tpu.memory_space<vmem_shared>> -> memref<1x1x2x8x1024xf32, #tpu.memory_space<vmem_shared>>
    %dma_start3A_2509 = tpu.memref_squeeze %dma_start3A_2508 : memref<1x1x2x8x1024xf32, #tpu.memory_space<vmem_shared>> -> memref<2x8x1024xf32, #tpu.memory_space<vmem_shared>>
    tpu.enqueue_dma source(%dma_start3A_2509 : memref<2x8x1024xf32, #tpu.memory_space<vmem_shared>>) target(%dma_start3A_2504 : memref<2x8x1024xf32, #tpu.memory_space<hbm>>) target_semaphore(%arg12 : memref<!tpu.dma_semaphore, #tpu.memory_space<semaphore_mem>>)
    %dma_wait3A_2510 = arith.constant 0 : i32
    %dma_wait3A_2511 = tpu.memref_reshape %arg3 : memref<16384x1024xf32, #tpu.memory_space<hbm>> -> memref<2048x8x1024xf32, #tpu.memory_space<hbm>>
    %dma_wait3A_2512 = arith.constant 0 : i32
    %dma_wait3A_2513 = arith.constant 0 : i32
    %dma_wait3A_2514 = tpu.memref_slice %dma_wait3A_2511[%select_n3A_2407, %dma_wait3A_2512, %dma_wait3A_2513] : memref<2048x8x1024xf32, #tpu.memory_space<hbm>> -> memref<2x8x1024xf32, #tpu.memory_space<hbm>>
    %dma_wait3A_2515 = arith.constant 0 : i32
    %dma_wait3A_2516 = arith.constant 0 : i32
    %dma_wait3A_2517 = arith.constant 0 : i32
    %dma_wait3A_2518 = tpu.memref_slice %arg4[%arg1, %dma_wait3A_2510, %dma_wait3A_2515, %dma_wait3A_2516, %dma_wait3A_2517] : memref<16x4x2x8x1024xf32, #tpu.memory_space<vmem_shared>> -> memref<1x1x2x8x1024xf32, #tpu.memory_space<vmem_shared>>
    %dma_wait3A_2519 = tpu.memref_squeeze %dma_wait3A_2518 : memref<1x1x2x8x1024xf32, #tpu.memory_space<vmem_shared>> -> memref<2x8x1024xf32, #tpu.memory_space<vmem_shared>>
    tpu.wait_dma2 semaphore(%arg11 : memref<!tpu.dma_semaphore, #tpu.memory_space<semaphore_mem>>) src(%dma_wait3A_2519 : memref<2x8x1024xf32, #tpu.memory_space<vmem_shared>>) dst(%dma_wait3A_2514 : memref<2x8x1024xf32, #tpu.memory_space<hbm>>)
    %add3A_2520 = arith.constant 448 : i32
    %add3A_2521 = arith.addi %mul3A_2, %add3A_2520 : i32
    %jit3A_2522 = arith.constant 8 : i32
    %div3A_2523 = arith.divsi %add3A_2521, %jit3A_2522 : i32
    %sign3A_2524 = arith.constant 0 : i32
    %sign3A_2525 = arith.cmpi sgt, %add3A_2521, %sign3A_2524 : i32
    %sign3A_2526 = arith.extui %sign3A_2525 : i1 to i32
    %sign3A_2527 = arith.constant 0 : i32
    %sign3A_2528 = arith.cmpi slt, %add3A_2521, %sign3A_2527 : i32
    %sign3A_2529 = arith.extui %sign3A_2528 : i1 to i32
    %sign3A_2530 = arith.subi %sign3A_2526, %sign3A_2529 : i32
    %sign3A_2531 = arith.constant 0 : i32
    %sign3A_2532 = arith.cmpi sgt, %jit3A_2522, %sign3A_2531 : i32
    %sign3A_2533 = arith.extui %sign3A_2532 : i1 to i32
    %sign3A_2534 = arith.constant 0 : i32
    %sign3A_2535 = arith.cmpi slt, %jit3A_2522, %sign3A_2534 : i32
    %sign3A_2536 = arith.extui %sign3A_2535 : i1 to i32
    %sign3A_2537 = arith.subi %sign3A_2533, %sign3A_2536 : i32
    %ne3A_2538 = arith.cmpi ne, %sign3A_2530, %sign3A_2537 : i32
    %rem3A_2539 = arith.remsi %add3A_2521, %jit3A_2522 : i32
    %ne3A_2540 = arith.constant 0 : i32
    %ne3A_2541 = arith.cmpi ne, %rem3A_2539, %ne3A_2540 : i32
    %and3A_2542 = arith.andi %ne3A_2538, %ne3A_2541 : i1
    %sub3A_2543 = arith.constant 1 : i32
    %sub3A_2544 = arith.subi %div3A_2523, %sub3A_2543 : i32
    %select_n3A_2545 = arith.select %and3A_2542, %sub3A_2544, %div3A_2523 : i32
    %dma_start3A_2546 = arith.constant 0 : i32
    %dma_start3A_2547 = arith.constant 0 : i32
    %dma_start3A_2548 = arith.constant 0 : i32
    %dma_start3A_2549 = arith.constant 0 : i32
    %dma_start3A_2550 = tpu.memref_slice %arg4[%arg1, %dma_start3A_2546, %dma_start3A_2547, %dma_start3A_2548, %dma_start3A_2549] : memref<16x4x2x8x1024xf32, #tpu.memory_space<vmem_shared>> -> memref<1x1x2x8x1024xf32, #tpu.memory_space<vmem_shared>>
    %dma_start3A_2551 = tpu.memref_squeeze %dma_start3A_2550 : memref<1x1x2x8x1024xf32, #tpu.memory_space<vmem_shared>> -> memref<2x8x1024xf32, #tpu.memory_space<vmem_shared>>
    %dma_start3A_2552 = tpu.memref_reshape %arg2 : memref<16384x1024xf32, #tpu.memory_space<hbm>> -> memref<2048x8x1024xf32, #tpu.memory_space<hbm>>
    %dma_start3A_2553 = arith.constant 0 : i32
    %dma_start3A_2554 = arith.constant 0 : i32
    %dma_start3A_2555 = tpu.memref_slice %dma_start3A_2552[%select_n3A_2545, %dma_start3A_2553, %dma_start3A_2554] : memref<2048x8x1024xf32, #tpu.memory_space<hbm>> -> memref<2x8x1024xf32, #tpu.memory_space<hbm>>
    tpu.enqueue_dma source(%dma_start3A_2555 : memref<2x8x1024xf32, #tpu.memory_space<hbm>>) target(%dma_start3A_2551 : memref<2x8x1024xf32, #tpu.memory_space<vmem_shared>>) target_semaphore(%arg7 : memref<!tpu.dma_semaphore, #tpu.memory_space<semaphore_mem>>)
    %dma_wait3A_2556 = arith.constant 2 : i32
    %dma_wait3A_2557 = arith.constant 0 : i32
    %dma_wait3A_2558 = arith.constant 0 : i32
    %dma_wait3A_2559 = arith.constant 0 : i32
    %dma_wait3A_2560 = tpu.memref_slice %arg4[%arg1, %dma_wait3A_2556, %dma_wait3A_2557, %dma_wait3A_2558, %dma_wait3A_2559] : memref<16x4x2x8x1024xf32, #tpu.memory_space<vmem_shared>> -> memref<1x1x2x8x1024xf32, #tpu.memory_space<vmem_shared>>
    %dma_wait3A_2561 = tpu.memref_squeeze %dma_wait3A_2560 : memref<1x1x2x8x1024xf32, #tpu.memory_space<vmem_shared>> -> memref<2x8x1024xf32, #tpu.memory_space<vmem_shared>>
    %dma_wait3A_2562 = tpu.memref_reshape %arg2 : memref<16384x1024xf32, #tpu.memory_space<hbm>> -> memref<2048x8x1024xf32, #tpu.memory_space<hbm>>
    %dma_wait3A_2563 = arith.constant 0 : i32
    %dma_wait3A_2564 = arith.constant 0 : i32
    %dma_wait3A_2565 = tpu.memref_slice %dma_wait3A_2562[%select_n3A_2361, %dma_wait3A_2563, %dma_wait3A_2564] : memref<2048x8x1024xf32, #tpu.memory_space<hbm>> -> memref<2x8x1024xf32, #tpu.memory_space<hbm>>
    tpu.wait_dma2 semaphore(%arg9 : memref<!tpu.dma_semaphore, #tpu.memory_space<semaphore_mem>>) src(%dma_wait3A_2565 : memref<2x8x1024xf32, #tpu.memory_space<hbm>>) dst(%dma_wait3A_2561 : memref<2x8x1024xf32, #tpu.memory_space<vmem_shared>>)
    %add3A_2566 = arith.constant 416 : i32
    %add3A_2567 = arith.addi %mul3A_2, %add3A_2566 : i32
    %jit3A_2568 = arith.constant 8 : i32
    %div3A_2569 = arith.divsi %add3A_2567, %jit3A_2568 : i32
    %sign3A_2570 = arith.constant 0 : i32
    %sign3A_2571 = arith.cmpi sgt, %add3A_2567, %sign3A_2570 : i32
    %sign3A_2572 = arith.extui %sign3A_2571 : i1 to i32
    %sign3A_2573 = arith.constant 0 : i32
    %sign3A_2574 = arith.cmpi slt, %add3A_2567, %sign3A_2573 : i32
    %sign3A_2575 = arith.extui %sign3A_2574 : i1 to i32
    %sign3A_2576 = arith.subi %sign3A_2572, %sign3A_2575 : i32
    %sign3A_2577 = arith.constant 0 : i32
    %sign3A_2578 = arith.cmpi sgt, %jit3A_2568, %sign3A_2577 : i32
    %sign3A_2579 = arith.extui %sign3A_2578 : i1 to i32
    %sign3A_2580 = arith.constant 0 : i32
    %sign3A_2581 = arith.cmpi slt, %jit3A_2568, %sign3A_2580 : i32
    %sign3A_2582 = arith.extui %sign3A_2581 : i1 to i32
    %sign3A_2583 = arith.subi %sign3A_2579, %sign3A_2582 : i32
    %ne3A_2584 = arith.cmpi ne, %sign3A_2576, %sign3A_2583 : i32
    %rem3A_2585 = arith.remsi %add3A_2567, %jit3A_2568 : i32
    %ne3A_2586 = arith.constant 0 : i32
    %ne3A_2587 = arith.cmpi ne, %rem3A_2585, %ne3A_2586 : i32
    %and3A_2588 = arith.andi %ne3A_2584, %ne3A_2587 : i1
    %sub3A_2589 = arith.constant 1 : i32
    %sub3A_2590 = arith.subi %div3A_2569, %sub3A_2589 : i32
    %select_n3A_2591 = arith.select %and3A_2588, %sub3A_2590, %div3A_2569 : i32
    %dma_start3A_2592 = arith.constant 2 : i32
    %dma_start3A_2593 = tpu.memref_reshape %arg3 : memref<16384x1024xf32, #tpu.memory_space<hbm>> -> memref<2048x8x1024xf32, #tpu.memory_space<hbm>>
    %dma_start3A_2594 = arith.constant 0 : i32
    %dma_start3A_2595 = arith.constant 0 : i32
    %dma_start3A_2596 = tpu.memref_slice %dma_start3A_2593[%select_n3A_2591, %dma_start3A_2594, %dma_start3A_2595] : memref<2048x8x1024xf32, #tpu.memory_space<hbm>> -> memref<2x8x1024xf32, #tpu.memory_space<hbm>>
    %dma_start3A_2597 = arith.constant 0 : i32
    %dma_start3A_2598 = arith.constant 0 : i32
    %dma_start3A_2599 = arith.constant 0 : i32
    %dma_start3A_2600 = tpu.memref_slice %arg4[%arg1, %dma_start3A_2592, %dma_start3A_2597, %dma_start3A_2598, %dma_start3A_2599] : memref<16x4x2x8x1024xf32, #tpu.memory_space<vmem_shared>> -> memref<1x1x2x8x1024xf32, #tpu.memory_space<vmem_shared>>
    %dma_start3A_2601 = tpu.memref_squeeze %dma_start3A_2600 : memref<1x1x2x8x1024xf32, #tpu.memory_space<vmem_shared>> -> memref<2x8x1024xf32, #tpu.memory_space<vmem_shared>>
    tpu.enqueue_dma source(%dma_start3A_2601 : memref<2x8x1024xf32, #tpu.memory_space<vmem_shared>>) target(%dma_start3A_2596 : memref<2x8x1024xf32, #tpu.memory_space<hbm>>) target_semaphore(%arg13 : memref<!tpu.dma_semaphore, #tpu.memory_space<semaphore_mem>>)
    %dma_wait3A_2602 = arith.constant 1 : i32
    %dma_wait3A_2603 = tpu.memref_reshape %arg3 : memref<16384x1024xf32, #tpu.memory_space<hbm>> -> memref<2048x8x1024xf32, #tpu.memory_space<hbm>>
    %dma_wait3A_2604 = arith.constant 0 : i32
    %dma_wait3A_2605 = arith.constant 0 : i32
    %dma_wait3A_2606 = tpu.memref_slice %dma_wait3A_2603[%select_n3A_2499, %dma_wait3A_2604, %dma_wait3A_2605] : memref<2048x8x1024xf32, #tpu.memory_space<hbm>> -> memref<2x8x1024xf32, #tpu.memory_space<hbm>>
    %dma_wait3A_2607 = arith.constant 0 : i32
    %dma_wait3A_2608 = arith.constant 0 : i32
    %dma_wait3A_2609 = arith.constant 0 : i32
    %dma_wait3A_2610 = tpu.memref_slice %arg4[%arg1, %dma_wait3A_2602, %dma_wait3A_2607, %dma_wait3A_2608, %dma_wait3A_2609] : memref<16x4x2x8x1024xf32, #tpu.memory_space<vmem_shared>> -> memref<1x1x2x8x1024xf32, #tpu.memory_space<vmem_shared>>
    %dma_wait3A_2611 = tpu.memref_squeeze %dma_wait3A_2610 : memref<1x1x2x8x1024xf32, #tpu.memory_space<vmem_shared>> -> memref<2x8x1024xf32, #tpu.memory_space<vmem_shared>>
    tpu.wait_dma2 semaphore(%arg12 : memref<!tpu.dma_semaphore, #tpu.memory_space<semaphore_mem>>) src(%dma_wait3A_2611 : memref<2x8x1024xf32, #tpu.memory_space<vmem_shared>>) dst(%dma_wait3A_2606 : memref<2x8x1024xf32, #tpu.memory_space<hbm>>)
    %add3A_2612 = arith.constant 464 : i32
    %add3A_2613 = arith.addi %mul3A_2, %add3A_2612 : i32
    %jit3A_2614 = arith.constant 8 : i32
    %div3A_2615 = arith.divsi %add3A_2613, %jit3A_2614 : i32
    %sign3A_2616 = arith.constant 0 : i32
    %sign3A_2617 = arith.cmpi sgt, %add3A_2613, %sign3A_2616 : i32
    %sign3A_2618 = arith.extui %sign3A_2617 : i1 to i32
    %sign3A_2619 = arith.constant 0 : i32
    %sign3A_2620 = arith.cmpi slt, %add3A_2613, %sign3A_2619 : i32
    %sign3A_2621 = arith.extui %sign3A_2620 : i1 to i32
    %sign3A_2622 = arith.subi %sign3A_2618, %sign3A_2621 : i32
    %sign3A_2623 = arith.constant 0 : i32
    %sign3A_2624 = arith.cmpi sgt, %jit3A_2614, %sign3A_2623 : i32
    %sign3A_2625 = arith.extui %sign3A_2624 : i1 to i32
    %sign3A_2626 = arith.constant 0 : i32
    %sign3A_2627 = arith.cmpi slt, %jit3A_2614, %sign3A_2626 : i32
    %sign3A_2628 = arith.extui %sign3A_2627 : i1 to i32
    %sign3A_2629 = arith.subi %sign3A_2625, %sign3A_2628 : i32
    %ne3A_2630 = arith.cmpi ne, %sign3A_2622, %sign3A_2629 : i32
    %rem3A_2631 = arith.remsi %add3A_2613, %jit3A_2614 : i32
    %ne3A_2632 = arith.constant 0 : i32
    %ne3A_2633 = arith.cmpi ne, %rem3A_2631, %ne3A_2632 : i32
    %and3A_2634 = arith.andi %ne3A_2630, %ne3A_2633 : i1
    %sub3A_2635 = arith.constant 1 : i32
    %sub3A_2636 = arith.subi %div3A_2615, %sub3A_2635 : i32
    %select_n3A_2637 = arith.select %and3A_2634, %sub3A_2636, %div3A_2615 : i32
    %dma_start3A_2638 = arith.constant 1 : i32
    %dma_start3A_2639 = arith.constant 0 : i32
    %dma_start3A_2640 = arith.constant 0 : i32
    %dma_start3A_2641 = arith.constant 0 : i32
    %dma_start3A_2642 = tpu.memref_slice %arg4[%arg1, %dma_start3A_2638, %dma_start3A_2639, %dma_start3A_2640, %dma_start3A_2641] : memref<16x4x2x8x1024xf32, #tpu.memory_space<vmem_shared>> -> memref<1x1x2x8x1024xf32, #tpu.memory_space<vmem_shared>>
    %dma_start3A_2643 = tpu.memref_squeeze %dma_start3A_2642 : memref<1x1x2x8x1024xf32, #tpu.memory_space<vmem_shared>> -> memref<2x8x1024xf32, #tpu.memory_space<vmem_shared>>
    %dma_start3A_2644 = tpu.memref_reshape %arg2 : memref<16384x1024xf32, #tpu.memory_space<hbm>> -> memref<2048x8x1024xf32, #tpu.memory_space<hbm>>
    %dma_start3A_2645 = arith.constant 0 : i32
    %dma_start3A_2646 = arith.constant 0 : i32
    %dma_start3A_2647 = tpu.memref_slice %dma_start3A_2644[%select_n3A_2637, %dma_start3A_2645, %dma_start3A_2646] : memref<2048x8x1024xf32, #tpu.memory_space<hbm>> -> memref<2x8x1024xf32, #tpu.memory_space<hbm>>
    tpu.enqueue_dma source(%dma_start3A_2647 : memref<2x8x1024xf32, #tpu.memory_space<hbm>>) target(%dma_start3A_2643 : memref<2x8x1024xf32, #tpu.memory_space<vmem_shared>>) target_semaphore(%arg8 : memref<!tpu.dma_semaphore, #tpu.memory_space<semaphore_mem>>)
    %dma_wait3A_2648 = arith.constant 3 : i32
    %dma_wait3A_2649 = arith.constant 0 : i32
    %dma_wait3A_2650 = arith.constant 0 : i32
    %dma_wait3A_2651 = arith.constant 0 : i32
    %dma_wait3A_2652 = tpu.memref_slice %arg4[%arg1, %dma_wait3A_2648, %dma_wait3A_2649, %dma_wait3A_2650, %dma_wait3A_2651] : memref<16x4x2x8x1024xf32, #tpu.memory_space<vmem_shared>> -> memref<1x1x2x8x1024xf32, #tpu.memory_space<vmem_shared>>
    %dma_wait3A_2653 = tpu.memref_squeeze %dma_wait3A_2652 : memref<1x1x2x8x1024xf32, #tpu.memory_space<vmem_shared>> -> memref<2x8x1024xf32, #tpu.memory_space<vmem_shared>>
    %dma_wait3A_2654 = tpu.memref_reshape %arg2 : memref<16384x1024xf32, #tpu.memory_space<hbm>> -> memref<2048x8x1024xf32, #tpu.memory_space<hbm>>
    %dma_wait3A_2655 = arith.constant 0 : i32
    %dma_wait3A_2656 = arith.constant 0 : i32
    %dma_wait3A_2657 = tpu.memref_slice %dma_wait3A_2654[%select_n3A_2453, %dma_wait3A_2655, %dma_wait3A_2656] : memref<2048x8x1024xf32, #tpu.memory_space<hbm>> -> memref<2x8x1024xf32, #tpu.memory_space<hbm>>
    tpu.wait_dma2 semaphore(%arg10 : memref<!tpu.dma_semaphore, #tpu.memory_space<semaphore_mem>>) src(%dma_wait3A_2657 : memref<2x8x1024xf32, #tpu.memory_space<hbm>>) dst(%dma_wait3A_2653 : memref<2x8x1024xf32, #tpu.memory_space<vmem_shared>>)
    %add3A_2658 = arith.constant 432 : i32
    %add3A_2659 = arith.addi %mul3A_2, %add3A_2658 : i32
    %jit3A_2660 = arith.constant 8 : i32
    %div3A_2661 = arith.divsi %add3A_2659, %jit3A_2660 : i32
    %sign3A_2662 = arith.constant 0 : i32
    %sign3A_2663 = arith.cmpi sgt, %add3A_2659, %sign3A_2662 : i32
    %sign3A_2664 = arith.extui %sign3A_2663 : i1 to i32
    %sign3A_2665 = arith.constant 0 : i32
    %sign3A_2666 = arith.cmpi slt, %add3A_2659, %sign3A_2665 : i32
    %sign3A_2667 = arith.extui %sign3A_2666 : i1 to i32
    %sign3A_2668 = arith.subi %sign3A_2664, %sign3A_2667 : i32
    %sign3A_2669 = arith.constant 0 : i32
    %sign3A_2670 = arith.cmpi sgt, %jit3A_2660, %sign3A_2669 : i32
    %sign3A_2671 = arith.extui %sign3A_2670 : i1 to i32
    %sign3A_2672 = arith.constant 0 : i32
    %sign3A_2673 = arith.cmpi slt, %jit3A_2660, %sign3A_2672 : i32
    %sign3A_2674 = arith.extui %sign3A_2673 : i1 to i32
    %sign3A_2675 = arith.subi %sign3A_2671, %sign3A_2674 : i32
    %ne3A_2676 = arith.cmpi ne, %sign3A_2668, %sign3A_2675 : i32
    %rem3A_2677 = arith.remsi %add3A_2659, %jit3A_2660 : i32
    %ne3A_2678 = arith.constant 0 : i32
    %ne3A_2679 = arith.cmpi ne, %rem3A_2677, %ne3A_2678 : i32
    %and3A_2680 = arith.andi %ne3A_2676, %ne3A_2679 : i1
    %sub3A_2681 = arith.constant 1 : i32
    %sub3A_2682 = arith.subi %div3A_2661, %sub3A_2681 : i32
    %select_n3A_2683 = arith.select %and3A_2680, %sub3A_2682, %div3A_2661 : i32
    %dma_start3A_2684 = arith.constant 3 : i32
    %dma_start3A_2685 = tpu.memref_reshape %arg3 : memref<16384x1024xf32, #tpu.memory_space<hbm>> -> memref<2048x8x1024xf32, #tpu.memory_space<hbm>>
    %dma_start3A_2686 = arith.constant 0 : i32
    %dma_start3A_2687 = arith.constant 0 : i32
    %dma_start3A_2688 = tpu.memref_slice %dma_start3A_2685[%select_n3A_2683, %dma_start3A_2686, %dma_start3A_2687] : memref<2048x8x1024xf32, #tpu.memory_space<hbm>> -> memref<2x8x1024xf32, #tpu.memory_space<hbm>>
    %dma_start3A_2689 = arith.constant 0 : i32
    %dma_start3A_2690 = arith.constant 0 : i32
    %dma_start3A_2691 = arith.constant 0 : i32
    %dma_start3A_2692 = tpu.memref_slice %arg4[%arg1, %dma_start3A_2684, %dma_start3A_2689, %dma_start3A_2690, %dma_start3A_2691] : memref<16x4x2x8x1024xf32, #tpu.memory_space<vmem_shared>> -> memref<1x1x2x8x1024xf32, #tpu.memory_space<vmem_shared>>
    %dma_start3A_2693 = tpu.memref_squeeze %dma_start3A_2692 : memref<1x1x2x8x1024xf32, #tpu.memory_space<vmem_shared>> -> memref<2x8x1024xf32, #tpu.memory_space<vmem_shared>>
    tpu.enqueue_dma source(%dma_start3A_2693 : memref<2x8x1024xf32, #tpu.memory_space<vmem_shared>>) target(%dma_start3A_2688 : memref<2x8x1024xf32, #tpu.memory_space<hbm>>) target_semaphore(%arg14 : memref<!tpu.dma_semaphore, #tpu.memory_space<semaphore_mem>>)
    %dma_wait3A_2694 = arith.constant 2 : i32
    %dma_wait3A_2695 = tpu.memref_reshape %arg3 : memref<16384x1024xf32, #tpu.memory_space<hbm>> -> memref<2048x8x1024xf32, #tpu.memory_space<hbm>>
    %dma_wait3A_2696 = arith.constant 0 : i32
    %dma_wait3A_2697 = arith.constant 0 : i32
    %dma_wait3A_2698 = tpu.memref_slice %dma_wait3A_2695[%select_n3A_2591, %dma_wait3A_2696, %dma_wait3A_2697] : memref<2048x8x1024xf32, #tpu.memory_space<hbm>> -> memref<2x8x1024xf32, #tpu.memory_space<hbm>>
    %dma_wait3A_2699 = arith.constant 0 : i32
    %dma_wait3A_2700 = arith.constant 0 : i32
    %dma_wait3A_2701 = arith.constant 0 : i32
    %dma_wait3A_2702 = tpu.memref_slice %arg4[%arg1, %dma_wait3A_2694, %dma_wait3A_2699, %dma_wait3A_2700, %dma_wait3A_2701] : memref<16x4x2x8x1024xf32, #tpu.memory_space<vmem_shared>> -> memref<1x1x2x8x1024xf32, #tpu.memory_space<vmem_shared>>
    %dma_wait3A_2703 = tpu.memref_squeeze %dma_wait3A_2702 : memref<1x1x2x8x1024xf32, #tpu.memory_space<vmem_shared>> -> memref<2x8x1024xf32, #tpu.memory_space<vmem_shared>>
    tpu.wait_dma2 semaphore(%arg13 : memref<!tpu.dma_semaphore, #tpu.memory_space<semaphore_mem>>) src(%dma_wait3A_2703 : memref<2x8x1024xf32, #tpu.memory_space<vmem_shared>>) dst(%dma_wait3A_2698 : memref<2x8x1024xf32, #tpu.memory_space<hbm>>)
    %add3A_2704 = arith.constant 480 : i32
    %add3A_2705 = arith.addi %mul3A_2, %add3A_2704 : i32
    %jit3A_2706 = arith.constant 8 : i32
    %div3A_2707 = arith.divsi %add3A_2705, %jit3A_2706 : i32
    %sign3A_2708 = arith.constant 0 : i32
    %sign3A_2709 = arith.cmpi sgt, %add3A_2705, %sign3A_2708 : i32
    %sign3A_2710 = arith.extui %sign3A_2709 : i1 to i32
    %sign3A_2711 = arith.constant 0 : i32
    %sign3A_2712 = arith.cmpi slt, %add3A_2705, %sign3A_2711 : i32
    %sign3A_2713 = arith.extui %sign3A_2712 : i1 to i32
    %sign3A_2714 = arith.subi %sign3A_2710, %sign3A_2713 : i32
    %sign3A_2715 = arith.constant 0 : i32
    %sign3A_2716 = arith.cmpi sgt, %jit3A_2706, %sign3A_2715 : i32
    %sign3A_2717 = arith.extui %sign3A_2716 : i1 to i32
    %sign3A_2718 = arith.constant 0 : i32
    %sign3A_2719 = arith.cmpi slt, %jit3A_2706, %sign3A_2718 : i32
    %sign3A_2720 = arith.extui %sign3A_2719 : i1 to i32
    %sign3A_2721 = arith.subi %sign3A_2717, %sign3A_2720 : i32
    %ne3A_2722 = arith.cmpi ne, %sign3A_2714, %sign3A_2721 : i32
    %rem3A_2723 = arith.remsi %add3A_2705, %jit3A_2706 : i32
    %ne3A_2724 = arith.constant 0 : i32
    %ne3A_2725 = arith.cmpi ne, %rem3A_2723, %ne3A_2724 : i32
    %and3A_2726 = arith.andi %ne3A_2722, %ne3A_2725 : i1
    %sub3A_2727 = arith.constant 1 : i32
    %sub3A_2728 = arith.subi %div3A_2707, %sub3A_2727 : i32
    %select_n3A_2729 = arith.select %and3A_2726, %sub3A_2728, %div3A_2707 : i32
    %dma_start3A_2730 = arith.constant 2 : i32
    %dma_start3A_2731 = arith.constant 0 : i32
    %dma_start3A_2732 = arith.constant 0 : i32
    %dma_start3A_2733 = arith.constant 0 : i32
    %dma_start3A_2734 = tpu.memref_slice %arg4[%arg1, %dma_start3A_2730, %dma_start3A_2731, %dma_start3A_2732, %dma_start3A_2733] : memref<16x4x2x8x1024xf32, #tpu.memory_space<vmem_shared>> -> memref<1x1x2x8x1024xf32, #tpu.memory_space<vmem_shared>>
    %dma_start3A_2735 = tpu.memref_squeeze %dma_start3A_2734 : memref<1x1x2x8x1024xf32, #tpu.memory_space<vmem_shared>> -> memref<2x8x1024xf32, #tpu.memory_space<vmem_shared>>
    %dma_start3A_2736 = tpu.memref_reshape %arg2 : memref<16384x1024xf32, #tpu.memory_space<hbm>> -> memref<2048x8x1024xf32, #tpu.memory_space<hbm>>
    %dma_start3A_2737 = arith.constant 0 : i32
    %dma_start3A_2738 = arith.constant 0 : i32
    %dma_start3A_2739 = tpu.memref_slice %dma_start3A_2736[%select_n3A_2729, %dma_start3A_2737, %dma_start3A_2738] : memref<2048x8x1024xf32, #tpu.memory_space<hbm>> -> memref<2x8x1024xf32, #tpu.memory_space<hbm>>
    tpu.enqueue_dma source(%dma_start3A_2739 : memref<2x8x1024xf32, #tpu.memory_space<hbm>>) target(%dma_start3A_2735 : memref<2x8x1024xf32, #tpu.memory_space<vmem_shared>>) target_semaphore(%arg9 : memref<!tpu.dma_semaphore, #tpu.memory_space<semaphore_mem>>)
    %dma_wait3A_2740 = arith.constant 0 : i32
    %dma_wait3A_2741 = arith.constant 0 : i32
    %dma_wait3A_2742 = arith.constant 0 : i32
    %dma_wait3A_2743 = arith.constant 0 : i32
    %dma_wait3A_2744 = tpu.memref_slice %arg4[%arg1, %dma_wait3A_2740, %dma_wait3A_2741, %dma_wait3A_2742, %dma_wait3A_2743] : memref<16x4x2x8x1024xf32, #tpu.memory_space<vmem_shared>> -> memref<1x1x2x8x1024xf32, #tpu.memory_space<vmem_shared>>
    %dma_wait3A_2745 = tpu.memref_squeeze %dma_wait3A_2744 : memref<1x1x2x8x1024xf32, #tpu.memory_space<vmem_shared>> -> memref<2x8x1024xf32, #tpu.memory_space<vmem_shared>>
    %dma_wait3A_2746 = tpu.memref_reshape %arg2 : memref<16384x1024xf32, #tpu.memory_space<hbm>> -> memref<2048x8x1024xf32, #tpu.memory_space<hbm>>
    %dma_wait3A_2747 = arith.constant 0 : i32
    %dma_wait3A_2748 = arith.constant 0 : i32
    %dma_wait3A_2749 = tpu.memref_slice %dma_wait3A_2746[%select_n3A_2545, %dma_wait3A_2747, %dma_wait3A_2748] : memref<2048x8x1024xf32, #tpu.memory_space<hbm>> -> memref<2x8x1024xf32, #tpu.memory_space<hbm>>
    tpu.wait_dma2 semaphore(%arg7 : memref<!tpu.dma_semaphore, #tpu.memory_space<semaphore_mem>>) src(%dma_wait3A_2749 : memref<2x8x1024xf32, #tpu.memory_space<hbm>>) dst(%dma_wait3A_2745 : memref<2x8x1024xf32, #tpu.memory_space<vmem_shared>>)
    %add3A_2750 = arith.constant 448 : i32
    %add3A_2751 = arith.addi %mul3A_2, %add3A_2750 : i32
    %jit3A_2752 = arith.constant 8 : i32
    %div3A_2753 = arith.divsi %add3A_2751, %jit3A_2752 : i32
    %sign3A_2754 = arith.constant 0 : i32
    %sign3A_2755 = arith.cmpi sgt, %add3A_2751, %sign3A_2754 : i32
    %sign3A_2756 = arith.extui %sign3A_2755 : i1 to i32
    %sign3A_2757 = arith.constant 0 : i32
    %sign3A_2758 = arith.cmpi slt, %add3A_2751, %sign3A_2757 : i32
    %sign3A_2759 = arith.extui %sign3A_2758 : i1 to i32
    %sign3A_2760 = arith.subi %sign3A_2756, %sign3A_2759 : i32
    %sign3A_2761 = arith.constant 0 : i32
    %sign3A_2762 = arith.cmpi sgt, %jit3A_2752, %sign3A_2761 : i32
    %sign3A_2763 = arith.extui %sign3A_2762 : i1 to i32
    %sign3A_2764 = arith.constant 0 : i32
    %sign3A_2765 = arith.cmpi slt, %jit3A_2752, %sign3A_2764 : i32
    %sign3A_2766 = arith.extui %sign3A_2765 : i1 to i32
    %sign3A_2767 = arith.subi %sign3A_2763, %sign3A_2766 : i32
    %ne3A_2768 = arith.cmpi ne, %sign3A_2760, %sign3A_2767 : i32
    %rem3A_2769 = arith.remsi %add3A_2751, %jit3A_2752 : i32
    %ne3A_2770 = arith.constant 0 : i32
    %ne3A_2771 = arith.cmpi ne, %rem3A_2769, %ne3A_2770 : i32
    %and3A_2772 = arith.andi %ne3A_2768, %ne3A_2771 : i1
    %sub3A_2773 = arith.constant 1 : i32
    %sub3A_2774 = arith.subi %div3A_2753, %sub3A_2773 : i32
    %select_n3A_2775 = arith.select %and3A_2772, %sub3A_2774, %div3A_2753 : i32
    %dma_start3A_2776 = arith.constant 0 : i32
    %dma_start3A_2777 = tpu.memref_reshape %arg3 : memref<16384x1024xf32, #tpu.memory_space<hbm>> -> memref<2048x8x1024xf32, #tpu.memory_space<hbm>>
    %dma_start3A_2778 = arith.constant 0 : i32
    %dma_start3A_2779 = arith.constant 0 : i32
    %dma_start3A_2780 = tpu.memref_slice %dma_start3A_2777[%select_n3A_2775, %dma_start3A_2778, %dma_start3A_2779] : memref<2048x8x1024xf32, #tpu.memory_space<hbm>> -> memref<2x8x1024xf32, #tpu.memory_space<hbm>>
    %dma_start3A_2781 = arith.constant 0 : i32
    %dma_start3A_2782 = arith.constant 0 : i32
    %dma_start3A_2783 = arith.constant 0 : i32
    %dma_start3A_2784 = tpu.memref_slice %arg4[%arg1, %dma_start3A_2776, %dma_start3A_2781, %dma_start3A_2782, %dma_start3A_2783] : memref<16x4x2x8x1024xf32, #tpu.memory_space<vmem_shared>> -> memref<1x1x2x8x1024xf32, #tpu.memory_space<vmem_shared>>
    %dma_start3A_2785 = tpu.memref_squeeze %dma_start3A_2784 : memref<1x1x2x8x1024xf32, #tpu.memory_space<vmem_shared>> -> memref<2x8x1024xf32, #tpu.memory_space<vmem_shared>>
    tpu.enqueue_dma source(%dma_start3A_2785 : memref<2x8x1024xf32, #tpu.memory_space<vmem_shared>>) target(%dma_start3A_2780 : memref<2x8x1024xf32, #tpu.memory_space<hbm>>) target_semaphore(%arg11 : memref<!tpu.dma_semaphore, #tpu.memory_space<semaphore_mem>>)
    %dma_wait3A_2786 = arith.constant 3 : i32
    %dma_wait3A_2787 = tpu.memref_reshape %arg3 : memref<16384x1024xf32, #tpu.memory_space<hbm>> -> memref<2048x8x1024xf32, #tpu.memory_space<hbm>>
    %dma_wait3A_2788 = arith.constant 0 : i32
    %dma_wait3A_2789 = arith.constant 0 : i32
    %dma_wait3A_2790 = tpu.memref_slice %dma_wait3A_2787[%select_n3A_2683, %dma_wait3A_2788, %dma_wait3A_2789] : memref<2048x8x1024xf32, #tpu.memory_space<hbm>> -> memref<2x8x1024xf32, #tpu.memory_space<hbm>>
    %dma_wait3A_2791 = arith.constant 0 : i32
    %dma_wait3A_2792 = arith.constant 0 : i32
    %dma_wait3A_2793 = arith.constant 0 : i32
    %dma_wait3A_2794 = tpu.memref_slice %arg4[%arg1, %dma_wait3A_2786, %dma_wait3A_2791, %dma_wait3A_2792, %dma_wait3A_2793] : memref<16x4x2x8x1024xf32, #tpu.memory_space<vmem_shared>> -> memref<1x1x2x8x1024xf32, #tpu.memory_space<vmem_shared>>
    %dma_wait3A_2795 = tpu.memref_squeeze %dma_wait3A_2794 : memref<1x1x2x8x1024xf32, #tpu.memory_space<vmem_shared>> -> memref<2x8x1024xf32, #tpu.memory_space<vmem_shared>>
    tpu.wait_dma2 semaphore(%arg14 : memref<!tpu.dma_semaphore, #tpu.memory_space<semaphore_mem>>) src(%dma_wait3A_2795 : memref<2x8x1024xf32, #tpu.memory_space<vmem_shared>>) dst(%dma_wait3A_2790 : memref<2x8x1024xf32, #tpu.memory_space<hbm>>)
    %add3A_2796 = arith.constant 496 : i32
    %add3A_2797 = arith.addi %mul3A_2, %add3A_2796 : i32
    %jit3A_2798 = arith.constant 8 : i32
    %div3A_2799 = arith.divsi %add3A_2797, %jit3A_2798 : i32
    %sign3A_2800 = arith.constant 0 : i32
    %sign3A_2801 = arith.cmpi sgt, %add3A_2797, %sign3A_2800 : i32
    %sign3A_2802 = arith.extui %sign3A_2801 : i1 to i32
    %sign3A_2803 = arith.constant 0 : i32
    %sign3A_2804 = arith.cmpi slt, %add3A_2797, %sign3A_2803 : i32
    %sign3A_2805 = arith.extui %sign3A_2804 : i1 to i32
    %sign3A_2806 = arith.subi %sign3A_2802, %sign3A_2805 : i32
    %sign3A_2807 = arith.constant 0 : i32
    %sign3A_2808 = arith.cmpi sgt, %jit3A_2798, %sign3A_2807 : i32
    %sign3A_2809 = arith.extui %sign3A_2808 : i1 to i32
    %sign3A_2810 = arith.constant 0 : i32
    %sign3A_2811 = arith.cmpi slt, %jit3A_2798, %sign3A_2810 : i32
    %sign3A_2812 = arith.extui %sign3A_2811 : i1 to i32
    %sign3A_2813 = arith.subi %sign3A_2809, %sign3A_2812 : i32
    %ne3A_2814 = arith.cmpi ne, %sign3A_2806, %sign3A_2813 : i32
    %rem3A_2815 = arith.remsi %add3A_2797, %jit3A_2798 : i32
    %ne3A_2816 = arith.constant 0 : i32
    %ne3A_2817 = arith.cmpi ne, %rem3A_2815, %ne3A_2816 : i32
    %and3A_2818 = arith.andi %ne3A_2814, %ne3A_2817 : i1
    %sub3A_2819 = arith.constant 1 : i32
    %sub3A_2820 = arith.subi %div3A_2799, %sub3A_2819 : i32
    %select_n3A_2821 = arith.select %and3A_2818, %sub3A_2820, %div3A_2799 : i32
    %dma_start3A_2822 = arith.constant 3 : i32
    %dma_start3A_2823 = arith.constant 0 : i32
    %dma_start3A_2824 = arith.constant 0 : i32
    %dma_start3A_2825 = arith.constant 0 : i32
    %dma_start3A_2826 = tpu.memref_slice %arg4[%arg1, %dma_start3A_2822, %dma_start3A_2823, %dma_start3A_2824, %dma_start3A_2825] : memref<16x4x2x8x1024xf32, #tpu.memory_space<vmem_shared>> -> memref<1x1x2x8x1024xf32, #tpu.memory_space<vmem_shared>>
    %dma_start3A_2827 = tpu.memref_squeeze %dma_start3A_2826 : memref<1x1x2x8x1024xf32, #tpu.memory_space<vmem_shared>> -> memref<2x8x1024xf32, #tpu.memory_space<vmem_shared>>
    %dma_start3A_2828 = tpu.memref_reshape %arg2 : memref<16384x1024xf32, #tpu.memory_space<hbm>> -> memref<2048x8x1024xf32, #tpu.memory_space<hbm>>
    %dma_start3A_2829 = arith.constant 0 : i32
    %dma_start3A_2830 = arith.constant 0 : i32
    %dma_start3A_2831 = tpu.memref_slice %dma_start3A_2828[%select_n3A_2821, %dma_start3A_2829, %dma_start3A_2830] : memref<2048x8x1024xf32, #tpu.memory_space<hbm>> -> memref<2x8x1024xf32, #tpu.memory_space<hbm>>
    tpu.enqueue_dma source(%dma_start3A_2831 : memref<2x8x1024xf32, #tpu.memory_space<hbm>>) target(%dma_start3A_2827 : memref<2x8x1024xf32, #tpu.memory_space<vmem_shared>>) target_semaphore(%arg10 : memref<!tpu.dma_semaphore, #tpu.memory_space<semaphore_mem>>)
    %dma_wait3A_2832 = arith.constant 1 : i32
    %dma_wait3A_2833 = arith.constant 0 : i32
    %dma_wait3A_2834 = arith.constant 0 : i32
    %dma_wait3A_2835 = arith.constant 0 : i32
    %dma_wait3A_2836 = tpu.memref_slice %arg4[%arg1, %dma_wait3A_2832, %dma_wait3A_2833, %dma_wait3A_2834, %dma_wait3A_2835] : memref<16x4x2x8x1024xf32, #tpu.memory_space<vmem_shared>> -> memref<1x1x2x8x1024xf32, #tpu.memory_space<vmem_shared>>
    %dma_wait3A_2837 = tpu.memref_squeeze %dma_wait3A_2836 : memref<1x1x2x8x1024xf32, #tpu.memory_space<vmem_shared>> -> memref<2x8x1024xf32, #tpu.memory_space<vmem_shared>>
    %dma_wait3A_2838 = tpu.memref_reshape %arg2 : memref<16384x1024xf32, #tpu.memory_space<hbm>> -> memref<2048x8x1024xf32, #tpu.memory_space<hbm>>
    %dma_wait3A_2839 = arith.constant 0 : i32
    %dma_wait3A_2840 = arith.constant 0 : i32
    %dma_wait3A_2841 = tpu.memref_slice %dma_wait3A_2838[%select_n3A_2637, %dma_wait3A_2839, %dma_wait3A_2840] : memref<2048x8x1024xf32, #tpu.memory_space<hbm>> -> memref<2x8x1024xf32, #tpu.memory_space<hbm>>
    tpu.wait_dma2 semaphore(%arg8 : memref<!tpu.dma_semaphore, #tpu.memory_space<semaphore_mem>>) src(%dma_wait3A_2841 : memref<2x8x1024xf32, #tpu.memory_space<hbm>>) dst(%dma_wait3A_2837 : memref<2x8x1024xf32, #tpu.memory_space<vmem_shared>>)
    %add3A_2842 = arith.constant 464 : i32
    %add3A_2843 = arith.addi %mul3A_2, %add3A_2842 : i32
    %jit3A_2844 = arith.constant 8 : i32
    %div3A_2845 = arith.divsi %add3A_2843, %jit3A_2844 : i32
    %sign3A_2846 = arith.constant 0 : i32
    %sign3A_2847 = arith.cmpi sgt, %add3A_2843, %sign3A_2846 : i32
    %sign3A_2848 = arith.extui %sign3A_2847 : i1 to i32
    %sign3A_2849 = arith.constant 0 : i32
    %sign3A_2850 = arith.cmpi slt, %add3A_2843, %sign3A_2849 : i32
    %sign3A_2851 = arith.extui %sign3A_2850 : i1 to i32
    %sign3A_2852 = arith.subi %sign3A_2848, %sign3A_2851 : i32
    %sign3A_2853 = arith.constant 0 : i32
    %sign3A_2854 = arith.cmpi sgt, %jit3A_2844, %sign3A_2853 : i32
    %sign3A_2855 = arith.extui %sign3A_2854 : i1 to i32
    %sign3A_2856 = arith.constant 0 : i32
    %sign3A_2857 = arith.cmpi slt, %jit3A_2844, %sign3A_2856 : i32
    %sign3A_2858 = arith.extui %sign3A_2857 : i1 to i32
    %sign3A_2859 = arith.subi %sign3A_2855, %sign3A_2858 : i32
    %ne3A_2860 = arith.cmpi ne, %sign3A_2852, %sign3A_2859 : i32
    %rem3A_2861 = arith.remsi %add3A_2843, %jit3A_2844 : i32
    %ne3A_2862 = arith.constant 0 : i32
    %ne3A_2863 = arith.cmpi ne, %rem3A_2861, %ne3A_2862 : i32
    %and3A_2864 = arith.andi %ne3A_2860, %ne3A_2863 : i1
    %sub3A_2865 = arith.constant 1 : i32
    %sub3A_2866 = arith.subi %div3A_2845, %sub3A_2865 : i32
    %select_n3A_2867 = arith.select %and3A_2864, %sub3A_2866, %div3A_2845 : i32
    %dma_start3A_2868 = arith.constant 1 : i32
    %dma_start3A_2869 = tpu.memref_reshape %arg3 : memref<16384x1024xf32, #tpu.memory_space<hbm>> -> memref<2048x8x1024xf32, #tpu.memory_space<hbm>>
    %dma_start3A_2870 = arith.constant 0 : i32
    %dma_start3A_2871 = arith.constant 0 : i32
    %dma_start3A_2872 = tpu.memref_slice %dma_start3A_2869[%select_n3A_2867, %dma_start3A_2870, %dma_start3A_2871] : memref<2048x8x1024xf32, #tpu.memory_space<hbm>> -> memref<2x8x1024xf32, #tpu.memory_space<hbm>>
    %dma_start3A_2873 = arith.constant 0 : i32
    %dma_start3A_2874 = arith.constant 0 : i32
    %dma_start3A_2875 = arith.constant 0 : i32
    %dma_start3A_2876 = tpu.memref_slice %arg4[%arg1, %dma_start3A_2868, %dma_start3A_2873, %dma_start3A_2874, %dma_start3A_2875] : memref<16x4x2x8x1024xf32, #tpu.memory_space<vmem_shared>> -> memref<1x1x2x8x1024xf32, #tpu.memory_space<vmem_shared>>
    %dma_start3A_2877 = tpu.memref_squeeze %dma_start3A_2876 : memref<1x1x2x8x1024xf32, #tpu.memory_space<vmem_shared>> -> memref<2x8x1024xf32, #tpu.memory_space<vmem_shared>>
    tpu.enqueue_dma source(%dma_start3A_2877 : memref<2x8x1024xf32, #tpu.memory_space<vmem_shared>>) target(%dma_start3A_2872 : memref<2x8x1024xf32, #tpu.memory_space<hbm>>) target_semaphore(%arg12 : memref<!tpu.dma_semaphore, #tpu.memory_space<semaphore_mem>>)
    %dma_wait3A_2878 = arith.constant 2 : i32
    %dma_wait3A_2879 = arith.constant 0 : i32
    %dma_wait3A_2880 = arith.constant 0 : i32
    %dma_wait3A_2881 = arith.constant 0 : i32
    %dma_wait3A_2882 = tpu.memref_slice %arg4[%arg1, %dma_wait3A_2878, %dma_wait3A_2879, %dma_wait3A_2880, %dma_wait3A_2881] : memref<16x4x2x8x1024xf32, #tpu.memory_space<vmem_shared>> -> memref<1x1x2x8x1024xf32, #tpu.memory_space<vmem_shared>>
    %dma_wait3A_2883 = tpu.memref_squeeze %dma_wait3A_2882 : memref<1x1x2x8x1024xf32, #tpu.memory_space<vmem_shared>> -> memref<2x8x1024xf32, #tpu.memory_space<vmem_shared>>
    %dma_wait3A_2884 = tpu.memref_reshape %arg2 : memref<16384x1024xf32, #tpu.memory_space<hbm>> -> memref<2048x8x1024xf32, #tpu.memory_space<hbm>>
    %dma_wait3A_2885 = arith.constant 0 : i32
    %dma_wait3A_2886 = arith.constant 0 : i32
    %dma_wait3A_2887 = tpu.memref_slice %dma_wait3A_2884[%select_n3A_2729, %dma_wait3A_2885, %dma_wait3A_2886] : memref<2048x8x1024xf32, #tpu.memory_space<hbm>> -> memref<2x8x1024xf32, #tpu.memory_space<hbm>>
    tpu.wait_dma2 semaphore(%arg9 : memref<!tpu.dma_semaphore, #tpu.memory_space<semaphore_mem>>) src(%dma_wait3A_2887 : memref<2x8x1024xf32, #tpu.memory_space<hbm>>) dst(%dma_wait3A_2883 : memref<2x8x1024xf32, #tpu.memory_space<vmem_shared>>)
    %add3A_2888 = arith.constant 480 : i32
    %add3A_2889 = arith.addi %mul3A_2, %add3A_2888 : i32
    %jit3A_2890 = arith.constant 8 : i32
    %div3A_2891 = arith.divsi %add3A_2889, %jit3A_2890 : i32
    %sign3A_2892 = arith.constant 0 : i32
    %sign3A_2893 = arith.cmpi sgt, %add3A_2889, %sign3A_2892 : i32
    %sign3A_2894 = arith.extui %sign3A_2893 : i1 to i32
    %sign3A_2895 = arith.constant 0 : i32
    %sign3A_2896 = arith.cmpi slt, %add3A_2889, %sign3A_2895 : i32
    %sign3A_2897 = arith.extui %sign3A_2896 : i1 to i32
    %sign3A_2898 = arith.subi %sign3A_2894, %sign3A_2897 : i32
    %sign3A_2899 = arith.constant 0 : i32
    %sign3A_2900 = arith.cmpi sgt, %jit3A_2890, %sign3A_2899 : i32
    %sign3A_2901 = arith.extui %sign3A_2900 : i1 to i32
    %sign3A_2902 = arith.constant 0 : i32
    %sign3A_2903 = arith.cmpi slt, %jit3A_2890, %sign3A_2902 : i32
    %sign3A_2904 = arith.extui %sign3A_2903 : i1 to i32
    %sign3A_2905 = arith.subi %sign3A_2901, %sign3A_2904 : i32
    %ne3A_2906 = arith.cmpi ne, %sign3A_2898, %sign3A_2905 : i32
    %rem3A_2907 = arith.remsi %add3A_2889, %jit3A_2890 : i32
    %ne3A_2908 = arith.constant 0 : i32
    %ne3A_2909 = arith.cmpi ne, %rem3A_2907, %ne3A_2908 : i32
    %and3A_2910 = arith.andi %ne3A_2906, %ne3A_2909 : i1
    %sub3A_2911 = arith.constant 1 : i32
    %sub3A_2912 = arith.subi %div3A_2891, %sub3A_2911 : i32
    %select_n3A_2913 = arith.select %and3A_2910, %sub3A_2912, %div3A_2891 : i32
    %dma_start3A_2914 = arith.constant 2 : i32
    %dma_start3A_2915 = tpu.memref_reshape %arg3 : memref<16384x1024xf32, #tpu.memory_space<hbm>> -> memref<2048x8x1024xf32, #tpu.memory_space<hbm>>
    %dma_start3A_2916 = arith.constant 0 : i32
    %dma_start3A_2917 = arith.constant 0 : i32
    %dma_start3A_2918 = tpu.memref_slice %dma_start3A_2915[%select_n3A_2913, %dma_start3A_2916, %dma_start3A_2917] : memref<2048x8x1024xf32, #tpu.memory_space<hbm>> -> memref<2x8x1024xf32, #tpu.memory_space<hbm>>
    %dma_start3A_2919 = arith.constant 0 : i32
    %dma_start3A_2920 = arith.constant 0 : i32
    %dma_start3A_2921 = arith.constant 0 : i32
    %dma_start3A_2922 = tpu.memref_slice %arg4[%arg1, %dma_start3A_2914, %dma_start3A_2919, %dma_start3A_2920, %dma_start3A_2921] : memref<16x4x2x8x1024xf32, #tpu.memory_space<vmem_shared>> -> memref<1x1x2x8x1024xf32, #tpu.memory_space<vmem_shared>>
    %dma_start3A_2923 = tpu.memref_squeeze %dma_start3A_2922 : memref<1x1x2x8x1024xf32, #tpu.memory_space<vmem_shared>> -> memref<2x8x1024xf32, #tpu.memory_space<vmem_shared>>
    tpu.enqueue_dma source(%dma_start3A_2923 : memref<2x8x1024xf32, #tpu.memory_space<vmem_shared>>) target(%dma_start3A_2918 : memref<2x8x1024xf32, #tpu.memory_space<hbm>>) target_semaphore(%arg13 : memref<!tpu.dma_semaphore, #tpu.memory_space<semaphore_mem>>)
    %dma_wait3A_2924 = arith.constant 3 : i32
    %dma_wait3A_2925 = arith.constant 0 : i32
    %dma_wait3A_2926 = arith.constant 0 : i32
    %dma_wait3A_2927 = arith.constant 0 : i32
    %dma_wait3A_2928 = tpu.memref_slice %arg4[%arg1, %dma_wait3A_2924, %dma_wait3A_2925, %dma_wait3A_2926, %dma_wait3A_2927] : memref<16x4x2x8x1024xf32, #tpu.memory_space<vmem_shared>> -> memref<1x1x2x8x1024xf32, #tpu.memory_space<vmem_shared>>
    %dma_wait3A_2929 = tpu.memref_squeeze %dma_wait3A_2928 : memref<1x1x2x8x1024xf32, #tpu.memory_space<vmem_shared>> -> memref<2x8x1024xf32, #tpu.memory_space<vmem_shared>>
    %dma_wait3A_2930 = tpu.memref_reshape %arg2 : memref<16384x1024xf32, #tpu.memory_space<hbm>> -> memref<2048x8x1024xf32, #tpu.memory_space<hbm>>
    %dma_wait3A_2931 = arith.constant 0 : i32
    %dma_wait3A_2932 = arith.constant 0 : i32
    %dma_wait3A_2933 = tpu.memref_slice %dma_wait3A_2930[%select_n3A_2821, %dma_wait3A_2931, %dma_wait3A_2932] : memref<2048x8x1024xf32, #tpu.memory_space<hbm>> -> memref<2x8x1024xf32, #tpu.memory_space<hbm>>
    tpu.wait_dma2 semaphore(%arg10 : memref<!tpu.dma_semaphore, #tpu.memory_space<semaphore_mem>>) src(%dma_wait3A_2933 : memref<2x8x1024xf32, #tpu.memory_space<hbm>>) dst(%dma_wait3A_2929 : memref<2x8x1024xf32, #tpu.memory_space<vmem_shared>>)
    %add3A_2934 = arith.constant 496 : i32
    %add3A_2935 = arith.addi %mul3A_2, %add3A_2934 : i32
    %jit3A_2936 = arith.constant 8 : i32
    %div3A_2937 = arith.divsi %add3A_2935, %jit3A_2936 : i32
    %sign3A_2938 = arith.constant 0 : i32
    %sign3A_2939 = arith.cmpi sgt, %add3A_2935, %sign3A_2938 : i32
    %sign3A_2940 = arith.extui %sign3A_2939 : i1 to i32
    %sign3A_2941 = arith.constant 0 : i32
    %sign3A_2942 = arith.cmpi slt, %add3A_2935, %sign3A_2941 : i32
    %sign3A_2943 = arith.extui %sign3A_2942 : i1 to i32
    %sign3A_2944 = arith.subi %sign3A_2940, %sign3A_2943 : i32
    %sign3A_2945 = arith.constant 0 : i32
    %sign3A_2946 = arith.cmpi sgt, %jit3A_2936, %sign3A_2945 : i32
    %sign3A_2947 = arith.extui %sign3A_2946 : i1 to i32
    %sign3A_2948 = arith.constant 0 : i32
    %sign3A_2949 = arith.cmpi slt, %jit3A_2936, %sign3A_2948 : i32
    %sign3A_2950 = arith.extui %sign3A_2949 : i1 to i32
    %sign3A_2951 = arith.subi %sign3A_2947, %sign3A_2950 : i32
    %ne3A_2952 = arith.cmpi ne, %sign3A_2944, %sign3A_2951 : i32
    %rem3A_2953 = arith.remsi %add3A_2935, %jit3A_2936 : i32
    %ne3A_2954 = arith.constant 0 : i32
    %ne3A_2955 = arith.cmpi ne, %rem3A_2953, %ne3A_2954 : i32
    %and3A_2956 = arith.andi %ne3A_2952, %ne3A_2955 : i1
    %sub3A_2957 = arith.constant 1 : i32
    %sub3A_2958 = arith.subi %div3A_2937, %sub3A_2957 : i32
    %select_n3A_2959 = arith.select %and3A_2956, %sub3A_2958, %div3A_2937 : i32
    %dma_start3A_2960 = arith.constant 3 : i32
    %dma_start3A_2961 = tpu.memref_reshape %arg3 : memref<16384x1024xf32, #tpu.memory_space<hbm>> -> memref<2048x8x1024xf32, #tpu.memory_space<hbm>>
    %dma_start3A_2962 = arith.constant 0 : i32
    %dma_start3A_2963 = arith.constant 0 : i32
    %dma_start3A_2964 = tpu.memref_slice %dma_start3A_2961[%select_n3A_2959, %dma_start3A_2962, %dma_start3A_2963] : memref<2048x8x1024xf32, #tpu.memory_space<hbm>> -> memref<2x8x1024xf32, #tpu.memory_space<hbm>>
    %dma_start3A_2965 = arith.constant 0 : i32
    %dma_start3A_2966 = arith.constant 0 : i32
    %dma_start3A_2967 = arith.constant 0 : i32
    %dma_start3A_2968 = tpu.memref_slice %arg4[%arg1, %dma_start3A_2960, %dma_start3A_2965, %dma_start3A_2966, %dma_start3A_2967] : memref<16x4x2x8x1024xf32, #tpu.memory_space<vmem_shared>> -> memref<1x1x2x8x1024xf32, #tpu.memory_space<vmem_shared>>
    %dma_start3A_2969 = tpu.memref_squeeze %dma_start3A_2968 : memref<1x1x2x8x1024xf32, #tpu.memory_space<vmem_shared>> -> memref<2x8x1024xf32, #tpu.memory_space<vmem_shared>>
    tpu.enqueue_dma source(%dma_start3A_2969 : memref<2x8x1024xf32, #tpu.memory_space<vmem_shared>>) target(%dma_start3A_2964 : memref<2x8x1024xf32, #tpu.memory_space<hbm>>) target_semaphore(%arg14 : memref<!tpu.dma_semaphore, #tpu.memory_space<semaphore_mem>>)
    %dma_wait3A_2970 = arith.constant 0 : i32
    %dma_wait3A_2971 = tpu.memref_reshape %arg3 : memref<16384x1024xf32, #tpu.memory_space<hbm>> -> memref<2048x8x1024xf32, #tpu.memory_space<hbm>>
    %dma_wait3A_2972 = arith.constant 0 : i32
    %dma_wait3A_2973 = arith.constant 0 : i32
    %dma_wait3A_2974 = tpu.memref_slice %dma_wait3A_2971[%select_n3A_2775, %dma_wait3A_2972, %dma_wait3A_2973] : memref<2048x8x1024xf32, #tpu.memory_space<hbm>> -> memref<2x8x1024xf32, #tpu.memory_space<hbm>>
    %dma_wait3A_2975 = arith.constant 0 : i32
    %dma_wait3A_2976 = arith.constant 0 : i32
    %dma_wait3A_2977 = arith.constant 0 : i32
    %dma_wait3A_2978 = tpu.memref_slice %arg4[%arg1, %dma_wait3A_2970, %dma_wait3A_2975, %dma_wait3A_2976, %dma_wait3A_2977] : memref<16x4x2x8x1024xf32, #tpu.memory_space<vmem_shared>> -> memref<1x1x2x8x1024xf32, #tpu.memory_space<vmem_shared>>
    %dma_wait3A_2979 = tpu.memref_squeeze %dma_wait3A_2978 : memref<1x1x2x8x1024xf32, #tpu.memory_space<vmem_shared>> -> memref<2x8x1024xf32, #tpu.memory_space<vmem_shared>>
    tpu.wait_dma2 semaphore(%arg11 : memref<!tpu.dma_semaphore, #tpu.memory_space<semaphore_mem>>) src(%dma_wait3A_2979 : memref<2x8x1024xf32, #tpu.memory_space<vmem_shared>>) dst(%dma_wait3A_2974 : memref<2x8x1024xf32, #tpu.memory_space<hbm>>)
    %dma_wait3A_2980 = arith.constant 1 : i32
    %dma_wait3A_2981 = tpu.memref_reshape %arg3 : memref<16384x1024xf32, #tpu.memory_space<hbm>> -> memref<2048x8x1024xf32, #tpu.memory_space<hbm>>
    %dma_wait3A_2982 = arith.constant 0 : i32
    %dma_wait3A_2983 = arith.constant 0 : i32
    %dma_wait3A_2984 = tpu.memref_slice %dma_wait3A_2981[%select_n3A_2867, %dma_wait3A_2982, %dma_wait3A_2983] : memref<2048x8x1024xf32, #tpu.memory_space<hbm>> -> memref<2x8x1024xf32, #tpu.memory_space<hbm>>
    %dma_wait3A_2985 = arith.constant 0 : i32
    %dma_wait3A_2986 = arith.constant 0 : i32
    %dma_wait3A_2987 = arith.constant 0 : i32
    %dma_wait3A_2988 = tpu.memref_slice %arg4[%arg1, %dma_wait3A_2980, %dma_wait3A_2985, %dma_wait3A_2986, %dma_wait3A_2987] : memref<16x4x2x8x1024xf32, #tpu.memory_space<vmem_shared>> -> memref<1x1x2x8x1024xf32, #tpu.memory_space<vmem_shared>>
    %dma_wait3A_2989 = tpu.memref_squeeze %dma_wait3A_2988 : memref<1x1x2x8x1024xf32, #tpu.memory_space<vmem_shared>> -> memref<2x8x1024xf32, #tpu.memory_space<vmem_shared>>
    tpu.wait_dma2 semaphore(%arg12 : memref<!tpu.dma_semaphore, #tpu.memory_space<semaphore_mem>>) src(%dma_wait3A_2989 : memref<2x8x1024xf32, #tpu.memory_space<vmem_shared>>) dst(%dma_wait3A_2984 : memref<2x8x1024xf32, #tpu.memory_space<hbm>>)
    %dma_wait3A_2990 = arith.constant 2 : i32
    %dma_wait3A_2991 = tpu.memref_reshape %arg3 : memref<16384x1024xf32, #tpu.memory_space<hbm>> -> memref<2048x8x1024xf32, #tpu.memory_space<hbm>>
    %dma_wait3A_2992 = arith.constant 0 : i32
    %dma_wait3A_2993 = arith.constant 0 : i32
    %dma_wait3A_2994 = tpu.memref_slice %dma_wait3A_2991[%select_n3A_2913, %dma_wait3A_2992, %dma_wait3A_2993] : memref<2048x8x1024xf32, #tpu.memory_space<hbm>> -> memref<2x8x1024xf32, #tpu.memory_space<hbm>>
    %dma_wait3A_2995 = arith.constant 0 : i32
    %dma_wait3A_2996 = arith.constant 0 : i32
    %dma_wait3A_2997 = arith.constant 0 : i32
    %dma_wait3A_2998 = tpu.memref_slice %arg4[%arg1, %dma_wait3A_2990, %dma_wait3A_2995, %dma_wait3A_2996, %dma_wait3A_2997] : memref<16x4x2x8x1024xf32, #tpu.memory_space<vmem_shared>> -> memref<1x1x2x8x1024xf32, #tpu.memory_space<vmem_shared>>
    %dma_wait3A_2999 = tpu.memref_squeeze %dma_wait3A_2998 : memref<1x1x2x8x1024xf32, #tpu.memory_space<vmem_shared>> -> memref<2x8x1024xf32, #tpu.memory_space<vmem_shared>>
    tpu.wait_dma2 semaphore(%arg13 : memref<!tpu.dma_semaphore, #tpu.memory_space<semaphore_mem>>) src(%dma_wait3A_2999 : memref<2x8x1024xf32, #tpu.memory_space<vmem_shared>>) dst(%dma_wait3A_2994 : memref<2x8x1024xf32, #tpu.memory_space<hbm>>)
    %dma_wait3A_3000 = arith.constant 3 : i32
    %dma_wait3A_3001 = tpu.memref_reshape %arg3 : memref<16384x1024xf32, #tpu.memory_space<hbm>> -> memref<2048x8x1024xf32, #tpu.memory_space<hbm>>
    %dma_wait3A_3002 = arith.constant 0 : i32
    %dma_wait3A_3003 = arith.constant 0 : i32
    %dma_wait3A_3004 = tpu.memref_slice %dma_wait3A_3001[%select_n3A_2959, %dma_wait3A_3002, %dma_wait3A_3003] : memref<2048x8x1024xf32, #tpu.memory_space<hbm>> -> memref<2x8x1024xf32, #tpu.memory_space<hbm>>
    %dma_wait3A_3005 = arith.constant 0 : i32
    %dma_wait3A_3006 = arith.constant 0 : i32
    %dma_wait3A_3007 = arith.constant 0 : i32
    %dma_wait3A_3008 = tpu.memref_slice %arg4[%arg1, %dma_wait3A_3000, %dma_wait3A_3005, %dma_wait3A_3006, %dma_wait3A_3007] : memref<16x4x2x8x1024xf32, #tpu.memory_space<vmem_shared>> -> memref<1x1x2x8x1024xf32, #tpu.memory_space<vmem_shared>>
    %dma_wait3A_3009 = tpu.memref_squeeze %dma_wait3A_3008 : memref<1x1x2x8x1024xf32, #tpu.memory_space<vmem_shared>> -> memref<2x8x1024xf32, #tpu.memory_space<vmem_shared>>
    tpu.wait_dma2 semaphore(%arg14 : memref<!tpu.dma_semaphore, #tpu.memory_space<semaphore_mem>>) src(%dma_wait3A_3009 : memref<2x8x1024xf32, #tpu.memory_space<vmem_shared>>) dst(%dma_wait3A_3004 : memref<2x8x1024xf32, #tpu.memory_space<hbm>>)
    %add3A_3010 = arith.constant 256 : i32
    %add3A_3011 = arith.addi %mul3A_2, %add3A_3010 : i32
    %dma_start3A_3012 = arith.constant 0 : i32
    %dma_start3A_3013 = tpu.memref_slice %arg3[%add3A_3011, %dma_start3A_3012] : memref<16384x1024xf32, #tpu.memory_space<hbm>> -> memref<256x128xf32, #tpu.memory_space<hbm>>
    %dma_start3A_3014 = arith.constant 0 : i32
    %dma_start3A_3015 = tpu.memref_slice %arg3[%add3A_3011, %dma_start3A_3014] : memref<16384x1024xf32, #tpu.memory_space<hbm>> -> memref<256x128xf32, #tpu.memory_space<hbm>>
    tpu.enqueue_dma source(%arg5 : memref<256x128xf32, #tpu.memory_space<vmem>>) target(%dma_start3A_3015 : memref<256x128xf32, #tpu.memory_space<hbm>>) target_semaphore(%arg16 : memref<!tpu.dma_semaphore, #tpu.memory_space<semaphore_mem>>)
    %dma_start3A_3016 = arith.constant 384 : i32
    %dma_start3A_3017 = tpu.memref_slice %arg3[%add3A_3011, %dma_start3A_3016] : memref<16384x1024xf32, #tpu.memory_space<hbm>> -> memref<256x128xf32, #tpu.memory_space<hbm>>
    %dma_start3A_3018 = arith.constant 384 : i32
    %dma_start3A_3019 = tpu.memref_slice %arg3[%add3A_3011, %dma_start3A_3018] : memref<16384x1024xf32, #tpu.memory_space<hbm>> -> memref<256x128xf32, #tpu.memory_space<hbm>>
    tpu.enqueue_dma source(%arg6 : memref<256x128xf32, #tpu.memory_space<vmem>>) target(%dma_start3A_3019 : memref<256x128xf32, #tpu.memory_space<hbm>>) target_semaphore(%arg16 : memref<!tpu.dma_semaphore, #tpu.memory_space<semaphore_mem>>)
    %dma_wait3A_3020 = arith.constant 0 : i32
    %dma_wait3A_3021 = tpu.memref_slice %arg3[%add3A_3011, %dma_wait3A_3020] : memref<16384x1024xf32, #tpu.memory_space<hbm>> -> memref<256x128xf32, #tpu.memory_space<hbm>>
    %dma_wait3A_3022 = arith.constant 0 : i32
    %dma_wait3A_3023 = tpu.memref_slice %arg3[%add3A_3011, %dma_wait3A_3022] : memref<16384x1024xf32, #tpu.memory_space<hbm>> -> memref<256x128xf32, #tpu.memory_space<hbm>>
    tpu.wait_dma2 semaphore(%arg16 : memref<!tpu.dma_semaphore, #tpu.memory_space<semaphore_mem>>) src(%arg5 : memref<256x128xf32, #tpu.memory_space<vmem>>) dst(%dma_wait3A_3023 : memref<256x128xf32, #tpu.memory_space<hbm>>)
    %dma_wait3A_3024 = arith.constant 384 : i32
    %dma_wait3A_3025 = tpu.memref_slice %arg3[%add3A_3011, %dma_wait3A_3024] : memref<16384x1024xf32, #tpu.memory_space<hbm>> -> memref<256x128xf32, #tpu.memory_space<hbm>>
    %dma_wait3A_3026 = arith.constant 384 : i32
    %dma_wait3A_3027 = tpu.memref_slice %arg3[%add3A_3011, %dma_wait3A_3026] : memref<16384x1024xf32, #tpu.memory_space<hbm>> -> memref<256x128xf32, #tpu.memory_space<hbm>>
    tpu.wait_dma2 semaphore(%arg16 : memref<!tpu.dma_semaphore, #tpu.memory_space<semaphore_mem>>) src(%arg6 : memref<256x128xf32, #tpu.memory_space<vmem>>) dst(%dma_wait3A_3027 : memref<256x128xf32, #tpu.memory_space<hbm>>)
    return
  }
}

</mosaic_0001>

<sc_bundles>
// kernel: kernel.3.cloned.1.call-start
scs
__scs_entry_jumppad:
0x0: {  	(pc) =	sbr.rel $0x88, $3  }
0x1: {  	(tag) =	ssettag $0x0;
	lr =	simm.s32 $0x1  }
0x2: {  	[smem:$0x3FA0] =	sst lr;
	_ =	strace $0xD0000000  }
0x3: {  	_ = 	snop  }
0x4: {  	_ = 	snop  }
0x5: {  	_ = 	snop  }
0x6: {  	_ = 	snop  }
0x7: {  	_ = 	snop  }
__scs_overlays_trampoline_lowered:
0x8: {  	[smem:$0x3FAF] =	sst s0  }
0x9: {  	[smem:$0x3FB0] =	sst s1  }
0xa: {  	[smem:$0x3FB1] =	sst s2  }
0xb: {  	[smem:$0x3FB2] =	sst s3  }
0xc: {  	[smem:$0x3FB3] =	sst s4  }
0xd: {  	[smem:$0x3FB4] =	sst s5  }
0xe: {  	[smem:$0x3FB5] =	sst s6  }
0xf: {  	[smem:$0x3FB6] =	sst s7  }
0x10: {  	[smem:$0x3FB7] =	sst s8  }
0x11: {  	[smem:$0x3FB8] =	sst s9;
	s0 =	simm.s32 @!p0 $0x0  }
0x12: {  	s1 =	sld [smem:$0x3F9E];
	s0 =	simm.s32 @p0 $0x1  }
0x13: {  	[smem:$0x3FB9] =	sst s0;
	s0 =	simm.s32 @!p1 $0x0  }
0x14: {  	s2 =	sld [smem:$0x3F9D];
	s0 =	simm.s32 @p1 $0x1  }
0x15: {  	[smem:$0x3FBA] =	sst s0;
	s0 =	simm.s32 @!p2 $0x0  }
0x16: {  	s3 =	sld [smem:$0x3FDB];
	s0 =	simm.s32 @p2 $0x1  }
0x17: {  	s4 =	simm.s32 $0x1BF5;
	[smem:$0x3FBC] =	sst s0  }
0x18: {  	s0 =	sld [smem:$0x3F9F];
	_ =	swait.ge [sflag:s4], $0x0  }
0x19: {  	s7 =	sld [smem:$0x3FA0]  }
0x1a: {  	s8 =	sadd.s32 $0xFFFFE003, lr  }
0x1b: {  	s9 =	sadd.s32 $0xFFFFFEF7, lr;
	s5 =	simm.s32 $0xFFFFFFFF;
	p2 =	slt.u32 s8, $0xFFFFF086  }
0x1c: {  	p1 =	slt.u32 s9, $0xF7A;
	s5 =	simm.s32 @!p2 $0x0  }
0x1d: {  	s5 =	simm.s32 @p1 $0x1;
	p0 =	seq.s32 s7, s2  }
0x1e: {  	s7 =	smul.u32 @!p0 $0xF7A, s2;
	p2 =	seq.s32 @!p0 s5, $0x0  }
0x1f: {  	s9 =	smul.u32 $0xF7A, s1;
	s8 =	simm.s32 @!p0 $0x1BF5;
	p2 =	por !p2, p0  }
0x20: {  	[sflag:s8] =	ssyncset.s32 @!p0 $0xFFFFF086;
	s6 =	sadd.s32 @!p0 s3, s7;
	s7 =	simm.s32 @!p0 $0x108  }
0x21: {  	s3 =	sadd.s32 s3, s9;
	s6 =	sadd.s32 @!p0 $0x88, s6;
	s7 =	simm.s32 @p2 $0x1082  }
0x22: {  	[simem:s7], [sflag:s8] =	dma.local @!p0 [hbm:s6], $0xF7A  }
0x23: {  	s9 =	sor.u32 $0xD0000000, s2;
	s6 =	simm.s32 $0x108;
	_ =	swait.ge @!p0 [sflag:s8], $0x0  }
0x24: {  	s3 =	sadd.s32 $0x88, s3;
	s6 =	simm.s32 @!p1 $0x1082;
	[sflag:s4] =	ssyncset.s32 $0xFFFFF086  }
0x25: {  	[simem:s6], [sflag:s4] =	dma.local [hbm:s3], $0xF7A  }
0x26: {  	[smem:$0x3FA0] =	sst s1;
	(tag) =	ssettag s2;
	_ =	strace s9  }
0x27: {  	s1 =	sld [smem:$0x3FB0]  }
0x28: {  	s2 =	sld [smem:$0x3FB1]  }
0x29: {  	s4 =	sld [smem:$0x3FB3]  }
0x2a: {  	p0 =	seq.s32 s5, $0x0;
	s5 =	sld [smem:$0x3FB4]  }
0x2b: {  	s6 =	sld [smem:$0x3FB5]  }
0x2c: {  	s7 =	sld [smem:$0x3FB6]  }
0x2d: {  	s3 =	simm.s32 $0x108;
	s8 =	sld [smem:$0x3FB7]  }
0x2e: {  	s3 =	simm.s32 @!p0 $0x1082;
	s9 =	sld [smem:$0x3FB8]  }
0x2f: {  	lr =	sadd.s32 s0, s3;
	s0 =	sld [smem:$0x3FAF]  }
0x30: {  	s3 =	sld [smem:$0x3FB2]  }
0x31: {  	[smem:$0x3FBB] =	sst s10  }
0x32: {  	s10 =	sld [smem:$0x3FB9];
	_ =	sdelay $0x3  }
0x33: {  	p0 =	seq.s32 s10, $0x1;
	s10 =	sld [smem:$0x3FBB];
	_ =	sdelay $0x3  }
0x34: {  	[smem:$0x3FBB] =	sst s10  }
0x35: {  	s10 =	sld [smem:$0x3FBA];
	_ =	sdelay $0x3  }
0x36: {  	p1 =	seq.s32 s10, $0x1;
	s10 =	sld [smem:$0x3FBB];
	_ =	sdelay $0x3  }
0x37: {  	[smem:$0x3FBB] =	sst s10  }
0x38: {  	s10 =	sld [smem:$0x3FBC]  }
0x39: {  	_ = 	snop;
	(pc) =	sbr.ind lr, $3  }
0x3a: {  	_ = 	snop  }
0x3b: {  	_ = 	snop  }
0x3c: {  	p2 =	seq.s32 s10, $0x1;
	s10 =	sld [smem:$0x3FBB]  }
0x3d: {  	_ =	shalt  }
0x3e: {  	_ =	shalt  }
0x3f: {  	_ =	shalt  }
0x40: {  	_ =	shalt  }
0x41: {  	_ =	shalt  }
0x42: {  	_ =	shalt  }
0x43: {  	_ =	shalt  }
0x44: {  	_ =	shalt  }
0x45: {  	_ =	shalt  }
0x46: {  	_ =	shalt  }
0x47: {  	_ =	shalt  }
0x48: {  	_ =	shalt  }
0x49: {  	_ =	shalt  }
0x4a: {  	_ =	shalt  }
0x4b: {  	_ =	shalt  }
0x4c: {  	_ =	shalt  }
0x4d: {  	_ =	shalt  }
0x4e: {  	_ =	shalt  }
0x4f: {  	_ =	shalt  }
0x50: {  	_ =	shalt  }
0x51: {  	_ =	shalt  }
0x52: {  	_ =	shalt  }
0x53: {  	_ =	shalt  }
0x54: {  	_ =	shalt  }
0x55: {  	_ =	shalt  }
0x56: {  	_ =	shalt  }
0x57: {  	_ =	shalt  }
0x58: {  	_ =	shalt  }
0x59: {  	_ =	shalt  }
0x5a: {  	_ =	shalt  }
0x5b: {  	_ =	shalt  }
0x5c: {  	_ =	shalt  }
0x5d: {  	_ =	shalt  }
0x5e: {  	_ =	shalt  }
0x5f: {  	_ =	shalt  }
0x60: {  	_ =	shalt  }
0x61: {  	_ =	shalt  }
0x62: {  	_ =	shalt  }
0x63: {  	_ =	shalt  }
0x64: {  	_ =	shalt  }
0x65: {  	_ =	shalt  }
0x66: {  	_ =	shalt  }
0x67: {  	_ =	shalt  }
0x68: {  	_ =	shalt  }
0x69: {  	_ =	shalt  }
0x6a: {  	_ =	shalt  }
0x6b: {  	_ =	shalt  }
0x6c: {  	_ =	shalt  }
0x6d: {  	_ =	shalt  }
0x6e: {  	_ =	shalt  }
0x6f: {  	_ =	shalt  }
0x70: {  	_ =	shalt  }
0x71: {  	_ =	shalt  }
0x72: {  	_ =	shalt  }
0x73: {  	_ =	shalt  }
0x74: {  	_ =	shalt  }
0x75: {  	_ =	shalt  }
0x76: {  	_ =	shalt  }
0x77: {  	_ =	shalt  }
0x78: {  	_ =	shalt  }
0x79: {  	_ =	shalt  }
0x7a: {  	_ =	shalt  }
0x7b: {  	_ =	shalt  }
0x7c: {  	_ =	shalt  }
0x7d: {  	_ =	shalt  }
0x7e: {  	_ =	shalt  }
0x7f: {  	_ =	shalt  }
0x80: {  	_ =	shalt  }
0x81: {  	_ =	shalt  }
0x82: {  	_ =	shalt  }
0x83: {  	_ =	shalt  }
0x84: {  	_ =	shalt  }
0x85: {  	_ =	shalt  }
0x86: {  	_ =	shalt  }
0x87: {  	_ =	shalt  }
.Lfunc_end0:
.L_simem_size_0:
called_computation_lowered:
.L_overlay_start_0:
0x88: {  	s2 =	sld [smem:$0x3FD9]  }
0x89: {  	s3 =	sld [smem:$0x3FFE];
	_ =	sdelay $0x1  }
0x8a: {  	s1 =	srdreg.scid  }
0x8b: {  	s0 =	sand.u32 $0x1, s1  }
0x8c: {  	s18 =	sshll.u32 s0, $0xA;
	s2 =	sadd.s32 s3, s2  }
0x8d: {  	s2 =	sadd.s32 s2, s18  }
0x8e: {  	[smem:$0x3FC7] =	sst s2  }
0x8f: {  	_ = 	snop  }
0x90: {  	s2 =	sld [smem:$0x3FC9]  }
0x91: {  	s19 =	sld [smem:$0x3FD0];
	(tm) =	ssettm $0x1  }
0x92: {  	s4 =	sld [smem:$0x3FFB];
	_ =	sdelay $0x3  }
0x93: {  	_ =	strace s4  }
0x94: {  	s4 =	sld [smem:$0x3FFC];
	_ =	sdelay $0x3  }
0x95: {  	_ =	strace s4  }
0x96: {  	s4 =	sld [smem:$0x3FFD];
	_ =	sdelay $0x3  }
0x97: {  	_ =	strace s4  }
0x98: {  	_ =	strace $0x8FFFFFFF  }
0x99: {  	s20 =	sld [smem:$0x3FDB];
	_ =	sdelay $0x1  }
0x9a: {  	s5 =	simm.s32 $_scs_section_size  }
0x9b: {  	s6 =	simm.s32 $_size__tile_overlayer_lowered;
	s7 =	simm.s32 $_tile_overlayer_lowered  }
0x9c: {  	s23 =	simm.s32 $0x1BFF;
	s22 =	sshll.u32 s7, $0x1;
	s4 =	sadd.s32 s5, s20  }
0x9d: {  	s8 =	simm.s32 $0x0;
	s21 =	sshll.u32 s6, $0x1;
	s6 =	sadd.s32 s22, s4  }
0x9e: {  	[timem:s8], [sflag:s23] =	dma.local [hbm:s6], s21  }
0x9f: {  	_ =	swait.ge [sflag:s23], s21  }
0xa0: {  	s5 =	ssub.s32 $0x0, s21;
	[sflag:s23] =	ssyncset.done $0x0  }
0xa1: {  	[sflag:s23] =	ssyncadd.s32 s5;
	_ =	sdelay $0x1  }
0xa2: {  	s24 =	simm.s32 $0x1B8B  }
0xa3: {  	_ =	swait.ge [sflag:s24], $0x1  }
0xa4: {  	[sflag:s24] =	ssyncset.done $0x0  }
0xa5: {  	s25 =	simm.s32 $0x1B8E;
	[sflag:s24] =	ssyncadd.s32 $0xFFFFFFFF  }
0xa6: {  	s26 =	simm.s32 $execute0_lowered;
	[smem:$0x3FD2] =	sst s25  }
0xa7: {  	s5 =	sshll.u32 s26, $0x1;
	_ =	strace $0x80000046;
	[dreg:$0x1] =	wrdreg $0xFFFFFFFF  }
0xa8: {  	s28 =	simm.s32 $_size_execute0_lowered;
	s4 =	sadd.s32 s4, s5;
	[dreg:$0x0] =	wrdreg $0x0  }
0xa9: {  	s5 =	sshll.u32 s28, $0x1;
	[dreg:$0x2] =	wrdreg s4  }
0xaa: {  	[dreg:$0x3] =	wrdreg s5  }
0xab: {  	[dreg:$0x4] =	wrdreg $0xC0  }
0xac: {  	_ =	task [dreg:s8], $0x5FFFF  }
0xad: {  	[dreg:$0x1] =	wrdreg $0xFFFFFFFF  }
0xae: {  	[dreg:$0x0] =	wrdreg $0x60  }
0xaf: {  	[dreg:$0x2] =	wrdreg s2  }
0xb0: {  	[dreg:$0x3] =	wrdreg s19  }
0xb1: {  	[dreg:$0x4] =	wrdreg $0x0  }
0xb2: {  	[dreg:$0x5] =	wrdreg $0x9  }
0xb3: {  	_ =	task.clear_ibuf [dreg:s8], $0x6FFFF;
	_ =	strace $0x90000046  }
0xb4: {  	s29 =	simm.s32 $0x9;
	_ =	strace $0x80000048  }
0xb5: {  	_ =	swait.ge [sflag:s29], $0x1  }
0xb6: {  	[sflag:s29] =	ssyncadd.s32 $0xFFFFFFFF  }
0xb7: {  	_ =	strace $0x90000048  }
0xb8: {  	_ =	sfence  }
0xb9: {  	s30 =	sld [smem:$0x0];
	_ =	sdelay $0x2  }
0xba: {  	s31 =	sshll.u32 s1, $0xD;
	s1 =	sshrl.u32 s1, $0x2  }
0xbb: {  	s3 =	sand.u32 $0x4000, s31;
	s1 =	sadd.s32 s1, s30  }
0xbc: {  	s0 =	sor.u32 s3, s0;
	s1 =	sshll.u32 s1, $0x11  }
0xbd: {  	s0 =	sor.u32 s1, s0  }
0xbe: {  	s0 =	sadd.s32 $0x8F2B, s0  }
0xbf: {  	[sflag:s0] =	ssyncadd.remote.s32 $0x1  }
0xc0: {  	_ =	sfence.sel $0xFFFF  }
0xc1: {  	[dreg:$0x0] =	wrdreg $0xFFFFFFFF;
	(pc) =	sbr.abs _section_cstart, $3  }
0xc2: {  	[dreg:$0x1] =	wrdreg $0xFFFFFFFF  }
0xc3: {  	_ =	task.clear_ibuf [dreg:s8], $0x2FFFF;
	_ =	strace $0x9FFFFFFF  }
0xc4: {  	(tm) =	ssettm $0x7FFFFFFF  }
0xc5: {  	_ =	shalt  }
tec
execute0_lowered:
.L_overlay_start_1:
0x0: {  	(tag) =	ssettag $0x1  }
0x1: {  	s1 =	srdreg.scid  }
0x2: {  	s2 =	rddreg [dreg:$0x0];
	s3 =	sand.u32 $0x1, s1  }
0x3: {  	s0 =	rddreg [dreg:$0x1];
	s9 =	stileid.u32;
	s5 =	ssub.s32 $0x2, s3  }
0x4: {  	s7 =	sshll.u32 s9, $0x11;
	s3 =	sshll.u32 s3, $0x10;
	s6 =	sshrl.u32 s5, $0x1  }
0x5: {  	s4 =	rddreg [dreg:$0x2];
	s5 =	ssub.s32 s5, s6;
	s6 =	sor.u32 s3, s7  }
0x6: {  	s1 =	simm.s32 $0x0;
	s8 =	sshll.u32 s9, $0x10;
	s3 =	sor.u32 $0x800, s6  }
0x7: {  	[smem:$0x7FF] =	sst s1;
	s23 =	sor.u32 $0x1000, s6;
	s24 =	sadd.s32 s2, s3  }
0x8: {  	s7 =	sor.u32 $0x1800, s6;
	s25 =	sadd.s32 s2, s23;
	[dreg:$0x5] =	wrdreg s24  }
0x9: {  	s10 =	sadd.s32 s8, s4;
	s26 =	sadd.s32 s2, s7;
	[dreg:$0x6] =	wrdreg s25  }
0xa: {  	s8 =	sor.u32 $0x2000, s6;
	s3 =	sadd.s32 s0, s3;
	[dreg:$0x7] =	wrdreg s26  }
0xb: {  	s11 =	sadd.s32 s2, s8;
	[dreg:$0x8] =	wrdreg s3  }
0xc: {  	s12 =	sor.u32 $0x2800, s6;
	s4 =	sadd.s32 s0, s23;
	[dreg:$0x9] =	wrdreg s11  }
0xd: {  	s13 =	sadd.s32 s2, s12;
	[dreg:$0xa] =	wrdreg s4  }
0xe: {  	s15 =	sor.u32 $0x3000, s6;
	s14 =	sadd.s32 s0, s7;
	[dreg:$0xb] =	wrdreg s13  }
0xf: {  	s16 =	sor.u32 $0x3800, s6;
	s17 =	sadd.s32 s2, s15;
	[dreg:$0xc] =	wrdreg s14  }
0x10: {  	s18 =	sadd.s32 s2, s16;
	[dreg:$0xd] =	wrdreg s17  }
0x11: {  	s20 =	sor.u32 $0x4000, s6;
	s19 =	sadd.s32 s0, s12;
	[dreg:$0xf] =	wrdreg s18  }
0x12: {  	s21 =	sor.u32 $0x4800, s6;
	s22 =	sadd.s32 s2, s20;
	[dreg:$0x10] =	wrdreg s19  }
0x13: {  	s23 =	sadd.s32 s2, s21;
	[dreg:$0x11] =	wrdreg s22  }
0x14: {  	s3 =	sadd.s32 s0, s8;
	[dreg:$0x13] =	wrdreg s23  }
0x15: {  	s4 =	sadd.s32 s0, s15;
	[dreg:$0xe] =	wrdreg s3  }
0x16: {  	s24 =	sadd.s32 s0, s16;
	[dreg:$0x12] =	wrdreg s4  }
0x17: {  	s12 =	sor.u32 $0x6000, s6;
	s26 =	sadd.s32 s0, s21;
	[dreg:$0x14] =	wrdreg s24  }
0x18: {  	s13 =	sadd.s32 s2, s12;
	[dreg:$0x16] =	wrdreg s26  }
0x19: {  	s25 =	sor.u32 $0x5000, s6;
	s3 =	sadd.s32 s0, s20;
	[dreg:$0x1b] =	wrdreg s13  }
0x1a: {  	s7 =	sadd.s32 s2, s25;
	[dreg:$0x15] =	wrdreg s3  }
0x1b: {  	s8 =	sor.u32 $0x5800, s6;
	s4 =	sadd.s32 s0, s25;
	[dreg:$0x17] =	wrdreg s7  }
0x1c: {  	s14 =	sor.u32 $0x6800, s6;
	s11 =	sadd.s32 s2, s8;
	[dreg:$0x18] =	wrdreg s4  }
0x1d: {  	s16 =	sor.u32 $0x7000, s6;
	s15 =	sadd.s32 s2, s14;
	[dreg:$0x19] =	wrdreg s11  }
0x1e: {  	s18 =	sor.u32 $0x7800, s6;
	s17 =	sadd.s32 s2, s16;
	[dreg:$0x1d] =	wrdreg s15  }
0x1f: {  	s19 =	sor.u32 $0x180, s6;
	s20 =	sadd.s32 s2, s18;
	[dreg:$0x1f] =	wrdreg s17  }
0x20: {  	s22 =	sor.u32 $0x8000, s6;
	s21 =	sadd.s32 s2, s19;
	[smem:$0x7D2] =	sst s20  }
0x21: {  	s23 =	sadd.s32 s2, s22;
	[smem:$0x7D4] =	sst s21  }
0x22: {  	s3 =	sadd.s32 s0, s8;
	[smem:$0x7D6] =	sst s23  }
0x23: {  	s24 =	sor.u32 $0x8800, s6;
	s4 =	sadd.s32 s0, s12;
	[dreg:$0x1a] =	wrdreg s3  }
0x24: {  	s26 =	sor.u32 $0x9000, s6;
	s25 =	sadd.s32 s2, s24;
	[dreg:$0x1c] =	wrdreg s4  }
0x25: {  	s7 =	sadd.s32 s2, s26;
	[smem:$0x7D8] =	sst s25  }
0x26: {  	s3 =	sadd.s32 s0, s14;
	[smem:$0x7DA] =	sst s7  }
0x27: {  	s8 =	sor.u32 $0x9800, s6;
	s4 =	sadd.s32 s0, s16;
	[dreg:$0x1e] =	wrdreg s3  }
0x28: {  	s12 =	sor.u32 $0xA000, s6;
	s11 =	sadd.s32 s2, s8;
	[smem:$0x7D1] =	sst s4  }
0x29: {  	s20 =	sor.u32 $0xC000, s6;
	s13 =	sadd.s32 s2, s12;
	[smem:$0x7DC] =	sst s11  }
0x2a: {  	s21 =	sadd.s32 s2, s20;
	[smem:$0x7DE] =	sst s13  }
0x2b: {  	s3 =	sadd.s32 s0, s18;
	[smem:$0x7E6] =	sst s21  }
0x2c: {  	s14 =	sor.u32 $0xA800, s6;
	s4 =	sadd.s32 s0, s19;
	[smem:$0x7D3] =	sst s3  }
0x2d: {  	s16 =	sor.u32 $0xB000, s6;
	s15 =	sadd.s32 s2, s14;
	[smem:$0x7D5] =	sst s4  }
0x2e: {  	s17 =	sadd.s32 s2, s16;
	[smem:$0x7E0] =	sst s15  }
0x2f: {  	s13 =	sadd.s32 s0, s6;
	[smem:$0x7E2] =	sst s17  }
0x30: {  	s3 =	sadd.s32 s0, s22;
	[smem:$0x7F1] =	sst s13  }
0x31: {  	s18 =	sor.u32 $0xB800, s6;
	s4 =	sadd.s32 s0, s24;
	[smem:$0x7D7] =	sst s3  }
0x32: {  	s19 =	sadd.s32 s2, s18;
	[smem:$0x7D9] =	sst s4  }
0x33: {  	s3 =	sadd.s32 s0, s26;
	[smem:$0x7E4] =	sst s19  }
0x34: {  	s22 =	sor.u32 $0xC800, s6;
	s4 =	sadd.s32 s0, s8;
	[smem:$0x7DB] =	sst s3  }
0x35: {  	s24 =	sor.u32 $0xD000, s6;
	s23 =	sadd.s32 s2, s22;
	[smem:$0x7DD] =	sst s4  }
0x36: {  	s25 =	sadd.s32 s2, s24;
	[smem:$0x7E8] =	sst s23  }
0x37: {  	s3 =	sadd.s32 s0, s12;
	[smem:$0x7EA] =	sst s25  }
0x38: {  	s26 =	sor.u32 $0xD800, s6;
	s4 =	sadd.s32 s0, s14;
	[smem:$0x7DF] =	sst s3  }
0x39: {  	s8 =	sor.u32 $0xE000, s6;
	s7 =	sadd.s32 s2, s26;
	[smem:$0x7E1] =	sst s4  }
0x3a: {  	s11 =	sadd.s32 s2, s8;
	[smem:$0x7EC] =	sst s7  }
0x3b: {  	s12 =	sadd.s32 s2, s6;
	[smem:$0x7EE] =	sst s11  }
0x3c: {  	s3 =	sadd.s32 s0, s16;
	[smem:$0x7F0] =	sst s12  }
0x3d: {  	s14 =	sor.u32 $0x8180, s6;
	s4 =	sadd.s32 s0, s18;
	[smem:$0x7E3] =	sst s3  }
0x3e: {  	s15 =	sor.u32 $0xE800, s6;
	s17 =	sadd.s32 s2, s14;
	[smem:$0x7E5] =	sst s4  }
0x3f: {  	s18 =	sadd.s32 s2, s15;
	[smem:$0x7F2] =	sst s17  }
0x40: {  	s3 =	sadd.s32 s0, s20;
	[smem:$0x7F3] =	sst s18  }
0x41: {  	s16 =	sor.u32 $0xF000, s6;
	s4 =	sadd.s32 s0, s22;
	[smem:$0x7E7] =	sst s3  }
0x42: {  	s6 =	sor.u32 $0xF800, s6;
	s19 =	sadd.s32 s2, s16;
	[smem:$0x7E9] =	sst s4  }
0x43: {  	s2 =	sadd.s32 s2, s6;
	[smem:$0x7F4] =	sst s19  }
0x44: {  	s20 =	sadd.s32 s0, s15;
	[smem:$0x7F5] =	sst s2  }
0x45: {  	s28 =	simm.s32 $0x5;
	s21 =	sadd.s32 s0, s16;
	[smem:$0x7F6] =	sst s20  }
0x46: {  	s29 =	simm.s32 $0x3;
	s22 =	sadd.s32 s0, s6;
	[smem:$0x7F7] =	sst s21  }
0x47: {  	s30 =	simm.s32 $0x6;
	s3 =	sadd.s32 s0, s24;
	[smem:$0x7F8] =	sst s22  }
0x48: {  	s31 =	simm.s32 $0x4;
	s4 =	sadd.s32 s0, s26;
	[smem:$0x7EB] =	sst s3  }
0x49: {  	s23 =	smax.u32 s5, $0x1;
	[smem:$0x7ED] =	sst s4;
	s3 =	sadd.s32 s0, s8  }
0x4a: {  	s25 =	sadd.s32 $0x8000, s10;
	s0 =	sadd.s32 s0, s14;
	[smem:$0x7EF] =	sst s3  }
0x4b: {  	s5 =	simm.s32 $0x8;
	s15 =	sshll.u32 s9, $0x6;
	[smem:$0x7F9] =	sst s0  }
0x4c: {  	s24 =	sadd.s32 $0x4000, s10;
	_ =	strace $0x80000047;
	[smem:$0x7FA] =	sst s23  }
0x4d: {  	s16 =	sor.u32 $0x1C01, s15;
	s26 =	sadd.s32 $0xC000, s10;
	[smem:$0x7FB] =	sst s24  }
0x4e: {  	s20 =	simm.s32 $0x400;
	s21 =	simm.s32 $0x2000;
	[smem:$0x7FC] =	sst s25  }
0x4f: {  	s22 =	simm.s32 $0x10000;
	s8 =	simm.s32 $0xA;
	[dreg:$0x4] =	wrdreg s10  }
0x50: {  	v0 =	vimm.s32 $0x1;
	s0 =	simm.s32 $0x7;
	[smem:$0x7FD] =	sst s26;
	s23 =	simm.s32 $0x18000  }
0x51: {  	v1 =	vimm.s32 $0x7;
	vm0 =	vcmask $0x308;
	vm1 =	vcmask $0x1B20;
	s24 =	simm.s32 $0x9;
	s25 =	simm.s32 $0x1;
	s26 =	simm.s32 $0x2  }
.LBB2_1:
0x52: {  	s3 =	sld [smem:$0x7F0]  }
0x53: {  	s2 =	sld [smem:$0x7D4]  }
0x54: {  	s17 =	rddreg [dreg:$0x4]  }
0x55: {  	[tilespmem:s22], [sflag:$0x9] =	stream.strided.gather [hbm4b:s3+s20], $0x8000, s21, s20, $0x38;
	v63 =	vld [tilespmem:$0x0]  }
0x56: {  	s10 =	sshrl.u32 s17, $0x3  }
0x57: {  	[tilespmem:s23], [sflag:$0x9] =	stream.strided.gather [hbm4b:s2+s20], $0x8000, s21, s20, $0x38;
	v63 =	vld [tilespmem:$0x0]  }
0x58: {  	[spmem:s10], [sflag:s16] =	dma.local [hbm:s3], $0x800  }
0x59: {  	s18 =	sld [smem:$0x7FB];
	_ =	sdelay $0x2  }
0x5a: {  	s11 =	sor.u32 $0x1C02, s15;
	s19 =	rddreg [dreg:$0x5];
	s9 =	sshrl.u32 s18, $0x3  }
0x5b: {  	[spmem:s9], [sflag:s11] =	dma.local [hbm:s19], $0x800  }
0x5c: {  	_ =	swait.ge [sflag:s24], $0x8000  }
0x5d: {  	[sflag:s24] =	ssyncset.done $0x0  }
0x5e: {  	[sflag:s24] =	ssyncadd.s32 $0xFFFF8000  }
0x5f: {  	_ =	swait.ge [sflag:s24], $0x8000  }
0x60: {  	[sflag:s24] =	ssyncset.done $0x0  }
0x61: {  	s2 =	simm.s32 $0x0;
	[sflag:s24] =	ssyncadd.s32 $0xFFFF8000  }
0x62: {  	v3 =	vld [tilespmem:s2+$0x18070]  }
0x63: {  	v2 =	vld [tilespmem:s2+$0x10010]  }
0x64: {  	v7 =	vld [tilespmem:s2+$0x10090]  }
0x65: {  	v10 =	vld [tilespmem:s2+$0x180F0]  }
0x66: {  	v12 =	vld [tilespmem:s2+$0x10110]  }
0x67: {  	v9 =	vld [tilespmem:s2+$0x18170];
	v4 =	vperm.xlane v3, v1  }
0x68: {  	v8 =	vld [tilespmem:s2+$0x10190];
	v5 =	vperm.xlane v2, v0  }
0x69: {  	v6 =	vld [tilespmem:s2+$0x181F0];
	v2 =	vsel vm0, v2, v4  }
0x6a: {  	v4 =	vld [tilespmem:s2+$0x10210];
	v3 =	vsel vm1, v3, v5;
	[tilespmem:s2+$0x10010] =	vst v2;
	v2 =	vperm.xlane v10, v1  }
0x6b: {  	v5 =	vld [tilespmem:s2+$0x18270];
	[tilespmem:s2+$0x18070] =	vst v3;
	v3 =	vperm.xlane v7, v0  }
0x6c: {  	v13 =	vperm.xlane v9, v1;
	v7 =	vsel vm0, v7, v2;
	v2 =	vld [tilespmem:s2+$0x10290]  }
0x6d: {  	v11 =	vperm.xlane v12, v0;
	v3 =	vsel vm1, v10, v3;
	[tilespmem:s2+$0x10090] =	vst v7;
	v7 =	vld [tilespmem:s2+$0x182F0]  }
0x6e: {  	s6 =	simm.s32 $0x1000;
	v12 =	vsel vm0, v12, v13;
	v10 =	vperm.xlane v6, v1;
	[tilespmem:s2+$0x180F0] =	vst v3;
	v3 =	vld [tilespmem:s2+$0x10310]  }
.LBB2_2:
0x6f: {  	p0 =	sne.s32 s6, $0x1F000;
	[tilespmem:s2+$0x10110] =	vst v12;
	v9 =	vsel vm1, v9, v11;
	v11 =	vperm.xlane v8, v0;
	v12 =	vld [tilespmem:s2+$0x10390]  }
0x70: {  	[tilespmem:s2+$0x18170] =	vst v9;
	v8 =	vsel vm0, v8, v10;
	v9 =	vperm.xlane v5, v1;
	v10 =	vld [tilespmem:s2+$0x18370]  }
0x71: {  	s3 =	sshra.s32 s6, $0x2;
	[tilespmem:s2+$0x10190] =	vst v8;
	v6 =	vsel vm1, v6, v11;
	v8 =	vperm.xlane v4, v0;
	v11 =	vld [tilespmem:s2+$0x183F0]  }
0x72: {  	v13 =	vld [tilespmem:s3+$0x10010];
	[tilespmem:s2+$0x181F0] =	vst v6;
	v4 =	vsel vm0, v4, v9;
	v6 =	vperm.xlane v2, v0;
	v9 =	vperm.xlane v7, v1  }
0x73: {  	v14 =	vld [tilespmem:s3+$0x18070];
	[tilespmem:s2+$0x10210] =	vst v4;
	v4 =	vsel vm1, v5, v8;
	v5 =	vperm.xlane v3, v0  }
0x74: {  	v15 =	vld [tilespmem:s3+$0x10090];
	[tilespmem:s2+$0x18270] =	vst v4;
	v2 =	vsel vm0, v2, v9;
	v4 =	vsel vm1, v7, v6;
	v6 =	vperm.xlane v12, v0  }
0x75: {  	v7 =	vld [tilespmem:s3+$0x180F0];
	[tilespmem:s2+$0x182F0] =	vst v4;
	v4 =	vperm.xlane v10, v1;
	v5 =	vsel vm1, v10, v5  }
0x76: {  	v10 =	vld [tilespmem:s3+$0x10110];
	[tilespmem:s2+$0x18370] =	vst v5;
	v5 =	vperm.xlane v11, v1;
	v6 =	vsel vm1, v11, v6  }
0x77: {  	v9 =	vld [tilespmem:s3+$0x18170];
	v3 =	vsel vm0, v3, v4;
	[tilespmem:s2+$0x183F0] =	vst v6  }
0x78: {  	v4 =	vperm.xlane v14, v1;
	v8 =	vld [tilespmem:s3+$0x10190];
	[tilespmem:s2+$0x10310] =	vst v3;
	v3 =	vsel vm0, v12, v5  }
0x79: {  	v5 =	vperm.xlane v13, v0;
	v6 =	vld [tilespmem:s3+$0x181F0];
	[tilespmem:s2+$0x10390] =	vst v3  }
.Ltmp0:
0x7a: {  	v3 =	vsel vm0, v13, v4;
	v11 =	vperm.xlane v7, v1;
	v4 =	vld [tilespmem:s3+$0x10210];
	[tilespmem:s2+$0x10290] =	vst v2;
	s2 =	smov.u32 s3;
	(pc) =	sbr.rel @p0 .LBB2_2-.Ltmp0, $4  }
0x7b: {  	v2 =	vsel vm1, v14, v5;
	[tilespmem:s2+$0x10010] =	vst v3;
	v3 =	vperm.xlane v15, v0;
	v5 =	vld [tilespmem:s2+$0x18270]  }
0x7c: {  	[tilespmem:s2+$0x18070] =	vst v2;
	v11 =	vsel vm0, v15, v11;
	v12 =	vperm.xlane v9, v1;
	v2 =	vld [tilespmem:s2+$0x10290]  }
0x7d: {  	[tilespmem:s2+$0x10090] =	vst v11;
	v3 =	vsel vm1, v7, v3;
	v11 =	vperm.xlane v10, v0;
	v7 =	vld [tilespmem:s2+$0x182F0]  }
0x7e: {  	s6 =	sadd.s32 $0x1000, s6;
	[tilespmem:s2+$0x180F0] =	vst v3;
	v12 =	vsel vm0, v10, v12;
	v10 =	vperm.xlane v6, v1;
	v3 =	vld [tilespmem:s2+$0x10310]  }
0x7f: {  	v9 =	vsel vm1, v9, v11  }
0x80: {  	v11 =	vld [tilespmem:s2+$0x10390];
	[tilespmem:s2+$0x18170] =	vst v9;
	v9 =	vperm.xlane v8, v0  }
0x81: {  	[tilespmem:s2+$0x10110] =	vst v12;
	v8 =	vsel vm0, v8, v10;
	v10 =	vld [tilespmem:s2+$0x18370];
	v12 =	vperm.xlane v5, v1  }
0x82: {  	[tilespmem:s2+$0x10190] =	vst v8;
	v8 =	vperm.xlane v4, v0;
	v6 =	vsel vm1, v6, v9;
	v9 =	vld [tilespmem:s2+$0x183F0]  }
0x83: {  	v4 =	vsel vm0, v4, v12;
	[tilespmem:s2+$0x181F0] =	vst v6;
	v6 =	vperm.xlane v2, v0  }
0x84: {  	[tilespmem:s2+$0x10210] =	vst v4;
	v4 =	vsel vm1, v5, v8;
	v5 =	vperm.xlane v3, v0  }
0x85: {  	[tilespmem:s2+$0x18270] =	vst v4;
	v4 =	vsel vm1, v7, v6;
	v6 =	vperm.xlane v11, v0  }
0x86: {  	v5 =	vsel vm1, v10, v5;
	v7 =	vperm.xlane v7, v1;
	[tilespmem:s2+$0x182F0] =	vst v4  }
0x87: {  	v4 =	vperm.xlane v10, v1;
	[tilespmem:s2+$0x18370] =	vst v5;
	v6 =	vsel vm1, v9, v6  }
0x88: {  	s19 =	sld [smem:$0x7FC];
	v5 =	vperm.xlane v9, v1;
	v2 =	vsel vm0, v2, v7;
	[tilespmem:s2+$0x183F0] =	vst v6  }
0x89: {  	v3 =	vsel vm0, v3, v4;
	[tilespmem:s2+$0x10290] =	vst v2  }
0x8a: {  	[tilespmem:s2+$0x10310] =	vst v3;
	v3 =	vsel vm0, v11, v5  }
0x8b: {  	s14 =	sor.u32 $0x1C03, s15;
	s3 =	rddreg [dreg:$0x6];
	s12 =	sshrl.u32 s19, $0x3;
	[tilespmem:s2+$0x10390] =	vst v3  }
0x8c: {  	[spmem:s12], [sflag:s14] =	dma.local [hbm:s3], $0x800  }
0x8d: {  	_ =	swait.ge [sflag:s25], $0x800  }
0x8e: {  	s7 =	sld [smem:$0x7F1]  }
0x8f: {  	[sflag:s25] =	ssyncset.done $0x0  }
0x90: {  	s17 =	sor.u32 $0x1C05, s15;
	[sflag:s25] =	ssyncadd.s32 $0xFFFFF800  }
0x91: {  	[hbm:s7], [sflag:s17] =	dma.local [spmem:s10], $0x800  }
0x92: {  	s3 =	sld [smem:$0x7FD];
	_ =	sdelay $0x2  }
0x93: {  	s2 =	sor.u32 $0x1C04, s15;
	s4 =	rddreg [dreg:$0x7];
	s13 =	sshrl.u32 s3, $0x3  }
0x94: {  	[spmem:s13], [sflag:s2] =	dma.local [hbm:s4], $0x800  }
0x95: {  	_ =	swait.ge [sflag:s26], $0x800  }
0x96: {  	[sflag:s26] =	ssyncset.done $0x0  }
0x97: {  	s18 =	sor.u32 $0x1C06, s15;
	s6 =	rddreg [dreg:$0x8];
	[sflag:s26] =	ssyncadd.s32 $0xFFFFF800  }
0x98: {  	[hbm:s6], [sflag:s18] =	dma.local [spmem:s9], $0x800  }
0x99: {  	_ =	swait.ge [sflag:s28], $0x800  }
0x9a: {  	[sflag:s28] =	ssyncset.done $0x0  }
0x9b: {  	s19 =	rddreg [dreg:$0x9];
	[sflag:s28] =	ssyncadd.s32 $0xFFFFF800  }
0x9c: {  	[spmem:s10], [sflag:s16] =	dma.local [hbm:s19], $0x800  }
0x9d: {  	_ =	swait.ge [sflag:s29], $0x800  }
0x9e: {  	[sflag:s29] =	ssyncset.done $0x0  }
0x9f: {  	s19 =	sor.u32 $0x1C07, s15;
	s4 =	rddreg [dreg:$0xa];
	[sflag:s29] =	ssyncadd.s32 $0xFFFFF800  }
0xa0: {  	[hbm:s4], [sflag:s19] =	dma.local [spmem:s12], $0x800  }
0xa1: {  	_ =	swait.ge [sflag:s30], $0x800  }
0xa2: {  	[sflag:s30] =	ssyncset.done $0x0  }
0xa3: {  	s6 =	rddreg [dreg:$0xb];
	[sflag:s30] =	ssyncadd.s32 $0xFFFFF800  }
0xa4: {  	[spmem:s9], [sflag:s11] =	dma.local [hbm:s6], $0x800  }
0xa5: {  	_ =	swait.ge [sflag:s31], $0x800  }
0xa6: {  	[sflag:s31] =	ssyncset.done $0x0  }
0xa7: {  	s6 =	sor.u32 $0x1C08, s15;
	s4 =	rddreg [dreg:$0xc];
	[sflag:s31] =	ssyncadd.s32 $0xFFFFF800  }
0xa8: {  	[hbm:s4], [sflag:s6] =	dma.local [spmem:s13], $0x800  }
0xa9: {  	_ =	swait.ge [sflag:s0], $0x800  }
0xaa: {  	[sflag:s0] =	ssyncset.done $0x0  }
0xab: {  	s4 =	rddreg [dreg:$0xd];
	[sflag:s0] =	ssyncadd.s32 $0xFFFFF800  }
0xac: {  	[spmem:s12], [sflag:s14] =	dma.local [hbm:s4], $0x800  }
0xad: {  	_ =	swait.ge [sflag:s25], $0x800  }
0xae: {  	[sflag:s25] =	ssyncset.done $0x0  }
0xaf: {  	s4 =	rddreg [dreg:$0xe];
	[sflag:s25] =	ssyncadd.s32 $0xFFFFF800  }
0xb0: {  	[hbm:s4], [sflag:s17] =	dma.local [spmem:s10], $0x800  }
0xb1: {  	_ =	swait.ge [sflag:s5], $0x800  }
0xb2: {  	[sflag:s5] =	ssyncset.done $0x0  }
0xb3: {  	s4 =	rddreg [dreg:$0xf];
	[sflag:s5] =	ssyncadd.s32 $0xFFFFF800  }
0xb4: {  	[spmem:s13], [sflag:s2] =	dma.local [hbm:s4], $0x800  }
0xb5: {  	_ =	swait.ge [sflag:s26], $0x800  }
0xb6: {  	[sflag:s26] =	ssyncset.done $0x0  }
0xb7: {  	s4 =	rddreg [dreg:$0x10];
	[sflag:s26] =	ssyncadd.s32 $0xFFFFF800  }
0xb8: {  	[hbm:s4], [sflag:s18] =	dma.local [spmem:s9], $0x800  }
0xb9: {  	_ =	swait.ge [sflag:s28], $0x800  }
0xba: {  	[sflag:s28] =	ssyncset.done $0x0  }
0xbb: {  	s4 =	rddreg [dreg:$0x11];
	[sflag:s28] =	ssyncadd.s32 $0xFFFFF800  }
0xbc: {  	[spmem:s10], [sflag:s16] =	dma.local [hbm:s4], $0x800  }
0xbd: {  	_ =	swait.ge [sflag:s29], $0x800  }
0xbe: {  	[sflag:s29] =	ssyncset.done $0x0  }
0xbf: {  	s4 =	rddreg [dreg:$0x12];
	[sflag:s29] =	ssyncadd.s32 $0xFFFFF800  }
0xc0: {  	[hbm:s4], [sflag:s19] =	dma.local [spmem:s12], $0x800  }
0xc1: {  	_ =	swait.ge [sflag:s30], $0x800  }
0xc2: {  	[sflag:s30] =	ssyncset.done $0x0  }
0xc3: {  	s4 =	rddreg [dreg:$0x13];
	[sflag:s30] =	ssyncadd.s32 $0xFFFFF800  }
0xc4: {  	[spmem:s9], [sflag:s11] =	dma.local [hbm:s4], $0x800  }
0xc5: {  	_ =	swait.ge [sflag:s31], $0x800  }
0xc6: {  	[sflag:s31] =	ssyncset.done $0x0  }
0xc7: {  	s4 =	rddreg [dreg:$0x14];
	[sflag:s31] =	ssyncadd.s32 $0xFFFFF800  }
0xc8: {  	[hbm:s4], [sflag:s6] =	dma.local [spmem:s13], $0x800  }
0xc9: {  	_ =	swait.ge [sflag:s0], $0x800  }
0xca: {  	[sflag:s0] =	ssyncset.done $0x0  }
0xcb: {  	s4 =	rddreg [dreg:$0x17];
	[sflag:s0] =	ssyncadd.s32 $0xFFFFF800  }
0xcc: {  	[spmem:s12], [sflag:s14] =	dma.local [hbm:s4], $0x800  }
0xcd: {  	_ =	swait.ge [sflag:s25], $0x800  }
0xce: {  	[sflag:s25] =	ssyncset.done $0x0  }
0xcf: {  	s4 =	rddreg [dreg:$0x15];
	[sflag:s25] =	ssyncadd.s32 $0xFFFFF800  }
0xd0: {  	[hbm:s4], [sflag:s17] =	dma.local [spmem:s10], $0x800  }
0xd1: {  	_ =	swait.ge [sflag:s5], $0x800  }
0xd2: {  	[sflag:s5] =	ssyncset.done $0x0  }
0xd3: {  	s4 =	rddreg [dreg:$0x19];
	[sflag:s5] =	ssyncadd.s32 $0xFFFFF800  }
0xd4: {  	[spmem:s13], [sflag:s2] =	dma.local [hbm:s4], $0x800  }
0xd5: {  	_ =	swait.ge [sflag:s26], $0x800  }
0xd6: {  	[sflag:s26] =	ssyncset.done $0x0  }
0xd7: {  	s4 =	rddreg [dreg:$0x16];
	[sflag:s26] =	ssyncadd.s32 $0xFFFFF800  }
0xd8: {  	[hbm:s4], [sflag:s18] =	dma.local [spmem:s9], $0x800  }
0xd9: {  	_ =	swait.ge [sflag:s28], $0x800  }
0xda: {  	[sflag:s28] =	ssyncset.done $0x0  }
0xdb: {  	s4 =	rddreg [dreg:$0x1b];
	[sflag:s28] =	ssyncadd.s32 $0xFFFFF800  }
0xdc: {  	[spmem:s10], [sflag:s16] =	dma.local [hbm:s4], $0x800  }
0xdd: {  	_ =	swait.ge [sflag:s29], $0x800  }
0xde: {  	[sflag:s29] =	ssyncset.done $0x0  }
0xdf: {  	s4 =	rddreg [dreg:$0x18];
	[sflag:s29] =	ssyncadd.s32 $0xFFFFF800  }
0xe0: {  	[hbm:s4], [sflag:s19] =	dma.local [spmem:s12], $0x800  }
0xe1: {  	_ =	swait.ge [sflag:s30], $0x800  }
0xe2: {  	[sflag:s30] =	ssyncset.done $0x0  }
0xe3: {  	s4 =	rddreg [dreg:$0x1d];
	[sflag:s30] =	ssyncadd.s32 $0xFFFFF800  }
0xe4: {  	[spmem:s9], [sflag:s11] =	dma.local [hbm:s4], $0x800  }
0xe5: {  	_ =	swait.ge [sflag:s31], $0x800  }
0xe6: {  	[sflag:s31] =	ssyncset.done $0x0  }
0xe7: {  	s4 =	rddreg [dreg:$0x1a];
	[sflag:s31] =	ssyncadd.s32 $0xFFFFF800  }
0xe8: {  	[hbm:s4], [sflag:s6] =	dma.local [spmem:s13], $0x800  }
0xe9: {  	_ =	swait.ge [sflag:s0], $0x800  }
0xea: {  	[sflag:s0] =	ssyncset.done $0x0  }
0xeb: {  	s4 =	rddreg [dreg:$0x1f];
	[sflag:s0] =	ssyncadd.s32 $0xFFFFF800  }
0xec: {  	[spmem:s12], [sflag:s14] =	dma.local [hbm:s4], $0x800  }
0xed: {  	_ =	swait.ge [sflag:s25], $0x800  }
0xee: {  	[sflag:s25] =	ssyncset.done $0x0  }
0xef: {  	s4 =	rddreg [dreg:$0x1c];
	[sflag:s25] =	ssyncadd.s32 $0xFFFFF800  }
0xf0: {  	[hbm:s4], [sflag:s17] =	dma.local [spmem:s10], $0x800  }
0xf1: {  	_ =	swait.ge [sflag:s5], $0x800  }
0xf2: {  	s4 =	sld [smem:$0x7D2]  }
0xf3: {  	[sflag:s5] =	ssyncset.done $0x0  }
0xf4: {  	[sflag:s5] =	ssyncadd.s32 $0xFFFFF800  }
0xf5: {  	[spmem:s13], [sflag:s2] =	dma.local [hbm:s4], $0x800  }
0xf6: {  	_ =	swait.ge [sflag:s26], $0x800  }
0xf7: {  	[sflag:s26] =	ssyncset.done $0x0  }
0xf8: {  	s4 =	rddreg [dreg:$0x1e];
	[sflag:s26] =	ssyncadd.s32 $0xFFFFF800  }
0xf9: {  	[hbm:s4], [sflag:s18] =	dma.local [spmem:s9], $0x800  }
0xfa: {  	_ =	swait.ge [sflag:s29], $0x800  }
0xfb: {  	s4 =	sld [smem:$0x7D1]  }
0xfc: {  	[sflag:s29] =	ssyncset.done $0x0  }
0xfd: {  	[sflag:s29] =	ssyncadd.s32 $0xFFFFF800  }
0xfe: {  	[hbm:s4], [sflag:s19] =	dma.local [spmem:s12], $0x800  }
0xff: {  	_ =	swait.ge [sflag:s31], $0x800  }
0x100: {  	s4 =	sld [smem:$0x7D3]  }
0x101: {  	[sflag:s31] =	ssyncset.done $0x0  }
0x102: {  	[sflag:s31] =	ssyncadd.s32 $0xFFFFF800  }
0x103: {  	[hbm:s4], [sflag:s6] =	dma.local [spmem:s13], $0x800  }
0x104: {  	_ =	swait.ge [sflag:s28], $0x800  }
0x105: {  	[sflag:s28] =	ssyncset.done $0x0  }
0x106: {  	[sflag:s28] =	ssyncadd.s32 $0xFFFFF800  }
0x107: {  	_ =	swait.ge [sflag:s30], $0x800  }
0x108: {  	[sflag:s30] =	ssyncset.done $0x0  }
0x109: {  	[sflag:s30] =	ssyncadd.s32 $0xFFFFF800  }
0x10a: {  	_ =	swait.ge [sflag:s0], $0x800  }
0x10b: {  	[sflag:s0] =	ssyncset.done $0x0  }
0x10c: {  	[sflag:s0] =	ssyncadd.s32 $0xFFFFF800  }
0x10d: {  	_ =	swait.ge [sflag:s5], $0x800  }
0x10e: {  	s4 =	sld [smem:$0x7D6]  }
0x10f: {  	[sflag:s5] =	ssyncset.done $0x0  }
0x110: {  	[sflag:s5] =	ssyncadd.s32 $0xFFFFF800  }
0x111: {  	[spmem:s10], [sflag:s16] =	dma.local [hbm:s4], $0x800  }
0x112: {  	s3 =	sld [smem:$0x7D8];
	_ =	sdelay $0x2  }
0x113: {  	[spmem:s9], [sflag:s11] =	dma.local [hbm:s3], $0x800  }
0x114: {  	s3 =	sld [smem:$0x7D5]  }
0x115: {  	[hbm4b:s7+s20] =	stream.strided.scatter [tilespmem:s22], [sflag:$0xA], $0x8000, s21, s20, $0x38;
	v63 =	vld [tilespmem:$0x0]  }
0x116: {  	_ = 	snop  }
0x117: {  	[hbm4b:s3+s20] =	stream.strided.scatter [tilespmem:s23], [sflag:$0xA], $0x8000, s21, s20, $0x38;
	v63 =	vld [tilespmem:$0x0]  }
0x118: {  	_ =	swait.ge [sflag:s8], $0x8000  }
0x119: {  	[sflag:s8] =	ssyncset.done $0x0  }
0x11a: {  	[sflag:s8] =	ssyncadd.s32 $0xFFFF8000  }
0x11b: {  	_ =	swait.ge [sflag:s8], $0x8000  }
0x11c: {  	[sflag:s8] =	ssyncset.done $0x0  }
0x11d: {  	s7 =	sld [smem:$0x7F2];
	[sflag:s8] =	ssyncadd.s32 $0xFFFF8000  }
0x11e: {  	[tilespmem:s22], [sflag:$0x9] =	stream.strided.gather [hbm4b:s4+s20], $0x8000, s21, s20, $0x38;
	v63 =	vld [tilespmem:$0x0]  }
0x11f: {  	_ = 	snop  }
0x120: {  	[tilespmem:s23], [sflag:$0x9] =	stream.strided.gather [hbm4b:s7+s20], $0x8000, s21, s20, $0x38;
	v63 =	vld [tilespmem:$0x0]  }
0x121: {  	_ =	swait.ge [sflag:s24], $0x8000  }
0x122: {  	[sflag:s24] =	ssyncset.done $0x0  }
0x123: {  	[sflag:s24] =	ssyncadd.s32 $0xFFFF8000  }
0x124: {  	_ =	swait.ge [sflag:s24], $0x8000  }
0x125: {  	[sflag:s24] =	ssyncset.done $0x0  }
0x126: {  	s7 =	simm.s32 $0x0;
	[sflag:s24] =	ssyncadd.s32 $0xFFFF8000  }
0x127: {  	v3 =	vld [tilespmem:s7+$0x18070]  }
0x128: {  	v2 =	vld [tilespmem:s7+$0x10010]  }
0x129: {  	v7 =	vld [tilespmem:s7+$0x10090]  }
0x12a: {  	v10 =	vld [tilespmem:s7+$0x180F0]  }
0x12b: {  	v12 =	vld [tilespmem:s7+$0x10110]  }
0x12c: {  	v9 =	vld [tilespmem:s7+$0x18170];
	v4 =	vperm.xlane v3, v1  }
0x12d: {  	v8 =	vld [tilespmem:s7+$0x10190];
	v5 =	vperm.xlane v2, v0  }
0x12e: {  	v6 =	vld [tilespmem:s7+$0x181F0];
	v2 =	vsel vm0, v2, v4  }
0x12f: {  	v4 =	vld [tilespmem:s7+$0x10210];
	v3 =	vsel vm1, v3, v5;
	[tilespmem:s7+$0x10010] =	vst v2;
	v2 =	vperm.xlane v10, v1  }
0x130: {  	v5 =	vld [tilespmem:s7+$0x18270];
	[tilespmem:s7+$0x18070] =	vst v3;
	v3 =	vperm.xlane v7, v0  }
0x131: {  	v13 =	vperm.xlane v9, v1;
	v7 =	vsel vm0, v7, v2;
	v2 =	vld [tilespmem:s7+$0x10290]  }
0x132: {  	v11 =	vperm.xlane v12, v0;
	v3 =	vsel vm1, v10, v3;
	[tilespmem:s7+$0x10090] =	vst v7;
	v7 =	vld [tilespmem:s7+$0x182F0]  }
0x133: {  	s3 =	simm.s32 $0x1000;
	v12 =	vsel vm0, v12, v13;
	v10 =	vperm.xlane v6, v1;
	[tilespmem:s7+$0x180F0] =	vst v3;
	v3 =	vld [tilespmem:s7+$0x10310]  }
.LBB2_4:
0x134: {  	p0 =	sne.s32 s3, $0x1F000;
	[tilespmem:s7+$0x10110] =	vst v12;
	v9 =	vsel vm1, v9, v11;
	v11 =	vperm.xlane v8, v0;
	v12 =	vld [tilespmem:s7+$0x10390]  }
0x135: {  	[tilespmem:s7+$0x18170] =	vst v9;
	v8 =	vsel vm0, v8, v10;
	v9 =	vperm.xlane v5, v1;
	v10 =	vld [tilespmem:s7+$0x18370]  }
0x136: {  	s4 =	sshra.s32 s3, $0x2;
	[tilespmem:s7+$0x10190] =	vst v8;
	v6 =	vsel vm1, v6, v11;
	v8 =	vperm.xlane v4, v0;
	v11 =	vld [tilespmem:s7+$0x183F0]  }
0x137: {  	v13 =	vld [tilespmem:s4+$0x10010];
	[tilespmem:s7+$0x181F0] =	vst v6;
	v4 =	vsel vm0, v4, v9;
	v6 =	vperm.xlane v2, v0;
	v9 =	vperm.xlane v7, v1  }
0x138: {  	v14 =	vld [tilespmem:s4+$0x18070];
	[tilespmem:s7+$0x10210] =	vst v4;
	v4 =	vsel vm1, v5, v8;
	v5 =	vperm.xlane v3, v0  }
0x139: {  	v15 =	vld [tilespmem:s4+$0x10090];
	[tilespmem:s7+$0x18270] =	vst v4;
	v2 =	vsel vm0, v2, v9;
	v4 =	vsel vm1, v7, v6;
	v6 =	vperm.xlane v12, v0  }
0x13a: {  	v7 =	vld [tilespmem:s4+$0x180F0];
	[tilespmem:s7+$0x182F0] =	vst v4;
	v4 =	vperm.xlane v10, v1;
	v5 =	vsel vm1, v10, v5  }
0x13b: {  	v10 =	vld [tilespmem:s4+$0x10110];
	[tilespmem:s7+$0x18370] =	vst v5;
	v5 =	vperm.xlane v11, v1;
	v6 =	vsel vm1, v11, v6  }
0x13c: {  	v9 =	vld [tilespmem:s4+$0x18170];
	v3 =	vsel vm0, v3, v4;
	[tilespmem:s7+$0x183F0] =	vst v6  }
0x13d: {  	v4 =	vperm.xlane v14, v1;
	v8 =	vld [tilespmem:s4+$0x10190];
	[tilespmem:s7+$0x10310] =	vst v3;
	v3 =	vsel vm0, v12, v5  }
0x13e: {  	v5 =	vperm.xlane v13, v0;
	v6 =	vld [tilespmem:s4+$0x181F0];
	[tilespmem:s7+$0x10390] =	vst v3  }
.Ltmp1:
0x13f: {  	v3 =	vsel vm0, v13, v4;
	v11 =	vperm.xlane v7, v1;
	v4 =	vld [tilespmem:s4+$0x10210];
	[tilespmem:s7+$0x10290] =	vst v2;
	s7 =	smov.u32 s4;
	(pc) =	sbr.rel @p0 .LBB2_4-.Ltmp1, $4  }
0x140: {  	v2 =	vsel vm1, v14, v5;
	[tilespmem:s7+$0x10010] =	vst v3;
	v3 =	vperm.xlane v15, v0;
	v5 =	vld [tilespmem:s7+$0x18270]  }
0x141: {  	[tilespmem:s7+$0x18070] =	vst v2;
	v11 =	vsel vm0, v15, v11;
	v12 =	vperm.xlane v9, v1;
	v2 =	vld [tilespmem:s7+$0x10290]  }
0x142: {  	[tilespmem:s7+$0x10090] =	vst v11;
	v3 =	vsel vm1, v7, v3;
	v11 =	vperm.xlane v10, v0;
	v7 =	vld [tilespmem:s7+$0x182F0]  }
0x143: {  	s3 =	sadd.s32 $0x1000, s3;
	[tilespmem:s7+$0x180F0] =	vst v3;
	v12 =	vsel vm0, v10, v12;
	v10 =	vperm.xlane v6, v1;
	v3 =	vld [tilespmem:s7+$0x10310]  }
0x144: {  	[tilespmem:s7+$0x10110] =	vst v12;
	v9 =	vsel vm1, v9, v11;
	v48 =	vperm.xlane v8, v0  }
0x145: {  	v47 =	vld [tilespmem:s7+$0x10390];
	v52 =	vperm.xlane v4, v0;
	[tilespmem:s7+$0x18170] =	vst v9;
	v49 =	vsel vm0, v8, v10  }
0x146: {  	v50 =	vld [tilespmem:s7+$0x18370];
	v51 =	vperm.xlane v5, v1;
	[tilespmem:s7+$0x10190] =	vst v49;
	v6 =	vsel vm1, v6, v48  }
0x147: {  	v53 =	vld [tilespmem:s7+$0x183F0];
	v55 =	vperm.xlane v2, v0;
	v56 =	vsel vm1, v5, v52;
	[tilespmem:s7+$0x181F0] =	vst v6  }
0x148: {  	v54 =	vsel vm0, v4, v51;
	[tilespmem:s7+$0x18270] =	vst v56;
	v62 =	vperm.xlane v7, v1  }
0x149: {  	[tilespmem:s7+$0x10210] =	vst v54;
	v57 =	vperm.xlane v3, v0;
	v58 =	vsel vm1, v7, v55  }
0x14a: {  	v59 =	vperm.xlane v47, v0;
	[tilespmem:s7+$0x182F0] =	vst v58;
	v2 =	vsel vm0, v2, v62  }
0x14b: {  	v60 =	vperm.xlane v50, v1;
	v5 =	vsel vm1, v50, v57;
	[tilespmem:s7+$0x10290] =	vst v2  }
0x14c: {  	v61 =	vperm.xlane v53, v1;
	[tilespmem:s7+$0x18370] =	vst v5;
	v6 =	vsel vm1, v53, v59  }
0x14d: {  	s3 =	sld [smem:$0x7DA];
	v3 =	vsel vm0, v3, v60;
	[tilespmem:s7+$0x183F0] =	vst v6  }
0x14e: {  	[tilespmem:s7+$0x10310] =	vst v3;
	v3 =	vsel vm0, v47, v61  }
0x14f: {  	[tilespmem:s7+$0x10390] =	vst v3  }
0x150: {  	[spmem:s12], [sflag:s14] =	dma.local [hbm:s3], $0x800  }
0x151: {  	_ =	swait.ge [sflag:s25], $0x800  }
0x152: {  	s3 =	sld [smem:$0x7D7]  }
0x153: {  	[sflag:s25] =	ssyncset.done $0x0  }
0x154: {  	[sflag:s25] =	ssyncadd.s32 $0xFFFFF800  }
0x155: {  	[hbm:s3], [sflag:s17] =	dma.local [spmem:s10], $0x800  }
0x156: {  	s4 =	sld [smem:$0x7DC];
	_ =	sdelay $0x2  }
0x157: {  	[spmem:s13], [sflag:s2] =	dma.local [hbm:s4], $0x800  }
0x158: {  	_ =	swait.ge [sflag:s26], $0x800  }
0x159: {  	s7 =	sld [smem:$0x7D9]  }
0x15a: {  	[sflag:s26] =	ssyncset.done $0x0  }
0x15b: {  	[sflag:s26] =	ssyncadd.s32 $0xFFFFF800  }
0x15c: {  	[hbm:s7], [sflag:s18] =	dma.local [spmem:s9], $0x800  }
0x15d: {  	_ =	swait.ge [sflag:s28], $0x800  }
0x15e: {  	s7 =	sld [smem:$0x7DE]  }
0x15f: {  	[sflag:s28] =	ssyncset.done $0x0  }
0x160: {  	[sflag:s28] =	ssyncadd.s32 $0xFFFFF800  }
0x161: {  	[spmem:s10], [sflag:s16] =	dma.local [hbm:s7], $0x800  }
0x162: {  	_ =	swait.ge [sflag:s29], $0x800  }
0x163: {  	s7 =	sld [smem:$0x7DB]  }
0x164: {  	[sflag:s29] =	ssyncset.done $0x0  }
0x165: {  	[sflag:s29] =	ssyncadd.s32 $0xFFFFF800  }
0x166: {  	[hbm:s7], [sflag:s19] =	dma.local [spmem:s12], $0x800  }
0x167: {  	_ =	swait.ge [sflag:s30], $0x800  }
0x168: {  	s7 =	sld [smem:$0x7E0]  }
0x169: {  	[sflag:s30] =	ssyncset.done $0x0  }
0x16a: {  	[sflag:s30] =	ssyncadd.s32 $0xFFFFF800  }
0x16b: {  	[spmem:s9], [sflag:s11] =	dma.local [hbm:s7], $0x800  }
0x16c: {  	_ =	swait.ge [sflag:s31], $0x800  }
0x16d: {  	s7 =	sld [smem:$0x7DD]  }
0x16e: {  	[sflag:s31] =	ssyncset.done $0x0  }
0x16f: {  	[sflag:s31] =	ssyncadd.s32 $0xFFFFF800  }
0x170: {  	[hbm:s7], [sflag:s6] =	dma.local [spmem:s13], $0x800  }
0x171: {  	_ =	swait.ge [sflag:s0], $0x800  }
0x172: {  	s7 =	sld [smem:$0x7E2]  }
0x173: {  	[sflag:s0] =	ssyncset.done $0x0  }
0x174: {  	[sflag:s0] =	ssyncadd.s32 $0xFFFFF800  }
0x175: {  	[spmem:s12], [sflag:s14] =	dma.local [hbm:s7], $0x800  }
0x176: {  	_ =	swait.ge [sflag:s25], $0x800  }
0x177: {  	s7 =	sld [smem:$0x7DF]  }
0x178: {  	[sflag:s25] =	ssyncset.done $0x0  }
0x179: {  	[sflag:s25] =	ssyncadd.s32 $0xFFFFF800  }
0x17a: {  	[hbm:s7], [sflag:s17] =	dma.local [spmem:s10], $0x800  }
0x17b: {  	_ =	swait.ge [sflag:s5], $0x800  }
0x17c: {  	s7 =	sld [smem:$0x7E4]  }
0x17d: {  	[sflag:s5] =	ssyncset.done $0x0  }
0x17e: {  	[sflag:s5] =	ssyncadd.s32 $0xFFFFF800  }
0x17f: {  	[spmem:s13], [sflag:s2] =	dma.local [hbm:s7], $0x800  }
0x180: {  	_ =	swait.ge [sflag:s26], $0x800  }
0x181: {  	s7 =	sld [smem:$0x7E1]  }
0x182: {  	[sflag:s26] =	ssyncset.done $0x0  }
0x183: {  	[sflag:s26] =	ssyncadd.s32 $0xFFFFF800  }
0x184: {  	[hbm:s7], [sflag:s18] =	dma.local [spmem:s9], $0x800  }
0x185: {  	_ =	swait.ge [sflag:s28], $0x800  }
0x186: {  	s7 =	sld [smem:$0x7E6]  }
0x187: {  	[sflag:s28] =	ssyncset.done $0x0  }
0x188: {  	[sflag:s28] =	ssyncadd.s32 $0xFFFFF800  }
0x189: {  	[spmem:s10], [sflag:s16] =	dma.local [hbm:s7], $0x800  }
0x18a: {  	_ =	swait.ge [sflag:s29], $0x800  }
0x18b: {  	s7 =	sld [smem:$0x7E3]  }
0x18c: {  	[sflag:s29] =	ssyncset.done $0x0  }
0x18d: {  	[sflag:s29] =	ssyncadd.s32 $0xFFFFF800  }
0x18e: {  	[hbm:s7], [sflag:s19] =	dma.local [spmem:s12], $0x800  }
0x18f: {  	_ =	swait.ge [sflag:s30], $0x800  }
0x190: {  	s7 =	sld [smem:$0x7E8]  }
0x191: {  	[sflag:s30] =	ssyncset.done $0x0  }
0x192: {  	[sflag:s30] =	ssyncadd.s32 $0xFFFFF800  }
0x193: {  	[spmem:s9], [sflag:s11] =	dma.local [hbm:s7], $0x800  }
0x194: {  	_ =	swait.ge [sflag:s31], $0x800  }
0x195: {  	s7 =	sld [smem:$0x7E5]  }
0x196: {  	[sflag:s31] =	ssyncset.done $0x0  }
0x197: {  	[sflag:s31] =	ssyncadd.s32 $0xFFFFF800  }
0x198: {  	[hbm:s7], [sflag:s6] =	dma.local [spmem:s13], $0x800  }
0x199: {  	_ =	swait.ge [sflag:s0], $0x800  }
0x19a: {  	s7 =	sld [smem:$0x7EA]  }
0x19b: {  	[sflag:s0] =	ssyncset.done $0x0  }
0x19c: {  	[sflag:s0] =	ssyncadd.s32 $0xFFFFF800  }
0x19d: {  	[spmem:s12], [sflag:s14] =	dma.local [hbm:s7], $0x800  }
0x19e: {  	_ =	swait.ge [sflag:s25], $0x800  }
0x19f: {  	s7 =	sld [smem:$0x7E7]  }
0x1a0: {  	[sflag:s25] =	ssyncset.done $0x0  }
0x1a1: {  	[sflag:s25] =	ssyncadd.s32 $0xFFFFF800  }
0x1a2: {  	[hbm:s7], [sflag:s17] =	dma.local [spmem:s10], $0x800  }
0x1a3: {  	_ =	swait.ge [sflag:s5], $0x800  }
0x1a4: {  	s7 =	sld [smem:$0x7EC]  }
0x1a5: {  	[sflag:s5] =	ssyncset.done $0x0  }
0x1a6: {  	[sflag:s5] =	ssyncadd.s32 $0xFFFFF800  }
0x1a7: {  	[spmem:s13], [sflag:s2] =	dma.local [hbm:s7], $0x800  }
0x1a8: {  	_ =	swait.ge [sflag:s26], $0x800  }
0x1a9: {  	s7 =	sld [smem:$0x7E9]  }
0x1aa: {  	[sflag:s26] =	ssyncset.done $0x0  }
0x1ab: {  	[sflag:s26] =	ssyncadd.s32 $0xFFFFF800  }
0x1ac: {  	[hbm:s7], [sflag:s18] =	dma.local [spmem:s9], $0x800  }
0x1ad: {  	_ =	swait.ge [sflag:s28], $0x800  }
0x1ae: {  	s7 =	sld [smem:$0x7EE]  }
0x1af: {  	[sflag:s28] =	ssyncset.done $0x0  }
0x1b0: {  	[sflag:s28] =	ssyncadd.s32 $0xFFFFF800  }
0x1b1: {  	[spmem:s10], [sflag:s16] =	dma.local [hbm:s7], $0x800  }
0x1b2: {  	_ =	swait.ge [sflag:s29], $0x800  }
0x1b3: {  	s7 =	sld [smem:$0x7EB]  }
0x1b4: {  	[sflag:s29] =	ssyncset.done $0x0  }
0x1b5: {  	[sflag:s29] =	ssyncadd.s32 $0xFFFFF800  }
0x1b6: {  	[hbm:s7], [sflag:s19] =	dma.local [spmem:s12], $0x800  }
0x1b7: {  	_ =	swait.ge [sflag:s30], $0x800  }
0x1b8: {  	s7 =	sld [smem:$0x7F3]  }
0x1b9: {  	[sflag:s30] =	ssyncset.done $0x0  }
0x1ba: {  	[sflag:s30] =	ssyncadd.s32 $0xFFFFF800  }
0x1bb: {  	[spmem:s9], [sflag:s11] =	dma.local [hbm:s7], $0x800  }
0x1bc: {  	_ =	swait.ge [sflag:s31], $0x800  }
0x1bd: {  	s7 =	sld [smem:$0x7ED]  }
0x1be: {  	[sflag:s31] =	ssyncset.done $0x0  }
0x1bf: {  	[sflag:s31] =	ssyncadd.s32 $0xFFFFF800  }
0x1c0: {  	[hbm:s7], [sflag:s6] =	dma.local [spmem:s13], $0x800  }
0x1c1: {  	_ =	swait.ge [sflag:s0], $0x800  }
0x1c2: {  	s11 =	sld [smem:$0x7F4]  }
0x1c3: {  	[sflag:s0] =	ssyncset.done $0x0  }
0x1c4: {  	[sflag:s0] =	ssyncadd.s32 $0xFFFFF800  }
0x1c5: {  	[spmem:s12], [sflag:s14] =	dma.local [hbm:s11], $0x800  }
0x1c6: {  	_ =	swait.ge [sflag:s25], $0x800  }
0x1c7: {  	s7 =	sld [smem:$0x7EF]  }
0x1c8: {  	[sflag:s25] =	ssyncset.done $0x0  }
0x1c9: {  	[sflag:s25] =	ssyncadd.s32 $0xFFFFF800  }
0x1ca: {  	[hbm:s7], [sflag:s17] =	dma.local [spmem:s10], $0x800  }
0x1cb: {  	_ =	swait.ge [sflag:s5], $0x800  }
0x1cc: {  	s10 =	sld [smem:$0x7F5]  }
0x1cd: {  	[sflag:s5] =	ssyncset.done $0x0  }
0x1ce: {  	[sflag:s5] =	ssyncadd.s32 $0xFFFFF800  }
0x1cf: {  	[spmem:s13], [sflag:s2] =	dma.local [hbm:s10], $0x800  }
0x1d0: {  	_ =	swait.ge [sflag:s26], $0x800  }
0x1d1: {  	s11 =	sld [smem:$0x7F6]  }
0x1d2: {  	[sflag:s26] =	ssyncset.done $0x0  }
0x1d3: {  	[sflag:s26] =	ssyncadd.s32 $0xFFFFF800  }
0x1d4: {  	[hbm:s11], [sflag:s18] =	dma.local [spmem:s9], $0x800  }
0x1d5: {  	_ =	swait.ge [sflag:s29], $0x800  }
0x1d6: {  	s14 =	sld [smem:$0x7F7]  }
0x1d7: {  	[sflag:s29] =	ssyncset.done $0x0  }
0x1d8: {  	[sflag:s29] =	ssyncadd.s32 $0xFFFFF800  }
0x1d9: {  	[hbm:s14], [sflag:s19] =	dma.local [spmem:s12], $0x800  }
0x1da: {  	_ =	swait.ge [sflag:s31], $0x800  }
0x1db: {  	s17 =	sld [smem:$0x7F8]  }
0x1dc: {  	[sflag:s31] =	ssyncset.done $0x0  }
0x1dd: {  	[sflag:s31] =	ssyncadd.s32 $0xFFFFF800  }
0x1de: {  	[hbm:s17], [sflag:s6] =	dma.local [spmem:s13], $0x800  }
0x1df: {  	_ =	swait.ge [sflag:s28], $0x800  }
0x1e0: {  	[sflag:s28] =	ssyncset.done $0x0  }
0x1e1: {  	[sflag:s28] =	ssyncadd.s32 $0xFFFFF800  }
0x1e2: {  	_ =	swait.ge [sflag:s30], $0x800  }
0x1e3: {  	[sflag:s30] =	ssyncset.done $0x0  }
0x1e4: {  	[sflag:s30] =	ssyncadd.s32 $0xFFFFF800  }
0x1e5: {  	_ =	swait.ge [sflag:s0], $0x800  }
0x1e6: {  	[sflag:s0] =	ssyncset.done $0x0  }
0x1e7: {  	[sflag:s0] =	ssyncadd.s32 $0xFFFFF800  }
0x1e8: {  	_ =	swait.ge [sflag:s5], $0x800  }
0x1e9: {  	[sflag:s5] =	ssyncset.done $0x0  }
0x1ea: {  	s18 =	sld [smem:$0x7F9];
	[sflag:s5] =	ssyncadd.s32 $0xFFFFF800  }
0x1eb: {  	[hbm4b:s3+s20] =	stream.strided.scatter [tilespmem:s22], [sflag:$0xA], $0x8000, s21, s20, $0x38;
	v63 =	vld [tilespmem:$0x0]  }
0x1ec: {  	_ = 	snop  }
0x1ed: {  	[hbm4b:s18+s20] =	stream.strided.scatter [tilespmem:s23], [sflag:$0xA], $0x8000, s21, s20, $0x38;
	v63 =	vld [tilespmem:$0x0]  }
0x1ee: {  	_ =	swait.ge [sflag:s8], $0x8000  }
0x1ef: {  	[sflag:s8] =	ssyncset.done $0x0  }
0x1f0: {  	[sflag:s8] =	ssyncadd.s32 $0xFFFF8000  }
0x1f1: {  	_ =	swait.ge [sflag:s8], $0x8000  }
0x1f2: {  	s19 =	sld [smem:$0x7FA];
	_ =	sdelay $0x1  }
0x1f3: {  	s1 =	sadd.s32 $0x1, s1  }
0x1f4: {  	p0 =	sne.s32 s1, s19  }
.Ltmp2:
0x1f5: {  	_ = 	snop;
	(pc) =	sbr.rel @p0 .LBB2_1-.Ltmp2, $3  }
0x1f6: {  	_ =	sdelay $0x1  }
0x1f7: {  	[sflag:s8] =	ssyncset.done $0x0  }
0x1f8: {  	[sflag:s8] =	ssyncadd.s32 $0xFFFF8000  }
0x1f9: {  	_ =	sfence.sel $0x180000  }
0x1fa: {  	[bflag:$0x0] =	sbarrier.arrive $0xFFFF  }
0x1fb: {  	_ =	strace $0x90000047  }
0x1fc: {  	s0 =	stileid.u32;
	[bflag:$0x2] =	sbarrier.arrive $0xFFFF  }
0x1fd: {  	p0 =	sne.s32 s0, $0x0;
	s0 =	rddreg [dreg:$0x3]  }
0x1fe: {  	s0 =	sadd.s32 @!p0 $0x100000, s0  }
0x1ff: {  	[sflag:s0] =	ssyncadd.tile.s32 @!p0 $0x1;
	_ =	shalt  }
.Lfunc_end2:
_tile_overlayer_lowered:
.L_overlay_start_2:
0x200: {  	(tag) =	ssettag $0x2  }
0x201: {  	s0 =	rddreg [dreg:$0x0];
	s2 =	stileid.u32  }
0x202: {  	s1 =	rddreg [dreg:$0x1];
	p0 =	sne.s32 s2, $0x0  }
0x203: {  	s3 =	rddreg [dreg:$0x2];
	[bflag:$0x3] =	sbarrier.arrive $0xFFFF;
	s2 =	simm.s32 @!p0 $0x1C0B  }
0x204: {  	[timem:s3], [sflag:s2] =	dma.local @!p0 [hbm:s0], s1  }
0x205: {  	s0 =	simm.s32 @!p0 $0xB  }
0x206: {  	_ =	swait.ge @!p0 [sflag:s0], s1  }
0x207: {  	s1 =	ssub.s32 @!p0 $0x0, s1;
	[sflag:s0] =	ssyncset.done @!p0 $0x0  }
0x208: {  	[sflag:s0] =	ssyncadd.s32 @!p0 s1  }
0x209: {  	[bflag:$0x3] =	sbarrier.arrive $0xFFFF  }
0x20a: {  	_ =	shalt  }

</sc_bundles>
